<compile_context>
chip_gen: v7x
topology: tpu7x:2x2x1
jax: 0.10.2.dev20260603
libtpu: 0.0.44.dev20260713+nightly
codegen_flags: <defaults>
</compile_context>

<pallas_src>
import functools

import jax
import jax.numpy as jnp
from jax import lax
from jax.experimental import pallas as pl
from jax.experimental.pallas import tpu as pltpu
from jax.experimental.pallas import tpu_sc as plsc

_NUM_NODES = 1000000
_EMBED_DIM = 64
_BATCH = 16384

_INFO = plsc.get_sparse_core_info()
_NC = _INFO.num_cores
_NS = _INFO.num_subcores
_NW = _NC * _NS
_B_PER_W = _BATCH // _NW
_NBUF = 8
_NWIN = _B_PER_W // 128


@functools.partial(
    pl.kernel,
    mesh=plsc.VectorSubcoreMesh(core_axis_name="c", subcore_axis_name="s"),
    out_type=jax.ShapeDtypeStruct((_EMBED_DIM, _BATCH), jnp.float32),
    scratch_types=[
        pltpu.VMEM((_B_PER_W + 16,), jnp.int32),
        pltpu.VMEM((_EMBED_DIM, 128), jnp.float32),
        pltpu.VMEM((_EMBED_DIM, 128), jnp.float32),
    ]
    + [pltpu.VMEM((_EMBED_DIM, 128), jnp.float32) for _ in range(_NBUF)]
    + [pltpu.SemaphoreType.DMA for _ in range(_NBUF)]
    + [pltpu.SemaphoreType.DMA],
    compiler_params=pltpu.CompilerParams(needs_layout_passes=False),
)
def _gather_kernel(idx_hbm, wt_hbm, out_hbm, idx_v, stag_a, stag_b, *rest):
    blocks = rest[:_NBUF]
    sems = rest[_NBUF:2 * _NBUF]
    sem_o = rest[2 * _NBUF]
    stags = (stag_a, stag_b)
    wid = lax.axis_index("s") * _NC + lax.axis_index("c")
    base = wid * _B_PER_W
    pltpu.sync_copy(idx_hbm.at[pl.ds(base, _B_PER_W)],
                    idx_v.at[pl.ds(0, _B_PER_W)])

    rows = [lax.iota(jnp.int32, 16) + 16 * k for k in range(4)]

    def tcol_of(i):
        return pl.multiple_of(
            lax.shift_left(lax.shift_right_logical(i, 7), 7), 128)

    def fire(i, b):
        pltpu.make_async_copy(
            wt_hbm.at[:, pl.ds(tcol_of(i), 128)], blocks[b], sems[b]).start()

    iv0 = idx_v[pl.ds(0, 16)]
    for b in range(_NBUF):
        fire(iv0[b], b)

    for win in range(_NWIN):
        stag = stags[win % 2]
        if win >= 2:
            pltpu.make_async_copy(
                wt_hbm.at[:, pl.ds(0, 128)], stag, sem_o).wait()

        def group(g, _):
            jo = win * 128 + g * 16
            iv = idx_v[pl.ds(jo, 16)]
            ivn = idx_v[pl.ds(jo + _NBUF, 16)]
            for k in range(16):
                b = k % _NBUF
                j = jo + k
                pltpu.make_async_copy(
                    wt_hbm.at[:, pl.ds(0, 128)], blocks[b], sems[b]).wait()
                lane = jnp.full((16,), iv[k] & 127, jnp.int32)
                colj = jnp.full((16,), g * 16 + k, jnp.int32)
                for r in range(4):
                    v = plsc.load_gather(blocks[b], [rows[r], lane])
                    plsc.store_scatter(stag, [rows[r], colj], v)

                @pl.when(j < _B_PER_W - _NBUF)
                def _():
                    fire(ivn[k], b)

            return _

        lax.fori_loop(0, 8, group, None)
        pltpu.make_async_copy(
            stag, out_hbm.at[:, pl.ds(base + win * 128, 128)],
            sem_o).start()

    for s in stags:
        pltpu.make_async_copy(
            wt_hbm.at[:, pl.ds(0, 128)], s, sem_o).wait()


def kernel(indices, weight):
    out_t = _gather_kernel(indices.astype(jnp.int32), weight.T)
    return out_t.T

# --- scband reference (transcript-rebuilt; emitter-appended) ---
"""Pipeline reference for scband-euclidean-embedding-25125558682318 (READ-ONLY COPY).

The authoritative reference and input builder live on the scoring server;
editing this copy changes nothing except your own understanding.
"""

import jax, jax.numpy as jnp
import numpy as np

NUM_NODES = 1000000
EMBED_DIM = 64
BATCH = 16384

def setup_inputs(seed: int = 0) -> dict:
    key = jax.random.key(seed)
    k_idx, k_w = jax.random.split(key)
    indices = jax.random.randint(k_idx, (BATCH,), 0, NUM_NODES, dtype=jnp.int64 if jax.config.jax_enable_x64 else jnp.int32)
    # xavier_uniform init for embedding table [num_nodes, embed_dim]
    limit = float(np.sqrt(6.0 / (NUM_NODES + EMBED_DIM)))
    weight = jax.random.uniform(k_w, (NUM_NODES, EMBED_DIM), dtype=jnp.float32, minval=-limit, maxval=limit)
    return {"indices": indices, "weight": weight}

def reference(indices, weight):
    # torch.nn.Embedding forward: row gather from the table
    return jnp.take(weight, indices, axis=0)

if __name__ == "__main__":
    import jax
    _d = setup_inputs()
    print(jax.jit(kernel)(*tuple(_d.values())))

</pallas_src>

<mosaic_0001>
#map = affine_map<(d0, d1) -> (0)>
#map1 = affine_map<(d0, d1) -> (0, 0)>
module attributes {stable_mosaic.version = 14 : i64} {
  func.func @_gather_kernel(%arg0: i32, %arg1: i32, %arg2: memref<16384xi32, #tpu.memory_space<hbm>>, %arg3: memref<64x1000000xf32, #tpu.memory_space<hbm>>, %arg4: memref<64x16384xf32, #tpu.memory_space<hbm>>, %arg5: memref<528xi32, #tpu.memory_space<vmem>>, %arg6: memref<64x128xf32, #tpu.memory_space<vmem>>, %arg7: memref<64x128xf32, #tpu.memory_space<vmem>>, %arg8: memref<64x128xf32, #tpu.memory_space<vmem>>, %arg9: memref<64x128xf32, #tpu.memory_space<vmem>>, %arg10: memref<64x128xf32, #tpu.memory_space<vmem>>, %arg11: memref<64x128xf32, #tpu.memory_space<vmem>>, %arg12: memref<64x128xf32, #tpu.memory_space<vmem>>, %arg13: memref<64x128xf32, #tpu.memory_space<vmem>>, %arg14: memref<64x128xf32, #tpu.memory_space<vmem>>, %arg15: memref<64x128xf32, #tpu.memory_space<vmem>>, %arg16: memref<!tpu.dma_semaphore, #tpu.memory_space<semaphore_mem>>, %arg17: memref<!tpu.dma_semaphore, #tpu.memory_space<semaphore_mem>>, %arg18: memref<!tpu.dma_semaphore, #tpu.memory_space<semaphore_mem>>, %arg19: memref<!tpu.dma_semaphore, #tpu.memory_space<semaphore_mem>>, %arg20: memref<!tpu.dma_semaphore, #tpu.memory_space<semaphore_mem>>, %arg21: memref<!tpu.dma_semaphore, #tpu.memory_space<semaphore_mem>>, %arg22: memref<!tpu.dma_semaphore, #tpu.memory_space<semaphore_mem>>, %arg23: memref<!tpu.dma_semaphore, #tpu.memory_space<semaphore_mem>>, %arg24: memref<!tpu.dma_semaphore, #tpu.memory_space<semaphore_mem>>) attributes {dimension_semantics = [#tpu.dimension_semantics<core_parallel>, #tpu.dimension_semantics<subcore_parallel>], iteration_bounds = array<i64: 2, 16>, scalar_prefetch = 0 : i64, scratch_operands = 20 : i64, tpu.core_type = #tpu.core_type<sc_vector_subcore>, window_params = [{transform_indices = #map}, {transform_indices = #map1}, {transform_indices = #map1}]} {
    %mul3A = arith.constant 2 : i32
    %mul3A_0 = arith.muli %arg1, %mul3A : i32
    %add3A = arith.addi %mul3A_0, %arg0 : i32
    %mul3A_1 = arith.constant 512 : i32
    %mul3A_2 = arith.muli %add3A, %mul3A_1 : i32
    "tpu.region"() ({
      %run_scoped3A = tpu.sem_alloc : memref<!tpu.dma_semaphore, #tpu.memory_space<semaphore_mem>>
      %dma_start3A_167 = arith.constant 0 : i32
      %dma_start3A_168 = tpu.memref_slice %arg5[%dma_start3A_167] : memref<528xi32, #tpu.memory_space<vmem>> -> memref<512xi32, #tpu.memory_space<vmem>>
      %dma_start3A_169 = tpu.memref_slice %arg2[%mul3A_2] : memref<16384xi32, #tpu.memory_space<hbm>> -> memref<512xi32, #tpu.memory_space<hbm>>
      %dma_start3A_170 = arith.constant 0 : i32
      %dma_start3A_171 = tpu.memref_slice %arg5[%dma_start3A_170] : memref<528xi32, #tpu.memory_space<vmem>> -> memref<512xi32, #tpu.memory_space<vmem>>
      %dma_start3A_172 = tpu.memref_slice %arg2[%mul3A_2] : memref<16384xi32, #tpu.memory_space<hbm>> -> memref<512xi32, #tpu.memory_space<hbm>>
      tpu.enqueue_dma source(%dma_start3A_172 : memref<512xi32, #tpu.memory_space<hbm>>) target(%dma_start3A_171 : memref<512xi32, #tpu.memory_space<vmem>>) target_semaphore(%run_scoped3A : memref<!tpu.dma_semaphore, #tpu.memory_space<semaphore_mem>>)
      %dma_wait3A_173 = arith.constant 0 : i32
      %dma_wait3A_174 = tpu.memref_slice %arg5[%dma_wait3A_173] : memref<528xi32, #tpu.memory_space<vmem>> -> memref<512xi32, #tpu.memory_space<vmem>>
      %dma_wait3A_175 = tpu.memref_slice %arg2[%mul3A_2] : memref<16384xi32, #tpu.memory_space<hbm>> -> memref<512xi32, #tpu.memory_space<hbm>>
      %dma_wait3A_176 = arith.constant 0 : i32
      %dma_wait3A_177 = tpu.memref_slice %arg5[%dma_wait3A_176] : memref<528xi32, #tpu.memory_space<vmem>> -> memref<512xi32, #tpu.memory_space<vmem>>
      %dma_wait3A_178 = tpu.memref_slice %arg2[%mul3A_2] : memref<16384xi32, #tpu.memory_space<hbm>> -> memref<512xi32, #tpu.memory_space<hbm>>
      tpu.wait_dma2 semaphore(%run_scoped3A : memref<!tpu.dma_semaphore, #tpu.memory_space<semaphore_mem>>) src(%dma_wait3A_178 : memref<512xi32, #tpu.memory_space<hbm>>) dst(%dma_wait3A_177 : memref<512xi32, #tpu.memory_space<vmem>>)
      tpu.yield
    }) : () -> ()
    %iota3A = tpu.iota {dimensions = array<i32: 0>} : vector<16xi32>
    %add3A_3 = arith.constant 0 : i32
    %add3A_4 = vector.broadcast %add3A_3 : i32 to vector<16xi32>
    %add3A_5 = arith.addi %iota3A, %add3A_4 : vector<16xi32>
    %iota3A_6 = tpu.iota {dimensions = array<i32: 0>} : vector<16xi32>
    %add3A_7 = arith.constant 16 : i32
    %add3A_8 = vector.broadcast %add3A_7 : i32 to vector<16xi32>
    %add3A_9 = arith.addi %iota3A_6, %add3A_8 : vector<16xi32>
    %iota3A_10 = tpu.iota {dimensions = array<i32: 0>} : vector<16xi32>
    %add3A_11 = arith.constant 32 : i32
    %add3A_12 = vector.broadcast %add3A_11 : i32 to vector<16xi32>
    %add3A_13 = arith.addi %iota3A_10, %add3A_12 : vector<16xi32>
    %iota3A_14 = tpu.iota {dimensions = array<i32: 0>} : vector<16xi32>
    %add3A_15 = arith.constant 48 : i32
    %add3A_16 = vector.broadcast %add3A_15 : i32 to vector<16xi32>
    %add3A_17 = arith.addi %iota3A_14, %add3A_16 : vector<16xi32>
    %get3A = arith.constant 0 : index
    %get3A_18 = tpu.vector_load %arg5[%get3A] {strides = array<i32>} : memref<528xi32, #tpu.memory_space<vmem>>, vector<16xi32>,
    %slice3A = vector.extract_strided_slice %get3A_18 {offsets = [0], sizes = [1], strides = [1]} : vector<16xi32> to vector<1xi32>
    %squeeze3A = vector.extract %slice3A[0] : i32 from vector<1xi32>
    %shift_right_logical3A = arith.constant 7 : i32
    %shift_right_logical3A_19 = arith.shrui %squeeze3A, %shift_right_logical3A : i32
    %shift_left3A = arith.constant 7 : i32
    %shift_left3A_20 = arith.shli %shift_right_logical3A_19, %shift_left3A : i32
    %multiple_of3A = tpu.assume_multiple %shift_left3A_20, 128 : i32
    %dma_start3A = arith.constant 0 : i32
    %dma_start3A_21 = tpu.memref_slice %arg3[%dma_start3A, %multiple_of3A] : memref<64x1000000xf32, #tpu.memory_space<hbm>> -> memref<64x128xf32, #tpu.memory_space<hbm>>
    %dma_start3A_22 = arith.constant 0 : i32
    %dma_start3A_23 = tpu.memref_slice %arg3[%dma_start3A_22, %multiple_of3A] : memref<64x1000000xf32, #tpu.memory_space<hbm>> -> memref<64x128xf32, #tpu.memory_space<hbm>>
    tpu.enqueue_dma source(%dma_start3A_23 : memref<64x128xf32, #tpu.memory_space<hbm>>) target(%arg8 : memref<64x128xf32, #tpu.memory_space<vmem>>) target_semaphore(%arg16 : memref<!tpu.dma_semaphore, #tpu.memory_space<semaphore_mem>>)
    %slice3A_24 = vector.extract_strided_slice %get3A_18 {offsets = [1], sizes = [1], strides = [1]} : vector<16xi32> to vector<1xi32>
    %squeeze3A_25 = vector.extract %slice3A_24[0] : i32 from vector<1xi32>
    %shift_right_logical3A_26 = arith.constant 7 : i32
    %shift_right_logical3A_27 = arith.shrui %squeeze3A_25, %shift_right_logical3A_26 : i32
    %shift_left3A_28 = arith.constant 7 : i32
    %shift_left3A_29 = arith.shli %shift_right_logical3A_27, %shift_left3A_28 : i32
    %multiple_of3A_30 = tpu.assume_multiple %shift_left3A_29, 128 : i32
    %dma_start3A_31 = arith.constant 0 : i32
    %dma_start3A_32 = tpu.memref_slice %arg3[%dma_start3A_31, %multiple_of3A_30] : memref<64x1000000xf32, #tpu.memory_space<hbm>> -> memref<64x128xf32, #tpu.memory_space<hbm>>
    %dma_start3A_33 = arith.constant 0 : i32
    %dma_start3A_34 = tpu.memref_slice %arg3[%dma_start3A_33, %multiple_of3A_30] : memref<64x1000000xf32, #tpu.memory_space<hbm>> -> memref<64x128xf32, #tpu.memory_space<hbm>>
    tpu.enqueue_dma source(%dma_start3A_34 : memref<64x128xf32, #tpu.memory_space<hbm>>) target(%arg9 : memref<64x128xf32, #tpu.memory_space<vmem>>) target_semaphore(%arg17 : memref<!tpu.dma_semaphore, #tpu.memory_space<semaphore_mem>>)
    %slice3A_35 = vector.extract_strided_slice %get3A_18 {offsets = [2], sizes = [1], strides = [1]} : vector<16xi32> to vector<1xi32>
    %squeeze3A_36 = vector.extract %slice3A_35[0] : i32 from vector<1xi32>
    %shift_right_logical3A_37 = arith.constant 7 : i32
    %shift_right_logical3A_38 = arith.shrui %squeeze3A_36, %shift_right_logical3A_37 : i32
    %shift_left3A_39 = arith.constant 7 : i32
    %shift_left3A_40 = arith.shli %shift_right_logical3A_38, %shift_left3A_39 : i32
    %multiple_of3A_41 = tpu.assume_multiple %shift_left3A_40, 128 : i32
    %dma_start3A_42 = arith.constant 0 : i32
    %dma_start3A_43 = tpu.memref_slice %arg3[%dma_start3A_42, %multiple_of3A_41] : memref<64x1000000xf32, #tpu.memory_space<hbm>> -> memref<64x128xf32, #tpu.memory_space<hbm>>
    %dma_start3A_44 = arith.constant 0 : i32
    %dma_start3A_45 = tpu.memref_slice %arg3[%dma_start3A_44, %multiple_of3A_41] : memref<64x1000000xf32, #tpu.memory_space<hbm>> -> memref<64x128xf32, #tpu.memory_space<hbm>>
    tpu.enqueue_dma source(%dma_start3A_45 : memref<64x128xf32, #tpu.memory_space<hbm>>) target(%arg10 : memref<64x128xf32, #tpu.memory_space<vmem>>) target_semaphore(%arg18 : memref<!tpu.dma_semaphore, #tpu.memory_space<semaphore_mem>>)
    %slice3A_46 = vector.extract_strided_slice %get3A_18 {offsets = [3], sizes = [1], strides = [1]} : vector<16xi32> to vector<1xi32>
    %squeeze3A_47 = vector.extract %slice3A_46[0] : i32 from vector<1xi32>
    %shift_right_logical3A_48 = arith.constant 7 : i32
    %shift_right_logical3A_49 = arith.shrui %squeeze3A_47, %shift_right_logical3A_48 : i32
    %shift_left3A_50 = arith.constant 7 : i32
    %shift_left3A_51 = arith.shli %shift_right_logical3A_49, %shift_left3A_50 : i32
    %multiple_of3A_52 = tpu.assume_multiple %shift_left3A_51, 128 : i32
    %dma_start3A_53 = arith.constant 0 : i32
    %dma_start3A_54 = tpu.memref_slice %arg3[%dma_start3A_53, %multiple_of3A_52] : memref<64x1000000xf32, #tpu.memory_space<hbm>> -> memref<64x128xf32, #tpu.memory_space<hbm>>
    %dma_start3A_55 = arith.constant 0 : i32
    %dma_start3A_56 = tpu.memref_slice %arg3[%dma_start3A_55, %multiple_of3A_52] : memref<64x1000000xf32, #tpu.memory_space<hbm>> -> memref<64x128xf32, #tpu.memory_space<hbm>>
    tpu.enqueue_dma source(%dma_start3A_56 : memref<64x128xf32, #tpu.memory_space<hbm>>) target(%arg11 : memref<64x128xf32, #tpu.memory_space<vmem>>) target_semaphore(%arg19 : memref<!tpu.dma_semaphore, #tpu.memory_space<semaphore_mem>>)
    %slice3A_57 = vector.extract_strided_slice %get3A_18 {offsets = [4], sizes = [1], strides = [1]} : vector<16xi32> to vector<1xi32>
    %squeeze3A_58 = vector.extract %slice3A_57[0] : i32 from vector<1xi32>
    %shift_right_logical3A_59 = arith.constant 7 : i32
    %shift_right_logical3A_60 = arith.shrui %squeeze3A_58, %shift_right_logical3A_59 : i32
    %shift_left3A_61 = arith.constant 7 : i32
    %shift_left3A_62 = arith.shli %shift_right_logical3A_60, %shift_left3A_61 : i32
    %multiple_of3A_63 = tpu.assume_multiple %shift_left3A_62, 128 : i32
    %dma_start3A_64 = arith.constant 0 : i32
    %dma_start3A_65 = tpu.memref_slice %arg3[%dma_start3A_64, %multiple_of3A_63] : memref<64x1000000xf32, #tpu.memory_space<hbm>> -> memref<64x128xf32, #tpu.memory_space<hbm>>
    %dma_start3A_66 = arith.constant 0 : i32
    %dma_start3A_67 = tpu.memref_slice %arg3[%dma_start3A_66, %multiple_of3A_63] : memref<64x1000000xf32, #tpu.memory_space<hbm>> -> memref<64x128xf32, #tpu.memory_space<hbm>>
    tpu.enqueue_dma source(%dma_start3A_67 : memref<64x128xf32, #tpu.memory_space<hbm>>) target(%arg12 : memref<64x128xf32, #tpu.memory_space<vmem>>) target_semaphore(%arg20 : memref<!tpu.dma_semaphore, #tpu.memory_space<semaphore_mem>>)
    %slice3A_68 = vector.extract_strided_slice %get3A_18 {offsets = [5], sizes = [1], strides = [1]} : vector<16xi32> to vector<1xi32>
    %squeeze3A_69 = vector.extract %slice3A_68[0] : i32 from vector<1xi32>
    %shift_right_logical3A_70 = arith.constant 7 : i32
    %shift_right_logical3A_71 = arith.shrui %squeeze3A_69, %shift_right_logical3A_70 : i32
    %shift_left3A_72 = arith.constant 7 : i32
    %shift_left3A_73 = arith.shli %shift_right_logical3A_71, %shift_left3A_72 : i32
    %multiple_of3A_74 = tpu.assume_multiple %shift_left3A_73, 128 : i32
    %dma_start3A_75 = arith.constant 0 : i32
    %dma_start3A_76 = tpu.memref_slice %arg3[%dma_start3A_75, %multiple_of3A_74] : memref<64x1000000xf32, #tpu.memory_space<hbm>> -> memref<64x128xf32, #tpu.memory_space<hbm>>
    %dma_start3A_77 = arith.constant 0 : i32
    %dma_start3A_78 = tpu.memref_slice %arg3[%dma_start3A_77, %multiple_of3A_74] : memref<64x1000000xf32, #tpu.memory_space<hbm>> -> memref<64x128xf32, #tpu.memory_space<hbm>>
    tpu.enqueue_dma source(%dma_start3A_78 : memref<64x128xf32, #tpu.memory_space<hbm>>) target(%arg13 : memref<64x128xf32, #tpu.memory_space<vmem>>) target_semaphore(%arg21 : memref<!tpu.dma_semaphore, #tpu.memory_space<semaphore_mem>>)
    %slice3A_79 = vector.extract_strided_slice %get3A_18 {offsets = [6], sizes = [1], strides = [1]} : vector<16xi32> to vector<1xi32>
    %squeeze3A_80 = vector.extract %slice3A_79[0] : i32 from vector<1xi32>
    %shift_right_logical3A_81 = arith.constant 7 : i32
    %shift_right_logical3A_82 = arith.shrui %squeeze3A_80, %shift_right_logical3A_81 : i32
    %shift_left3A_83 = arith.constant 7 : i32
    %shift_left3A_84 = arith.shli %shift_right_logical3A_82, %shift_left3A_83 : i32
    %multiple_of3A_85 = tpu.assume_multiple %shift_left3A_84, 128 : i32
    %dma_start3A_86 = arith.constant 0 : i32
    %dma_start3A_87 = tpu.memref_slice %arg3[%dma_start3A_86, %multiple_of3A_85] : memref<64x1000000xf32, #tpu.memory_space<hbm>> -> memref<64x128xf32, #tpu.memory_space<hbm>>
    %dma_start3A_88 = arith.constant 0 : i32
    %dma_start3A_89 = tpu.memref_slice %arg3[%dma_start3A_88, %multiple_of3A_85] : memref<64x1000000xf32, #tpu.memory_space<hbm>> -> memref<64x128xf32, #tpu.memory_space<hbm>>
    tpu.enqueue_dma source(%dma_start3A_89 : memref<64x128xf32, #tpu.memory_space<hbm>>) target(%arg14 : memref<64x128xf32, #tpu.memory_space<vmem>>) target_semaphore(%arg22 : memref<!tpu.dma_semaphore, #tpu.memory_space<semaphore_mem>>)
    %slice3A_90 = vector.extract_strided_slice %get3A_18 {offsets = [7], sizes = [1], strides = [1]} : vector<16xi32> to vector<1xi32>
    %squeeze3A_91 = vector.extract %slice3A_90[0] : i32 from vector<1xi32>
    %shift_right_logical3A_92 = arith.constant 7 : i32
    %shift_right_logical3A_93 = arith.shrui %squeeze3A_91, %shift_right_logical3A_92 : i32
    %shift_left3A_94 = arith.constant 7 : i32
    %shift_left3A_95 = arith.shli %shift_right_logical3A_93, %shift_left3A_94 : i32
    %multiple_of3A_96 = tpu.assume_multiple %shift_left3A_95, 128 : i32
    %dma_start3A_97 = arith.constant 0 : i32
    %dma_start3A_98 = tpu.memref_slice %arg3[%dma_start3A_97, %multiple_of3A_96] : memref<64x1000000xf32, #tpu.memory_space<hbm>> -> memref<64x128xf32, #tpu.memory_space<hbm>>
    %dma_start3A_99 = arith.constant 0 : i32
    %dma_start3A_100 = tpu.memref_slice %arg3[%dma_start3A_99, %multiple_of3A_96] : memref<64x1000000xf32, #tpu.memory_space<hbm>> -> memref<64x128xf32, #tpu.memory_space<hbm>>
    tpu.enqueue_dma source(%dma_start3A_100 : memref<64x128xf32, #tpu.memory_space<hbm>>) target(%arg15 : memref<64x128xf32, #tpu.memory_space<vmem>>) target_semaphore(%arg23 : memref<!tpu.dma_semaphore, #tpu.memory_space<semaphore_mem>>)
    %scan3A = arith.constant 0 : i32
    %scan3A_101 = arith.constant 8 : i32
    %scan3A_102 = arith.addi %scan3A, %scan3A_101 : i32
    %scan3A_103 = arith.constant 1 : i32
    scf.for %scan3A_167 = %scan3A to %scan3A_102 step %scan3A_103  : i32 {
      %mul3A_168 = arith.constant 16 : i32
      %mul3A_169 = arith.muli %scan3A_167, %mul3A_168 : i32
      %add3A_170 = arith.constant 0 : i32
      %add3A_171 = arith.addi %add3A_170, %mul3A_169 : i32
      %get3A_172 = arith.index_cast %add3A_171 : i32 to index
      %get3A_173 = tpu.vector_load %arg5[%get3A_172] {strides = array<i32>} : memref<528xi32, #tpu.memory_space<vmem>>, vector<16xi32>,
      %add3A_174 = arith.constant 8 : i32
      %add3A_175 = arith.addi %add3A_171, %add3A_174 : i32
      %get3A_176 = arith.index_cast %add3A_175 : i32 to index
      %get3A_177 = tpu.vector_load %arg5[%get3A_176] {strides = array<i32>} : memref<528xi32, #tpu.memory_space<vmem>>, vector<16xi32>,
      %add3A_178 = arith.constant 0 : i32
      %add3A_179 = arith.addi %add3A_171, %add3A_178 : i32
      %dma_wait3A_180 = arith.constant 0 : i32
      %dma_wait3A_181 = arith.constant 0 : i32
      %dma_wait3A_182 = tpu.memref_slice %arg3[%dma_wait3A_180, %dma_wait3A_181] : memref<64x1000000xf32, #tpu.memory_space<hbm>> -> memref<64x128xf32, #tpu.memory_space<hbm>>
      %dma_wait3A_183 = arith.constant 0 : i32
      %dma_wait3A_184 = arith.constant 0 : i32
      %dma_wait3A_185 = tpu.memref_slice %arg3[%dma_wait3A_183, %dma_wait3A_184] : memref<64x1000000xf32, #tpu.memory_space<hbm>> -> memref<64x128xf32, #tpu.memory_space<hbm>>
      tpu.wait_dma2 semaphore(%arg16 : memref<!tpu.dma_semaphore, #tpu.memory_space<semaphore_mem>>) src(%dma_wait3A_185 : memref<64x128xf32, #tpu.memory_space<hbm>>) dst(%arg8 : memref<64x128xf32, #tpu.memory_space<vmem>>)
      %slice3A_186 = vector.extract_strided_slice %get3A_173 {offsets = [0], sizes = [1], strides = [1]} : vector<16xi32> to vector<1xi32>
      %squeeze3A_187 = vector.extract %slice3A_186[0] : i32 from vector<1xi32>
      %and3A = arith.constant 127 : i32
      %and3A_188 = arith.andi %squeeze3A_187, %and3A : i32
      %broadcast_in_dim3A = vector.broadcast %and3A_188 : i32 to vector<16xi32>
      %mul3A_189 = arith.constant 16 : i32
      %mul3A_190 = arith.muli %scan3A_167, %mul3A_189 : i32
      %add3A_191 = arith.constant 0 : i32
      %add3A_192 = arith.addi %mul3A_190, %add3A_191 : i32
      %broadcast_in_dim3A_193 = vector.broadcast %add3A_192 : i32 to vector<16xi32>
      %gather3A = tpu.vector_load_idx %arg8[%add3A_5, %broadcast_in_dim3A] : memref<64x128xf32, #tpu.memory_space<vmem>>[vector<16xi32>, vector<16xi32>], vector<16xf32>,
      tpu.vector_store_idx %arg6[%add3A_5, %broadcast_in_dim3A_193], %gather3A : memref<64x128xf32, #tpu.memory_space<vmem>>[vector<16xi32>, vector<16xi32>], vector<16xf32>,
      %gather3A_194 = tpu.vector_load_idx %arg8[%add3A_9, %broadcast_in_dim3A] : memref<64x128xf32, #tpu.memory_space<vmem>>[vector<16xi32>, vector<16xi32>], vector<16xf32>,
      tpu.vector_store_idx %arg6[%add3A_9, %broadcast_in_dim3A_193], %gather3A_194 : memref<64x128xf32, #tpu.memory_space<vmem>>[vector<16xi32>, vector<16xi32>], vector<16xf32>,
      %gather3A_195 = tpu.vector_load_idx %arg8[%add3A_13, %broadcast_in_dim3A] : memref<64x128xf32, #tpu.memory_space<vmem>>[vector<16xi32>, vector<16xi32>], vector<16xf32>,
      tpu.vector_store_idx %arg6[%add3A_13, %broadcast_in_dim3A_193], %gather3A_195 : memref<64x128xf32, #tpu.memory_space<vmem>>[vector<16xi32>, vector<16xi32>], vector<16xf32>,
      %gather3A_196 = tpu.vector_load_idx %arg8[%add3A_17, %broadcast_in_dim3A] : memref<64x128xf32, #tpu.memory_space<vmem>>[vector<16xi32>, vector<16xi32>], vector<16xf32>,
      tpu.vector_store_idx %arg6[%add3A_17, %broadcast_in_dim3A_193], %gather3A_196 : memref<64x128xf32, #tpu.memory_space<vmem>>[vector<16xi32>, vector<16xi32>], vector<16xf32>,
      %lt3A = arith.constant 504 : i32
      %lt3A_197 = arith.cmpi slt, %add3A_179, %lt3A : i32
      %convert_element_type3A = arith.extui %lt3A_197 : i1 to i32
      %cond3A = arith.constant 0 : i32
      %cond3A_198 = arith.cmpi ne, %convert_element_type3A, %cond3A : i32
      scf.if %cond3A_198 {
        %slice3A_604 = vector.extract_strided_slice %get3A_177 {offsets = [0], sizes = [1], strides = [1]} : vector<16xi32> to vector<1xi32>
        %squeeze3A_605 = vector.extract %slice3A_604[0] : i32 from vector<1xi32>
        %shift_right_logical3A_606 = arith.constant 7 : i32
        %shift_right_logical3A_607 = arith.shrui %squeeze3A_605, %shift_right_logical3A_606 : i32
        %shift_left3A_608 = arith.constant 7 : i32
        %shift_left3A_609 = arith.shli %shift_right_logical3A_607, %shift_left3A_608 : i32
        %multiple_of3A_610 = tpu.assume_multiple %shift_left3A_609, 128 : i32
        %dma_start3A_611 = arith.constant 0 : i32
        %dma_start3A_612 = tpu.memref_slice %arg3[%dma_start3A_611, %multiple_of3A_610] : memref<64x1000000xf32, #tpu.memory_space<hbm>> -> memref<64x128xf32, #tpu.memory_space<hbm>>
        %dma_start3A_613 = arith.constant 0 : i32
        %dma_start3A_614 = tpu.memref_slice %arg3[%dma_start3A_613, %multiple_of3A_610] : memref<64x1000000xf32, #tpu.memory_space<hbm>> -> memref<64x128xf32, #tpu.memory_space<hbm>>
        tpu.enqueue_dma source(%dma_start3A_614 : memref<64x128xf32, #tpu.memory_space<hbm>>) target(%arg8 : memref<64x128xf32, #tpu.memory_space<vmem>>) target_semaphore(%arg16 : memref<!tpu.dma_semaphore, #tpu.memory_space<semaphore_mem>>)
      } else {
      }
      %add3A_199 = arith.constant 1 : i32
      %add3A_200 = arith.addi %add3A_171, %add3A_199 : i32
      %dma_wait3A_201 = arith.constant 0 : i32
      %dma_wait3A_202 = arith.constant 0 : i32
      %dma_wait3A_203 = tpu.memref_slice %arg3[%dma_wait3A_201, %dma_wait3A_202] : memref<64x1000000xf32, #tpu.memory_space<hbm>> -> memref<64x128xf32, #tpu.memory_space<hbm>>
      %dma_wait3A_204 = arith.constant 0 : i32
      %dma_wait3A_205 = arith.constant 0 : i32
      %dma_wait3A_206 = tpu.memref_slice %arg3[%dma_wait3A_204, %dma_wait3A_205] : memref<64x1000000xf32, #tpu.memory_space<hbm>> -> memref<64x128xf32, #tpu.memory_space<hbm>>
      tpu.wait_dma2 semaphore(%arg17 : memref<!tpu.dma_semaphore, #tpu.memory_space<semaphore_mem>>) src(%dma_wait3A_206 : memref<64x128xf32, #tpu.memory_space<hbm>>) dst(%arg9 : memref<64x128xf32, #tpu.memory_space<vmem>>)
      %slice3A_207 = vector.extract_strided_slice %get3A_173 {offsets = [1], sizes = [1], strides = [1]} : vector<16xi32> to vector<1xi32>
      %squeeze3A_208 = vector.extract %slice3A_207[0] : i32 from vector<1xi32>
      %and3A_209 = arith.constant 127 : i32
      %and3A_210 = arith.andi %squeeze3A_208, %and3A_209 : i32
      %broadcast_in_dim3A_211 = vector.broadcast %and3A_210 : i32 to vector<16xi32>
      %mul3A_212 = arith.constant 16 : i32
      %mul3A_213 = arith.muli %scan3A_167, %mul3A_212 : i32
      %add3A_214 = arith.constant 1 : i32
      %add3A_215 = arith.addi %mul3A_213, %add3A_214 : i32
      %broadcast_in_dim3A_216 = vector.broadcast %add3A_215 : i32 to vector<16xi32>
      %gather3A_217 = tpu.vector_load_idx %arg9[%add3A_5, %broadcast_in_dim3A_211] : memref<64x128xf32, #tpu.memory_space<vmem>>[vector<16xi32>, vector<16xi32>], vector<16xf32>,
      tpu.vector_store_idx %arg6[%add3A_5, %broadcast_in_dim3A_216], %gather3A_217 : memref<64x128xf32, #tpu.memory_space<vmem>>[vector<16xi32>, vector<16xi32>], vector<16xf32>,
      %gather3A_218 = tpu.vector_load_idx %arg9[%add3A_9, %broadcast_in_dim3A_211] : memref<64x128xf32, #tpu.memory_space<vmem>>[vector<16xi32>, vector<16xi32>], vector<16xf32>,
      tpu.vector_store_idx %arg6[%add3A_9, %broadcast_in_dim3A_216], %gather3A_218 : memref<64x128xf32, #tpu.memory_space<vmem>>[vector<16xi32>, vector<16xi32>], vector<16xf32>,
      %gather3A_219 = tpu.vector_load_idx %arg9[%add3A_13, %broadcast_in_dim3A_211] : memref<64x128xf32, #tpu.memory_space<vmem>>[vector<16xi32>, vector<16xi32>], vector<16xf32>,
      tpu.vector_store_idx %arg6[%add3A_13, %broadcast_in_dim3A_216], %gather3A_219 : memref<64x128xf32, #tpu.memory_space<vmem>>[vector<16xi32>, vector<16xi32>], vector<16xf32>,
      %gather3A_220 = tpu.vector_load_idx %arg9[%add3A_17, %broadcast_in_dim3A_211] : memref<64x128xf32, #tpu.memory_space<vmem>>[vector<16xi32>, vector<16xi32>], vector<16xf32>,
      tpu.vector_store_idx %arg6[%add3A_17, %broadcast_in_dim3A_216], %gather3A_220 : memref<64x128xf32, #tpu.memory_space<vmem>>[vector<16xi32>, vector<16xi32>], vector<16xf32>,
      %lt3A_221 = arith.constant 504 : i32
      %lt3A_222 = arith.cmpi slt, %add3A_200, %lt3A_221 : i32
      %convert_element_type3A_223 = arith.extui %lt3A_222 : i1 to i32
      %cond3A_224 = arith.constant 0 : i32
      %cond3A_225 = arith.cmpi ne, %convert_element_type3A_223, %cond3A_224 : i32
      scf.if %cond3A_225 {
        %slice3A_604 = vector.extract_strided_slice %get3A_177 {offsets = [1], sizes = [1], strides = [1]} : vector<16xi32> to vector<1xi32>
        %squeeze3A_605 = vector.extract %slice3A_604[0] : i32 from vector<1xi32>
        %shift_right_logical3A_606 = arith.constant 7 : i32
        %shift_right_logical3A_607 = arith.shrui %squeeze3A_605, %shift_right_logical3A_606 : i32
        %shift_left3A_608 = arith.constant 7 : i32
        %shift_left3A_609 = arith.shli %shift_right_logical3A_607, %shift_left3A_608 : i32
        %multiple_of3A_610 = tpu.assume_multiple %shift_left3A_609, 128 : i32
        %dma_start3A_611 = arith.constant 0 : i32
        %dma_start3A_612 = tpu.memref_slice %arg3[%dma_start3A_611, %multiple_of3A_610] : memref<64x1000000xf32, #tpu.memory_space<hbm>> -> memref<64x128xf32, #tpu.memory_space<hbm>>
        %dma_start3A_613 = arith.constant 0 : i32
        %dma_start3A_614 = tpu.memref_slice %arg3[%dma_start3A_613, %multiple_of3A_610] : memref<64x1000000xf32, #tpu.memory_space<hbm>> -> memref<64x128xf32, #tpu.memory_space<hbm>>
        tpu.enqueue_dma source(%dma_start3A_614 : memref<64x128xf32, #tpu.memory_space<hbm>>) target(%arg9 : memref<64x128xf32, #tpu.memory_space<vmem>>) target_semaphore(%arg17 : memref<!tpu.dma_semaphore, #tpu.memory_space<semaphore_mem>>)
      } else {
      }
      %add3A_226 = arith.constant 2 : i32
      %add3A_227 = arith.addi %add3A_171, %add3A_226 : i32
      %dma_wait3A_228 = arith.constant 0 : i32
      %dma_wait3A_229 = arith.constant 0 : i32
      %dma_wait3A_230 = tpu.memref_slice %arg3[%dma_wait3A_228, %dma_wait3A_229] : memref<64x1000000xf32, #tpu.memory_space<hbm>> -> memref<64x128xf32, #tpu.memory_space<hbm>>
      %dma_wait3A_231 = arith.constant 0 : i32
      %dma_wait3A_232 = arith.constant 0 : i32
      %dma_wait3A_233 = tpu.memref_slice %arg3[%dma_wait3A_231, %dma_wait3A_232] : memref<64x1000000xf32, #tpu.memory_space<hbm>> -> memref<64x128xf32, #tpu.memory_space<hbm>>
      tpu.wait_dma2 semaphore(%arg18 : memref<!tpu.dma_semaphore, #tpu.memory_space<semaphore_mem>>) src(%dma_wait3A_233 : memref<64x128xf32, #tpu.memory_space<hbm>>) dst(%arg10 : memref<64x128xf32, #tpu.memory_space<vmem>>)
      %slice3A_234 = vector.extract_strided_slice %get3A_173 {offsets = [2], sizes = [1], strides = [1]} : vector<16xi32> to vector<1xi32>
      %squeeze3A_235 = vector.extract %slice3A_234[0] : i32 from vector<1xi32>
      %and3A_236 = arith.constant 127 : i32
      %and3A_237 = arith.andi %squeeze3A_235, %and3A_236 : i32
      %broadcast_in_dim3A_238 = vector.broadcast %and3A_237 : i32 to vector<16xi32>
      %mul3A_239 = arith.constant 16 : i32
      %mul3A_240 = arith.muli %scan3A_167, %mul3A_239 : i32
      %add3A_241 = arith.constant 2 : i32
      %add3A_242 = arith.addi %mul3A_240, %add3A_241 : i32
      %broadcast_in_dim3A_243 = vector.broadcast %add3A_242 : i32 to vector<16xi32>
      %gather3A_244 = tpu.vector_load_idx %arg10[%add3A_5, %broadcast_in_dim3A_238] : memref<64x128xf32, #tpu.memory_space<vmem>>[vector<16xi32>, vector<16xi32>], vector<16xf32>,
      tpu.vector_store_idx %arg6[%add3A_5, %broadcast_in_dim3A_243], %gather3A_244 : memref<64x128xf32, #tpu.memory_space<vmem>>[vector<16xi32>, vector<16xi32>], vector<16xf32>,
      %gather3A_245 = tpu.vector_load_idx %arg10[%add3A_9, %broadcast_in_dim3A_238] : memref<64x128xf32, #tpu.memory_space<vmem>>[vector<16xi32>, vector<16xi32>], vector<16xf32>,
      tpu.vector_store_idx %arg6[%add3A_9, %broadcast_in_dim3A_243], %gather3A_245 : memref<64x128xf32, #tpu.memory_space<vmem>>[vector<16xi32>, vector<16xi32>], vector<16xf32>,
      %gather3A_246 = tpu.vector_load_idx %arg10[%add3A_13, %broadcast_in_dim3A_238] : memref<64x128xf32, #tpu.memory_space<vmem>>[vector<16xi32>, vector<16xi32>], vector<16xf32>,
      tpu.vector_store_idx %arg6[%add3A_13, %broadcast_in_dim3A_243], %gather3A_246 : memref<64x128xf32, #tpu.memory_space<vmem>>[vector<16xi32>, vector<16xi32>], vector<16xf32>,
      %gather3A_247 = tpu.vector_load_idx %arg10[%add3A_17, %broadcast_in_dim3A_238] : memref<64x128xf32, #tpu.memory_space<vmem>>[vector<16xi32>, vector<16xi32>], vector<16xf32>,
      tpu.vector_store_idx %arg6[%add3A_17, %broadcast_in_dim3A_243], %gather3A_247 : memref<64x128xf32, #tpu.memory_space<vmem>>[vector<16xi32>, vector<16xi32>], vector<16xf32>,
      %lt3A_248 = arith.constant 504 : i32
      %lt3A_249 = arith.cmpi slt, %add3A_227, %lt3A_248 : i32
      %convert_element_type3A_250 = arith.extui %lt3A_249 : i1 to i32
      %cond3A_251 = arith.constant 0 : i32
      %cond3A_252 = arith.cmpi ne, %convert_element_type3A_250, %cond3A_251 : i32
      scf.if %cond3A_252 {
        %slice3A_604 = vector.extract_strided_slice %get3A_177 {offsets = [2], sizes = [1], strides = [1]} : vector<16xi32> to vector<1xi32>
        %squeeze3A_605 = vector.extract %slice3A_604[0] : i32 from vector<1xi32>
        %shift_right_logical3A_606 = arith.constant 7 : i32
        %shift_right_logical3A_607 = arith.shrui %squeeze3A_605, %shift_right_logical3A_606 : i32
        %shift_left3A_608 = arith.constant 7 : i32
        %shift_left3A_609 = arith.shli %shift_right_logical3A_607, %shift_left3A_608 : i32
        %multiple_of3A_610 = tpu.assume_multiple %shift_left3A_609, 128 : i32
        %dma_start3A_611 = arith.constant 0 : i32
        %dma_start3A_612 = tpu.memref_slice %arg3[%dma_start3A_611, %multiple_of3A_610] : memref<64x1000000xf32, #tpu.memory_space<hbm>> -> memref<64x128xf32, #tpu.memory_space<hbm>>
        %dma_start3A_613 = arith.constant 0 : i32
        %dma_start3A_614 = tpu.memref_slice %arg3[%dma_start3A_613, %multiple_of3A_610] : memref<64x1000000xf32, #tpu.memory_space<hbm>> -> memref<64x128xf32, #tpu.memory_space<hbm>>
        tpu.enqueue_dma source(%dma_start3A_614 : memref<64x128xf32, #tpu.memory_space<hbm>>) target(%arg10 : memref<64x128xf32, #tpu.memory_space<vmem>>) target_semaphore(%arg18 : memref<!tpu.dma_semaphore, #tpu.memory_space<semaphore_mem>>)
      } else {
      }
      %add3A_253 = arith.constant 3 : i32
      %add3A_254 = arith.addi %add3A_171, %add3A_253 : i32
      %dma_wait3A_255 = arith.constant 0 : i32
      %dma_wait3A_256 = arith.constant 0 : i32
      %dma_wait3A_257 = tpu.memref_slice %arg3[%dma_wait3A_255, %dma_wait3A_256] : memref<64x1000000xf32, #tpu.memory_space<hbm>> -> memref<64x128xf32, #tpu.memory_space<hbm>>
      %dma_wait3A_258 = arith.constant 0 : i32
      %dma_wait3A_259 = arith.constant 0 : i32
      %dma_wait3A_260 = tpu.memref_slice %arg3[%dma_wait3A_258, %dma_wait3A_259] : memref<64x1000000xf32, #tpu.memory_space<hbm>> -> memref<64x128xf32, #tpu.memory_space<hbm>>
      tpu.wait_dma2 semaphore(%arg19 : memref<!tpu.dma_semaphore, #tpu.memory_space<semaphore_mem>>) src(%dma_wait3A_260 : memref<64x128xf32, #tpu.memory_space<hbm>>) dst(%arg11 : memref<64x128xf32, #tpu.memory_space<vmem>>)
      %slice3A_261 = vector.extract_strided_slice %get3A_173 {offsets = [3], sizes = [1], strides = [1]} : vector<16xi32> to vector<1xi32>
      %squeeze3A_262 = vector.extract %slice3A_261[0] : i32 from vector<1xi32>
      %and3A_263 = arith.constant 127 : i32
      %and3A_264 = arith.andi %squeeze3A_262, %and3A_263 : i32
      %broadcast_in_dim3A_265 = vector.broadcast %and3A_264 : i32 to vector<16xi32>
      %mul3A_266 = arith.constant 16 : i32
      %mul3A_267 = arith.muli %scan3A_167, %mul3A_266 : i32
      %add3A_268 = arith.constant 3 : i32
      %add3A_269 = arith.addi %mul3A_267, %add3A_268 : i32
      %broadcast_in_dim3A_270 = vector.broadcast %add3A_269 : i32 to vector<16xi32>
      %gather3A_271 = tpu.vector_load_idx %arg11[%add3A_5, %broadcast_in_dim3A_265] : memref<64x128xf32, #tpu.memory_space<vmem>>[vector<16xi32>, vector<16xi32>], vector<16xf32>,
      tpu.vector_store_idx %arg6[%add3A_5, %broadcast_in_dim3A_270], %gather3A_271 : memref<64x128xf32, #tpu.memory_space<vmem>>[vector<16xi32>, vector<16xi32>], vector<16xf32>,
      %gather3A_272 = tpu.vector_load_idx %arg11[%add3A_9, %broadcast_in_dim3A_265] : memref<64x128xf32, #tpu.memory_space<vmem>>[vector<16xi32>, vector<16xi32>], vector<16xf32>,
      tpu.vector_store_idx %arg6[%add3A_9, %broadcast_in_dim3A_270], %gather3A_272 : memref<64x128xf32, #tpu.memory_space<vmem>>[vector<16xi32>, vector<16xi32>], vector<16xf32>,
      %gather3A_273 = tpu.vector_load_idx %arg11[%add3A_13, %broadcast_in_dim3A_265] : memref<64x128xf32, #tpu.memory_space<vmem>>[vector<16xi32>, vector<16xi32>], vector<16xf32>,
      tpu.vector_store_idx %arg6[%add3A_13, %broadcast_in_dim3A_270], %gather3A_273 : memref<64x128xf32, #tpu.memory_space<vmem>>[vector<16xi32>, vector<16xi32>], vector<16xf32>,
      %gather3A_274 = tpu.vector_load_idx %arg11[%add3A_17, %broadcast_in_dim3A_265] : memref<64x128xf32, #tpu.memory_space<vmem>>[vector<16xi32>, vector<16xi32>], vector<16xf32>,
      tpu.vector_store_idx %arg6[%add3A_17, %broadcast_in_dim3A_270], %gather3A_274 : memref<64x128xf32, #tpu.memory_space<vmem>>[vector<16xi32>, vector<16xi32>], vector<16xf32>,
      %lt3A_275 = arith.constant 504 : i32
      %lt3A_276 = arith.cmpi slt, %add3A_254, %lt3A_275 : i32
      %convert_element_type3A_277 = arith.extui %lt3A_276 : i1 to i32
      %cond3A_278 = arith.constant 0 : i32
      %cond3A_279 = arith.cmpi ne, %convert_element_type3A_277, %cond3A_278 : i32
      scf.if %cond3A_279 {
        %slice3A_604 = vector.extract_strided_slice %get3A_177 {offsets = [3], sizes = [1], strides = [1]} : vector<16xi32> to vector<1xi32>
        %squeeze3A_605 = vector.extract %slice3A_604[0] : i32 from vector<1xi32>
        %shift_right_logical3A_606 = arith.constant 7 : i32
        %shift_right_logical3A_607 = arith.shrui %squeeze3A_605, %shift_right_logical3A_606 : i32
        %shift_left3A_608 = arith.constant 7 : i32
        %shift_left3A_609 = arith.shli %shift_right_logical3A_607, %shift_left3A_608 : i32
        %multiple_of3A_610 = tpu.assume_multiple %shift_left3A_609, 128 : i32
        %dma_start3A_611 = arith.constant 0 : i32
        %dma_start3A_612 = tpu.memref_slice %arg3[%dma_start3A_611, %multiple_of3A_610] : memref<64x1000000xf32, #tpu.memory_space<hbm>> -> memref<64x128xf32, #tpu.memory_space<hbm>>
        %dma_start3A_613 = arith.constant 0 : i32
        %dma_start3A_614 = tpu.memref_slice %arg3[%dma_start3A_613, %multiple_of3A_610] : memref<64x1000000xf32, #tpu.memory_space<hbm>> -> memref<64x128xf32, #tpu.memory_space<hbm>>
        tpu.enqueue_dma source(%dma_start3A_614 : memref<64x128xf32, #tpu.memory_space<hbm>>) target(%arg11 : memref<64x128xf32, #tpu.memory_space<vmem>>) target_semaphore(%arg19 : memref<!tpu.dma_semaphore, #tpu.memory_space<semaphore_mem>>)
      } else {
      }
      %add3A_280 = arith.constant 4 : i32
      %add3A_281 = arith.addi %add3A_171, %add3A_280 : i32
      %dma_wait3A_282 = arith.constant 0 : i32
      %dma_wait3A_283 = arith.constant 0 : i32
      %dma_wait3A_284 = tpu.memref_slice %arg3[%dma_wait3A_282, %dma_wait3A_283] : memref<64x1000000xf32, #tpu.memory_space<hbm>> -> memref<64x128xf32, #tpu.memory_space<hbm>>
      %dma_wait3A_285 = arith.constant 0 : i32
      %dma_wait3A_286 = arith.constant 0 : i32
      %dma_wait3A_287 = tpu.memref_slice %arg3[%dma_wait3A_285, %dma_wait3A_286] : memref<64x1000000xf32, #tpu.memory_space<hbm>> -> memref<64x128xf32, #tpu.memory_space<hbm>>
      tpu.wait_dma2 semaphore(%arg20 : memref<!tpu.dma_semaphore, #tpu.memory_space<semaphore_mem>>) src(%dma_wait3A_287 : memref<64x128xf32, #tpu.memory_space<hbm>>) dst(%arg12 : memref<64x128xf32, #tpu.memory_space<vmem>>)
      %slice3A_288 = vector.extract_strided_slice %get3A_173 {offsets = [4], sizes = [1], strides = [1]} : vector<16xi32> to vector<1xi32>
      %squeeze3A_289 = vector.extract %slice3A_288[0] : i32 from vector<1xi32>
      %and3A_290 = arith.constant 127 : i32
      %and3A_291 = arith.andi %squeeze3A_289, %and3A_290 : i32
      %broadcast_in_dim3A_292 = vector.broadcast %and3A_291 : i32 to vector<16xi32>
      %mul3A_293 = arith.constant 16 : i32
      %mul3A_294 = arith.muli %scan3A_167, %mul3A_293 : i32
      %add3A_295 = arith.constant 4 : i32
      %add3A_296 = arith.addi %mul3A_294, %add3A_295 : i32
      %broadcast_in_dim3A_297 = vector.broadcast %add3A_296 : i32 to vector<16xi32>
      %gather3A_298 = tpu.vector_load_idx %arg12[%add3A_5, %broadcast_in_dim3A_292] : memref<64x128xf32, #tpu.memory_space<vmem>>[vector<16xi32>, vector<16xi32>], vector<16xf32>,
      tpu.vector_store_idx %arg6[%add3A_5, %broadcast_in_dim3A_297], %gather3A_298 : memref<64x128xf32, #tpu.memory_space<vmem>>[vector<16xi32>, vector<16xi32>], vector<16xf32>,
      %gather3A_299 = tpu.vector_load_idx %arg12[%add3A_9, %broadcast_in_dim3A_292] : memref<64x128xf32, #tpu.memory_space<vmem>>[vector<16xi32>, vector<16xi32>], vector<16xf32>,
      tpu.vector_store_idx %arg6[%add3A_9, %broadcast_in_dim3A_297], %gather3A_299 : memref<64x128xf32, #tpu.memory_space<vmem>>[vector<16xi32>, vector<16xi32>], vector<16xf32>,
      %gather3A_300 = tpu.vector_load_idx %arg12[%add3A_13, %broadcast_in_dim3A_292] : memref<64x128xf32, #tpu.memory_space<vmem>>[vector<16xi32>, vector<16xi32>], vector<16xf32>,
      tpu.vector_store_idx %arg6[%add3A_13, %broadcast_in_dim3A_297], %gather3A_300 : memref<64x128xf32, #tpu.memory_space<vmem>>[vector<16xi32>, vector<16xi32>], vector<16xf32>,
      %gather3A_301 = tpu.vector_load_idx %arg12[%add3A_17, %broadcast_in_dim3A_292] : memref<64x128xf32, #tpu.memory_space<vmem>>[vector<16xi32>, vector<16xi32>], vector<16xf32>,
      tpu.vector_store_idx %arg6[%add3A_17, %broadcast_in_dim3A_297], %gather3A_301 : memref<64x128xf32, #tpu.memory_space<vmem>>[vector<16xi32>, vector<16xi32>], vector<16xf32>,
      %lt3A_302 = arith.constant 504 : i32
      %lt3A_303 = arith.cmpi slt, %add3A_281, %lt3A_302 : i32
      %convert_element_type3A_304 = arith.extui %lt3A_303 : i1 to i32
      %cond3A_305 = arith.constant 0 : i32
      %cond3A_306 = arith.cmpi ne, %convert_element_type3A_304, %cond3A_305 : i32
      scf.if %cond3A_306 {
        %slice3A_604 = vector.extract_strided_slice %get3A_177 {offsets = [4], sizes = [1], strides = [1]} : vector<16xi32> to vector<1xi32>
        %squeeze3A_605 = vector.extract %slice3A_604[0] : i32 from vector<1xi32>
        %shift_right_logical3A_606 = arith.constant 7 : i32
        %shift_right_logical3A_607 = arith.shrui %squeeze3A_605, %shift_right_logical3A_606 : i32
        %shift_left3A_608 = arith.constant 7 : i32
        %shift_left3A_609 = arith.shli %shift_right_logical3A_607, %shift_left3A_608 : i32
        %multiple_of3A_610 = tpu.assume_multiple %shift_left3A_609, 128 : i32
        %dma_start3A_611 = arith.constant 0 : i32
        %dma_start3A_612 = tpu.memref_slice %arg3[%dma_start3A_611, %multiple_of3A_610] : memref<64x1000000xf32, #tpu.memory_space<hbm>> -> memref<64x128xf32, #tpu.memory_space<hbm>>
        %dma_start3A_613 = arith.constant 0 : i32
        %dma_start3A_614 = tpu.memref_slice %arg3[%dma_start3A_613, %multiple_of3A_610] : memref<64x1000000xf32, #tpu.memory_space<hbm>> -> memref<64x128xf32, #tpu.memory_space<hbm>>
        tpu.enqueue_dma source(%dma_start3A_614 : memref<64x128xf32, #tpu.memory_space<hbm>>) target(%arg12 : memref<64x128xf32, #tpu.memory_space<vmem>>) target_semaphore(%arg20 : memref<!tpu.dma_semaphore, #tpu.memory_space<semaphore_mem>>)
      } else {
      }
      %add3A_307 = arith.constant 5 : i32
      %add3A_308 = arith.addi %add3A_171, %add3A_307 : i32
      %dma_wait3A_309 = arith.constant 0 : i32
      %dma_wait3A_310 = arith.constant 0 : i32
      %dma_wait3A_311 = tpu.memref_slice %arg3[%dma_wait3A_309, %dma_wait3A_310] : memref<64x1000000xf32, #tpu.memory_space<hbm>> -> memref<64x128xf32, #tpu.memory_space<hbm>>
      %dma_wait3A_312 = arith.constant 0 : i32
      %dma_wait3A_313 = arith.constant 0 : i32
      %dma_wait3A_314 = tpu.memref_slice %arg3[%dma_wait3A_312, %dma_wait3A_313] : memref<64x1000000xf32, #tpu.memory_space<hbm>> -> memref<64x128xf32, #tpu.memory_space<hbm>>
      tpu.wait_dma2 semaphore(%arg21 : memref<!tpu.dma_semaphore, #tpu.memory_space<semaphore_mem>>) src(%dma_wait3A_314 : memref<64x128xf32, #tpu.memory_space<hbm>>) dst(%arg13 : memref<64x128xf32, #tpu.memory_space<vmem>>)
      %slice3A_315 = vector.extract_strided_slice %get3A_173 {offsets = [5], sizes = [1], strides = [1]} : vector<16xi32> to vector<1xi32>
      %squeeze3A_316 = vector.extract %slice3A_315[0] : i32 from vector<1xi32>
      %and3A_317 = arith.constant 127 : i32
      %and3A_318 = arith.andi %squeeze3A_316, %and3A_317 : i32
      %broadcast_in_dim3A_319 = vector.broadcast %and3A_318 : i32 to vector<16xi32>
      %mul3A_320 = arith.constant 16 : i32
      %mul3A_321 = arith.muli %scan3A_167, %mul3A_320 : i32
      %add3A_322 = arith.constant 5 : i32
      %add3A_323 = arith.addi %mul3A_321, %add3A_322 : i32
      %broadcast_in_dim3A_324 = vector.broadcast %add3A_323 : i32 to vector<16xi32>
      %gather3A_325 = tpu.vector_load_idx %arg13[%add3A_5, %broadcast_in_dim3A_319] : memref<64x128xf32, #tpu.memory_space<vmem>>[vector<16xi32>, vector<16xi32>], vector<16xf32>,
      tpu.vector_store_idx %arg6[%add3A_5, %broadcast_in_dim3A_324], %gather3A_325 : memref<64x128xf32, #tpu.memory_space<vmem>>[vector<16xi32>, vector<16xi32>], vector<16xf32>,
      %gather3A_326 = tpu.vector_load_idx %arg13[%add3A_9, %broadcast_in_dim3A_319] : memref<64x128xf32, #tpu.memory_space<vmem>>[vector<16xi32>, vector<16xi32>], vector<16xf32>,
      tpu.vector_store_idx %arg6[%add3A_9, %broadcast_in_dim3A_324], %gather3A_326 : memref<64x128xf32, #tpu.memory_space<vmem>>[vector<16xi32>, vector<16xi32>], vector<16xf32>,
      %gather3A_327 = tpu.vector_load_idx %arg13[%add3A_13, %broadcast_in_dim3A_319] : memref<64x128xf32, #tpu.memory_space<vmem>>[vector<16xi32>, vector<16xi32>], vector<16xf32>,
      tpu.vector_store_idx %arg6[%add3A_13, %broadcast_in_dim3A_324], %gather3A_327 : memref<64x128xf32, #tpu.memory_space<vmem>>[vector<16xi32>, vector<16xi32>], vector<16xf32>,
      %gather3A_328 = tpu.vector_load_idx %arg13[%add3A_17, %broadcast_in_dim3A_319] : memref<64x128xf32, #tpu.memory_space<vmem>>[vector<16xi32>, vector<16xi32>], vector<16xf32>,
      tpu.vector_store_idx %arg6[%add3A_17, %broadcast_in_dim3A_324], %gather3A_328 : memref<64x128xf32, #tpu.memory_space<vmem>>[vector<16xi32>, vector<16xi32>], vector<16xf32>,
      %lt3A_329 = arith.constant 504 : i32
      %lt3A_330 = arith.cmpi slt, %add3A_308, %lt3A_329 : i32
      %convert_element_type3A_331 = arith.extui %lt3A_330 : i1 to i32
      %cond3A_332 = arith.constant 0 : i32
      %cond3A_333 = arith.cmpi ne, %convert_element_type3A_331, %cond3A_332 : i32
      scf.if %cond3A_333 {
        %slice3A_604 = vector.extract_strided_slice %get3A_177 {offsets = [5], sizes = [1], strides = [1]} : vector<16xi32> to vector<1xi32>
        %squeeze3A_605 = vector.extract %slice3A_604[0] : i32 from vector<1xi32>
        %shift_right_logical3A_606 = arith.constant 7 : i32
        %shift_right_logical3A_607 = arith.shrui %squeeze3A_605, %shift_right_logical3A_606 : i32
        %shift_left3A_608 = arith.constant 7 : i32
        %shift_left3A_609 = arith.shli %shift_right_logical3A_607, %shift_left3A_608 : i32
        %multiple_of3A_610 = tpu.assume_multiple %shift_left3A_609, 128 : i32
        %dma_start3A_611 = arith.constant 0 : i32
        %dma_start3A_612 = tpu.memref_slice %arg3[%dma_start3A_611, %multiple_of3A_610] : memref<64x1000000xf32, #tpu.memory_space<hbm>> -> memref<64x128xf32, #tpu.memory_space<hbm>>
        %dma_start3A_613 = arith.constant 0 : i32
        %dma_start3A_614 = tpu.memref_slice %arg3[%dma_start3A_613, %multiple_of3A_610] : memref<64x1000000xf32, #tpu.memory_space<hbm>> -> memref<64x128xf32, #tpu.memory_space<hbm>>
        tpu.enqueue_dma source(%dma_start3A_614 : memref<64x128xf32, #tpu.memory_space<hbm>>) target(%arg13 : memref<64x128xf32, #tpu.memory_space<vmem>>) target_semaphore(%arg21 : memref<!tpu.dma_semaphore, #tpu.memory_space<semaphore_mem>>)
      } else {
      }
      %add3A_334 = arith.constant 6 : i32
      %add3A_335 = arith.addi %add3A_171, %add3A_334 : i32
      %dma_wait3A_336 = arith.constant 0 : i32
      %dma_wait3A_337 = arith.constant 0 : i32
      %dma_wait3A_338 = tpu.memref_slice %arg3[%dma_wait3A_336, %dma_wait3A_337] : memref<64x1000000xf32, #tpu.memory_space<hbm>> -> memref<64x128xf32, #tpu.memory_space<hbm>>
      %dma_wait3A_339 = arith.constant 0 : i32
      %dma_wait3A_340 = arith.constant 0 : i32
      %dma_wait3A_341 = tpu.memref_slice %arg3[%dma_wait3A_339, %dma_wait3A_340] : memref<64x1000000xf32, #tpu.memory_space<hbm>> -> memref<64x128xf32, #tpu.memory_space<hbm>>
      tpu.wait_dma2 semaphore(%arg22 : memref<!tpu.dma_semaphore, #tpu.memory_space<semaphore_mem>>) src(%dma_wait3A_341 : memref<64x128xf32, #tpu.memory_space<hbm>>) dst(%arg14 : memref<64x128xf32, #tpu.memory_space<vmem>>)
      %slice3A_342 = vector.extract_strided_slice %get3A_173 {offsets = [6], sizes = [1], strides = [1]} : vector<16xi32> to vector<1xi32>
      %squeeze3A_343 = vector.extract %slice3A_342[0] : i32 from vector<1xi32>
      %and3A_344 = arith.constant 127 : i32
      %and3A_345 = arith.andi %squeeze3A_343, %and3A_344 : i32
      %broadcast_in_dim3A_346 = vector.broadcast %and3A_345 : i32 to vector<16xi32>
      %mul3A_347 = arith.constant 16 : i32
      %mul3A_348 = arith.muli %scan3A_167, %mul3A_347 : i32
      %add3A_349 = arith.constant 6 : i32
      %add3A_350 = arith.addi %mul3A_348, %add3A_349 : i32
      %broadcast_in_dim3A_351 = vector.broadcast %add3A_350 : i32 to vector<16xi32>
      %gather3A_352 = tpu.vector_load_idx %arg14[%add3A_5, %broadcast_in_dim3A_346] : memref<64x128xf32, #tpu.memory_space<vmem>>[vector<16xi32>, vector<16xi32>], vector<16xf32>,
      tpu.vector_store_idx %arg6[%add3A_5, %broadcast_in_dim3A_351], %gather3A_352 : memref<64x128xf32, #tpu.memory_space<vmem>>[vector<16xi32>, vector<16xi32>], vector<16xf32>,
      %gather3A_353 = tpu.vector_load_idx %arg14[%add3A_9, %broadcast_in_dim3A_346] : memref<64x128xf32, #tpu.memory_space<vmem>>[vector<16xi32>, vector<16xi32>], vector<16xf32>,
      tpu.vector_store_idx %arg6[%add3A_9, %broadcast_in_dim3A_351], %gather3A_353 : memref<64x128xf32, #tpu.memory_space<vmem>>[vector<16xi32>, vector<16xi32>], vector<16xf32>,
      %gather3A_354 = tpu.vector_load_idx %arg14[%add3A_13, %broadcast_in_dim3A_346] : memref<64x128xf32, #tpu.memory_space<vmem>>[vector<16xi32>, vector<16xi32>], vector<16xf32>,
      tpu.vector_store_idx %arg6[%add3A_13, %broadcast_in_dim3A_351], %gather3A_354 : memref<64x128xf32, #tpu.memory_space<vmem>>[vector<16xi32>, vector<16xi32>], vector<16xf32>,
      %gather3A_355 = tpu.vector_load_idx %arg14[%add3A_17, %broadcast_in_dim3A_346] : memref<64x128xf32, #tpu.memory_space<vmem>>[vector<16xi32>, vector<16xi32>], vector<16xf32>,
      tpu.vector_store_idx %arg6[%add3A_17, %broadcast_in_dim3A_351], %gather3A_355 : memref<64x128xf32, #tpu.memory_space<vmem>>[vector<16xi32>, vector<16xi32>], vector<16xf32>,
      %lt3A_356 = arith.constant 504 : i32
      %lt3A_357 = arith.cmpi slt, %add3A_335, %lt3A_356 : i32
      %convert_element_type3A_358 = arith.extui %lt3A_357 : i1 to i32
      %cond3A_359 = arith.constant 0 : i32
      %cond3A_360 = arith.cmpi ne, %convert_element_type3A_358, %cond3A_359 : i32
      scf.if %cond3A_360 {
        %slice3A_604 = vector.extract_strided_slice %get3A_177 {offsets = [6], sizes = [1], strides = [1]} : vector<16xi32> to vector<1xi32>
        %squeeze3A_605 = vector.extract %slice3A_604[0] : i32 from vector<1xi32>
        %shift_right_logical3A_606 = arith.constant 7 : i32
        %shift_right_logical3A_607 = arith.shrui %squeeze3A_605, %shift_right_logical3A_606 : i32
        %shift_left3A_608 = arith.constant 7 : i32
        %shift_left3A_609 = arith.shli %shift_right_logical3A_607, %shift_left3A_608 : i32
        %multiple_of3A_610 = tpu.assume_multiple %shift_left3A_609, 128 : i32
        %dma_start3A_611 = arith.constant 0 : i32
        %dma_start3A_612 = tpu.memref_slice %arg3[%dma_start3A_611, %multiple_of3A_610] : memref<64x1000000xf32, #tpu.memory_space<hbm>> -> memref<64x128xf32, #tpu.memory_space<hbm>>
        %dma_start3A_613 = arith.constant 0 : i32
        %dma_start3A_614 = tpu.memref_slice %arg3[%dma_start3A_613, %multiple_of3A_610] : memref<64x1000000xf32, #tpu.memory_space<hbm>> -> memref<64x128xf32, #tpu.memory_space<hbm>>
        tpu.enqueue_dma source(%dma_start3A_614 : memref<64x128xf32, #tpu.memory_space<hbm>>) target(%arg14 : memref<64x128xf32, #tpu.memory_space<vmem>>) target_semaphore(%arg22 : memref<!tpu.dma_semaphore, #tpu.memory_space<semaphore_mem>>)
      } else {
      }
      %add3A_361 = arith.constant 7 : i32
      %add3A_362 = arith.addi %add3A_171, %add3A_361 : i32
      %dma_wait3A_363 = arith.constant 0 : i32
      %dma_wait3A_364 = arith.constant 0 : i32
      %dma_wait3A_365 = tpu.memref_slice %arg3[%dma_wait3A_363, %dma_wait3A_364] : memref<64x1000000xf32, #tpu.memory_space<hbm>> -> memref<64x128xf32, #tpu.memory_space<hbm>>
      %dma_wait3A_366 = arith.constant 0 : i32
      %dma_wait3A_367 = arith.constant 0 : i32
      %dma_wait3A_368 = tpu.memref_slice %arg3[%dma_wait3A_366, %dma_wait3A_367] : memref<64x1000000xf32, #tpu.memory_space<hbm>> -> memref<64x128xf32, #tpu.memory_space<hbm>>
      tpu.wait_dma2 semaphore(%arg23 : memref<!tpu.dma_semaphore, #tpu.memory_space<semaphore_mem>>) src(%dma_wait3A_368 : memref<64x128xf32, #tpu.memory_space<hbm>>) dst(%arg15 : memref<64x128xf32, #tpu.memory_space<vmem>>)
      %slice3A_369 = vector.extract_strided_slice %get3A_173 {offsets = [7], sizes = [1], strides = [1]} : vector<16xi32> to vector<1xi32>
      %squeeze3A_370 = vector.extract %slice3A_369[0] : i32 from vector<1xi32>
      %and3A_371 = arith.constant 127 : i32
      %and3A_372 = arith.andi %squeeze3A_370, %and3A_371 : i32
      %broadcast_in_dim3A_373 = vector.broadcast %and3A_372 : i32 to vector<16xi32>
      %mul3A_374 = arith.constant 16 : i32
      %mul3A_375 = arith.muli %scan3A_167, %mul3A_374 : i32
      %add3A_376 = arith.constant 7 : i32
      %add3A_377 = arith.addi %mul3A_375, %add3A_376 : i32
      %broadcast_in_dim3A_378 = vector.broadcast %add3A_377 : i32 to vector<16xi32>
      %gather3A_379 = tpu.vector_load_idx %arg15[%add3A_5, %broadcast_in_dim3A_373] : memref<64x128xf32, #tpu.memory_space<vmem>>[vector<16xi32>, vector<16xi32>], vector<16xf32>,
      tpu.vector_store_idx %arg6[%add3A_5, %broadcast_in_dim3A_378], %gather3A_379 : memref<64x128xf32, #tpu.memory_space<vmem>>[vector<16xi32>, vector<16xi32>], vector<16xf32>,
      %gather3A_380 = tpu.vector_load_idx %arg15[%add3A_9, %broadcast_in_dim3A_373] : memref<64x128xf32, #tpu.memory_space<vmem>>[vector<16xi32>, vector<16xi32>], vector<16xf32>,
      tpu.vector_store_idx %arg6[%add3A_9, %broadcast_in_dim3A_378], %gather3A_380 : memref<64x128xf32, #tpu.memory_space<vmem>>[vector<16xi32>, vector<16xi32>], vector<16xf32>,
      %gather3A_381 = tpu.vector_load_idx %arg15[%add3A_13, %broadcast_in_dim3A_373] : memref<64x128xf32, #tpu.memory_space<vmem>>[vector<16xi32>, vector<16xi32>], vector<16xf32>,
      tpu.vector_store_idx %arg6[%add3A_13, %broadcast_in_dim3A_378], %gather3A_381 : memref<64x128xf32, #tpu.memory_space<vmem>>[vector<16xi32>, vector<16xi32>], vector<16xf32>,
      %gather3A_382 = tpu.vector_load_idx %arg15[%add3A_17, %broadcast_in_dim3A_373] : memref<64x128xf32, #tpu.memory_space<vmem>>[vector<16xi32>, vector<16xi32>], vector<16xf32>,
      tpu.vector_store_idx %arg6[%add3A_17, %broadcast_in_dim3A_378], %gather3A_382 : memref<64x128xf32, #tpu.memory_space<vmem>>[vector<16xi32>, vector<16xi32>], vector<16xf32>,
      %lt3A_383 = arith.constant 504 : i32
      %lt3A_384 = arith.cmpi slt, %add3A_362, %lt3A_383 : i32
      %convert_element_type3A_385 = arith.extui %lt3A_384 : i1 to i32
      %cond3A_386 = arith.constant 0 : i32
      %cond3A_387 = arith.cmpi ne, %convert_element_type3A_385, %cond3A_386 : i32
      scf.if %cond3A_387 {
        %slice3A_604 = vector.extract_strided_slice %get3A_177 {offsets = [7], sizes = [1], strides = [1]} : vector<16xi32> to vector<1xi32>
        %squeeze3A_605 = vector.extract %slice3A_604[0] : i32 from vector<1xi32>
        %shift_right_logical3A_606 = arith.constant 7 : i32
        %shift_right_logical3A_607 = arith.shrui %squeeze3A_605, %shift_right_logical3A_606 : i32
        %shift_left3A_608 = arith.constant 7 : i32
        %shift_left3A_609 = arith.shli %shift_right_logical3A_607, %shift_left3A_608 : i32
        %multiple_of3A_610 = tpu.assume_multiple %shift_left3A_609, 128 : i32
        %dma_start3A_611 = arith.constant 0 : i32
        %dma_start3A_612 = tpu.memref_slice %arg3[%dma_start3A_611, %multiple_of3A_610] : memref<64x1000000xf32, #tpu.memory_space<hbm>> -> memref<64x128xf32, #tpu.memory_space<hbm>>
        %dma_start3A_613 = arith.constant 0 : i32
        %dma_start3A_614 = tpu.memref_slice %arg3[%dma_start3A_613, %multiple_of3A_610] : memref<64x1000000xf32, #tpu.memory_space<hbm>> -> memref<64x128xf32, #tpu.memory_space<hbm>>
        tpu.enqueue_dma source(%dma_start3A_614 : memref<64x128xf32, #tpu.memory_space<hbm>>) target(%arg15 : memref<64x128xf32, #tpu.memory_space<vmem>>) target_semaphore(%arg23 : memref<!tpu.dma_semaphore, #tpu.memory_space<semaphore_mem>>)
      } else {
      }
      %add3A_388 = arith.constant 8 : i32
      %add3A_389 = arith.addi %add3A_171, %add3A_388 : i32
      %dma_wait3A_390 = arith.constant 0 : i32
      %dma_wait3A_391 = arith.constant 0 : i32
      %dma_wait3A_392 = tpu.memref_slice %arg3[%dma_wait3A_390, %dma_wait3A_391] : memref<64x1000000xf32, #tpu.memory_space<hbm>> -> memref<64x128xf32, #tpu.memory_space<hbm>>
      %dma_wait3A_393 = arith.constant 0 : i32
      %dma_wait3A_394 = arith.constant 0 : i32
      %dma_wait3A_395 = tpu.memref_slice %arg3[%dma_wait3A_393, %dma_wait3A_394] : memref<64x1000000xf32, #tpu.memory_space<hbm>> -> memref<64x128xf32, #tpu.memory_space<hbm>>
      tpu.wait_dma2 semaphore(%arg16 : memref<!tpu.dma_semaphore, #tpu.memory_space<semaphore_mem>>) src(%dma_wait3A_395 : memref<64x128xf32, #tpu.memory_space<hbm>>) dst(%arg8 : memref<64x128xf32, #tpu.memory_space<vmem>>)
      %slice3A_396 = vector.extract_strided_slice %get3A_173 {offsets = [8], sizes = [1], strides = [1]} : vector<16xi32> to vector<1xi32>
      %squeeze3A_397 = vector.extract %slice3A_396[0] : i32 from vector<1xi32>
      %and3A_398 = arith.constant 127 : i32
      %and3A_399 = arith.andi %squeeze3A_397, %and3A_398 : i32
      %broadcast_in_dim3A_400 = vector.broadcast %and3A_399 : i32 to vector<16xi32>
      %mul3A_401 = arith.constant 16 : i32
      %mul3A_402 = arith.muli %scan3A_167, %mul3A_401 : i32
      %add3A_403 = arith.constant 8 : i32
      %add3A_404 = arith.addi %mul3A_402, %add3A_403 : i32
      %broadcast_in_dim3A_405 = vector.broadcast %add3A_404 : i32 to vector<16xi32>
      %gather3A_406 = tpu.vector_load_idx %arg8[%add3A_5, %broadcast_in_dim3A_400] : memref<64x128xf32, #tpu.memory_space<vmem>>[vector<16xi32>, vector<16xi32>], vector<16xf32>,
      tpu.vector_store_idx %arg6[%add3A_5, %broadcast_in_dim3A_405], %gather3A_406 : memref<64x128xf32, #tpu.memory_space<vmem>>[vector<16xi32>, vector<16xi32>], vector<16xf32>,
      %gather3A_407 = tpu.vector_load_idx %arg8[%add3A_9, %broadcast_in_dim3A_400] : memref<64x128xf32, #tpu.memory_space<vmem>>[vector<16xi32>, vector<16xi32>], vector<16xf32>,
      tpu.vector_store_idx %arg6[%add3A_9, %broadcast_in_dim3A_405], %gather3A_407 : memref<64x128xf32, #tpu.memory_space<vmem>>[vector<16xi32>, vector<16xi32>], vector<16xf32>,
      %gather3A_408 = tpu.vector_load_idx %arg8[%add3A_13, %broadcast_in_dim3A_400] : memref<64x128xf32, #tpu.memory_space<vmem>>[vector<16xi32>, vector<16xi32>], vector<16xf32>,
      tpu.vector_store_idx %arg6[%add3A_13, %broadcast_in_dim3A_405], %gather3A_408 : memref<64x128xf32, #tpu.memory_space<vmem>>[vector<16xi32>, vector<16xi32>], vector<16xf32>,
      %gather3A_409 = tpu.vector_load_idx %arg8[%add3A_17, %broadcast_in_dim3A_400] : memref<64x128xf32, #tpu.memory_space<vmem>>[vector<16xi32>, vector<16xi32>], vector<16xf32>,
      tpu.vector_store_idx %arg6[%add3A_17, %broadcast_in_dim3A_405], %gather3A_409 : memref<64x128xf32, #tpu.memory_space<vmem>>[vector<16xi32>, vector<16xi32>], vector<16xf32>,
      %lt3A_410 = arith.constant 504 : i32
      %lt3A_411 = arith.cmpi slt, %add3A_389, %lt3A_410 : i32
      %convert_element_type3A_412 = arith.extui %lt3A_411 : i1 to i32
      %cond3A_413 = arith.constant 0 : i32
      %cond3A_414 = arith.cmpi ne, %convert_element_type3A_412, %cond3A_413 : i32
      scf.if %cond3A_414 {
        %slice3A_604 = vector.extract_strided_slice %get3A_177 {offsets = [8], sizes = [1], strides = [1]} : vector<16xi32> to vector<1xi32>
        %squeeze3A_605 = vector.extract %slice3A_604[0] : i32 from vector<1xi32>
        %shift_right_logical3A_606 = arith.constant 7 : i32
        %shift_right_logical3A_607 = arith.shrui %squeeze3A_605, %shift_right_logical3A_606 : i32
        %shift_left3A_608 = arith.constant 7 : i32
        %shift_left3A_609 = arith.shli %shift_right_logical3A_607, %shift_left3A_608 : i32
        %multiple_of3A_610 = tpu.assume_multiple %shift_left3A_609, 128 : i32
        %dma_start3A_611 = arith.constant 0 : i32
        %dma_start3A_612 = tpu.memref_slice %arg3[%dma_start3A_611, %multiple_of3A_610] : memref<64x1000000xf32, #tpu.memory_space<hbm>> -> memref<64x128xf32, #tpu.memory_space<hbm>>
        %dma_start3A_613 = arith.constant 0 : i32
        %dma_start3A_614 = tpu.memref_slice %arg3[%dma_start3A_613, %multiple_of3A_610] : memref<64x1000000xf32, #tpu.memory_space<hbm>> -> memref<64x128xf32, #tpu.memory_space<hbm>>
        tpu.enqueue_dma source(%dma_start3A_614 : memref<64x128xf32, #tpu.memory_space<hbm>>) target(%arg8 : memref<64x128xf32, #tpu.memory_space<vmem>>) target_semaphore(%arg16 : memref<!tpu.dma_semaphore, #tpu.memory_space<semaphore_mem>>)
      } else {
      }
      %add3A_415 = arith.constant 9 : i32
      %add3A_416 = arith.addi %add3A_171, %add3A_415 : i32
      %dma_wait3A_417 = arith.constant 0 : i32
      %dma_wait3A_418 = arith.constant 0 : i32
      %dma_wait3A_419 = tpu.memref_slice %arg3[%dma_wait3A_417, %dma_wait3A_418] : memref<64x1000000xf32, #tpu.memory_space<hbm>> -> memref<64x128xf32, #tpu.memory_space<hbm>>
      %dma_wait3A_420 = arith.constant 0 : i32
      %dma_wait3A_421 = arith.constant 0 : i32
      %dma_wait3A_422 = tpu.memref_slice %arg3[%dma_wait3A_420, %dma_wait3A_421] : memref<64x1000000xf32, #tpu.memory_space<hbm>> -> memref<64x128xf32, #tpu.memory_space<hbm>>
      tpu.wait_dma2 semaphore(%arg17 : memref<!tpu.dma_semaphore, #tpu.memory_space<semaphore_mem>>) src(%dma_wait3A_422 : memref<64x128xf32, #tpu.memory_space<hbm>>) dst(%arg9 : memref<64x128xf32, #tpu.memory_space<vmem>>)
      %slice3A_423 = vector.extract_strided_slice %get3A_173 {offsets = [9], sizes = [1], strides = [1]} : vector<16xi32> to vector<1xi32>
      %squeeze3A_424 = vector.extract %slice3A_423[0] : i32 from vector<1xi32>
      %and3A_425 = arith.constant 127 : i32
      %and3A_426 = arith.andi %squeeze3A_424, %and3A_425 : i32
      %broadcast_in_dim3A_427 = vector.broadcast %and3A_426 : i32 to vector<16xi32>
      %mul3A_428 = arith.constant 16 : i32
      %mul3A_429 = arith.muli %scan3A_167, %mul3A_428 : i32
      %add3A_430 = arith.constant 9 : i32
      %add3A_431 = arith.addi %mul3A_429, %add3A_430 : i32
      %broadcast_in_dim3A_432 = vector.broadcast %add3A_431 : i32 to vector<16xi32>
      %gather3A_433 = tpu.vector_load_idx %arg9[%add3A_5, %broadcast_in_dim3A_427] : memref<64x128xf32, #tpu.memory_space<vmem>>[vector<16xi32>, vector<16xi32>], vector<16xf32>,
      tpu.vector_store_idx %arg6[%add3A_5, %broadcast_in_dim3A_432], %gather3A_433 : memref<64x128xf32, #tpu.memory_space<vmem>>[vector<16xi32>, vector<16xi32>], vector<16xf32>,
      %gather3A_434 = tpu.vector_load_idx %arg9[%add3A_9, %broadcast_in_dim3A_427] : memref<64x128xf32, #tpu.memory_space<vmem>>[vector<16xi32>, vector<16xi32>], vector<16xf32>,
      tpu.vector_store_idx %arg6[%add3A_9, %broadcast_in_dim3A_432], %gather3A_434 : memref<64x128xf32, #tpu.memory_space<vmem>>[vector<16xi32>, vector<16xi32>], vector<16xf32>,
      %gather3A_435 = tpu.vector_load_idx %arg9[%add3A_13, %broadcast_in_dim3A_427] : memref<64x128xf32, #tpu.memory_space<vmem>>[vector<16xi32>, vector<16xi32>], vector<16xf32>,
      tpu.vector_store_idx %arg6[%add3A_13, %broadcast_in_dim3A_432], %gather3A_435 : memref<64x128xf32, #tpu.memory_space<vmem>>[vector<16xi32>, vector<16xi32>], vector<16xf32>,
      %gather3A_436 = tpu.vector_load_idx %arg9[%add3A_17, %broadcast_in_dim3A_427] : memref<64x128xf32, #tpu.memory_space<vmem>>[vector<16xi32>, vector<16xi32>], vector<16xf32>,
      tpu.vector_store_idx %arg6[%add3A_17, %broadcast_in_dim3A_432], %gather3A_436 : memref<64x128xf32, #tpu.memory_space<vmem>>[vector<16xi32>, vector<16xi32>], vector<16xf32>,
      %lt3A_437 = arith.constant 504 : i32
      %lt3A_438 = arith.cmpi slt, %add3A_416, %lt3A_437 : i32
      %convert_element_type3A_439 = arith.extui %lt3A_438 : i1 to i32
      %cond3A_440 = arith.constant 0 : i32
      %cond3A_441 = arith.cmpi ne, %convert_element_type3A_439, %cond3A_440 : i32
      scf.if %cond3A_441 {
        %slice3A_604 = vector.extract_strided_slice %get3A_177 {offsets = [9], sizes = [1], strides = [1]} : vector<16xi32> to vector<1xi32>
        %squeeze3A_605 = vector.extract %slice3A_604[0] : i32 from vector<1xi32>
        %shift_right_logical3A_606 = arith.constant 7 : i32
        %shift_right_logical3A_607 = arith.shrui %squeeze3A_605, %shift_right_logical3A_606 : i32
        %shift_left3A_608 = arith.constant 7 : i32
        %shift_left3A_609 = arith.shli %shift_right_logical3A_607, %shift_left3A_608 : i32
        %multiple_of3A_610 = tpu.assume_multiple %shift_left3A_609, 128 : i32
        %dma_start3A_611 = arith.constant 0 : i32
        %dma_start3A_612 = tpu.memref_slice %arg3[%dma_start3A_611, %multiple_of3A_610] : memref<64x1000000xf32, #tpu.memory_space<hbm>> -> memref<64x128xf32, #tpu.memory_space<hbm>>
        %dma_start3A_613 = arith.constant 0 : i32
        %dma_start3A_614 = tpu.memref_slice %arg3[%dma_start3A_613, %multiple_of3A_610] : memref<64x1000000xf32, #tpu.memory_space<hbm>> -> memref<64x128xf32, #tpu.memory_space<hbm>>
        tpu.enqueue_dma source(%dma_start3A_614 : memref<64x128xf32, #tpu.memory_space<hbm>>) target(%arg9 : memref<64x128xf32, #tpu.memory_space<vmem>>) target_semaphore(%arg17 : memref<!tpu.dma_semaphore, #tpu.memory_space<semaphore_mem>>)
      } else {
      }
      %add3A_442 = arith.constant 10 : i32
      %add3A_443 = arith.addi %add3A_171, %add3A_442 : i32
      %dma_wait3A_444 = arith.constant 0 : i32
      %dma_wait3A_445 = arith.constant 0 : i32
      %dma_wait3A_446 = tpu.memref_slice %arg3[%dma_wait3A_444, %dma_wait3A_445] : memref<64x1000000xf32, #tpu.memory_space<hbm>> -> memref<64x128xf32, #tpu.memory_space<hbm>>
      %dma_wait3A_447 = arith.constant 0 : i32
      %dma_wait3A_448 = arith.constant 0 : i32
      %dma_wait3A_449 = tpu.memref_slice %arg3[%dma_wait3A_447, %dma_wait3A_448] : memref<64x1000000xf32, #tpu.memory_space<hbm>> -> memref<64x128xf32, #tpu.memory_space<hbm>>
      tpu.wait_dma2 semaphore(%arg18 : memref<!tpu.dma_semaphore, #tpu.memory_space<semaphore_mem>>) src(%dma_wait3A_449 : memref<64x128xf32, #tpu.memory_space<hbm>>) dst(%arg10 : memref<64x128xf32, #tpu.memory_space<vmem>>)
      %slice3A_450 = vector.extract_strided_slice %get3A_173 {offsets = [10], sizes = [1], strides = [1]} : vector<16xi32> to vector<1xi32>
      %squeeze3A_451 = vector.extract %slice3A_450[0] : i32 from vector<1xi32>
      %and3A_452 = arith.constant 127 : i32
      %and3A_453 = arith.andi %squeeze3A_451, %and3A_452 : i32
      %broadcast_in_dim3A_454 = vector.broadcast %and3A_453 : i32 to vector<16xi32>
      %mul3A_455 = arith.constant 16 : i32
      %mul3A_456 = arith.muli %scan3A_167, %mul3A_455 : i32
      %add3A_457 = arith.constant 10 : i32
      %add3A_458 = arith.addi %mul3A_456, %add3A_457 : i32
      %broadcast_in_dim3A_459 = vector.broadcast %add3A_458 : i32 to vector<16xi32>
      %gather3A_460 = tpu.vector_load_idx %arg10[%add3A_5, %broadcast_in_dim3A_454] : memref<64x128xf32, #tpu.memory_space<vmem>>[vector<16xi32>, vector<16xi32>], vector<16xf32>,
      tpu.vector_store_idx %arg6[%add3A_5, %broadcast_in_dim3A_459], %gather3A_460 : memref<64x128xf32, #tpu.memory_space<vmem>>[vector<16xi32>, vector<16xi32>], vector<16xf32>,
      %gather3A_461 = tpu.vector_load_idx %arg10[%add3A_9, %broadcast_in_dim3A_454] : memref<64x128xf32, #tpu.memory_space<vmem>>[vector<16xi32>, vector<16xi32>], vector<16xf32>,
      tpu.vector_store_idx %arg6[%add3A_9, %broadcast_in_dim3A_459], %gather3A_461 : memref<64x128xf32, #tpu.memory_space<vmem>>[vector<16xi32>, vector<16xi32>], vector<16xf32>,
      %gather3A_462 = tpu.vector_load_idx %arg10[%add3A_13, %broadcast_in_dim3A_454] : memref<64x128xf32, #tpu.memory_space<vmem>>[vector<16xi32>, vector<16xi32>], vector<16xf32>,
      tpu.vector_store_idx %arg6[%add3A_13, %broadcast_in_dim3A_459], %gather3A_462 : memref<64x128xf32, #tpu.memory_space<vmem>>[vector<16xi32>, vector<16xi32>], vector<16xf32>,
      %gather3A_463 = tpu.vector_load_idx %arg10[%add3A_17, %broadcast_in_dim3A_454] : memref<64x128xf32, #tpu.memory_space<vmem>>[vector<16xi32>, vector<16xi32>], vector<16xf32>,
      tpu.vector_store_idx %arg6[%add3A_17, %broadcast_in_dim3A_459], %gather3A_463 : memref<64x128xf32, #tpu.memory_space<vmem>>[vector<16xi32>, vector<16xi32>], vector<16xf32>,
      %lt3A_464 = arith.constant 504 : i32
      %lt3A_465 = arith.cmpi slt, %add3A_443, %lt3A_464 : i32
      %convert_element_type3A_466 = arith.extui %lt3A_465 : i1 to i32
      %cond3A_467 = arith.constant 0 : i32
      %cond3A_468 = arith.cmpi ne, %convert_element_type3A_466, %cond3A_467 : i32
      scf.if %cond3A_468 {
        %slice3A_604 = vector.extract_strided_slice %get3A_177 {offsets = [10], sizes = [1], strides = [1]} : vector<16xi32> to vector<1xi32>
        %squeeze3A_605 = vector.extract %slice3A_604[0] : i32 from vector<1xi32>
        %shift_right_logical3A_606 = arith.constant 7 : i32
        %shift_right_logical3A_607 = arith.shrui %squeeze3A_605, %shift_right_logical3A_606 : i32
        %shift_left3A_608 = arith.constant 7 : i32
        %shift_left3A_609 = arith.shli %shift_right_logical3A_607, %shift_left3A_608 : i32
        %multiple_of3A_610 = tpu.assume_multiple %shift_left3A_609, 128 : i32
        %dma_start3A_611 = arith.constant 0 : i32
        %dma_start3A_612 = tpu.memref_slice %arg3[%dma_start3A_611, %multiple_of3A_610] : memref<64x1000000xf32, #tpu.memory_space<hbm>> -> memref<64x128xf32, #tpu.memory_space<hbm>>
        %dma_start3A_613 = arith.constant 0 : i32
        %dma_start3A_614 = tpu.memref_slice %arg3[%dma_start3A_613, %multiple_of3A_610] : memref<64x1000000xf32, #tpu.memory_space<hbm>> -> memref<64x128xf32, #tpu.memory_space<hbm>>
        tpu.enqueue_dma source(%dma_start3A_614 : memref<64x128xf32, #tpu.memory_space<hbm>>) target(%arg10 : memref<64x128xf32, #tpu.memory_space<vmem>>) target_semaphore(%arg18 : memref<!tpu.dma_semaphore, #tpu.memory_space<semaphore_mem>>)
      } else {
      }
      %add3A_469 = arith.constant 11 : i32
      %add3A_470 = arith.addi %add3A_171, %add3A_469 : i32
      %dma_wait3A_471 = arith.constant 0 : i32
      %dma_wait3A_472 = arith.constant 0 : i32
      %dma_wait3A_473 = tpu.memref_slice %arg3[%dma_wait3A_471, %dma_wait3A_472] : memref<64x1000000xf32, #tpu.memory_space<hbm>> -> memref<64x128xf32, #tpu.memory_space<hbm>>
      %dma_wait3A_474 = arith.constant 0 : i32
      %dma_wait3A_475 = arith.constant 0 : i32
      %dma_wait3A_476 = tpu.memref_slice %arg3[%dma_wait3A_474, %dma_wait3A_475] : memref<64x1000000xf32, #tpu.memory_space<hbm>> -> memref<64x128xf32, #tpu.memory_space<hbm>>
      tpu.wait_dma2 semaphore(%arg19 : memref<!tpu.dma_semaphore, #tpu.memory_space<semaphore_mem>>) src(%dma_wait3A_476 : memref<64x128xf32, #tpu.memory_space<hbm>>) dst(%arg11 : memref<64x128xf32, #tpu.memory_space<vmem>>)
      %slice3A_477 = vector.extract_strided_slice %get3A_173 {offsets = [11], sizes = [1], strides = [1]} : vector<16xi32> to vector<1xi32>
      %squeeze3A_478 = vector.extract %slice3A_477[0] : i32 from vector<1xi32>
      %and3A_479 = arith.constant 127 : i32
      %and3A_480 = arith.andi %squeeze3A_478, %and3A_479 : i32
      %broadcast_in_dim3A_481 = vector.broadcast %and3A_480 : i32 to vector<16xi32>
      %mul3A_482 = arith.constant 16 : i32
      %mul3A_483 = arith.muli %scan3A_167, %mul3A_482 : i32
      %add3A_484 = arith.constant 11 : i32
      %add3A_485 = arith.addi %mul3A_483, %add3A_484 : i32
      %broadcast_in_dim3A_486 = vector.broadcast %add3A_485 : i32 to vector<16xi32>
      %gather3A_487 = tpu.vector_load_idx %arg11[%add3A_5, %broadcast_in_dim3A_481] : memref<64x128xf32, #tpu.memory_space<vmem>>[vector<16xi32>, vector<16xi32>], vector<16xf32>,
      tpu.vector_store_idx %arg6[%add3A_5, %broadcast_in_dim3A_486], %gather3A_487 : memref<64x128xf32, #tpu.memory_space<vmem>>[vector<16xi32>, vector<16xi32>], vector<16xf32>,
      %gather3A_488 = tpu.vector_load_idx %arg11[%add3A_9, %broadcast_in_dim3A_481] : memref<64x128xf32, #tpu.memory_space<vmem>>[vector<16xi32>, vector<16xi32>], vector<16xf32>,
      tpu.vector_store_idx %arg6[%add3A_9, %broadcast_in_dim3A_486], %gather3A_488 : memref<64x128xf32, #tpu.memory_space<vmem>>[vector<16xi32>, vector<16xi32>], vector<16xf32>,
      %gather3A_489 = tpu.vector_load_idx %arg11[%add3A_13, %broadcast_in_dim3A_481] : memref<64x128xf32, #tpu.memory_space<vmem>>[vector<16xi32>, vector<16xi32>], vector<16xf32>,
      tpu.vector_store_idx %arg6[%add3A_13, %broadcast_in_dim3A_486], %gather3A_489 : memref<64x128xf32, #tpu.memory_space<vmem>>[vector<16xi32>, vector<16xi32>], vector<16xf32>,
      %gather3A_490 = tpu.vector_load_idx %arg11[%add3A_17, %broadcast_in_dim3A_481] : memref<64x128xf32, #tpu.memory_space<vmem>>[vector<16xi32>, vector<16xi32>], vector<16xf32>,
      tpu.vector_store_idx %arg6[%add3A_17, %broadcast_in_dim3A_486], %gather3A_490 : memref<64x128xf32, #tpu.memory_space<vmem>>[vector<16xi32>, vector<16xi32>], vector<16xf32>,
      %lt3A_491 = arith.constant 504 : i32
      %lt3A_492 = arith.cmpi slt, %add3A_470, %lt3A_491 : i32
      %convert_element_type3A_493 = arith.extui %lt3A_492 : i1 to i32
      %cond3A_494 = arith.constant 0 : i32
      %cond3A_495 = arith.cmpi ne, %convert_element_type3A_493, %cond3A_494 : i32
      scf.if %cond3A_495 {
        %slice3A_604 = vector.extract_strided_slice %get3A_177 {offsets = [11], sizes = [1], strides = [1]} : vector<16xi32> to vector<1xi32>
        %squeeze3A_605 = vector.extract %slice3A_604[0] : i32 from vector<1xi32>
        %shift_right_logical3A_606 = arith.constant 7 : i32
        %shift_right_logical3A_607 = arith.shrui %squeeze3A_605, %shift_right_logical3A_606 : i32
        %shift_left3A_608 = arith.constant 7 : i32
        %shift_left3A_609 = arith.shli %shift_right_logical3A_607, %shift_left3A_608 : i32
        %multiple_of3A_610 = tpu.assume_multiple %shift_left3A_609, 128 : i32
        %dma_start3A_611 = arith.constant 0 : i32
        %dma_start3A_612 = tpu.memref_slice %arg3[%dma_start3A_611, %multiple_of3A_610] : memref<64x1000000xf32, #tpu.memory_space<hbm>> -> memref<64x128xf32, #tpu.memory_space<hbm>>
        %dma_start3A_613 = arith.constant 0 : i32
        %dma_start3A_614 = tpu.memref_slice %arg3[%dma_start3A_613, %multiple_of3A_610] : memref<64x1000000xf32, #tpu.memory_space<hbm>> -> memref<64x128xf32, #tpu.memory_space<hbm>>
        tpu.enqueue_dma source(%dma_start3A_614 : memref<64x128xf32, #tpu.memory_space<hbm>>) target(%arg11 : memref<64x128xf32, #tpu.memory_space<vmem>>) target_semaphore(%arg19 : memref<!tpu.dma_semaphore, #tpu.memory_space<semaphore_mem>>)
      } else {
      }
      %add3A_496 = arith.constant 12 : i32
      %add3A_497 = arith.addi %add3A_171, %add3A_496 : i32
      %dma_wait3A_498 = arith.constant 0 : i32
      %dma_wait3A_499 = arith.constant 0 : i32
      %dma_wait3A_500 = tpu.memref_slice %arg3[%dma_wait3A_498, %dma_wait3A_499] : memref<64x1000000xf32, #tpu.memory_space<hbm>> -> memref<64x128xf32, #tpu.memory_space<hbm>>
      %dma_wait3A_501 = arith.constant 0 : i32
      %dma_wait3A_502 = arith.constant 0 : i32
      %dma_wait3A_503 = tpu.memref_slice %arg3[%dma_wait3A_501, %dma_wait3A_502] : memref<64x1000000xf32, #tpu.memory_space<hbm>> -> memref<64x128xf32, #tpu.memory_space<hbm>>
      tpu.wait_dma2 semaphore(%arg20 : memref<!tpu.dma_semaphore, #tpu.memory_space<semaphore_mem>>) src(%dma_wait3A_503 : memref<64x128xf32, #tpu.memory_space<hbm>>) dst(%arg12 : memref<64x128xf32, #tpu.memory_space<vmem>>)
      %slice3A_504 = vector.extract_strided_slice %get3A_173 {offsets = [12], sizes = [1], strides = [1]} : vector<16xi32> to vector<1xi32>
      %squeeze3A_505 = vector.extract %slice3A_504[0] : i32 from vector<1xi32>
      %and3A_506 = arith.constant 127 : i32
      %and3A_507 = arith.andi %squeeze3A_505, %and3A_506 : i32
      %broadcast_in_dim3A_508 = vector.broadcast %and3A_507 : i32 to vector<16xi32>
      %mul3A_509 = arith.constant 16 : i32
      %mul3A_510 = arith.muli %scan3A_167, %mul3A_509 : i32
      %add3A_511 = arith.constant 12 : i32
      %add3A_512 = arith.addi %mul3A_510, %add3A_511 : i32
      %broadcast_in_dim3A_513 = vector.broadcast %add3A_512 : i32 to vector<16xi32>
      %gather3A_514 = tpu.vector_load_idx %arg12[%add3A_5, %broadcast_in_dim3A_508] : memref<64x128xf32, #tpu.memory_space<vmem>>[vector<16xi32>, vector<16xi32>], vector<16xf32>,
      tpu.vector_store_idx %arg6[%add3A_5, %broadcast_in_dim3A_513], %gather3A_514 : memref<64x128xf32, #tpu.memory_space<vmem>>[vector<16xi32>, vector<16xi32>], vector<16xf32>,
      %gather3A_515 = tpu.vector_load_idx %arg12[%add3A_9, %broadcast_in_dim3A_508] : memref<64x128xf32, #tpu.memory_space<vmem>>[vector<16xi32>, vector<16xi32>], vector<16xf32>,
      tpu.vector_store_idx %arg6[%add3A_9, %broadcast_in_dim3A_513], %gather3A_515 : memref<64x128xf32, #tpu.memory_space<vmem>>[vector<16xi32>, vector<16xi32>], vector<16xf32>,
      %gather3A_516 = tpu.vector_load_idx %arg12[%add3A_13, %broadcast_in_dim3A_508] : memref<64x128xf32, #tpu.memory_space<vmem>>[vector<16xi32>, vector<16xi32>], vector<16xf32>,
      tpu.vector_store_idx %arg6[%add3A_13, %broadcast_in_dim3A_513], %gather3A_516 : memref<64x128xf32, #tpu.memory_space<vmem>>[vector<16xi32>, vector<16xi32>], vector<16xf32>,
      %gather3A_517 = tpu.vector_load_idx %arg12[%add3A_17, %broadcast_in_dim3A_508] : memref<64x128xf32, #tpu.memory_space<vmem>>[vector<16xi32>, vector<16xi32>], vector<16xf32>,
      tpu.vector_store_idx %arg6[%add3A_17, %broadcast_in_dim3A_513], %gather3A_517 : memref<64x128xf32, #tpu.memory_space<vmem>>[vector<16xi32>, vector<16xi32>], vector<16xf32>,
      %lt3A_518 = arith.constant 504 : i32
      %lt3A_519 = arith.cmpi slt, %add3A_497, %lt3A_518 : i32
      %convert_element_type3A_520 = arith.extui %lt3A_519 : i1 to i32
      %cond3A_521 = arith.constant 0 : i32
      %cond3A_522 = arith.cmpi ne, %convert_element_type3A_520, %cond3A_521 : i32
      scf.if %cond3A_522 {
        %slice3A_604 = vector.extract_strided_slice %get3A_177 {offsets = [12], sizes = [1], strides = [1]} : vector<16xi32> to vector<1xi32>
        %squeeze3A_605 = vector.extract %slice3A_604[0] : i32 from vector<1xi32>
        %shift_right_logical3A_606 = arith.constant 7 : i32
        %shift_right_logical3A_607 = arith.shrui %squeeze3A_605, %shift_right_logical3A_606 : i32
        %shift_left3A_608 = arith.constant 7 : i32
        %shift_left3A_609 = arith.shli %shift_right_logical3A_607, %shift_left3A_608 : i32
        %multiple_of3A_610 = tpu.assume_multiple %shift_left3A_609, 128 : i32
        %dma_start3A_611 = arith.constant 0 : i32
        %dma_start3A_612 = tpu.memref_slice %arg3[%dma_start3A_611, %multiple_of3A_610] : memref<64x1000000xf32, #tpu.memory_space<hbm>> -> memref<64x128xf32, #tpu.memory_space<hbm>>
        %dma_start3A_613 = arith.constant 0 : i32
        %dma_start3A_614 = tpu.memref_slice %arg3[%dma_start3A_613, %multiple_of3A_610] : memref<64x1000000xf32, #tpu.memory_space<hbm>> -> memref<64x128xf32, #tpu.memory_space<hbm>>
        tpu.enqueue_dma source(%dma_start3A_614 : memref<64x128xf32, #tpu.memory_space<hbm>>) target(%arg12 : memref<64x128xf32, #tpu.memory_space<vmem>>) target_semaphore(%arg20 : memref<!tpu.dma_semaphore, #tpu.memory_space<semaphore_mem>>)
      } else {
      }
      %add3A_523 = arith.constant 13 : i32
      %add3A_524 = arith.addi %add3A_171, %add3A_523 : i32
      %dma_wait3A_525 = arith.constant 0 : i32
      %dma_wait3A_526 = arith.constant 0 : i32
      %dma_wait3A_527 = tpu.memref_slice %arg3[%dma_wait3A_525, %dma_wait3A_526] : memref<64x1000000xf32, #tpu.memory_space<hbm>> -> memref<64x128xf32, #tpu.memory_space<hbm>>
      %dma_wait3A_528 = arith.constant 0 : i32
      %dma_wait3A_529 = arith.constant 0 : i32
      %dma_wait3A_530 = tpu.memref_slice %arg3[%dma_wait3A_528, %dma_wait3A_529] : memref<64x1000000xf32, #tpu.memory_space<hbm>> -> memref<64x128xf32, #tpu.memory_space<hbm>>
      tpu.wait_dma2 semaphore(%arg21 : memref<!tpu.dma_semaphore, #tpu.memory_space<semaphore_mem>>) src(%dma_wait3A_530 : memref<64x128xf32, #tpu.memory_space<hbm>>) dst(%arg13 : memref<64x128xf32, #tpu.memory_space<vmem>>)
      %slice3A_531 = vector.extract_strided_slice %get3A_173 {offsets = [13], sizes = [1], strides = [1]} : vector<16xi32> to vector<1xi32>
      %squeeze3A_532 = vector.extract %slice3A_531[0] : i32 from vector<1xi32>
      %and3A_533 = arith.constant 127 : i32
      %and3A_534 = arith.andi %squeeze3A_532, %and3A_533 : i32
      %broadcast_in_dim3A_535 = vector.broadcast %and3A_534 : i32 to vector<16xi32>
      %mul3A_536 = arith.constant 16 : i32
      %mul3A_537 = arith.muli %scan3A_167, %mul3A_536 : i32
      %add3A_538 = arith.constant 13 : i32
      %add3A_539 = arith.addi %mul3A_537, %add3A_538 : i32
      %broadcast_in_dim3A_540 = vector.broadcast %add3A_539 : i32 to vector<16xi32>
      %gather3A_541 = tpu.vector_load_idx %arg13[%add3A_5, %broadcast_in_dim3A_535] : memref<64x128xf32, #tpu.memory_space<vmem>>[vector<16xi32>, vector<16xi32>], vector<16xf32>,
      tpu.vector_store_idx %arg6[%add3A_5, %broadcast_in_dim3A_540], %gather3A_541 : memref<64x128xf32, #tpu.memory_space<vmem>>[vector<16xi32>, vector<16xi32>], vector<16xf32>,
      %gather3A_542 = tpu.vector_load_idx %arg13[%add3A_9, %broadcast_in_dim3A_535] : memref<64x128xf32, #tpu.memory_space<vmem>>[vector<16xi32>, vector<16xi32>], vector<16xf32>,
      tpu.vector_store_idx %arg6[%add3A_9, %broadcast_in_dim3A_540], %gather3A_542 : memref<64x128xf32, #tpu.memory_space<vmem>>[vector<16xi32>, vector<16xi32>], vector<16xf32>,
      %gather3A_543 = tpu.vector_load_idx %arg13[%add3A_13, %broadcast_in_dim3A_535] : memref<64x128xf32, #tpu.memory_space<vmem>>[vector<16xi32>, vector<16xi32>], vector<16xf32>,
      tpu.vector_store_idx %arg6[%add3A_13, %broadcast_in_dim3A_540], %gather3A_543 : memref<64x128xf32, #tpu.memory_space<vmem>>[vector<16xi32>, vector<16xi32>], vector<16xf32>,
      %gather3A_544 = tpu.vector_load_idx %arg13[%add3A_17, %broadcast_in_dim3A_535] : memref<64x128xf32, #tpu.memory_space<vmem>>[vector<16xi32>, vector<16xi32>], vector<16xf32>,
      tpu.vector_store_idx %arg6[%add3A_17, %broadcast_in_dim3A_540], %gather3A_544 : memref<64x128xf32, #tpu.memory_space<vmem>>[vector<16xi32>, vector<16xi32>], vector<16xf32>,
      %lt3A_545 = arith.constant 504 : i32
      %lt3A_546 = arith.cmpi slt, %add3A_524, %lt3A_545 : i32
      %convert_element_type3A_547 = arith.extui %lt3A_546 : i1 to i32
      %cond3A_548 = arith.constant 0 : i32
      %cond3A_549 = arith.cmpi ne, %convert_element_type3A_547, %cond3A_548 : i32
      scf.if %cond3A_549 {
        %slice3A_604 = vector.extract_strided_slice %get3A_177 {offsets = [13], sizes = [1], strides = [1]} : vector<16xi32> to vector<1xi32>
        %squeeze3A_605 = vector.extract %slice3A_604[0] : i32 from vector<1xi32>
        %shift_right_logical3A_606 = arith.constant 7 : i32
        %shift_right_logical3A_607 = arith.shrui %squeeze3A_605, %shift_right_logical3A_606 : i32
        %shift_left3A_608 = arith.constant 7 : i32
        %shift_left3A_609 = arith.shli %shift_right_logical3A_607, %shift_left3A_608 : i32
        %multiple_of3A_610 = tpu.assume_multiple %shift_left3A_609, 128 : i32
        %dma_start3A_611 = arith.constant 0 : i32
        %dma_start3A_612 = tpu.memref_slice %arg3[%dma_start3A_611, %multiple_of3A_610] : memref<64x1000000xf32, #tpu.memory_space<hbm>> -> memref<64x128xf32, #tpu.memory_space<hbm>>
        %dma_start3A_613 = arith.constant 0 : i32
        %dma_start3A_614 = tpu.memref_slice %arg3[%dma_start3A_613, %multiple_of3A_610] : memref<64x1000000xf32, #tpu.memory_space<hbm>> -> memref<64x128xf32, #tpu.memory_space<hbm>>
        tpu.enqueue_dma source(%dma_start3A_614 : memref<64x128xf32, #tpu.memory_space<hbm>>) target(%arg13 : memref<64x128xf32, #tpu.memory_space<vmem>>) target_semaphore(%arg21 : memref<!tpu.dma_semaphore, #tpu.memory_space<semaphore_mem>>)
      } else {
      }
      %add3A_550 = arith.constant 14 : i32
      %add3A_551 = arith.addi %add3A_171, %add3A_550 : i32
      %dma_wait3A_552 = arith.constant 0 : i32
      %dma_wait3A_553 = arith.constant 0 : i32
      %dma_wait3A_554 = tpu.memref_slice %arg3[%dma_wait3A_552, %dma_wait3A_553] : memref<64x1000000xf32, #tpu.memory_space<hbm>> -> memref<64x128xf32, #tpu.memory_space<hbm>>
      %dma_wait3A_555 = arith.constant 0 : i32
      %dma_wait3A_556 = arith.constant 0 : i32
      %dma_wait3A_557 = tpu.memref_slice %arg3[%dma_wait3A_555, %dma_wait3A_556] : memref<64x1000000xf32, #tpu.memory_space<hbm>> -> memref<64x128xf32, #tpu.memory_space<hbm>>
      tpu.wait_dma2 semaphore(%arg22 : memref<!tpu.dma_semaphore, #tpu.memory_space<semaphore_mem>>) src(%dma_wait3A_557 : memref<64x128xf32, #tpu.memory_space<hbm>>) dst(%arg14 : memref<64x128xf32, #tpu.memory_space<vmem>>)
      %slice3A_558 = vector.extract_strided_slice %get3A_173 {offsets = [14], sizes = [1], strides = [1]} : vector<16xi32> to vector<1xi32>
      %squeeze3A_559 = vector.extract %slice3A_558[0] : i32 from vector<1xi32>
      %and3A_560 = arith.constant 127 : i32
      %and3A_561 = arith.andi %squeeze3A_559, %and3A_560 : i32
      %broadcast_in_dim3A_562 = vector.broadcast %and3A_561 : i32 to vector<16xi32>
      %mul3A_563 = arith.constant 16 : i32
      %mul3A_564 = arith.muli %scan3A_167, %mul3A_563 : i32
      %add3A_565 = arith.constant 14 : i32
      %add3A_566 = arith.addi %mul3A_564, %add3A_565 : i32
      %broadcast_in_dim3A_567 = vector.broadcast %add3A_566 : i32 to vector<16xi32>
      %gather3A_568 = tpu.vector_load_idx %arg14[%add3A_5, %broadcast_in_dim3A_562] : memref<64x128xf32, #tpu.memory_space<vmem>>[vector<16xi32>, vector<16xi32>], vector<16xf32>,
      tpu.vector_store_idx %arg6[%add3A_5, %broadcast_in_dim3A_567], %gather3A_568 : memref<64x128xf32, #tpu.memory_space<vmem>>[vector<16xi32>, vector<16xi32>], vector<16xf32>,
      %gather3A_569 = tpu.vector_load_idx %arg14[%add3A_9, %broadcast_in_dim3A_562] : memref<64x128xf32, #tpu.memory_space<vmem>>[vector<16xi32>, vector<16xi32>], vector<16xf32>,
      tpu.vector_store_idx %arg6[%add3A_9, %broadcast_in_dim3A_567], %gather3A_569 : memref<64x128xf32, #tpu.memory_space<vmem>>[vector<16xi32>, vector<16xi32>], vector<16xf32>,
      %gather3A_570 = tpu.vector_load_idx %arg14[%add3A_13, %broadcast_in_dim3A_562] : memref<64x128xf32, #tpu.memory_space<vmem>>[vector<16xi32>, vector<16xi32>], vector<16xf32>,
      tpu.vector_store_idx %arg6[%add3A_13, %broadcast_in_dim3A_567], %gather3A_570 : memref<64x128xf32, #tpu.memory_space<vmem>>[vector<16xi32>, vector<16xi32>], vector<16xf32>,
      %gather3A_571 = tpu.vector_load_idx %arg14[%add3A_17, %broadcast_in_dim3A_562] : memref<64x128xf32, #tpu.memory_space<vmem>>[vector<16xi32>, vector<16xi32>], vector<16xf32>,
      tpu.vector_store_idx %arg6[%add3A_17, %broadcast_in_dim3A_567], %gather3A_571 : memref<64x128xf32, #tpu.memory_space<vmem>>[vector<16xi32>, vector<16xi32>], vector<16xf32>,
      %lt3A_572 = arith.constant 504 : i32
      %lt3A_573 = arith.cmpi slt, %add3A_551, %lt3A_572 : i32
      %convert_element_type3A_574 = arith.extui %lt3A_573 : i1 to i32
      %cond3A_575 = arith.constant 0 : i32
      %cond3A_576 = arith.cmpi ne, %convert_element_type3A_574, %cond3A_575 : i32
      scf.if %cond3A_576 {
        %slice3A_604 = vector.extract_strided_slice %get3A_177 {offsets = [14], sizes = [1], strides = [1]} : vector<16xi32> to vector<1xi32>
        %squeeze3A_605 = vector.extract %slice3A_604[0] : i32 from vector<1xi32>
        %shift_right_logical3A_606 = arith.constant 7 : i32
        %shift_right_logical3A_607 = arith.shrui %squeeze3A_605, %shift_right_logical3A_606 : i32
        %shift_left3A_608 = arith.constant 7 : i32
        %shift_left3A_609 = arith.shli %shift_right_logical3A_607, %shift_left3A_608 : i32
        %multiple_of3A_610 = tpu.assume_multiple %shift_left3A_609, 128 : i32
        %dma_start3A_611 = arith.constant 0 : i32
        %dma_start3A_612 = tpu.memref_slice %arg3[%dma_start3A_611, %multiple_of3A_610] : memref<64x1000000xf32, #tpu.memory_space<hbm>> -> memref<64x128xf32, #tpu.memory_space<hbm>>
        %dma_start3A_613 = arith.constant 0 : i32
        %dma_start3A_614 = tpu.memref_slice %arg3[%dma_start3A_613, %multiple_of3A_610] : memref<64x1000000xf32, #tpu.memory_space<hbm>> -> memref<64x128xf32, #tpu.memory_space<hbm>>
        tpu.enqueue_dma source(%dma_start3A_614 : memref<64x128xf32, #tpu.memory_space<hbm>>) target(%arg14 : memref<64x128xf32, #tpu.memory_space<vmem>>) target_semaphore(%arg22 : memref<!tpu.dma_semaphore, #tpu.memory_space<semaphore_mem>>)
      } else {
      }
      %add3A_577 = arith.constant 15 : i32
      %add3A_578 = arith.addi %add3A_171, %add3A_577 : i32
      %dma_wait3A_579 = arith.constant 0 : i32
      %dma_wait3A_580 = arith.constant 0 : i32
      %dma_wait3A_581 = tpu.memref_slice %arg3[%dma_wait3A_579, %dma_wait3A_580] : memref<64x1000000xf32, #tpu.memory_space<hbm>> -> memref<64x128xf32, #tpu.memory_space<hbm>>
      %dma_wait3A_582 = arith.constant 0 : i32
      %dma_wait3A_583 = arith.constant 0 : i32
      %dma_wait3A_584 = tpu.memref_slice %arg3[%dma_wait3A_582, %dma_wait3A_583] : memref<64x1000000xf32, #tpu.memory_space<hbm>> -> memref<64x128xf32, #tpu.memory_space<hbm>>
      tpu.wait_dma2 semaphore(%arg23 : memref<!tpu.dma_semaphore, #tpu.memory_space<semaphore_mem>>) src(%dma_wait3A_584 : memref<64x128xf32, #tpu.memory_space<hbm>>) dst(%arg15 : memref<64x128xf32, #tpu.memory_space<vmem>>)
      %slice3A_585 = vector.extract_strided_slice %get3A_173 {offsets = [15], sizes = [1], strides = [1]} : vector<16xi32> to vector<1xi32>
      %squeeze3A_586 = vector.extract %slice3A_585[0] : i32 from vector<1xi32>
      %and3A_587 = arith.constant 127 : i32
      %and3A_588 = arith.andi %squeeze3A_586, %and3A_587 : i32
      %broadcast_in_dim3A_589 = vector.broadcast %and3A_588 : i32 to vector<16xi32>
      %mul3A_590 = arith.constant 16 : i32
      %mul3A_591 = arith.muli %scan3A_167, %mul3A_590 : i32
      %add3A_592 = arith.constant 15 : i32
      %add3A_593 = arith.addi %mul3A_591, %add3A_592 : i32
      %broadcast_in_dim3A_594 = vector.broadcast %add3A_593 : i32 to vector<16xi32>
      %gather3A_595 = tpu.vector_load_idx %arg15[%add3A_5, %broadcast_in_dim3A_589] : memref<64x128xf32, #tpu.memory_space<vmem>>[vector<16xi32>, vector<16xi32>], vector<16xf32>,
      tpu.vector_store_idx %arg6[%add3A_5, %broadcast_in_dim3A_594], %gather3A_595 : memref<64x128xf32, #tpu.memory_space<vmem>>[vector<16xi32>, vector<16xi32>], vector<16xf32>,
      %gather3A_596 = tpu.vector_load_idx %arg15[%add3A_9, %broadcast_in_dim3A_589] : memref<64x128xf32, #tpu.memory_space<vmem>>[vector<16xi32>, vector<16xi32>], vector<16xf32>,
      tpu.vector_store_idx %arg6[%add3A_9, %broadcast_in_dim3A_594], %gather3A_596 : memref<64x128xf32, #tpu.memory_space<vmem>>[vector<16xi32>, vector<16xi32>], vector<16xf32>,
      %gather3A_597 = tpu.vector_load_idx %arg15[%add3A_13, %broadcast_in_dim3A_589] : memref<64x128xf32, #tpu.memory_space<vmem>>[vector<16xi32>, vector<16xi32>], vector<16xf32>,
      tpu.vector_store_idx %arg6[%add3A_13, %broadcast_in_dim3A_594], %gather3A_597 : memref<64x128xf32, #tpu.memory_space<vmem>>[vector<16xi32>, vector<16xi32>], vector<16xf32>,
      %gather3A_598 = tpu.vector_load_idx %arg15[%add3A_17, %broadcast_in_dim3A_589] : memref<64x128xf32, #tpu.memory_space<vmem>>[vector<16xi32>, vector<16xi32>], vector<16xf32>,
      tpu.vector_store_idx %arg6[%add3A_17, %broadcast_in_dim3A_594], %gather3A_598 : memref<64x128xf32, #tpu.memory_space<vmem>>[vector<16xi32>, vector<16xi32>], vector<16xf32>,
      %lt3A_599 = arith.constant 504 : i32
      %lt3A_600 = arith.cmpi slt, %add3A_578, %lt3A_599 : i32
      %convert_element_type3A_601 = arith.extui %lt3A_600 : i1 to i32
      %cond3A_602 = arith.constant 0 : i32
      %cond3A_603 = arith.cmpi ne, %convert_element_type3A_601, %cond3A_602 : i32
      scf.if %cond3A_603 {
        %slice3A_604 = vector.extract_strided_slice %get3A_177 {offsets = [15], sizes = [1], strides = [1]} : vector<16xi32> to vector<1xi32>
        %squeeze3A_605 = vector.extract %slice3A_604[0] : i32 from vector<1xi32>
        %shift_right_logical3A_606 = arith.constant 7 : i32
        %shift_right_logical3A_607 = arith.shrui %squeeze3A_605, %shift_right_logical3A_606 : i32
        %shift_left3A_608 = arith.constant 7 : i32
        %shift_left3A_609 = arith.shli %shift_right_logical3A_607, %shift_left3A_608 : i32
        %multiple_of3A_610 = tpu.assume_multiple %shift_left3A_609, 128 : i32
        %dma_start3A_611 = arith.constant 0 : i32
        %dma_start3A_612 = tpu.memref_slice %arg3[%dma_start3A_611, %multiple_of3A_610] : memref<64x1000000xf32, #tpu.memory_space<hbm>> -> memref<64x128xf32, #tpu.memory_space<hbm>>
        %dma_start3A_613 = arith.constant 0 : i32
        %dma_start3A_614 = tpu.memref_slice %arg3[%dma_start3A_613, %multiple_of3A_610] : memref<64x1000000xf32, #tpu.memory_space<hbm>> -> memref<64x128xf32, #tpu.memory_space<hbm>>
        tpu.enqueue_dma source(%dma_start3A_614 : memref<64x128xf32, #tpu.memory_space<hbm>>) target(%arg15 : memref<64x128xf32, #tpu.memory_space<vmem>>) target_semaphore(%arg23 : memref<!tpu.dma_semaphore, #tpu.memory_space<semaphore_mem>>)
      } else {
      }
    }
    %scan3A_104 = arith.constant 8 : i32
    %add3A_105 = arith.constant 0 : i32
    %add3A_106 = arith.addi %mul3A_2, %add3A_105 : i32
    %dma_start3A_107 = arith.constant 0 : i32
    %dma_start3A_108 = tpu.memref_slice %arg4[%dma_start3A_107, %add3A_106] : memref<64x16384xf32, #tpu.memory_space<hbm>> -> memref<64x128xf32, #tpu.memory_space<hbm>>
    %dma_start3A_109 = arith.constant 0 : i32
    %dma_start3A_110 = tpu.memref_slice %arg4[%dma_start3A_109, %add3A_106] : memref<64x16384xf32, #tpu.memory_space<hbm>> -> memref<64x128xf32, #tpu.memory_space<hbm>>
    tpu.enqueue_dma source(%arg6 : memref<64x128xf32, #tpu.memory_space<vmem>>) target(%dma_start3A_110 : memref<64x128xf32, #tpu.memory_space<hbm>>) target_semaphore(%arg24 : memref<!tpu.dma_semaphore, #tpu.memory_space<semaphore_mem>>)
    %scan3A_111 = arith.constant 0 : i32
    %scan3A_112 = arith.constant 8 : i32
    %scan3A_113 = arith.addi %scan3A_111, %scan3A_112 : i32
    %scan3A_114 = arith.constant 1 : i32
    scf.for %scan3A_167 = %scan3A_111 to %scan3A_113 step %scan3A_114  : i32 {
      %mul3A_168 = arith.constant 16 : i32
      %mul3A_169 = arith.muli %scan3A_167, %mul3A_168 : i32
      %add3A_170 = arith.constant 128 : i32
      %add3A_171 = arith.addi %add3A_170, %mul3A_169 : i32
      %get3A_172 = arith.index_cast %add3A_171 : i32 to index
      %get3A_173 = tpu.vector_load %arg5[%get3A_172] {strides = array<i32>} : memref<528xi32, #tpu.memory_space<vmem>>, vector<16xi32>,
      %add3A_174 = arith.constant 8 : i32
      %add3A_175 = arith.addi %add3A_171, %add3A_174 : i32
      %get3A_176 = arith.index_cast %add3A_175 : i32 to index
      %get3A_177 = tpu.vector_load %arg5[%get3A_176] {strides = array<i32>} : memref<528xi32, #tpu.memory_space<vmem>>, vector<16xi32>,
      %add3A_178 = arith.constant 0 : i32
      %add3A_179 = arith.addi %add3A_171, %add3A_178 : i32
      %dma_wait3A_180 = arith.constant 0 : i32
      %dma_wait3A_181 = arith.constant 0 : i32
      %dma_wait3A_182 = tpu.memref_slice %arg3[%dma_wait3A_180, %dma_wait3A_181] : memref<64x1000000xf32, #tpu.memory_space<hbm>> -> memref<64x128xf32, #tpu.memory_space<hbm>>
      %dma_wait3A_183 = arith.constant 0 : i32
      %dma_wait3A_184 = arith.constant 0 : i32
      %dma_wait3A_185 = tpu.memref_slice %arg3[%dma_wait3A_183, %dma_wait3A_184] : memref<64x1000000xf32, #tpu.memory_space<hbm>> -> memref<64x128xf32, #tpu.memory_space<hbm>>
      tpu.wait_dma2 semaphore(%arg16 : memref<!tpu.dma_semaphore, #tpu.memory_space<semaphore_mem>>) src(%dma_wait3A_185 : memref<64x128xf32, #tpu.memory_space<hbm>>) dst(%arg8 : memref<64x128xf32, #tpu.memory_space<vmem>>)
      %slice3A_186 = vector.extract_strided_slice %get3A_173 {offsets = [0], sizes = [1], strides = [1]} : vector<16xi32> to vector<1xi32>
      %squeeze3A_187 = vector.extract %slice3A_186[0] : i32 from vector<1xi32>
      %and3A = arith.constant 127 : i32
      %and3A_188 = arith.andi %squeeze3A_187, %and3A : i32
      %broadcast_in_dim3A = vector.broadcast %and3A_188 : i32 to vector<16xi32>
      %mul3A_189 = arith.constant 16 : i32
      %mul3A_190 = arith.muli %scan3A_167, %mul3A_189 : i32
      %add3A_191 = arith.constant 0 : i32
      %add3A_192 = arith.addi %mul3A_190, %add3A_191 : i32
      %broadcast_in_dim3A_193 = vector.broadcast %add3A_192 : i32 to vector<16xi32>
      %gather3A = tpu.vector_load_idx %arg8[%add3A_5, %broadcast_in_dim3A] : memref<64x128xf32, #tpu.memory_space<vmem>>[vector<16xi32>, vector<16xi32>], vector<16xf32>,
      tpu.vector_store_idx %arg7[%add3A_5, %broadcast_in_dim3A_193], %gather3A : memref<64x128xf32, #tpu.memory_space<vmem>>[vector<16xi32>, vector<16xi32>], vector<16xf32>,
      %gather3A_194 = tpu.vector_load_idx %arg8[%add3A_9, %broadcast_in_dim3A] : memref<64x128xf32, #tpu.memory_space<vmem>>[vector<16xi32>, vector<16xi32>], vector<16xf32>,
      tpu.vector_store_idx %arg7[%add3A_9, %broadcast_in_dim3A_193], %gather3A_194 : memref<64x128xf32, #tpu.memory_space<vmem>>[vector<16xi32>, vector<16xi32>], vector<16xf32>,
      %gather3A_195 = tpu.vector_load_idx %arg8[%add3A_13, %broadcast_in_dim3A] : memref<64x128xf32, #tpu.memory_space<vmem>>[vector<16xi32>, vector<16xi32>], vector<16xf32>,
      tpu.vector_store_idx %arg7[%add3A_13, %broadcast_in_dim3A_193], %gather3A_195 : memref<64x128xf32, #tpu.memory_space<vmem>>[vector<16xi32>, vector<16xi32>], vector<16xf32>,
      %gather3A_196 = tpu.vector_load_idx %arg8[%add3A_17, %broadcast_in_dim3A] : memref<64x128xf32, #tpu.memory_space<vmem>>[vector<16xi32>, vector<16xi32>], vector<16xf32>,
      tpu.vector_store_idx %arg7[%add3A_17, %broadcast_in_dim3A_193], %gather3A_196 : memref<64x128xf32, #tpu.memory_space<vmem>>[vector<16xi32>, vector<16xi32>], vector<16xf32>,
      %lt3A = arith.constant 504 : i32
      %lt3A_197 = arith.cmpi slt, %add3A_179, %lt3A : i32
      %convert_element_type3A = arith.extui %lt3A_197 : i1 to i32
      %cond3A = arith.constant 0 : i32
      %cond3A_198 = arith.cmpi ne, %convert_element_type3A, %cond3A : i32
      scf.if %cond3A_198 {
        %slice3A_604 = vector.extract_strided_slice %get3A_177 {offsets = [0], sizes = [1], strides = [1]} : vector<16xi32> to vector<1xi32>
        %squeeze3A_605 = vector.extract %slice3A_604[0] : i32 from vector<1xi32>
        %shift_right_logical3A_606 = arith.constant 7 : i32
        %shift_right_logical3A_607 = arith.shrui %squeeze3A_605, %shift_right_logical3A_606 : i32
        %shift_left3A_608 = arith.constant 7 : i32
        %shift_left3A_609 = arith.shli %shift_right_logical3A_607, %shift_left3A_608 : i32
        %multiple_of3A_610 = tpu.assume_multiple %shift_left3A_609, 128 : i32
        %dma_start3A_611 = arith.constant 0 : i32
        %dma_start3A_612 = tpu.memref_slice %arg3[%dma_start3A_611, %multiple_of3A_610] : memref<64x1000000xf32, #tpu.memory_space<hbm>> -> memref<64x128xf32, #tpu.memory_space<hbm>>
        %dma_start3A_613 = arith.constant 0 : i32
        %dma_start3A_614 = tpu.memref_slice %arg3[%dma_start3A_613, %multiple_of3A_610] : memref<64x1000000xf32, #tpu.memory_space<hbm>> -> memref<64x128xf32, #tpu.memory_space<hbm>>
        tpu.enqueue_dma source(%dma_start3A_614 : memref<64x128xf32, #tpu.memory_space<hbm>>) target(%arg8 : memref<64x128xf32, #tpu.memory_space<vmem>>) target_semaphore(%arg16 : memref<!tpu.dma_semaphore, #tpu.memory_space<semaphore_mem>>)
      } else {
      }
      %add3A_199 = arith.constant 1 : i32
      %add3A_200 = arith.addi %add3A_171, %add3A_199 : i32
      %dma_wait3A_201 = arith.constant 0 : i32
      %dma_wait3A_202 = arith.constant 0 : i32
      %dma_wait3A_203 = tpu.memref_slice %arg3[%dma_wait3A_201, %dma_wait3A_202] : memref<64x1000000xf32, #tpu.memory_space<hbm>> -> memref<64x128xf32, #tpu.memory_space<hbm>>
      %dma_wait3A_204 = arith.constant 0 : i32
      %dma_wait3A_205 = arith.constant 0 : i32
      %dma_wait3A_206 = tpu.memref_slice %arg3[%dma_wait3A_204, %dma_wait3A_205] : memref<64x1000000xf32, #tpu.memory_space<hbm>> -> memref<64x128xf32, #tpu.memory_space<hbm>>
      tpu.wait_dma2 semaphore(%arg17 : memref<!tpu.dma_semaphore, #tpu.memory_space<semaphore_mem>>) src(%dma_wait3A_206 : memref<64x128xf32, #tpu.memory_space<hbm>>) dst(%arg9 : memref<64x128xf32, #tpu.memory_space<vmem>>)
      %slice3A_207 = vector.extract_strided_slice %get3A_173 {offsets = [1], sizes = [1], strides = [1]} : vector<16xi32> to vector<1xi32>
      %squeeze3A_208 = vector.extract %slice3A_207[0] : i32 from vector<1xi32>
      %and3A_209 = arith.constant 127 : i32
      %and3A_210 = arith.andi %squeeze3A_208, %and3A_209 : i32
      %broadcast_in_dim3A_211 = vector.broadcast %and3A_210 : i32 to vector<16xi32>
      %mul3A_212 = arith.constant 16 : i32
      %mul3A_213 = arith.muli %scan3A_167, %mul3A_212 : i32
      %add3A_214 = arith.constant 1 : i32
      %add3A_215 = arith.addi %mul3A_213, %add3A_214 : i32
      %broadcast_in_dim3A_216 = vector.broadcast %add3A_215 : i32 to vector<16xi32>
      %gather3A_217 = tpu.vector_load_idx %arg9[%add3A_5, %broadcast_in_dim3A_211] : memref<64x128xf32, #tpu.memory_space<vmem>>[vector<16xi32>, vector<16xi32>], vector<16xf32>,
      tpu.vector_store_idx %arg7[%add3A_5, %broadcast_in_dim3A_216], %gather3A_217 : memref<64x128xf32, #tpu.memory_space<vmem>>[vector<16xi32>, vector<16xi32>], vector<16xf32>,
      %gather3A_218 = tpu.vector_load_idx %arg9[%add3A_9, %broadcast_in_dim3A_211] : memref<64x128xf32, #tpu.memory_space<vmem>>[vector<16xi32>, vector<16xi32>], vector<16xf32>,
      tpu.vector_store_idx %arg7[%add3A_9, %broadcast_in_dim3A_216], %gather3A_218 : memref<64x128xf32, #tpu.memory_space<vmem>>[vector<16xi32>, vector<16xi32>], vector<16xf32>,
      %gather3A_219 = tpu.vector_load_idx %arg9[%add3A_13, %broadcast_in_dim3A_211] : memref<64x128xf32, #tpu.memory_space<vmem>>[vector<16xi32>, vector<16xi32>], vector<16xf32>,
      tpu.vector_store_idx %arg7[%add3A_13, %broadcast_in_dim3A_216], %gather3A_219 : memref<64x128xf32, #tpu.memory_space<vmem>>[vector<16xi32>, vector<16xi32>], vector<16xf32>,
      %gather3A_220 = tpu.vector_load_idx %arg9[%add3A_17, %broadcast_in_dim3A_211] : memref<64x128xf32, #tpu.memory_space<vmem>>[vector<16xi32>, vector<16xi32>], vector<16xf32>,
      tpu.vector_store_idx %arg7[%add3A_17, %broadcast_in_dim3A_216], %gather3A_220 : memref<64x128xf32, #tpu.memory_space<vmem>>[vector<16xi32>, vector<16xi32>], vector<16xf32>,
      %lt3A_221 = arith.constant 504 : i32
      %lt3A_222 = arith.cmpi slt, %add3A_200, %lt3A_221 : i32
      %convert_element_type3A_223 = arith.extui %lt3A_222 : i1 to i32
      %cond3A_224 = arith.constant 0 : i32
      %cond3A_225 = arith.cmpi ne, %convert_element_type3A_223, %cond3A_224 : i32
      scf.if %cond3A_225 {
        %slice3A_604 = vector.extract_strided_slice %get3A_177 {offsets = [1], sizes = [1], strides = [1]} : vector<16xi32> to vector<1xi32>
        %squeeze3A_605 = vector.extract %slice3A_604[0] : i32 from vector<1xi32>
        %shift_right_logical3A_606 = arith.constant 7 : i32
        %shift_right_logical3A_607 = arith.shrui %squeeze3A_605, %shift_right_logical3A_606 : i32
        %shift_left3A_608 = arith.constant 7 : i32
        %shift_left3A_609 = arith.shli %shift_right_logical3A_607, %shift_left3A_608 : i32
        %multiple_of3A_610 = tpu.assume_multiple %shift_left3A_609, 128 : i32
        %dma_start3A_611 = arith.constant 0 : i32
        %dma_start3A_612 = tpu.memref_slice %arg3[%dma_start3A_611, %multiple_of3A_610] : memref<64x1000000xf32, #tpu.memory_space<hbm>> -> memref<64x128xf32, #tpu.memory_space<hbm>>
        %dma_start3A_613 = arith.constant 0 : i32
        %dma_start3A_614 = tpu.memref_slice %arg3[%dma_start3A_613, %multiple_of3A_610] : memref<64x1000000xf32, #tpu.memory_space<hbm>> -> memref<64x128xf32, #tpu.memory_space<hbm>>
        tpu.enqueue_dma source(%dma_start3A_614 : memref<64x128xf32, #tpu.memory_space<hbm>>) target(%arg9 : memref<64x128xf32, #tpu.memory_space<vmem>>) target_semaphore(%arg17 : memref<!tpu.dma_semaphore, #tpu.memory_space<semaphore_mem>>)
      } else {
      }
      %add3A_226 = arith.constant 2 : i32
      %add3A_227 = arith.addi %add3A_171, %add3A_226 : i32
      %dma_wait3A_228 = arith.constant 0 : i32
      %dma_wait3A_229 = arith.constant 0 : i32
      %dma_wait3A_230 = tpu.memref_slice %arg3[%dma_wait3A_228, %dma_wait3A_229] : memref<64x1000000xf32, #tpu.memory_space<hbm>> -> memref<64x128xf32, #tpu.memory_space<hbm>>
      %dma_wait3A_231 = arith.constant 0 : i32
      %dma_wait3A_232 = arith.constant 0 : i32
      %dma_wait3A_233 = tpu.memref_slice %arg3[%dma_wait3A_231, %dma_wait3A_232] : memref<64x1000000xf32, #tpu.memory_space<hbm>> -> memref<64x128xf32, #tpu.memory_space<hbm>>
      tpu.wait_dma2 semaphore(%arg18 : memref<!tpu.dma_semaphore, #tpu.memory_space<semaphore_mem>>) src(%dma_wait3A_233 : memref<64x128xf32, #tpu.memory_space<hbm>>) dst(%arg10 : memref<64x128xf32, #tpu.memory_space<vmem>>)
      %slice3A_234 = vector.extract_strided_slice %get3A_173 {offsets = [2], sizes = [1], strides = [1]} : vector<16xi32> to vector<1xi32>
      %squeeze3A_235 = vector.extract %slice3A_234[0] : i32 from vector<1xi32>
      %and3A_236 = arith.constant 127 : i32
      %and3A_237 = arith.andi %squeeze3A_235, %and3A_236 : i32
      %broadcast_in_dim3A_238 = vector.broadcast %and3A_237 : i32 to vector<16xi32>
      %mul3A_239 = arith.constant 16 : i32
      %mul3A_240 = arith.muli %scan3A_167, %mul3A_239 : i32
      %add3A_241 = arith.constant 2 : i32
      %add3A_242 = arith.addi %mul3A_240, %add3A_241 : i32
      %broadcast_in_dim3A_243 = vector.broadcast %add3A_242 : i32 to vector<16xi32>
      %gather3A_244 = tpu.vector_load_idx %arg10[%add3A_5, %broadcast_in_dim3A_238] : memref<64x128xf32, #tpu.memory_space<vmem>>[vector<16xi32>, vector<16xi32>], vector<16xf32>,
      tpu.vector_store_idx %arg7[%add3A_5, %broadcast_in_dim3A_243], %gather3A_244 : memref<64x128xf32, #tpu.memory_space<vmem>>[vector<16xi32>, vector<16xi32>], vector<16xf32>,
      %gather3A_245 = tpu.vector_load_idx %arg10[%add3A_9, %broadcast_in_dim3A_238] : memref<64x128xf32, #tpu.memory_space<vmem>>[vector<16xi32>, vector<16xi32>], vector<16xf32>,
      tpu.vector_store_idx %arg7[%add3A_9, %broadcast_in_dim3A_243], %gather3A_245 : memref<64x128xf32, #tpu.memory_space<vmem>>[vector<16xi32>, vector<16xi32>], vector<16xf32>,
      %gather3A_246 = tpu.vector_load_idx %arg10[%add3A_13, %broadcast_in_dim3A_238] : memref<64x128xf32, #tpu.memory_space<vmem>>[vector<16xi32>, vector<16xi32>], vector<16xf32>,
      tpu.vector_store_idx %arg7[%add3A_13, %broadcast_in_dim3A_243], %gather3A_246 : memref<64x128xf32, #tpu.memory_space<vmem>>[vector<16xi32>, vector<16xi32>], vector<16xf32>,
      %gather3A_247 = tpu.vector_load_idx %arg10[%add3A_17, %broadcast_in_dim3A_238] : memref<64x128xf32, #tpu.memory_space<vmem>>[vector<16xi32>, vector<16xi32>], vector<16xf32>,
      tpu.vector_store_idx %arg7[%add3A_17, %broadcast_in_dim3A_243], %gather3A_247 : memref<64x128xf32, #tpu.memory_space<vmem>>[vector<16xi32>, vector<16xi32>], vector<16xf32>,
      %lt3A_248 = arith.constant 504 : i32
      %lt3A_249 = arith.cmpi slt, %add3A_227, %lt3A_248 : i32
      %convert_element_type3A_250 = arith.extui %lt3A_249 : i1 to i32
      %cond3A_251 = arith.constant 0 : i32
      %cond3A_252 = arith.cmpi ne, %convert_element_type3A_250, %cond3A_251 : i32
      scf.if %cond3A_252 {
        %slice3A_604 = vector.extract_strided_slice %get3A_177 {offsets = [2], sizes = [1], strides = [1]} : vector<16xi32> to vector<1xi32>
        %squeeze3A_605 = vector.extract %slice3A_604[0] : i32 from vector<1xi32>
        %shift_right_logical3A_606 = arith.constant 7 : i32
        %shift_right_logical3A_607 = arith.shrui %squeeze3A_605, %shift_right_logical3A_606 : i32
        %shift_left3A_608 = arith.constant 7 : i32
        %shift_left3A_609 = arith.shli %shift_right_logical3A_607, %shift_left3A_608 : i32
        %multiple_of3A_610 = tpu.assume_multiple %shift_left3A_609, 128 : i32
        %dma_start3A_611 = arith.constant 0 : i32
        %dma_start3A_612 = tpu.memref_slice %arg3[%dma_start3A_611, %multiple_of3A_610] : memref<64x1000000xf32, #tpu.memory_space<hbm>> -> memref<64x128xf32, #tpu.memory_space<hbm>>
        %dma_start3A_613 = arith.constant 0 : i32
        %dma_start3A_614 = tpu.memref_slice %arg3[%dma_start3A_613, %multiple_of3A_610] : memref<64x1000000xf32, #tpu.memory_space<hbm>> -> memref<64x128xf32, #tpu.memory_space<hbm>>
        tpu.enqueue_dma source(%dma_start3A_614 : memref<64x128xf32, #tpu.memory_space<hbm>>) target(%arg10 : memref<64x128xf32, #tpu.memory_space<vmem>>) target_semaphore(%arg18 : memref<!tpu.dma_semaphore, #tpu.memory_space<semaphore_mem>>)
      } else {
      }
      %add3A_253 = arith.constant 3 : i32
      %add3A_254 = arith.addi %add3A_171, %add3A_253 : i32
      %dma_wait3A_255 = arith.constant 0 : i32
      %dma_wait3A_256 = arith.constant 0 : i32
      %dma_wait3A_257 = tpu.memref_slice %arg3[%dma_wait3A_255, %dma_wait3A_256] : memref<64x1000000xf32, #tpu.memory_space<hbm>> -> memref<64x128xf32, #tpu.memory_space<hbm>>
      %dma_wait3A_258 = arith.constant 0 : i32
      %dma_wait3A_259 = arith.constant 0 : i32
      %dma_wait3A_260 = tpu.memref_slice %arg3[%dma_wait3A_258, %dma_wait3A_259] : memref<64x1000000xf32, #tpu.memory_space<hbm>> -> memref<64x128xf32, #tpu.memory_space<hbm>>
      tpu.wait_dma2 semaphore(%arg19 : memref<!tpu.dma_semaphore, #tpu.memory_space<semaphore_mem>>) src(%dma_wait3A_260 : memref<64x128xf32, #tpu.memory_space<hbm>>) dst(%arg11 : memref<64x128xf32, #tpu.memory_space<vmem>>)
      %slice3A_261 = vector.extract_strided_slice %get3A_173 {offsets = [3], sizes = [1], strides = [1]} : vector<16xi32> to vector<1xi32>
      %squeeze3A_262 = vector.extract %slice3A_261[0] : i32 from vector<1xi32>
      %and3A_263 = arith.constant 127 : i32
      %and3A_264 = arith.andi %squeeze3A_262, %and3A_263 : i32
      %broadcast_in_dim3A_265 = vector.broadcast %and3A_264 : i32 to vector<16xi32>
      %mul3A_266 = arith.constant 16 : i32
      %mul3A_267 = arith.muli %scan3A_167, %mul3A_266 : i32
      %add3A_268 = arith.constant 3 : i32
      %add3A_269 = arith.addi %mul3A_267, %add3A_268 : i32
      %broadcast_in_dim3A_270 = vector.broadcast %add3A_269 : i32 to vector<16xi32>
      %gather3A_271 = tpu.vector_load_idx %arg11[%add3A_5, %broadcast_in_dim3A_265] : memref<64x128xf32, #tpu.memory_space<vmem>>[vector<16xi32>, vector<16xi32>], vector<16xf32>,
      tpu.vector_store_idx %arg7[%add3A_5, %broadcast_in_dim3A_270], %gather3A_271 : memref<64x128xf32, #tpu.memory_space<vmem>>[vector<16xi32>, vector<16xi32>], vector<16xf32>,
      %gather3A_272 = tpu.vector_load_idx %arg11[%add3A_9, %broadcast_in_dim3A_265] : memref<64x128xf32, #tpu.memory_space<vmem>>[vector<16xi32>, vector<16xi32>], vector<16xf32>,
      tpu.vector_store_idx %arg7[%add3A_9, %broadcast_in_dim3A_270], %gather3A_272 : memref<64x128xf32, #tpu.memory_space<vmem>>[vector<16xi32>, vector<16xi32>], vector<16xf32>,
      %gather3A_273 = tpu.vector_load_idx %arg11[%add3A_13, %broadcast_in_dim3A_265] : memref<64x128xf32, #tpu.memory_space<vmem>>[vector<16xi32>, vector<16xi32>], vector<16xf32>,
      tpu.vector_store_idx %arg7[%add3A_13, %broadcast_in_dim3A_270], %gather3A_273 : memref<64x128xf32, #tpu.memory_space<vmem>>[vector<16xi32>, vector<16xi32>], vector<16xf32>,
      %gather3A_274 = tpu.vector_load_idx %arg11[%add3A_17, %broadcast_in_dim3A_265] : memref<64x128xf32, #tpu.memory_space<vmem>>[vector<16xi32>, vector<16xi32>], vector<16xf32>,
      tpu.vector_store_idx %arg7[%add3A_17, %broadcast_in_dim3A_270], %gather3A_274 : memref<64x128xf32, #tpu.memory_space<vmem>>[vector<16xi32>, vector<16xi32>], vector<16xf32>,
      %lt3A_275 = arith.constant 504 : i32
      %lt3A_276 = arith.cmpi slt, %add3A_254, %lt3A_275 : i32
      %convert_element_type3A_277 = arith.extui %lt3A_276 : i1 to i32
      %cond3A_278 = arith.constant 0 : i32
      %cond3A_279 = arith.cmpi ne, %convert_element_type3A_277, %cond3A_278 : i32
      scf.if %cond3A_279 {
        %slice3A_604 = vector.extract_strided_slice %get3A_177 {offsets = [3], sizes = [1], strides = [1]} : vector<16xi32> to vector<1xi32>
        %squeeze3A_605 = vector.extract %slice3A_604[0] : i32 from vector<1xi32>
        %shift_right_logical3A_606 = arith.constant 7 : i32
        %shift_right_logical3A_607 = arith.shrui %squeeze3A_605, %shift_right_logical3A_606 : i32
        %shift_left3A_608 = arith.constant 7 : i32
        %shift_left3A_609 = arith.shli %shift_right_logical3A_607, %shift_left3A_608 : i32
        %multiple_of3A_610 = tpu.assume_multiple %shift_left3A_609, 128 : i32
        %dma_start3A_611 = arith.constant 0 : i32
        %dma_start3A_612 = tpu.memref_slice %arg3[%dma_start3A_611, %multiple_of3A_610] : memref<64x1000000xf32, #tpu.memory_space<hbm>> -> memref<64x128xf32, #tpu.memory_space<hbm>>
        %dma_start3A_613 = arith.constant 0 : i32
        %dma_start3A_614 = tpu.memref_slice %arg3[%dma_start3A_613, %multiple_of3A_610] : memref<64x1000000xf32, #tpu.memory_space<hbm>> -> memref<64x128xf32, #tpu.memory_space<hbm>>
        tpu.enqueue_dma source(%dma_start3A_614 : memref<64x128xf32, #tpu.memory_space<hbm>>) target(%arg11 : memref<64x128xf32, #tpu.memory_space<vmem>>) target_semaphore(%arg19 : memref<!tpu.dma_semaphore, #tpu.memory_space<semaphore_mem>>)
      } else {
      }
      %add3A_280 = arith.constant 4 : i32
      %add3A_281 = arith.addi %add3A_171, %add3A_280 : i32
      %dma_wait3A_282 = arith.constant 0 : i32
      %dma_wait3A_283 = arith.constant 0 : i32
      %dma_wait3A_284 = tpu.memref_slice %arg3[%dma_wait3A_282, %dma_wait3A_283] : memref<64x1000000xf32, #tpu.memory_space<hbm>> -> memref<64x128xf32, #tpu.memory_space<hbm>>
      %dma_wait3A_285 = arith.constant 0 : i32
      %dma_wait3A_286 = arith.constant 0 : i32
      %dma_wait3A_287 = tpu.memref_slice %arg3[%dma_wait3A_285, %dma_wait3A_286] : memref<64x1000000xf32, #tpu.memory_space<hbm>> -> memref<64x128xf32, #tpu.memory_space<hbm>>
      tpu.wait_dma2 semaphore(%arg20 : memref<!tpu.dma_semaphore, #tpu.memory_space<semaphore_mem>>) src(%dma_wait3A_287 : memref<64x128xf32, #tpu.memory_space<hbm>>) dst(%arg12 : memref<64x128xf32, #tpu.memory_space<vmem>>)
      %slice3A_288 = vector.extract_strided_slice %get3A_173 {offsets = [4], sizes = [1], strides = [1]} : vector<16xi32> to vector<1xi32>
      %squeeze3A_289 = vector.extract %slice3A_288[0] : i32 from vector<1xi32>
      %and3A_290 = arith.constant 127 : i32
      %and3A_291 = arith.andi %squeeze3A_289, %and3A_290 : i32
      %broadcast_in_dim3A_292 = vector.broadcast %and3A_291 : i32 to vector<16xi32>
      %mul3A_293 = arith.constant 16 : i32
      %mul3A_294 = arith.muli %scan3A_167, %mul3A_293 : i32
      %add3A_295 = arith.constant 4 : i32
      %add3A_296 = arith.addi %mul3A_294, %add3A_295 : i32
      %broadcast_in_dim3A_297 = vector.broadcast %add3A_296 : i32 to vector<16xi32>
      %gather3A_298 = tpu.vector_load_idx %arg12[%add3A_5, %broadcast_in_dim3A_292] : memref<64x128xf32, #tpu.memory_space<vmem>>[vector<16xi32>, vector<16xi32>], vector<16xf32>,
      tpu.vector_store_idx %arg7[%add3A_5, %broadcast_in_dim3A_297], %gather3A_298 : memref<64x128xf32, #tpu.memory_space<vmem>>[vector<16xi32>, vector<16xi32>], vector<16xf32>,
      %gather3A_299 = tpu.vector_load_idx %arg12[%add3A_9, %broadcast_in_dim3A_292] : memref<64x128xf32, #tpu.memory_space<vmem>>[vector<16xi32>, vector<16xi32>], vector<16xf32>,
      tpu.vector_store_idx %arg7[%add3A_9, %broadcast_in_dim3A_297], %gather3A_299 : memref<64x128xf32, #tpu.memory_space<vmem>>[vector<16xi32>, vector<16xi32>], vector<16xf32>,
      %gather3A_300 = tpu.vector_load_idx %arg12[%add3A_13, %broadcast_in_dim3A_292] : memref<64x128xf32, #tpu.memory_space<vmem>>[vector<16xi32>, vector<16xi32>], vector<16xf32>,
      tpu.vector_store_idx %arg7[%add3A_13, %broadcast_in_dim3A_297], %gather3A_300 : memref<64x128xf32, #tpu.memory_space<vmem>>[vector<16xi32>, vector<16xi32>], vector<16xf32>,
      %gather3A_301 = tpu.vector_load_idx %arg12[%add3A_17, %broadcast_in_dim3A_292] : memref<64x128xf32, #tpu.memory_space<vmem>>[vector<16xi32>, vector<16xi32>], vector<16xf32>,
      tpu.vector_store_idx %arg7[%add3A_17, %broadcast_in_dim3A_297], %gather3A_301 : memref<64x128xf32, #tpu.memory_space<vmem>>[vector<16xi32>, vector<16xi32>], vector<16xf32>,
      %lt3A_302 = arith.constant 504 : i32
      %lt3A_303 = arith.cmpi slt, %add3A_281, %lt3A_302 : i32
      %convert_element_type3A_304 = arith.extui %lt3A_303 : i1 to i32
      %cond3A_305 = arith.constant 0 : i32
      %cond3A_306 = arith.cmpi ne, %convert_element_type3A_304, %cond3A_305 : i32
      scf.if %cond3A_306 {
        %slice3A_604 = vector.extract_strided_slice %get3A_177 {offsets = [4], sizes = [1], strides = [1]} : vector<16xi32> to vector<1xi32>
        %squeeze3A_605 = vector.extract %slice3A_604[0] : i32 from vector<1xi32>
        %shift_right_logical3A_606 = arith.constant 7 : i32
        %shift_right_logical3A_607 = arith.shrui %squeeze3A_605, %shift_right_logical3A_606 : i32
        %shift_left3A_608 = arith.constant 7 : i32
        %shift_left3A_609 = arith.shli %shift_right_logical3A_607, %shift_left3A_608 : i32
        %multiple_of3A_610 = tpu.assume_multiple %shift_left3A_609, 128 : i32
        %dma_start3A_611 = arith.constant 0 : i32
        %dma_start3A_612 = tpu.memref_slice %arg3[%dma_start3A_611, %multiple_of3A_610] : memref<64x1000000xf32, #tpu.memory_space<hbm>> -> memref<64x128xf32, #tpu.memory_space<hbm>>
        %dma_start3A_613 = arith.constant 0 : i32
        %dma_start3A_614 = tpu.memref_slice %arg3[%dma_start3A_613, %multiple_of3A_610] : memref<64x1000000xf32, #tpu.memory_space<hbm>> -> memref<64x128xf32, #tpu.memory_space<hbm>>
        tpu.enqueue_dma source(%dma_start3A_614 : memref<64x128xf32, #tpu.memory_space<hbm>>) target(%arg12 : memref<64x128xf32, #tpu.memory_space<vmem>>) target_semaphore(%arg20 : memref<!tpu.dma_semaphore, #tpu.memory_space<semaphore_mem>>)
      } else {
      }
      %add3A_307 = arith.constant 5 : i32
      %add3A_308 = arith.addi %add3A_171, %add3A_307 : i32
      %dma_wait3A_309 = arith.constant 0 : i32
      %dma_wait3A_310 = arith.constant 0 : i32
      %dma_wait3A_311 = tpu.memref_slice %arg3[%dma_wait3A_309, %dma_wait3A_310] : memref<64x1000000xf32, #tpu.memory_space<hbm>> -> memref<64x128xf32, #tpu.memory_space<hbm>>
      %dma_wait3A_312 = arith.constant 0 : i32
      %dma_wait3A_313 = arith.constant 0 : i32
      %dma_wait3A_314 = tpu.memref_slice %arg3[%dma_wait3A_312, %dma_wait3A_313] : memref<64x1000000xf32, #tpu.memory_space<hbm>> -> memref<64x128xf32, #tpu.memory_space<hbm>>
      tpu.wait_dma2 semaphore(%arg21 : memref<!tpu.dma_semaphore, #tpu.memory_space<semaphore_mem>>) src(%dma_wait3A_314 : memref<64x128xf32, #tpu.memory_space<hbm>>) dst(%arg13 : memref<64x128xf32, #tpu.memory_space<vmem>>)
      %slice3A_315 = vector.extract_strided_slice %get3A_173 {offsets = [5], sizes = [1], strides = [1]} : vector<16xi32> to vector<1xi32>
      %squeeze3A_316 = vector.extract %slice3A_315[0] : i32 from vector<1xi32>
      %and3A_317 = arith.constant 127 : i32
      %and3A_318 = arith.andi %squeeze3A_316, %and3A_317 : i32
      %broadcast_in_dim3A_319 = vector.broadcast %and3A_318 : i32 to vector<16xi32>
      %mul3A_320 = arith.constant 16 : i32
      %mul3A_321 = arith.muli %scan3A_167, %mul3A_320 : i32
      %add3A_322 = arith.constant 5 : i32
      %add3A_323 = arith.addi %mul3A_321, %add3A_322 : i32
      %broadcast_in_dim3A_324 = vector.broadcast %add3A_323 : i32 to vector<16xi32>
      %gather3A_325 = tpu.vector_load_idx %arg13[%add3A_5, %broadcast_in_dim3A_319] : memref<64x128xf32, #tpu.memory_space<vmem>>[vector<16xi32>, vector<16xi32>], vector<16xf32>,
      tpu.vector_store_idx %arg7[%add3A_5, %broadcast_in_dim3A_324], %gather3A_325 : memref<64x128xf32, #tpu.memory_space<vmem>>[vector<16xi32>, vector<16xi32>], vector<16xf32>,
      %gather3A_326 = tpu.vector_load_idx %arg13[%add3A_9, %broadcast_in_dim3A_319] : memref<64x128xf32, #tpu.memory_space<vmem>>[vector<16xi32>, vector<16xi32>], vector<16xf32>,
      tpu.vector_store_idx %arg7[%add3A_9, %broadcast_in_dim3A_324], %gather3A_326 : memref<64x128xf32, #tpu.memory_space<vmem>>[vector<16xi32>, vector<16xi32>], vector<16xf32>,
      %gather3A_327 = tpu.vector_load_idx %arg13[%add3A_13, %broadcast_in_dim3A_319] : memref<64x128xf32, #tpu.memory_space<vmem>>[vector<16xi32>, vector<16xi32>], vector<16xf32>,
      tpu.vector_store_idx %arg7[%add3A_13, %broadcast_in_dim3A_324], %gather3A_327 : memref<64x128xf32, #tpu.memory_space<vmem>>[vector<16xi32>, vector<16xi32>], vector<16xf32>,
      %gather3A_328 = tpu.vector_load_idx %arg13[%add3A_17, %broadcast_in_dim3A_319] : memref<64x128xf32, #tpu.memory_space<vmem>>[vector<16xi32>, vector<16xi32>], vector<16xf32>,
      tpu.vector_store_idx %arg7[%add3A_17, %broadcast_in_dim3A_324], %gather3A_328 : memref<64x128xf32, #tpu.memory_space<vmem>>[vector<16xi32>, vector<16xi32>], vector<16xf32>,
      %lt3A_329 = arith.constant 504 : i32
      %lt3A_330 = arith.cmpi slt, %add3A_308, %lt3A_329 : i32
      %convert_element_type3A_331 = arith.extui %lt3A_330 : i1 to i32
      %cond3A_332 = arith.constant 0 : i32
      %cond3A_333 = arith.cmpi ne, %convert_element_type3A_331, %cond3A_332 : i32
      scf.if %cond3A_333 {
        %slice3A_604 = vector.extract_strided_slice %get3A_177 {offsets = [5], sizes = [1], strides = [1]} : vector<16xi32> to vector<1xi32>
        %squeeze3A_605 = vector.extract %slice3A_604[0] : i32 from vector<1xi32>
        %shift_right_logical3A_606 = arith.constant 7 : i32
        %shift_right_logical3A_607 = arith.shrui %squeeze3A_605, %shift_right_logical3A_606 : i32
        %shift_left3A_608 = arith.constant 7 : i32
        %shift_left3A_609 = arith.shli %shift_right_logical3A_607, %shift_left3A_608 : i32
        %multiple_of3A_610 = tpu.assume_multiple %shift_left3A_609, 128 : i32
        %dma_start3A_611 = arith.constant 0 : i32
        %dma_start3A_612 = tpu.memref_slice %arg3[%dma_start3A_611, %multiple_of3A_610] : memref<64x1000000xf32, #tpu.memory_space<hbm>> -> memref<64x128xf32, #tpu.memory_space<hbm>>
        %dma_start3A_613 = arith.constant 0 : i32
        %dma_start3A_614 = tpu.memref_slice %arg3[%dma_start3A_613, %multiple_of3A_610] : memref<64x1000000xf32, #tpu.memory_space<hbm>> -> memref<64x128xf32, #tpu.memory_space<hbm>>
        tpu.enqueue_dma source(%dma_start3A_614 : memref<64x128xf32, #tpu.memory_space<hbm>>) target(%arg13 : memref<64x128xf32, #tpu.memory_space<vmem>>) target_semaphore(%arg21 : memref<!tpu.dma_semaphore, #tpu.memory_space<semaphore_mem>>)
      } else {
      }
      %add3A_334 = arith.constant 6 : i32
      %add3A_335 = arith.addi %add3A_171, %add3A_334 : i32
      %dma_wait3A_336 = arith.constant 0 : i32
      %dma_wait3A_337 = arith.constant 0 : i32
      %dma_wait3A_338 = tpu.memref_slice %arg3[%dma_wait3A_336, %dma_wait3A_337] : memref<64x1000000xf32, #tpu.memory_space<hbm>> -> memref<64x128xf32, #tpu.memory_space<hbm>>
      %dma_wait3A_339 = arith.constant 0 : i32
      %dma_wait3A_340 = arith.constant 0 : i32
      %dma_wait3A_341 = tpu.memref_slice %arg3[%dma_wait3A_339, %dma_wait3A_340] : memref<64x1000000xf32, #tpu.memory_space<hbm>> -> memref<64x128xf32, #tpu.memory_space<hbm>>
      tpu.wait_dma2 semaphore(%arg22 : memref<!tpu.dma_semaphore, #tpu.memory_space<semaphore_mem>>) src(%dma_wait3A_341 : memref<64x128xf32, #tpu.memory_space<hbm>>) dst(%arg14 : memref<64x128xf32, #tpu.memory_space<vmem>>)
      %slice3A_342 = vector.extract_strided_slice %get3A_173 {offsets = [6], sizes = [1], strides = [1]} : vector<16xi32> to vector<1xi32>
      %squeeze3A_343 = vector.extract %slice3A_342[0] : i32 from vector<1xi32>
      %and3A_344 = arith.constant 127 : i32
      %and3A_345 = arith.andi %squeeze3A_343, %and3A_344 : i32
      %broadcast_in_dim3A_346 = vector.broadcast %and3A_345 : i32 to vector<16xi32>
      %mul3A_347 = arith.constant 16 : i32
      %mul3A_348 = arith.muli %scan3A_167, %mul3A_347 : i32
      %add3A_349 = arith.constant 6 : i32
      %add3A_350 = arith.addi %mul3A_348, %add3A_349 : i32
      %broadcast_in_dim3A_351 = vector.broadcast %add3A_350 : i32 to vector<16xi32>
      %gather3A_352 = tpu.vector_load_idx %arg14[%add3A_5, %broadcast_in_dim3A_346] : memref<64x128xf32, #tpu.memory_space<vmem>>[vector<16xi32>, vector<16xi32>], vector<16xf32>,
      tpu.vector_store_idx %arg7[%add3A_5, %broadcast_in_dim3A_351], %gather3A_352 : memref<64x128xf32, #tpu.memory_space<vmem>>[vector<16xi32>, vector<16xi32>], vector<16xf32>,
      %gather3A_353 = tpu.vector_load_idx %arg14[%add3A_9, %broadcast_in_dim3A_346] : memref<64x128xf32, #tpu.memory_space<vmem>>[vector<16xi32>, vector<16xi32>], vector<16xf32>,
      tpu.vector_store_idx %arg7[%add3A_9, %broadcast_in_dim3A_351], %gather3A_353 : memref<64x128xf32, #tpu.memory_space<vmem>>[vector<16xi32>, vector<16xi32>], vector<16xf32>,
      %gather3A_354 = tpu.vector_load_idx %arg14[%add3A_13, %broadcast_in_dim3A_346] : memref<64x128xf32, #tpu.memory_space<vmem>>[vector<16xi32>, vector<16xi32>], vector<16xf32>,
      tpu.vector_store_idx %arg7[%add3A_13, %broadcast_in_dim3A_351], %gather3A_354 : memref<64x128xf32, #tpu.memory_space<vmem>>[vector<16xi32>, vector<16xi32>], vector<16xf32>,
      %gather3A_355 = tpu.vector_load_idx %arg14[%add3A_17, %broadcast_in_dim3A_346] : memref<64x128xf32, #tpu.memory_space<vmem>>[vector<16xi32>, vector<16xi32>], vector<16xf32>,
      tpu.vector_store_idx %arg7[%add3A_17, %broadcast_in_dim3A_351], %gather3A_355 : memref<64x128xf32, #tpu.memory_space<vmem>>[vector<16xi32>, vector<16xi32>], vector<16xf32>,
      %lt3A_356 = arith.constant 504 : i32
      %lt3A_357 = arith.cmpi slt, %add3A_335, %lt3A_356 : i32
      %convert_element_type3A_358 = arith.extui %lt3A_357 : i1 to i32
      %cond3A_359 = arith.constant 0 : i32
      %cond3A_360 = arith.cmpi ne, %convert_element_type3A_358, %cond3A_359 : i32
      scf.if %cond3A_360 {
        %slice3A_604 = vector.extract_strided_slice %get3A_177 {offsets = [6], sizes = [1], strides = [1]} : vector<16xi32> to vector<1xi32>
        %squeeze3A_605 = vector.extract %slice3A_604[0] : i32 from vector<1xi32>
        %shift_right_logical3A_606 = arith.constant 7 : i32
        %shift_right_logical3A_607 = arith.shrui %squeeze3A_605, %shift_right_logical3A_606 : i32
        %shift_left3A_608 = arith.constant 7 : i32
        %shift_left3A_609 = arith.shli %shift_right_logical3A_607, %shift_left3A_608 : i32
        %multiple_of3A_610 = tpu.assume_multiple %shift_left3A_609, 128 : i32
        %dma_start3A_611 = arith.constant 0 : i32
        %dma_start3A_612 = tpu.memref_slice %arg3[%dma_start3A_611, %multiple_of3A_610] : memref<64x1000000xf32, #tpu.memory_space<hbm>> -> memref<64x128xf32, #tpu.memory_space<hbm>>
        %dma_start3A_613 = arith.constant 0 : i32
        %dma_start3A_614 = tpu.memref_slice %arg3[%dma_start3A_613, %multiple_of3A_610] : memref<64x1000000xf32, #tpu.memory_space<hbm>> -> memref<64x128xf32, #tpu.memory_space<hbm>>
        tpu.enqueue_dma source(%dma_start3A_614 : memref<64x128xf32, #tpu.memory_space<hbm>>) target(%arg14 : memref<64x128xf32, #tpu.memory_space<vmem>>) target_semaphore(%arg22 : memref<!tpu.dma_semaphore, #tpu.memory_space<semaphore_mem>>)
      } else {
      }
      %add3A_361 = arith.constant 7 : i32
      %add3A_362 = arith.addi %add3A_171, %add3A_361 : i32
      %dma_wait3A_363 = arith.constant 0 : i32
      %dma_wait3A_364 = arith.constant 0 : i32
      %dma_wait3A_365 = tpu.memref_slice %arg3[%dma_wait3A_363, %dma_wait3A_364] : memref<64x1000000xf32, #tpu.memory_space<hbm>> -> memref<64x128xf32, #tpu.memory_space<hbm>>
      %dma_wait3A_366 = arith.constant 0 : i32
      %dma_wait3A_367 = arith.constant 0 : i32
      %dma_wait3A_368 = tpu.memref_slice %arg3[%dma_wait3A_366, %dma_wait3A_367] : memref<64x1000000xf32, #tpu.memory_space<hbm>> -> memref<64x128xf32, #tpu.memory_space<hbm>>
      tpu.wait_dma2 semaphore(%arg23 : memref<!tpu.dma_semaphore, #tpu.memory_space<semaphore_mem>>) src(%dma_wait3A_368 : memref<64x128xf32, #tpu.memory_space<hbm>>) dst(%arg15 : memref<64x128xf32, #tpu.memory_space<vmem>>)
      %slice3A_369 = vector.extract_strided_slice %get3A_173 {offsets = [7], sizes = [1], strides = [1]} : vector<16xi32> to vector<1xi32>
      %squeeze3A_370 = vector.extract %slice3A_369[0] : i32 from vector<1xi32>
      %and3A_371 = arith.constant 127 : i32
      %and3A_372 = arith.andi %squeeze3A_370, %and3A_371 : i32
      %broadcast_in_dim3A_373 = vector.broadcast %and3A_372 : i32 to vector<16xi32>
      %mul3A_374 = arith.constant 16 : i32
      %mul3A_375 = arith.muli %scan3A_167, %mul3A_374 : i32
      %add3A_376 = arith.constant 7 : i32
      %add3A_377 = arith.addi %mul3A_375, %add3A_376 : i32
      %broadcast_in_dim3A_378 = vector.broadcast %add3A_377 : i32 to vector<16xi32>
      %gather3A_379 = tpu.vector_load_idx %arg15[%add3A_5, %broadcast_in_dim3A_373] : memref<64x128xf32, #tpu.memory_space<vmem>>[vector<16xi32>, vector<16xi32>], vector<16xf32>,
      tpu.vector_store_idx %arg7[%add3A_5, %broadcast_in_dim3A_378], %gather3A_379 : memref<64x128xf32, #tpu.memory_space<vmem>>[vector<16xi32>, vector<16xi32>], vector<16xf32>,
      %gather3A_380 = tpu.vector_load_idx %arg15[%add3A_9, %broadcast_in_dim3A_373] : memref<64x128xf32, #tpu.memory_space<vmem>>[vector<16xi32>, vector<16xi32>], vector<16xf32>,
      tpu.vector_store_idx %arg7[%add3A_9, %broadcast_in_dim3A_378], %gather3A_380 : memref<64x128xf32, #tpu.memory_space<vmem>>[vector<16xi32>, vector<16xi32>], vector<16xf32>,
      %gather3A_381 = tpu.vector_load_idx %arg15[%add3A_13, %broadcast_in_dim3A_373] : memref<64x128xf32, #tpu.memory_space<vmem>>[vector<16xi32>, vector<16xi32>], vector<16xf32>,
      tpu.vector_store_idx %arg7[%add3A_13, %broadcast_in_dim3A_378], %gather3A_381 : memref<64x128xf32, #tpu.memory_space<vmem>>[vector<16xi32>, vector<16xi32>], vector<16xf32>,
      %gather3A_382 = tpu.vector_load_idx %arg15[%add3A_17, %broadcast_in_dim3A_373] : memref<64x128xf32, #tpu.memory_space<vmem>>[vector<16xi32>, vector<16xi32>], vector<16xf32>,
      tpu.vector_store_idx %arg7[%add3A_17, %broadcast_in_dim3A_378], %gather3A_382 : memref<64x128xf32, #tpu.memory_space<vmem>>[vector<16xi32>, vector<16xi32>], vector<16xf32>,
      %lt3A_383 = arith.constant 504 : i32
      %lt3A_384 = arith.cmpi slt, %add3A_362, %lt3A_383 : i32
      %convert_element_type3A_385 = arith.extui %lt3A_384 : i1 to i32
      %cond3A_386 = arith.constant 0 : i32
      %cond3A_387 = arith.cmpi ne, %convert_element_type3A_385, %cond3A_386 : i32
      scf.if %cond3A_387 {
        %slice3A_604 = vector.extract_strided_slice %get3A_177 {offsets = [7], sizes = [1], strides = [1]} : vector<16xi32> to vector<1xi32>
        %squeeze3A_605 = vector.extract %slice3A_604[0] : i32 from vector<1xi32>
        %shift_right_logical3A_606 = arith.constant 7 : i32
        %shift_right_logical3A_607 = arith.shrui %squeeze3A_605, %shift_right_logical3A_606 : i32
        %shift_left3A_608 = arith.constant 7 : i32
        %shift_left3A_609 = arith.shli %shift_right_logical3A_607, %shift_left3A_608 : i32
        %multiple_of3A_610 = tpu.assume_multiple %shift_left3A_609, 128 : i32
        %dma_start3A_611 = arith.constant 0 : i32
        %dma_start3A_612 = tpu.memref_slice %arg3[%dma_start3A_611, %multiple_of3A_610] : memref<64x1000000xf32, #tpu.memory_space<hbm>> -> memref<64x128xf32, #tpu.memory_space<hbm>>
        %dma_start3A_613 = arith.constant 0 : i32
        %dma_start3A_614 = tpu.memref_slice %arg3[%dma_start3A_613, %multiple_of3A_610] : memref<64x1000000xf32, #tpu.memory_space<hbm>> -> memref<64x128xf32, #tpu.memory_space<hbm>>
        tpu.enqueue_dma source(%dma_start3A_614 : memref<64x128xf32, #tpu.memory_space<hbm>>) target(%arg15 : memref<64x128xf32, #tpu.memory_space<vmem>>) target_semaphore(%arg23 : memref<!tpu.dma_semaphore, #tpu.memory_space<semaphore_mem>>)
      } else {
      }
      %add3A_388 = arith.constant 8 : i32
      %add3A_389 = arith.addi %add3A_171, %add3A_388 : i32
      %dma_wait3A_390 = arith.constant 0 : i32
      %dma_wait3A_391 = arith.constant 0 : i32
      %dma_wait3A_392 = tpu.memref_slice %arg3[%dma_wait3A_390, %dma_wait3A_391] : memref<64x1000000xf32, #tpu.memory_space<hbm>> -> memref<64x128xf32, #tpu.memory_space<hbm>>
      %dma_wait3A_393 = arith.constant 0 : i32
      %dma_wait3A_394 = arith.constant 0 : i32
      %dma_wait3A_395 = tpu.memref_slice %arg3[%dma_wait3A_393, %dma_wait3A_394] : memref<64x1000000xf32, #tpu.memory_space<hbm>> -> memref<64x128xf32, #tpu.memory_space<hbm>>
      tpu.wait_dma2 semaphore(%arg16 : memref<!tpu.dma_semaphore, #tpu.memory_space<semaphore_mem>>) src(%dma_wait3A_395 : memref<64x128xf32, #tpu.memory_space<hbm>>) dst(%arg8 : memref<64x128xf32, #tpu.memory_space<vmem>>)
      %slice3A_396 = vector.extract_strided_slice %get3A_173 {offsets = [8], sizes = [1], strides = [1]} : vector<16xi32> to vector<1xi32>
      %squeeze3A_397 = vector.extract %slice3A_396[0] : i32 from vector<1xi32>
      %and3A_398 = arith.constant 127 : i32
      %and3A_399 = arith.andi %squeeze3A_397, %and3A_398 : i32
      %broadcast_in_dim3A_400 = vector.broadcast %and3A_399 : i32 to vector<16xi32>
      %mul3A_401 = arith.constant 16 : i32
      %mul3A_402 = arith.muli %scan3A_167, %mul3A_401 : i32
      %add3A_403 = arith.constant 8 : i32
      %add3A_404 = arith.addi %mul3A_402, %add3A_403 : i32
      %broadcast_in_dim3A_405 = vector.broadcast %add3A_404 : i32 to vector<16xi32>
      %gather3A_406 = tpu.vector_load_idx %arg8[%add3A_5, %broadcast_in_dim3A_400] : memref<64x128xf32, #tpu.memory_space<vmem>>[vector<16xi32>, vector<16xi32>], vector<16xf32>,
      tpu.vector_store_idx %arg7[%add3A_5, %broadcast_in_dim3A_405], %gather3A_406 : memref<64x128xf32, #tpu.memory_space<vmem>>[vector<16xi32>, vector<16xi32>], vector<16xf32>,
      %gather3A_407 = tpu.vector_load_idx %arg8[%add3A_9, %broadcast_in_dim3A_400] : memref<64x128xf32, #tpu.memory_space<vmem>>[vector<16xi32>, vector<16xi32>], vector<16xf32>,
      tpu.vector_store_idx %arg7[%add3A_9, %broadcast_in_dim3A_405], %gather3A_407 : memref<64x128xf32, #tpu.memory_space<vmem>>[vector<16xi32>, vector<16xi32>], vector<16xf32>,
      %gather3A_408 = tpu.vector_load_idx %arg8[%add3A_13, %broadcast_in_dim3A_400] : memref<64x128xf32, #tpu.memory_space<vmem>>[vector<16xi32>, vector<16xi32>], vector<16xf32>,
      tpu.vector_store_idx %arg7[%add3A_13, %broadcast_in_dim3A_405], %gather3A_408 : memref<64x128xf32, #tpu.memory_space<vmem>>[vector<16xi32>, vector<16xi32>], vector<16xf32>,
      %gather3A_409 = tpu.vector_load_idx %arg8[%add3A_17, %broadcast_in_dim3A_400] : memref<64x128xf32, #tpu.memory_space<vmem>>[vector<16xi32>, vector<16xi32>], vector<16xf32>,
      tpu.vector_store_idx %arg7[%add3A_17, %broadcast_in_dim3A_405], %gather3A_409 : memref<64x128xf32, #tpu.memory_space<vmem>>[vector<16xi32>, vector<16xi32>], vector<16xf32>,
      %lt3A_410 = arith.constant 504 : i32
      %lt3A_411 = arith.cmpi slt, %add3A_389, %lt3A_410 : i32
      %convert_element_type3A_412 = arith.extui %lt3A_411 : i1 to i32
      %cond3A_413 = arith.constant 0 : i32
      %cond3A_414 = arith.cmpi ne, %convert_element_type3A_412, %cond3A_413 : i32
      scf.if %cond3A_414 {
        %slice3A_604 = vector.extract_strided_slice %get3A_177 {offsets = [8], sizes = [1], strides = [1]} : vector<16xi32> to vector<1xi32>
        %squeeze3A_605 = vector.extract %slice3A_604[0] : i32 from vector<1xi32>
        %shift_right_logical3A_606 = arith.constant 7 : i32
        %shift_right_logical3A_607 = arith.shrui %squeeze3A_605, %shift_right_logical3A_606 : i32
        %shift_left3A_608 = arith.constant 7 : i32
        %shift_left3A_609 = arith.shli %shift_right_logical3A_607, %shift_left3A_608 : i32
        %multiple_of3A_610 = tpu.assume_multiple %shift_left3A_609, 128 : i32
        %dma_start3A_611 = arith.constant 0 : i32
        %dma_start3A_612 = tpu.memref_slice %arg3[%dma_start3A_611, %multiple_of3A_610] : memref<64x1000000xf32, #tpu.memory_space<hbm>> -> memref<64x128xf32, #tpu.memory_space<hbm>>
        %dma_start3A_613 = arith.constant 0 : i32
        %dma_start3A_614 = tpu.memref_slice %arg3[%dma_start3A_613, %multiple_of3A_610] : memref<64x1000000xf32, #tpu.memory_space<hbm>> -> memref<64x128xf32, #tpu.memory_space<hbm>>
        tpu.enqueue_dma source(%dma_start3A_614 : memref<64x128xf32, #tpu.memory_space<hbm>>) target(%arg8 : memref<64x128xf32, #tpu.memory_space<vmem>>) target_semaphore(%arg16 : memref<!tpu.dma_semaphore, #tpu.memory_space<semaphore_mem>>)
      } else {
      }
      %add3A_415 = arith.constant 9 : i32
      %add3A_416 = arith.addi %add3A_171, %add3A_415 : i32
      %dma_wait3A_417 = arith.constant 0 : i32
      %dma_wait3A_418 = arith.constant 0 : i32
      %dma_wait3A_419 = tpu.memref_slice %arg3[%dma_wait3A_417, %dma_wait3A_418] : memref<64x1000000xf32, #tpu.memory_space<hbm>> -> memref<64x128xf32, #tpu.memory_space<hbm>>
      %dma_wait3A_420 = arith.constant 0 : i32
      %dma_wait3A_421 = arith.constant 0 : i32
      %dma_wait3A_422 = tpu.memref_slice %arg3[%dma_wait3A_420, %dma_wait3A_421] : memref<64x1000000xf32, #tpu.memory_space<hbm>> -> memref<64x128xf32, #tpu.memory_space<hbm>>
      tpu.wait_dma2 semaphore(%arg17 : memref<!tpu.dma_semaphore, #tpu.memory_space<semaphore_mem>>) src(%dma_wait3A_422 : memref<64x128xf32, #tpu.memory_space<hbm>>) dst(%arg9 : memref<64x128xf32, #tpu.memory_space<vmem>>)
      %slice3A_423 = vector.extract_strided_slice %get3A_173 {offsets = [9], sizes = [1], strides = [1]} : vector<16xi32> to vector<1xi32>
      %squeeze3A_424 = vector.extract %slice3A_423[0] : i32 from vector<1xi32>
      %and3A_425 = arith.constant 127 : i32
      %and3A_426 = arith.andi %squeeze3A_424, %and3A_425 : i32
      %broadcast_in_dim3A_427 = vector.broadcast %and3A_426 : i32 to vector<16xi32>
      %mul3A_428 = arith.constant 16 : i32
      %mul3A_429 = arith.muli %scan3A_167, %mul3A_428 : i32
      %add3A_430 = arith.constant 9 : i32
      %add3A_431 = arith.addi %mul3A_429, %add3A_430 : i32
      %broadcast_in_dim3A_432 = vector.broadcast %add3A_431 : i32 to vector<16xi32>
      %gather3A_433 = tpu.vector_load_idx %arg9[%add3A_5, %broadcast_in_dim3A_427] : memref<64x128xf32, #tpu.memory_space<vmem>>[vector<16xi32>, vector<16xi32>], vector<16xf32>,
      tpu.vector_store_idx %arg7[%add3A_5, %broadcast_in_dim3A_432], %gather3A_433 : memref<64x128xf32, #tpu.memory_space<vmem>>[vector<16xi32>, vector<16xi32>], vector<16xf32>,
      %gather3A_434 = tpu.vector_load_idx %arg9[%add3A_9, %broadcast_in_dim3A_427] : memref<64x128xf32, #tpu.memory_space<vmem>>[vector<16xi32>, vector<16xi32>], vector<16xf32>,
      tpu.vector_store_idx %arg7[%add3A_9, %broadcast_in_dim3A_432], %gather3A_434 : memref<64x128xf32, #tpu.memory_space<vmem>>[vector<16xi32>, vector<16xi32>], vector<16xf32>,
      %gather3A_435 = tpu.vector_load_idx %arg9[%add3A_13, %broadcast_in_dim3A_427] : memref<64x128xf32, #tpu.memory_space<vmem>>[vector<16xi32>, vector<16xi32>], vector<16xf32>,
      tpu.vector_store_idx %arg7[%add3A_13, %broadcast_in_dim3A_432], %gather3A_435 : memref<64x128xf32, #tpu.memory_space<vmem>>[vector<16xi32>, vector<16xi32>], vector<16xf32>,
      %gather3A_436 = tpu.vector_load_idx %arg9[%add3A_17, %broadcast_in_dim3A_427] : memref<64x128xf32, #tpu.memory_space<vmem>>[vector<16xi32>, vector<16xi32>], vector<16xf32>,
      tpu.vector_store_idx %arg7[%add3A_17, %broadcast_in_dim3A_432], %gather3A_436 : memref<64x128xf32, #tpu.memory_space<vmem>>[vector<16xi32>, vector<16xi32>], vector<16xf32>,
      %lt3A_437 = arith.constant 504 : i32
      %lt3A_438 = arith.cmpi slt, %add3A_416, %lt3A_437 : i32
      %convert_element_type3A_439 = arith.extui %lt3A_438 : i1 to i32
      %cond3A_440 = arith.constant 0 : i32
      %cond3A_441 = arith.cmpi ne, %convert_element_type3A_439, %cond3A_440 : i32
      scf.if %cond3A_441 {
        %slice3A_604 = vector.extract_strided_slice %get3A_177 {offsets = [9], sizes = [1], strides = [1]} : vector<16xi32> to vector<1xi32>
        %squeeze3A_605 = vector.extract %slice3A_604[0] : i32 from vector<1xi32>
        %shift_right_logical3A_606 = arith.constant 7 : i32
        %shift_right_logical3A_607 = arith.shrui %squeeze3A_605, %shift_right_logical3A_606 : i32
        %shift_left3A_608 = arith.constant 7 : i32
        %shift_left3A_609 = arith.shli %shift_right_logical3A_607, %shift_left3A_608 : i32
        %multiple_of3A_610 = tpu.assume_multiple %shift_left3A_609, 128 : i32
        %dma_start3A_611 = arith.constant 0 : i32
        %dma_start3A_612 = tpu.memref_slice %arg3[%dma_start3A_611, %multiple_of3A_610] : memref<64x1000000xf32, #tpu.memory_space<hbm>> -> memref<64x128xf32, #tpu.memory_space<hbm>>
        %dma_start3A_613 = arith.constant 0 : i32
        %dma_start3A_614 = tpu.memref_slice %arg3[%dma_start3A_613, %multiple_of3A_610] : memref<64x1000000xf32, #tpu.memory_space<hbm>> -> memref<64x128xf32, #tpu.memory_space<hbm>>
        tpu.enqueue_dma source(%dma_start3A_614 : memref<64x128xf32, #tpu.memory_space<hbm>>) target(%arg9 : memref<64x128xf32, #tpu.memory_space<vmem>>) target_semaphore(%arg17 : memref<!tpu.dma_semaphore, #tpu.memory_space<semaphore_mem>>)
      } else {
      }
      %add3A_442 = arith.constant 10 : i32
      %add3A_443 = arith.addi %add3A_171, %add3A_442 : i32
      %dma_wait3A_444 = arith.constant 0 : i32
      %dma_wait3A_445 = arith.constant 0 : i32
      %dma_wait3A_446 = tpu.memref_slice %arg3[%dma_wait3A_444, %dma_wait3A_445] : memref<64x1000000xf32, #tpu.memory_space<hbm>> -> memref<64x128xf32, #tpu.memory_space<hbm>>
      %dma_wait3A_447 = arith.constant 0 : i32
      %dma_wait3A_448 = arith.constant 0 : i32
      %dma_wait3A_449 = tpu.memref_slice %arg3[%dma_wait3A_447, %dma_wait3A_448] : memref<64x1000000xf32, #tpu.memory_space<hbm>> -> memref<64x128xf32, #tpu.memory_space<hbm>>
      tpu.wait_dma2 semaphore(%arg18 : memref<!tpu.dma_semaphore, #tpu.memory_space<semaphore_mem>>) src(%dma_wait3A_449 : memref<64x128xf32, #tpu.memory_space<hbm>>) dst(%arg10 : memref<64x128xf32, #tpu.memory_space<vmem>>)
      %slice3A_450 = vector.extract_strided_slice %get3A_173 {offsets = [10], sizes = [1], strides = [1]} : vector<16xi32> to vector<1xi32>
      %squeeze3A_451 = vector.extract %slice3A_450[0] : i32 from vector<1xi32>
      %and3A_452 = arith.constant 127 : i32
      %and3A_453 = arith.andi %squeeze3A_451, %and3A_452 : i32
      %broadcast_in_dim3A_454 = vector.broadcast %and3A_453 : i32 to vector<16xi32>
      %mul3A_455 = arith.constant 16 : i32
      %mul3A_456 = arith.muli %scan3A_167, %mul3A_455 : i32
      %add3A_457 = arith.constant 10 : i32
      %add3A_458 = arith.addi %mul3A_456, %add3A_457 : i32
      %broadcast_in_dim3A_459 = vector.broadcast %add3A_458 : i32 to vector<16xi32>
      %gather3A_460 = tpu.vector_load_idx %arg10[%add3A_5, %broadcast_in_dim3A_454] : memref<64x128xf32, #tpu.memory_space<vmem>>[vector<16xi32>, vector<16xi32>], vector<16xf32>,
      tpu.vector_store_idx %arg7[%add3A_5, %broadcast_in_dim3A_459], %gather3A_460 : memref<64x128xf32, #tpu.memory_space<vmem>>[vector<16xi32>, vector<16xi32>], vector<16xf32>,
      %gather3A_461 = tpu.vector_load_idx %arg10[%add3A_9, %broadcast_in_dim3A_454] : memref<64x128xf32, #tpu.memory_space<vmem>>[vector<16xi32>, vector<16xi32>], vector<16xf32>,
      tpu.vector_store_idx %arg7[%add3A_9, %broadcast_in_dim3A_459], %gather3A_461 : memref<64x128xf32, #tpu.memory_space<vmem>>[vector<16xi32>, vector<16xi32>], vector<16xf32>,
      %gather3A_462 = tpu.vector_load_idx %arg10[%add3A_13, %broadcast_in_dim3A_454] : memref<64x128xf32, #tpu.memory_space<vmem>>[vector<16xi32>, vector<16xi32>], vector<16xf32>,
      tpu.vector_store_idx %arg7[%add3A_13, %broadcast_in_dim3A_459], %gather3A_462 : memref<64x128xf32, #tpu.memory_space<vmem>>[vector<16xi32>, vector<16xi32>], vector<16xf32>,
      %gather3A_463 = tpu.vector_load_idx %arg10[%add3A_17, %broadcast_in_dim3A_454] : memref<64x128xf32, #tpu.memory_space<vmem>>[vector<16xi32>, vector<16xi32>], vector<16xf32>,
      tpu.vector_store_idx %arg7[%add3A_17, %broadcast_in_dim3A_459], %gather3A_463 : memref<64x128xf32, #tpu.memory_space<vmem>>[vector<16xi32>, vector<16xi32>], vector<16xf32>,
      %lt3A_464 = arith.constant 504 : i32
      %lt3A_465 = arith.cmpi slt, %add3A_443, %lt3A_464 : i32
      %convert_element_type3A_466 = arith.extui %lt3A_465 : i1 to i32
      %cond3A_467 = arith.constant 0 : i32
      %cond3A_468 = arith.cmpi ne, %convert_element_type3A_466, %cond3A_467 : i32
      scf.if %cond3A_468 {
        %slice3A_604 = vector.extract_strided_slice %get3A_177 {offsets = [10], sizes = [1], strides = [1]} : vector<16xi32> to vector<1xi32>
        %squeeze3A_605 = vector.extract %slice3A_604[0] : i32 from vector<1xi32>
        %shift_right_logical3A_606 = arith.constant 7 : i32
        %shift_right_logical3A_607 = arith.shrui %squeeze3A_605, %shift_right_logical3A_606 : i32
        %shift_left3A_608 = arith.constant 7 : i32
        %shift_left3A_609 = arith.shli %shift_right_logical3A_607, %shift_left3A_608 : i32
        %multiple_of3A_610 = tpu.assume_multiple %shift_left3A_609, 128 : i32
        %dma_start3A_611 = arith.constant 0 : i32
        %dma_start3A_612 = tpu.memref_slice %arg3[%dma_start3A_611, %multiple_of3A_610] : memref<64x1000000xf32, #tpu.memory_space<hbm>> -> memref<64x128xf32, #tpu.memory_space<hbm>>
        %dma_start3A_613 = arith.constant 0 : i32
        %dma_start3A_614 = tpu.memref_slice %arg3[%dma_start3A_613, %multiple_of3A_610] : memref<64x1000000xf32, #tpu.memory_space<hbm>> -> memref<64x128xf32, #tpu.memory_space<hbm>>
        tpu.enqueue_dma source(%dma_start3A_614 : memref<64x128xf32, #tpu.memory_space<hbm>>) target(%arg10 : memref<64x128xf32, #tpu.memory_space<vmem>>) target_semaphore(%arg18 : memref<!tpu.dma_semaphore, #tpu.memory_space<semaphore_mem>>)
      } else {
      }
      %add3A_469 = arith.constant 11 : i32
      %add3A_470 = arith.addi %add3A_171, %add3A_469 : i32
      %dma_wait3A_471 = arith.constant 0 : i32
      %dma_wait3A_472 = arith.constant 0 : i32
      %dma_wait3A_473 = tpu.memref_slice %arg3[%dma_wait3A_471, %dma_wait3A_472] : memref<64x1000000xf32, #tpu.memory_space<hbm>> -> memref<64x128xf32, #tpu.memory_space<hbm>>
      %dma_wait3A_474 = arith.constant 0 : i32
      %dma_wait3A_475 = arith.constant 0 : i32
      %dma_wait3A_476 = tpu.memref_slice %arg3[%dma_wait3A_474, %dma_wait3A_475] : memref<64x1000000xf32, #tpu.memory_space<hbm>> -> memref<64x128xf32, #tpu.memory_space<hbm>>
      tpu.wait_dma2 semaphore(%arg19 : memref<!tpu.dma_semaphore, #tpu.memory_space<semaphore_mem>>) src(%dma_wait3A_476 : memref<64x128xf32, #tpu.memory_space<hbm>>) dst(%arg11 : memref<64x128xf32, #tpu.memory_space<vmem>>)
      %slice3A_477 = vector.extract_strided_slice %get3A_173 {offsets = [11], sizes = [1], strides = [1]} : vector<16xi32> to vector<1xi32>
      %squeeze3A_478 = vector.extract %slice3A_477[0] : i32 from vector<1xi32>
      %and3A_479 = arith.constant 127 : i32
      %and3A_480 = arith.andi %squeeze3A_478, %and3A_479 : i32
      %broadcast_in_dim3A_481 = vector.broadcast %and3A_480 : i32 to vector<16xi32>
      %mul3A_482 = arith.constant 16 : i32
      %mul3A_483 = arith.muli %scan3A_167, %mul3A_482 : i32
      %add3A_484 = arith.constant 11 : i32
      %add3A_485 = arith.addi %mul3A_483, %add3A_484 : i32
      %broadcast_in_dim3A_486 = vector.broadcast %add3A_485 : i32 to vector<16xi32>
      %gather3A_487 = tpu.vector_load_idx %arg11[%add3A_5, %broadcast_in_dim3A_481] : memref<64x128xf32, #tpu.memory_space<vmem>>[vector<16xi32>, vector<16xi32>], vector<16xf32>,
      tpu.vector_store_idx %arg7[%add3A_5, %broadcast_in_dim3A_486], %gather3A_487 : memref<64x128xf32, #tpu.memory_space<vmem>>[vector<16xi32>, vector<16xi32>], vector<16xf32>,
      %gather3A_488 = tpu.vector_load_idx %arg11[%add3A_9, %broadcast_in_dim3A_481] : memref<64x128xf32, #tpu.memory_space<vmem>>[vector<16xi32>, vector<16xi32>], vector<16xf32>,
      tpu.vector_store_idx %arg7[%add3A_9, %broadcast_in_dim3A_486], %gather3A_488 : memref<64x128xf32, #tpu.memory_space<vmem>>[vector<16xi32>, vector<16xi32>], vector<16xf32>,
      %gather3A_489 = tpu.vector_load_idx %arg11[%add3A_13, %broadcast_in_dim3A_481] : memref<64x128xf32, #tpu.memory_space<vmem>>[vector<16xi32>, vector<16xi32>], vector<16xf32>,
      tpu.vector_store_idx %arg7[%add3A_13, %broadcast_in_dim3A_486], %gather3A_489 : memref<64x128xf32, #tpu.memory_space<vmem>>[vector<16xi32>, vector<16xi32>], vector<16xf32>,
      %gather3A_490 = tpu.vector_load_idx %arg11[%add3A_17, %broadcast_in_dim3A_481] : memref<64x128xf32, #tpu.memory_space<vmem>>[vector<16xi32>, vector<16xi32>], vector<16xf32>,
      tpu.vector_store_idx %arg7[%add3A_17, %broadcast_in_dim3A_486], %gather3A_490 : memref<64x128xf32, #tpu.memory_space<vmem>>[vector<16xi32>, vector<16xi32>], vector<16xf32>,
      %lt3A_491 = arith.constant 504 : i32
      %lt3A_492 = arith.cmpi slt, %add3A_470, %lt3A_491 : i32
      %convert_element_type3A_493 = arith.extui %lt3A_492 : i1 to i32
      %cond3A_494 = arith.constant 0 : i32
      %cond3A_495 = arith.cmpi ne, %convert_element_type3A_493, %cond3A_494 : i32
      scf.if %cond3A_495 {
        %slice3A_604 = vector.extract_strided_slice %get3A_177 {offsets = [11], sizes = [1], strides = [1]} : vector<16xi32> to vector<1xi32>
        %squeeze3A_605 = vector.extract %slice3A_604[0] : i32 from vector<1xi32>
        %shift_right_logical3A_606 = arith.constant 7 : i32
        %shift_right_logical3A_607 = arith.shrui %squeeze3A_605, %shift_right_logical3A_606 : i32
        %shift_left3A_608 = arith.constant 7 : i32
        %shift_left3A_609 = arith.shli %shift_right_logical3A_607, %shift_left3A_608 : i32
        %multiple_of3A_610 = tpu.assume_multiple %shift_left3A_609, 128 : i32
        %dma_start3A_611 = arith.constant 0 : i32
        %dma_start3A_612 = tpu.memref_slice %arg3[%dma_start3A_611, %multiple_of3A_610] : memref<64x1000000xf32, #tpu.memory_space<hbm>> -> memref<64x128xf32, #tpu.memory_space<hbm>>
        %dma_start3A_613 = arith.constant 0 : i32
        %dma_start3A_614 = tpu.memref_slice %arg3[%dma_start3A_613, %multiple_of3A_610] : memref<64x1000000xf32, #tpu.memory_space<hbm>> -> memref<64x128xf32, #tpu.memory_space<hbm>>
        tpu.enqueue_dma source(%dma_start3A_614 : memref<64x128xf32, #tpu.memory_space<hbm>>) target(%arg11 : memref<64x128xf32, #tpu.memory_space<vmem>>) target_semaphore(%arg19 : memref<!tpu.dma_semaphore, #tpu.memory_space<semaphore_mem>>)
      } else {
      }
      %add3A_496 = arith.constant 12 : i32
      %add3A_497 = arith.addi %add3A_171, %add3A_496 : i32
      %dma_wait3A_498 = arith.constant 0 : i32
      %dma_wait3A_499 = arith.constant 0 : i32
      %dma_wait3A_500 = tpu.memref_slice %arg3[%dma_wait3A_498, %dma_wait3A_499] : memref<64x1000000xf32, #tpu.memory_space<hbm>> -> memref<64x128xf32, #tpu.memory_space<hbm>>
      %dma_wait3A_501 = arith.constant 0 : i32
      %dma_wait3A_502 = arith.constant 0 : i32
      %dma_wait3A_503 = tpu.memref_slice %arg3[%dma_wait3A_501, %dma_wait3A_502] : memref<64x1000000xf32, #tpu.memory_space<hbm>> -> memref<64x128xf32, #tpu.memory_space<hbm>>
      tpu.wait_dma2 semaphore(%arg20 : memref<!tpu.dma_semaphore, #tpu.memory_space<semaphore_mem>>) src(%dma_wait3A_503 : memref<64x128xf32, #tpu.memory_space<hbm>>) dst(%arg12 : memref<64x128xf32, #tpu.memory_space<vmem>>)
      %slice3A_504 = vector.extract_strided_slice %get3A_173 {offsets = [12], sizes = [1], strides = [1]} : vector<16xi32> to vector<1xi32>
      %squeeze3A_505 = vector.extract %slice3A_504[0] : i32 from vector<1xi32>
      %and3A_506 = arith.constant 127 : i32
      %and3A_507 = arith.andi %squeeze3A_505, %and3A_506 : i32
      %broadcast_in_dim3A_508 = vector.broadcast %and3A_507 : i32 to vector<16xi32>
      %mul3A_509 = arith.constant 16 : i32
      %mul3A_510 = arith.muli %scan3A_167, %mul3A_509 : i32
      %add3A_511 = arith.constant 12 : i32
      %add3A_512 = arith.addi %mul3A_510, %add3A_511 : i32
      %broadcast_in_dim3A_513 = vector.broadcast %add3A_512 : i32 to vector<16xi32>
      %gather3A_514 = tpu.vector_load_idx %arg12[%add3A_5, %broadcast_in_dim3A_508] : memref<64x128xf32, #tpu.memory_space<vmem>>[vector<16xi32>, vector<16xi32>], vector<16xf32>,
      tpu.vector_store_idx %arg7[%add3A_5, %broadcast_in_dim3A_513], %gather3A_514 : memref<64x128xf32, #tpu.memory_space<vmem>>[vector<16xi32>, vector<16xi32>], vector<16xf32>,
      %gather3A_515 = tpu.vector_load_idx %arg12[%add3A_9, %broadcast_in_dim3A_508] : memref<64x128xf32, #tpu.memory_space<vmem>>[vector<16xi32>, vector<16xi32>], vector<16xf32>,
      tpu.vector_store_idx %arg7[%add3A_9, %broadcast_in_dim3A_513], %gather3A_515 : memref<64x128xf32, #tpu.memory_space<vmem>>[vector<16xi32>, vector<16xi32>], vector<16xf32>,
      %gather3A_516 = tpu.vector_load_idx %arg12[%add3A_13, %broadcast_in_dim3A_508] : memref<64x128xf32, #tpu.memory_space<vmem>>[vector<16xi32>, vector<16xi32>], vector<16xf32>,
      tpu.vector_store_idx %arg7[%add3A_13, %broadcast_in_dim3A_513], %gather3A_516 : memref<64x128xf32, #tpu.memory_space<vmem>>[vector<16xi32>, vector<16xi32>], vector<16xf32>,
      %gather3A_517 = tpu.vector_load_idx %arg12[%add3A_17, %broadcast_in_dim3A_508] : memref<64x128xf32, #tpu.memory_space<vmem>>[vector<16xi32>, vector<16xi32>], vector<16xf32>,
      tpu.vector_store_idx %arg7[%add3A_17, %broadcast_in_dim3A_513], %gather3A_517 : memref<64x128xf32, #tpu.memory_space<vmem>>[vector<16xi32>, vector<16xi32>], vector<16xf32>,
      %lt3A_518 = arith.constant 504 : i32
      %lt3A_519 = arith.cmpi slt, %add3A_497, %lt3A_518 : i32
      %convert_element_type3A_520 = arith.extui %lt3A_519 : i1 to i32
      %cond3A_521 = arith.constant 0 : i32
      %cond3A_522 = arith.cmpi ne, %convert_element_type3A_520, %cond3A_521 : i32
      scf.if %cond3A_522 {
        %slice3A_604 = vector.extract_strided_slice %get3A_177 {offsets = [12], sizes = [1], strides = [1]} : vector<16xi32> to vector<1xi32>
        %squeeze3A_605 = vector.extract %slice3A_604[0] : i32 from vector<1xi32>
        %shift_right_logical3A_606 = arith.constant 7 : i32
        %shift_right_logical3A_607 = arith.shrui %squeeze3A_605, %shift_right_logical3A_606 : i32
        %shift_left3A_608 = arith.constant 7 : i32
        %shift_left3A_609 = arith.shli %shift_right_logical3A_607, %shift_left3A_608 : i32
        %multiple_of3A_610 = tpu.assume_multiple %shift_left3A_609, 128 : i32
        %dma_start3A_611 = arith.constant 0 : i32
        %dma_start3A_612 = tpu.memref_slice %arg3[%dma_start3A_611, %multiple_of3A_610] : memref<64x1000000xf32, #tpu.memory_space<hbm>> -> memref<64x128xf32, #tpu.memory_space<hbm>>
        %dma_start3A_613 = arith.constant 0 : i32
        %dma_start3A_614 = tpu.memref_slice %arg3[%dma_start3A_613, %multiple_of3A_610] : memref<64x1000000xf32, #tpu.memory_space<hbm>> -> memref<64x128xf32, #tpu.memory_space<hbm>>
        tpu.enqueue_dma source(%dma_start3A_614 : memref<64x128xf32, #tpu.memory_space<hbm>>) target(%arg12 : memref<64x128xf32, #tpu.memory_space<vmem>>) target_semaphore(%arg20 : memref<!tpu.dma_semaphore, #tpu.memory_space<semaphore_mem>>)
      } else {
      }
      %add3A_523 = arith.constant 13 : i32
      %add3A_524 = arith.addi %add3A_171, %add3A_523 : i32
      %dma_wait3A_525 = arith.constant 0 : i32
      %dma_wait3A_526 = arith.constant 0 : i32
      %dma_wait3A_527 = tpu.memref_slice %arg3[%dma_wait3A_525, %dma_wait3A_526] : memref<64x1000000xf32, #tpu.memory_space<hbm>> -> memref<64x128xf32, #tpu.memory_space<hbm>>
      %dma_wait3A_528 = arith.constant 0 : i32
      %dma_wait3A_529 = arith.constant 0 : i32
      %dma_wait3A_530 = tpu.memref_slice %arg3[%dma_wait3A_528, %dma_wait3A_529] : memref<64x1000000xf32, #tpu.memory_space<hbm>> -> memref<64x128xf32, #tpu.memory_space<hbm>>
      tpu.wait_dma2 semaphore(%arg21 : memref<!tpu.dma_semaphore, #tpu.memory_space<semaphore_mem>>) src(%dma_wait3A_530 : memref<64x128xf32, #tpu.memory_space<hbm>>) dst(%arg13 : memref<64x128xf32, #tpu.memory_space<vmem>>)
      %slice3A_531 = vector.extract_strided_slice %get3A_173 {offsets = [13], sizes = [1], strides = [1]} : vector<16xi32> to vector<1xi32>
      %squeeze3A_532 = vector.extract %slice3A_531[0] : i32 from vector<1xi32>
      %and3A_533 = arith.constant 127 : i32
      %and3A_534 = arith.andi %squeeze3A_532, %and3A_533 : i32
      %broadcast_in_dim3A_535 = vector.broadcast %and3A_534 : i32 to vector<16xi32>
      %mul3A_536 = arith.constant 16 : i32
      %mul3A_537 = arith.muli %scan3A_167, %mul3A_536 : i32
      %add3A_538 = arith.constant 13 : i32
      %add3A_539 = arith.addi %mul3A_537, %add3A_538 : i32
      %broadcast_in_dim3A_540 = vector.broadcast %add3A_539 : i32 to vector<16xi32>
      %gather3A_541 = tpu.vector_load_idx %arg13[%add3A_5, %broadcast_in_dim3A_535] : memref<64x128xf32, #tpu.memory_space<vmem>>[vector<16xi32>, vector<16xi32>], vector<16xf32>,
      tpu.vector_store_idx %arg7[%add3A_5, %broadcast_in_dim3A_540], %gather3A_541 : memref<64x128xf32, #tpu.memory_space<vmem>>[vector<16xi32>, vector<16xi32>], vector<16xf32>,
      %gather3A_542 = tpu.vector_load_idx %arg13[%add3A_9, %broadcast_in_dim3A_535] : memref<64x128xf32, #tpu.memory_space<vmem>>[vector<16xi32>, vector<16xi32>], vector<16xf32>,
      tpu.vector_store_idx %arg7[%add3A_9, %broadcast_in_dim3A_540], %gather3A_542 : memref<64x128xf32, #tpu.memory_space<vmem>>[vector<16xi32>, vector<16xi32>], vector<16xf32>,
      %gather3A_543 = tpu.vector_load_idx %arg13[%add3A_13, %broadcast_in_dim3A_535] : memref<64x128xf32, #tpu.memory_space<vmem>>[vector<16xi32>, vector<16xi32>], vector<16xf32>,
      tpu.vector_store_idx %arg7[%add3A_13, %broadcast_in_dim3A_540], %gather3A_543 : memref<64x128xf32, #tpu.memory_space<vmem>>[vector<16xi32>, vector<16xi32>], vector<16xf32>,
      %gather3A_544 = tpu.vector_load_idx %arg13[%add3A_17, %broadcast_in_dim3A_535] : memref<64x128xf32, #tpu.memory_space<vmem>>[vector<16xi32>, vector<16xi32>], vector<16xf32>,
      tpu.vector_store_idx %arg7[%add3A_17, %broadcast_in_dim3A_540], %gather3A_544 : memref<64x128xf32, #tpu.memory_space<vmem>>[vector<16xi32>, vector<16xi32>], vector<16xf32>,
      %lt3A_545 = arith.constant 504 : i32
      %lt3A_546 = arith.cmpi slt, %add3A_524, %lt3A_545 : i32
      %convert_element_type3A_547 = arith.extui %lt3A_546 : i1 to i32
      %cond3A_548 = arith.constant 0 : i32
      %cond3A_549 = arith.cmpi ne, %convert_element_type3A_547, %cond3A_548 : i32
      scf.if %cond3A_549 {
        %slice3A_604 = vector.extract_strided_slice %get3A_177 {offsets = [13], sizes = [1], strides = [1]} : vector<16xi32> to vector<1xi32>
        %squeeze3A_605 = vector.extract %slice3A_604[0] : i32 from vector<1xi32>
        %shift_right_logical3A_606 = arith.constant 7 : i32
        %shift_right_logical3A_607 = arith.shrui %squeeze3A_605, %shift_right_logical3A_606 : i32
        %shift_left3A_608 = arith.constant 7 : i32
        %shift_left3A_609 = arith.shli %shift_right_logical3A_607, %shift_left3A_608 : i32
        %multiple_of3A_610 = tpu.assume_multiple %shift_left3A_609, 128 : i32
        %dma_start3A_611 = arith.constant 0 : i32
        %dma_start3A_612 = tpu.memref_slice %arg3[%dma_start3A_611, %multiple_of3A_610] : memref<64x1000000xf32, #tpu.memory_space<hbm>> -> memref<64x128xf32, #tpu.memory_space<hbm>>
        %dma_start3A_613 = arith.constant 0 : i32
        %dma_start3A_614 = tpu.memref_slice %arg3[%dma_start3A_613, %multiple_of3A_610] : memref<64x1000000xf32, #tpu.memory_space<hbm>> -> memref<64x128xf32, #tpu.memory_space<hbm>>
        tpu.enqueue_dma source(%dma_start3A_614 : memref<64x128xf32, #tpu.memory_space<hbm>>) target(%arg13 : memref<64x128xf32, #tpu.memory_space<vmem>>) target_semaphore(%arg21 : memref<!tpu.dma_semaphore, #tpu.memory_space<semaphore_mem>>)
      } else {
      }
      %add3A_550 = arith.constant 14 : i32
      %add3A_551 = arith.addi %add3A_171, %add3A_550 : i32
      %dma_wait3A_552 = arith.constant 0 : i32
      %dma_wait3A_553 = arith.constant 0 : i32
      %dma_wait3A_554 = tpu.memref_slice %arg3[%dma_wait3A_552, %dma_wait3A_553] : memref<64x1000000xf32, #tpu.memory_space<hbm>> -> memref<64x128xf32, #tpu.memory_space<hbm>>
      %dma_wait3A_555 = arith.constant 0 : i32
      %dma_wait3A_556 = arith.constant 0 : i32
      %dma_wait3A_557 = tpu.memref_slice %arg3[%dma_wait3A_555, %dma_wait3A_556] : memref<64x1000000xf32, #tpu.memory_space<hbm>> -> memref<64x128xf32, #tpu.memory_space<hbm>>
      tpu.wait_dma2 semaphore(%arg22 : memref<!tpu.dma_semaphore, #tpu.memory_space<semaphore_mem>>) src(%dma_wait3A_557 : memref<64x128xf32, #tpu.memory_space<hbm>>) dst(%arg14 : memref<64x128xf32, #tpu.memory_space<vmem>>)
      %slice3A_558 = vector.extract_strided_slice %get3A_173 {offsets = [14], sizes = [1], strides = [1]} : vector<16xi32> to vector<1xi32>
      %squeeze3A_559 = vector.extract %slice3A_558[0] : i32 from vector<1xi32>
      %and3A_560 = arith.constant 127 : i32
      %and3A_561 = arith.andi %squeeze3A_559, %and3A_560 : i32
      %broadcast_in_dim3A_562 = vector.broadcast %and3A_561 : i32 to vector<16xi32>
      %mul3A_563 = arith.constant 16 : i32
      %mul3A_564 = arith.muli %scan3A_167, %mul3A_563 : i32
      %add3A_565 = arith.constant 14 : i32
      %add3A_566 = arith.addi %mul3A_564, %add3A_565 : i32
      %broadcast_in_dim3A_567 = vector.broadcast %add3A_566 : i32 to vector<16xi32>
      %gather3A_568 = tpu.vector_load_idx %arg14[%add3A_5, %broadcast_in_dim3A_562] : memref<64x128xf32, #tpu.memory_space<vmem>>[vector<16xi32>, vector<16xi32>], vector<16xf32>,
      tpu.vector_store_idx %arg7[%add3A_5, %broadcast_in_dim3A_567], %gather3A_568 : memref<64x128xf32, #tpu.memory_space<vmem>>[vector<16xi32>, vector<16xi32>], vector<16xf32>,
      %gather3A_569 = tpu.vector_load_idx %arg14[%add3A_9, %broadcast_in_dim3A_562] : memref<64x128xf32, #tpu.memory_space<vmem>>[vector<16xi32>, vector<16xi32>], vector<16xf32>,
      tpu.vector_store_idx %arg7[%add3A_9, %broadcast_in_dim3A_567], %gather3A_569 : memref<64x128xf32, #tpu.memory_space<vmem>>[vector<16xi32>, vector<16xi32>], vector<16xf32>,
      %gather3A_570 = tpu.vector_load_idx %arg14[%add3A_13, %broadcast_in_dim3A_562] : memref<64x128xf32, #tpu.memory_space<vmem>>[vector<16xi32>, vector<16xi32>], vector<16xf32>,
      tpu.vector_store_idx %arg7[%add3A_13, %broadcast_in_dim3A_567], %gather3A_570 : memref<64x128xf32, #tpu.memory_space<vmem>>[vector<16xi32>, vector<16xi32>], vector<16xf32>,
      %gather3A_571 = tpu.vector_load_idx %arg14[%add3A_17, %broadcast_in_dim3A_562] : memref<64x128xf32, #tpu.memory_space<vmem>>[vector<16xi32>, vector<16xi32>], vector<16xf32>,
      tpu.vector_store_idx %arg7[%add3A_17, %broadcast_in_dim3A_567], %gather3A_571 : memref<64x128xf32, #tpu.memory_space<vmem>>[vector<16xi32>, vector<16xi32>], vector<16xf32>,
      %lt3A_572 = arith.constant 504 : i32
      %lt3A_573 = arith.cmpi slt, %add3A_551, %lt3A_572 : i32
      %convert_element_type3A_574 = arith.extui %lt3A_573 : i1 to i32
      %cond3A_575 = arith.constant 0 : i32
      %cond3A_576 = arith.cmpi ne, %convert_element_type3A_574, %cond3A_575 : i32
      scf.if %cond3A_576 {
        %slice3A_604 = vector.extract_strided_slice %get3A_177 {offsets = [14], sizes = [1], strides = [1]} : vector<16xi32> to vector<1xi32>
        %squeeze3A_605 = vector.extract %slice3A_604[0] : i32 from vector<1xi32>
        %shift_right_logical3A_606 = arith.constant 7 : i32
        %shift_right_logical3A_607 = arith.shrui %squeeze3A_605, %shift_right_logical3A_606 : i32
        %shift_left3A_608 = arith.constant 7 : i32
        %shift_left3A_609 = arith.shli %shift_right_logical3A_607, %shift_left3A_608 : i32
        %multiple_of3A_610 = tpu.assume_multiple %shift_left3A_609, 128 : i32
        %dma_start3A_611 = arith.constant 0 : i32
        %dma_start3A_612 = tpu.memref_slice %arg3[%dma_start3A_611, %multiple_of3A_610] : memref<64x1000000xf32, #tpu.memory_space<hbm>> -> memref<64x128xf32, #tpu.memory_space<hbm>>
        %dma_start3A_613 = arith.constant 0 : i32
        %dma_start3A_614 = tpu.memref_slice %arg3[%dma_start3A_613, %multiple_of3A_610] : memref<64x1000000xf32, #tpu.memory_space<hbm>> -> memref<64x128xf32, #tpu.memory_space<hbm>>
        tpu.enqueue_dma source(%dma_start3A_614 : memref<64x128xf32, #tpu.memory_space<hbm>>) target(%arg14 : memref<64x128xf32, #tpu.memory_space<vmem>>) target_semaphore(%arg22 : memref<!tpu.dma_semaphore, #tpu.memory_space<semaphore_mem>>)
      } else {
      }
      %add3A_577 = arith.constant 15 : i32
      %add3A_578 = arith.addi %add3A_171, %add3A_577 : i32
      %dma_wait3A_579 = arith.constant 0 : i32
      %dma_wait3A_580 = arith.constant 0 : i32
      %dma_wait3A_581 = tpu.memref_slice %arg3[%dma_wait3A_579, %dma_wait3A_580] : memref<64x1000000xf32, #tpu.memory_space<hbm>> -> memref<64x128xf32, #tpu.memory_space<hbm>>
      %dma_wait3A_582 = arith.constant 0 : i32
      %dma_wait3A_583 = arith.constant 0 : i32
      %dma_wait3A_584 = tpu.memref_slice %arg3[%dma_wait3A_582, %dma_wait3A_583] : memref<64x1000000xf32, #tpu.memory_space<hbm>> -> memref<64x128xf32, #tpu.memory_space<hbm>>
      tpu.wait_dma2 semaphore(%arg23 : memref<!tpu.dma_semaphore, #tpu.memory_space<semaphore_mem>>) src(%dma_wait3A_584 : memref<64x128xf32, #tpu.memory_space<hbm>>) dst(%arg15 : memref<64x128xf32, #tpu.memory_space<vmem>>)
      %slice3A_585 = vector.extract_strided_slice %get3A_173 {offsets = [15], sizes = [1], strides = [1]} : vector<16xi32> to vector<1xi32>
      %squeeze3A_586 = vector.extract %slice3A_585[0] : i32 from vector<1xi32>
      %and3A_587 = arith.constant 127 : i32
      %and3A_588 = arith.andi %squeeze3A_586, %and3A_587 : i32
      %broadcast_in_dim3A_589 = vector.broadcast %and3A_588 : i32 to vector<16xi32>
      %mul3A_590 = arith.constant 16 : i32
      %mul3A_591 = arith.muli %scan3A_167, %mul3A_590 : i32
      %add3A_592 = arith.constant 15 : i32
      %add3A_593 = arith.addi %mul3A_591, %add3A_592 : i32
      %broadcast_in_dim3A_594 = vector.broadcast %add3A_593 : i32 to vector<16xi32>
      %gather3A_595 = tpu.vector_load_idx %arg15[%add3A_5, %broadcast_in_dim3A_589] : memref<64x128xf32, #tpu.memory_space<vmem>>[vector<16xi32>, vector<16xi32>], vector<16xf32>,
      tpu.vector_store_idx %arg7[%add3A_5, %broadcast_in_dim3A_594], %gather3A_595 : memref<64x128xf32, #tpu.memory_space<vmem>>[vector<16xi32>, vector<16xi32>], vector<16xf32>,
      %gather3A_596 = tpu.vector_load_idx %arg15[%add3A_9, %broadcast_in_dim3A_589] : memref<64x128xf32, #tpu.memory_space<vmem>>[vector<16xi32>, vector<16xi32>], vector<16xf32>,
      tpu.vector_store_idx %arg7[%add3A_9, %broadcast_in_dim3A_594], %gather3A_596 : memref<64x128xf32, #tpu.memory_space<vmem>>[vector<16xi32>, vector<16xi32>], vector<16xf32>,
      %gather3A_597 = tpu.vector_load_idx %arg15[%add3A_13, %broadcast_in_dim3A_589] : memref<64x128xf32, #tpu.memory_space<vmem>>[vector<16xi32>, vector<16xi32>], vector<16xf32>,
      tpu.vector_store_idx %arg7[%add3A_13, %broadcast_in_dim3A_594], %gather3A_597 : memref<64x128xf32, #tpu.memory_space<vmem>>[vector<16xi32>, vector<16xi32>], vector<16xf32>,
      %gather3A_598 = tpu.vector_load_idx %arg15[%add3A_17, %broadcast_in_dim3A_589] : memref<64x128xf32, #tpu.memory_space<vmem>>[vector<16xi32>, vector<16xi32>], vector<16xf32>,
      tpu.vector_store_idx %arg7[%add3A_17, %broadcast_in_dim3A_594], %gather3A_598 : memref<64x128xf32, #tpu.memory_space<vmem>>[vector<16xi32>, vector<16xi32>], vector<16xf32>,
      %lt3A_599 = arith.constant 504 : i32
      %lt3A_600 = arith.cmpi slt, %add3A_578, %lt3A_599 : i32
      %convert_element_type3A_601 = arith.extui %lt3A_600 : i1 to i32
      %cond3A_602 = arith.constant 0 : i32
      %cond3A_603 = arith.cmpi ne, %convert_element_type3A_601, %cond3A_602 : i32
      scf.if %cond3A_603 {
        %slice3A_604 = vector.extract_strided_slice %get3A_177 {offsets = [15], sizes = [1], strides = [1]} : vector<16xi32> to vector<1xi32>
        %squeeze3A_605 = vector.extract %slice3A_604[0] : i32 from vector<1xi32>
        %shift_right_logical3A_606 = arith.constant 7 : i32
        %shift_right_logical3A_607 = arith.shrui %squeeze3A_605, %shift_right_logical3A_606 : i32
        %shift_left3A_608 = arith.constant 7 : i32
        %shift_left3A_609 = arith.shli %shift_right_logical3A_607, %shift_left3A_608 : i32
        %multiple_of3A_610 = tpu.assume_multiple %shift_left3A_609, 128 : i32
        %dma_start3A_611 = arith.constant 0 : i32
        %dma_start3A_612 = tpu.memref_slice %arg3[%dma_start3A_611, %multiple_of3A_610] : memref<64x1000000xf32, #tpu.memory_space<hbm>> -> memref<64x128xf32, #tpu.memory_space<hbm>>
        %dma_start3A_613 = arith.constant 0 : i32
        %dma_start3A_614 = tpu.memref_slice %arg3[%dma_start3A_613, %multiple_of3A_610] : memref<64x1000000xf32, #tpu.memory_space<hbm>> -> memref<64x128xf32, #tpu.memory_space<hbm>>
        tpu.enqueue_dma source(%dma_start3A_614 : memref<64x128xf32, #tpu.memory_space<hbm>>) target(%arg15 : memref<64x128xf32, #tpu.memory_space<vmem>>) target_semaphore(%arg23 : memref<!tpu.dma_semaphore, #tpu.memory_space<semaphore_mem>>)
      } else {
      }
    }
    %scan3A_115 = arith.constant 8 : i32
    %add3A_116 = arith.constant 128 : i32
    %add3A_117 = arith.addi %mul3A_2, %add3A_116 : i32
    %dma_start3A_118 = arith.constant 0 : i32
    %dma_start3A_119 = tpu.memref_slice %arg4[%dma_start3A_118, %add3A_117] : memref<64x16384xf32, #tpu.memory_space<hbm>> -> memref<64x128xf32, #tpu.memory_space<hbm>>
    %dma_start3A_120 = arith.constant 0 : i32
    %dma_start3A_121 = tpu.memref_slice %arg4[%dma_start3A_120, %add3A_117] : memref<64x16384xf32, #tpu.memory_space<hbm>> -> memref<64x128xf32, #tpu.memory_space<hbm>>
    tpu.enqueue_dma source(%arg7 : memref<64x128xf32, #tpu.memory_space<vmem>>) target(%dma_start3A_121 : memref<64x128xf32, #tpu.memory_space<hbm>>) target_semaphore(%arg24 : memref<!tpu.dma_semaphore, #tpu.memory_space<semaphore_mem>>)
    %dma_wait3A = arith.constant 0 : i32
    %dma_wait3A_122 = arith.constant 0 : i32
    %dma_wait3A_123 = tpu.memref_slice %arg3[%dma_wait3A, %dma_wait3A_122] : memref<64x1000000xf32, #tpu.memory_space<hbm>> -> memref<64x128xf32, #tpu.memory_space<hbm>>
    %dma_wait3A_124 = arith.constant 0 : i32
    %dma_wait3A_125 = arith.constant 0 : i32
    %dma_wait3A_126 = tpu.memref_slice %arg3[%dma_wait3A_124, %dma_wait3A_125] : memref<64x1000000xf32, #tpu.memory_space<hbm>> -> memref<64x128xf32, #tpu.memory_space<hbm>>
    tpu.wait_dma2 semaphore(%arg24 : memref<!tpu.dma_semaphore, #tpu.memory_space<semaphore_mem>>) src(%dma_wait3A_126 : memref<64x128xf32, #tpu.memory_space<hbm>>) dst(%arg6 : memref<64x128xf32, #tpu.memory_space<vmem>>)
    %scan3A_127 = arith.constant 0 : i32
    %scan3A_128 = arith.constant 8 : i32
    %scan3A_129 = arith.addi %scan3A_127, %scan3A_128 : i32
    %scan3A_130 = arith.constant 1 : i32
    scf.for %scan3A_167 = %scan3A_127 to %scan3A_129 step %scan3A_130  : i32 {
      %mul3A_168 = arith.constant 16 : i32
      %mul3A_169 = arith.muli %scan3A_167, %mul3A_168 : i32
      %add3A_170 = arith.constant 256 : i32
      %add3A_171 = arith.addi %add3A_170, %mul3A_169 : i32
      %get3A_172 = arith.index_cast %add3A_171 : i32 to index
      %get3A_173 = tpu.vector_load %arg5[%get3A_172] {strides = array<i32>} : memref<528xi32, #tpu.memory_space<vmem>>, vector<16xi32>,
      %add3A_174 = arith.constant 8 : i32
      %add3A_175 = arith.addi %add3A_171, %add3A_174 : i32
      %get3A_176 = arith.index_cast %add3A_175 : i32 to index
      %get3A_177 = tpu.vector_load %arg5[%get3A_176] {strides = array<i32>} : memref<528xi32, #tpu.memory_space<vmem>>, vector<16xi32>,
      %add3A_178 = arith.constant 0 : i32
      %add3A_179 = arith.addi %add3A_171, %add3A_178 : i32
      %dma_wait3A_180 = arith.constant 0 : i32
      %dma_wait3A_181 = arith.constant 0 : i32
      %dma_wait3A_182 = tpu.memref_slice %arg3[%dma_wait3A_180, %dma_wait3A_181] : memref<64x1000000xf32, #tpu.memory_space<hbm>> -> memref<64x128xf32, #tpu.memory_space<hbm>>
      %dma_wait3A_183 = arith.constant 0 : i32
      %dma_wait3A_184 = arith.constant 0 : i32
      %dma_wait3A_185 = tpu.memref_slice %arg3[%dma_wait3A_183, %dma_wait3A_184] : memref<64x1000000xf32, #tpu.memory_space<hbm>> -> memref<64x128xf32, #tpu.memory_space<hbm>>
      tpu.wait_dma2 semaphore(%arg16 : memref<!tpu.dma_semaphore, #tpu.memory_space<semaphore_mem>>) src(%dma_wait3A_185 : memref<64x128xf32, #tpu.memory_space<hbm>>) dst(%arg8 : memref<64x128xf32, #tpu.memory_space<vmem>>)
      %slice3A_186 = vector.extract_strided_slice %get3A_173 {offsets = [0], sizes = [1], strides = [1]} : vector<16xi32> to vector<1xi32>
      %squeeze3A_187 = vector.extract %slice3A_186[0] : i32 from vector<1xi32>
      %and3A = arith.constant 127 : i32
      %and3A_188 = arith.andi %squeeze3A_187, %and3A : i32
      %broadcast_in_dim3A = vector.broadcast %and3A_188 : i32 to vector<16xi32>
      %mul3A_189 = arith.constant 16 : i32
      %mul3A_190 = arith.muli %scan3A_167, %mul3A_189 : i32
      %add3A_191 = arith.constant 0 : i32
      %add3A_192 = arith.addi %mul3A_190, %add3A_191 : i32
      %broadcast_in_dim3A_193 = vector.broadcast %add3A_192 : i32 to vector<16xi32>
      %gather3A = tpu.vector_load_idx %arg8[%add3A_5, %broadcast_in_dim3A] : memref<64x128xf32, #tpu.memory_space<vmem>>[vector<16xi32>, vector<16xi32>], vector<16xf32>,
      tpu.vector_store_idx %arg6[%add3A_5, %broadcast_in_dim3A_193], %gather3A : memref<64x128xf32, #tpu.memory_space<vmem>>[vector<16xi32>, vector<16xi32>], vector<16xf32>,
      %gather3A_194 = tpu.vector_load_idx %arg8[%add3A_9, %broadcast_in_dim3A] : memref<64x128xf32, #tpu.memory_space<vmem>>[vector<16xi32>, vector<16xi32>], vector<16xf32>,
      tpu.vector_store_idx %arg6[%add3A_9, %broadcast_in_dim3A_193], %gather3A_194 : memref<64x128xf32, #tpu.memory_space<vmem>>[vector<16xi32>, vector<16xi32>], vector<16xf32>,
      %gather3A_195 = tpu.vector_load_idx %arg8[%add3A_13, %broadcast_in_dim3A] : memref<64x128xf32, #tpu.memory_space<vmem>>[vector<16xi32>, vector<16xi32>], vector<16xf32>,
      tpu.vector_store_idx %arg6[%add3A_13, %broadcast_in_dim3A_193], %gather3A_195 : memref<64x128xf32, #tpu.memory_space<vmem>>[vector<16xi32>, vector<16xi32>], vector<16xf32>,
      %gather3A_196 = tpu.vector_load_idx %arg8[%add3A_17, %broadcast_in_dim3A] : memref<64x128xf32, #tpu.memory_space<vmem>>[vector<16xi32>, vector<16xi32>], vector<16xf32>,
      tpu.vector_store_idx %arg6[%add3A_17, %broadcast_in_dim3A_193], %gather3A_196 : memref<64x128xf32, #tpu.memory_space<vmem>>[vector<16xi32>, vector<16xi32>], vector<16xf32>,
      %lt3A = arith.constant 504 : i32
      %lt3A_197 = arith.cmpi slt, %add3A_179, %lt3A : i32
      %convert_element_type3A = arith.extui %lt3A_197 : i1 to i32
      %cond3A = arith.constant 0 : i32
      %cond3A_198 = arith.cmpi ne, %convert_element_type3A, %cond3A : i32
      scf.if %cond3A_198 {
        %slice3A_604 = vector.extract_strided_slice %get3A_177 {offsets = [0], sizes = [1], strides = [1]} : vector<16xi32> to vector<1xi32>
        %squeeze3A_605 = vector.extract %slice3A_604[0] : i32 from vector<1xi32>
        %shift_right_logical3A_606 = arith.constant 7 : i32
        %shift_right_logical3A_607 = arith.shrui %squeeze3A_605, %shift_right_logical3A_606 : i32
        %shift_left3A_608 = arith.constant 7 : i32
        %shift_left3A_609 = arith.shli %shift_right_logical3A_607, %shift_left3A_608 : i32
        %multiple_of3A_610 = tpu.assume_multiple %shift_left3A_609, 128 : i32
        %dma_start3A_611 = arith.constant 0 : i32
        %dma_start3A_612 = tpu.memref_slice %arg3[%dma_start3A_611, %multiple_of3A_610] : memref<64x1000000xf32, #tpu.memory_space<hbm>> -> memref<64x128xf32, #tpu.memory_space<hbm>>
        %dma_start3A_613 = arith.constant 0 : i32
        %dma_start3A_614 = tpu.memref_slice %arg3[%dma_start3A_613, %multiple_of3A_610] : memref<64x1000000xf32, #tpu.memory_space<hbm>> -> memref<64x128xf32, #tpu.memory_space<hbm>>
        tpu.enqueue_dma source(%dma_start3A_614 : memref<64x128xf32, #tpu.memory_space<hbm>>) target(%arg8 : memref<64x128xf32, #tpu.memory_space<vmem>>) target_semaphore(%arg16 : memref<!tpu.dma_semaphore, #tpu.memory_space<semaphore_mem>>)
      } else {
      }
      %add3A_199 = arith.constant 1 : i32
      %add3A_200 = arith.addi %add3A_171, %add3A_199 : i32
      %dma_wait3A_201 = arith.constant 0 : i32
      %dma_wait3A_202 = arith.constant 0 : i32
      %dma_wait3A_203 = tpu.memref_slice %arg3[%dma_wait3A_201, %dma_wait3A_202] : memref<64x1000000xf32, #tpu.memory_space<hbm>> -> memref<64x128xf32, #tpu.memory_space<hbm>>
      %dma_wait3A_204 = arith.constant 0 : i32
      %dma_wait3A_205 = arith.constant 0 : i32
      %dma_wait3A_206 = tpu.memref_slice %arg3[%dma_wait3A_204, %dma_wait3A_205] : memref<64x1000000xf32, #tpu.memory_space<hbm>> -> memref<64x128xf32, #tpu.memory_space<hbm>>
      tpu.wait_dma2 semaphore(%arg17 : memref<!tpu.dma_semaphore, #tpu.memory_space<semaphore_mem>>) src(%dma_wait3A_206 : memref<64x128xf32, #tpu.memory_space<hbm>>) dst(%arg9 : memref<64x128xf32, #tpu.memory_space<vmem>>)
      %slice3A_207 = vector.extract_strided_slice %get3A_173 {offsets = [1], sizes = [1], strides = [1]} : vector<16xi32> to vector<1xi32>
      %squeeze3A_208 = vector.extract %slice3A_207[0] : i32 from vector<1xi32>
      %and3A_209 = arith.constant 127 : i32
      %and3A_210 = arith.andi %squeeze3A_208, %and3A_209 : i32
      %broadcast_in_dim3A_211 = vector.broadcast %and3A_210 : i32 to vector<16xi32>
      %mul3A_212 = arith.constant 16 : i32
      %mul3A_213 = arith.muli %scan3A_167, %mul3A_212 : i32
      %add3A_214 = arith.constant 1 : i32
      %add3A_215 = arith.addi %mul3A_213, %add3A_214 : i32
      %broadcast_in_dim3A_216 = vector.broadcast %add3A_215 : i32 to vector<16xi32>
      %gather3A_217 = tpu.vector_load_idx %arg9[%add3A_5, %broadcast_in_dim3A_211] : memref<64x128xf32, #tpu.memory_space<vmem>>[vector<16xi32>, vector<16xi32>], vector<16xf32>,
      tpu.vector_store_idx %arg6[%add3A_5, %broadcast_in_dim3A_216], %gather3A_217 : memref<64x128xf32, #tpu.memory_space<vmem>>[vector<16xi32>, vector<16xi32>], vector<16xf32>,
      %gather3A_218 = tpu.vector_load_idx %arg9[%add3A_9, %broadcast_in_dim3A_211] : memref<64x128xf32, #tpu.memory_space<vmem>>[vector<16xi32>, vector<16xi32>], vector<16xf32>,
      tpu.vector_store_idx %arg6[%add3A_9, %broadcast_in_dim3A_216], %gather3A_218 : memref<64x128xf32, #tpu.memory_space<vmem>>[vector<16xi32>, vector<16xi32>], vector<16xf32>,
      %gather3A_219 = tpu.vector_load_idx %arg9[%add3A_13, %broadcast_in_dim3A_211] : memref<64x128xf32, #tpu.memory_space<vmem>>[vector<16xi32>, vector<16xi32>], vector<16xf32>,
      tpu.vector_store_idx %arg6[%add3A_13, %broadcast_in_dim3A_216], %gather3A_219 : memref<64x128xf32, #tpu.memory_space<vmem>>[vector<16xi32>, vector<16xi32>], vector<16xf32>,
      %gather3A_220 = tpu.vector_load_idx %arg9[%add3A_17, %broadcast_in_dim3A_211] : memref<64x128xf32, #tpu.memory_space<vmem>>[vector<16xi32>, vector<16xi32>], vector<16xf32>,
      tpu.vector_store_idx %arg6[%add3A_17, %broadcast_in_dim3A_216], %gather3A_220 : memref<64x128xf32, #tpu.memory_space<vmem>>[vector<16xi32>, vector<16xi32>], vector<16xf32>,
      %lt3A_221 = arith.constant 504 : i32
      %lt3A_222 = arith.cmpi slt, %add3A_200, %lt3A_221 : i32
      %convert_element_type3A_223 = arith.extui %lt3A_222 : i1 to i32
      %cond3A_224 = arith.constant 0 : i32
      %cond3A_225 = arith.cmpi ne, %convert_element_type3A_223, %cond3A_224 : i32
      scf.if %cond3A_225 {
        %slice3A_604 = vector.extract_strided_slice %get3A_177 {offsets = [1], sizes = [1], strides = [1]} : vector<16xi32> to vector<1xi32>
        %squeeze3A_605 = vector.extract %slice3A_604[0] : i32 from vector<1xi32>
        %shift_right_logical3A_606 = arith.constant 7 : i32
        %shift_right_logical3A_607 = arith.shrui %squeeze3A_605, %shift_right_logical3A_606 : i32
        %shift_left3A_608 = arith.constant 7 : i32
        %shift_left3A_609 = arith.shli %shift_right_logical3A_607, %shift_left3A_608 : i32
        %multiple_of3A_610 = tpu.assume_multiple %shift_left3A_609, 128 : i32
        %dma_start3A_611 = arith.constant 0 : i32
        %dma_start3A_612 = tpu.memref_slice %arg3[%dma_start3A_611, %multiple_of3A_610] : memref<64x1000000xf32, #tpu.memory_space<hbm>> -> memref<64x128xf32, #tpu.memory_space<hbm>>
        %dma_start3A_613 = arith.constant 0 : i32
        %dma_start3A_614 = tpu.memref_slice %arg3[%dma_start3A_613, %multiple_of3A_610] : memref<64x1000000xf32, #tpu.memory_space<hbm>> -> memref<64x128xf32, #tpu.memory_space<hbm>>
        tpu.enqueue_dma source(%dma_start3A_614 : memref<64x128xf32, #tpu.memory_space<hbm>>) target(%arg9 : memref<64x128xf32, #tpu.memory_space<vmem>>) target_semaphore(%arg17 : memref<!tpu.dma_semaphore, #tpu.memory_space<semaphore_mem>>)
      } else {
      }
      %add3A_226 = arith.constant 2 : i32
      %add3A_227 = arith.addi %add3A_171, %add3A_226 : i32
      %dma_wait3A_228 = arith.constant 0 : i32
      %dma_wait3A_229 = arith.constant 0 : i32
      %dma_wait3A_230 = tpu.memref_slice %arg3[%dma_wait3A_228, %dma_wait3A_229] : memref<64x1000000xf32, #tpu.memory_space<hbm>> -> memref<64x128xf32, #tpu.memory_space<hbm>>
      %dma_wait3A_231 = arith.constant 0 : i32
      %dma_wait3A_232 = arith.constant 0 : i32
      %dma_wait3A_233 = tpu.memref_slice %arg3[%dma_wait3A_231, %dma_wait3A_232] : memref<64x1000000xf32, #tpu.memory_space<hbm>> -> memref<64x128xf32, #tpu.memory_space<hbm>>
      tpu.wait_dma2 semaphore(%arg18 : memref<!tpu.dma_semaphore, #tpu.memory_space<semaphore_mem>>) src(%dma_wait3A_233 : memref<64x128xf32, #tpu.memory_space<hbm>>) dst(%arg10 : memref<64x128xf32, #tpu.memory_space<vmem>>)
      %slice3A_234 = vector.extract_strided_slice %get3A_173 {offsets = [2], sizes = [1], strides = [1]} : vector<16xi32> to vector<1xi32>
      %squeeze3A_235 = vector.extract %slice3A_234[0] : i32 from vector<1xi32>
      %and3A_236 = arith.constant 127 : i32
      %and3A_237 = arith.andi %squeeze3A_235, %and3A_236 : i32
      %broadcast_in_dim3A_238 = vector.broadcast %and3A_237 : i32 to vector<16xi32>
      %mul3A_239 = arith.constant 16 : i32
      %mul3A_240 = arith.muli %scan3A_167, %mul3A_239 : i32
      %add3A_241 = arith.constant 2 : i32
      %add3A_242 = arith.addi %mul3A_240, %add3A_241 : i32
      %broadcast_in_dim3A_243 = vector.broadcast %add3A_242 : i32 to vector<16xi32>
      %gather3A_244 = tpu.vector_load_idx %arg10[%add3A_5, %broadcast_in_dim3A_238] : memref<64x128xf32, #tpu.memory_space<vmem>>[vector<16xi32>, vector<16xi32>], vector<16xf32>,
      tpu.vector_store_idx %arg6[%add3A_5, %broadcast_in_dim3A_243], %gather3A_244 : memref<64x128xf32, #tpu.memory_space<vmem>>[vector<16xi32>, vector<16xi32>], vector<16xf32>,
      %gather3A_245 = tpu.vector_load_idx %arg10[%add3A_9, %broadcast_in_dim3A_238] : memref<64x128xf32, #tpu.memory_space<vmem>>[vector<16xi32>, vector<16xi32>], vector<16xf32>,
      tpu.vector_store_idx %arg6[%add3A_9, %broadcast_in_dim3A_243], %gather3A_245 : memref<64x128xf32, #tpu.memory_space<vmem>>[vector<16xi32>, vector<16xi32>], vector<16xf32>,
      %gather3A_246 = tpu.vector_load_idx %arg10[%add3A_13, %broadcast_in_dim3A_238] : memref<64x128xf32, #tpu.memory_space<vmem>>[vector<16xi32>, vector<16xi32>], vector<16xf32>,
      tpu.vector_store_idx %arg6[%add3A_13, %broadcast_in_dim3A_243], %gather3A_246 : memref<64x128xf32, #tpu.memory_space<vmem>>[vector<16xi32>, vector<16xi32>], vector<16xf32>,
      %gather3A_247 = tpu.vector_load_idx %arg10[%add3A_17, %broadcast_in_dim3A_238] : memref<64x128xf32, #tpu.memory_space<vmem>>[vector<16xi32>, vector<16xi32>], vector<16xf32>,
      tpu.vector_store_idx %arg6[%add3A_17, %broadcast_in_dim3A_243], %gather3A_247 : memref<64x128xf32, #tpu.memory_space<vmem>>[vector<16xi32>, vector<16xi32>], vector<16xf32>,
      %lt3A_248 = arith.constant 504 : i32
      %lt3A_249 = arith.cmpi slt, %add3A_227, %lt3A_248 : i32
      %convert_element_type3A_250 = arith.extui %lt3A_249 : i1 to i32
      %cond3A_251 = arith.constant 0 : i32
      %cond3A_252 = arith.cmpi ne, %convert_element_type3A_250, %cond3A_251 : i32
      scf.if %cond3A_252 {
        %slice3A_604 = vector.extract_strided_slice %get3A_177 {offsets = [2], sizes = [1], strides = [1]} : vector<16xi32> to vector<1xi32>
        %squeeze3A_605 = vector.extract %slice3A_604[0] : i32 from vector<1xi32>
        %shift_right_logical3A_606 = arith.constant 7 : i32
        %shift_right_logical3A_607 = arith.shrui %squeeze3A_605, %shift_right_logical3A_606 : i32
        %shift_left3A_608 = arith.constant 7 : i32
        %shift_left3A_609 = arith.shli %shift_right_logical3A_607, %shift_left3A_608 : i32
        %multiple_of3A_610 = tpu.assume_multiple %shift_left3A_609, 128 : i32
        %dma_start3A_611 = arith.constant 0 : i32
        %dma_start3A_612 = tpu.memref_slice %arg3[%dma_start3A_611, %multiple_of3A_610] : memref<64x1000000xf32, #tpu.memory_space<hbm>> -> memref<64x128xf32, #tpu.memory_space<hbm>>
        %dma_start3A_613 = arith.constant 0 : i32
        %dma_start3A_614 = tpu.memref_slice %arg3[%dma_start3A_613, %multiple_of3A_610] : memref<64x1000000xf32, #tpu.memory_space<hbm>> -> memref<64x128xf32, #tpu.memory_space<hbm>>
        tpu.enqueue_dma source(%dma_start3A_614 : memref<64x128xf32, #tpu.memory_space<hbm>>) target(%arg10 : memref<64x128xf32, #tpu.memory_space<vmem>>) target_semaphore(%arg18 : memref<!tpu.dma_semaphore, #tpu.memory_space<semaphore_mem>>)
      } else {
      }
      %add3A_253 = arith.constant 3 : i32
      %add3A_254 = arith.addi %add3A_171, %add3A_253 : i32
      %dma_wait3A_255 = arith.constant 0 : i32
      %dma_wait3A_256 = arith.constant 0 : i32
      %dma_wait3A_257 = tpu.memref_slice %arg3[%dma_wait3A_255, %dma_wait3A_256] : memref<64x1000000xf32, #tpu.memory_space<hbm>> -> memref<64x128xf32, #tpu.memory_space<hbm>>
      %dma_wait3A_258 = arith.constant 0 : i32
      %dma_wait3A_259 = arith.constant 0 : i32
      %dma_wait3A_260 = tpu.memref_slice %arg3[%dma_wait3A_258, %dma_wait3A_259] : memref<64x1000000xf32, #tpu.memory_space<hbm>> -> memref<64x128xf32, #tpu.memory_space<hbm>>
      tpu.wait_dma2 semaphore(%arg19 : memref<!tpu.dma_semaphore, #tpu.memory_space<semaphore_mem>>) src(%dma_wait3A_260 : memref<64x128xf32, #tpu.memory_space<hbm>>) dst(%arg11 : memref<64x128xf32, #tpu.memory_space<vmem>>)
      %slice3A_261 = vector.extract_strided_slice %get3A_173 {offsets = [3], sizes = [1], strides = [1]} : vector<16xi32> to vector<1xi32>
      %squeeze3A_262 = vector.extract %slice3A_261[0] : i32 from vector<1xi32>
      %and3A_263 = arith.constant 127 : i32
      %and3A_264 = arith.andi %squeeze3A_262, %and3A_263 : i32
      %broadcast_in_dim3A_265 = vector.broadcast %and3A_264 : i32 to vector<16xi32>
      %mul3A_266 = arith.constant 16 : i32
      %mul3A_267 = arith.muli %scan3A_167, %mul3A_266 : i32
      %add3A_268 = arith.constant 3 : i32
      %add3A_269 = arith.addi %mul3A_267, %add3A_268 : i32
      %broadcast_in_dim3A_270 = vector.broadcast %add3A_269 : i32 to vector<16xi32>
      %gather3A_271 = tpu.vector_load_idx %arg11[%add3A_5, %broadcast_in_dim3A_265] : memref<64x128xf32, #tpu.memory_space<vmem>>[vector<16xi32>, vector<16xi32>], vector<16xf32>,
      tpu.vector_store_idx %arg6[%add3A_5, %broadcast_in_dim3A_270], %gather3A_271 : memref<64x128xf32, #tpu.memory_space<vmem>>[vector<16xi32>, vector<16xi32>], vector<16xf32>,
      %gather3A_272 = tpu.vector_load_idx %arg11[%add3A_9, %broadcast_in_dim3A_265] : memref<64x128xf32, #tpu.memory_space<vmem>>[vector<16xi32>, vector<16xi32>], vector<16xf32>,
      tpu.vector_store_idx %arg6[%add3A_9, %broadcast_in_dim3A_270], %gather3A_272 : memref<64x128xf32, #tpu.memory_space<vmem>>[vector<16xi32>, vector<16xi32>], vector<16xf32>,
      %gather3A_273 = tpu.vector_load_idx %arg11[%add3A_13, %broadcast_in_dim3A_265] : memref<64x128xf32, #tpu.memory_space<vmem>>[vector<16xi32>, vector<16xi32>], vector<16xf32>,
      tpu.vector_store_idx %arg6[%add3A_13, %broadcast_in_dim3A_270], %gather3A_273 : memref<64x128xf32, #tpu.memory_space<vmem>>[vector<16xi32>, vector<16xi32>], vector<16xf32>,
      %gather3A_274 = tpu.vector_load_idx %arg11[%add3A_17, %broadcast_in_dim3A_265] : memref<64x128xf32, #tpu.memory_space<vmem>>[vector<16xi32>, vector<16xi32>], vector<16xf32>,
      tpu.vector_store_idx %arg6[%add3A_17, %broadcast_in_dim3A_270], %gather3A_274 : memref<64x128xf32, #tpu.memory_space<vmem>>[vector<16xi32>, vector<16xi32>], vector<16xf32>,
      %lt3A_275 = arith.constant 504 : i32
      %lt3A_276 = arith.cmpi slt, %add3A_254, %lt3A_275 : i32
      %convert_element_type3A_277 = arith.extui %lt3A_276 : i1 to i32
      %cond3A_278 = arith.constant 0 : i32
      %cond3A_279 = arith.cmpi ne, %convert_element_type3A_277, %cond3A_278 : i32
      scf.if %cond3A_279 {
        %slice3A_604 = vector.extract_strided_slice %get3A_177 {offsets = [3], sizes = [1], strides = [1]} : vector<16xi32> to vector<1xi32>
        %squeeze3A_605 = vector.extract %slice3A_604[0] : i32 from vector<1xi32>
        %shift_right_logical3A_606 = arith.constant 7 : i32
        %shift_right_logical3A_607 = arith.shrui %squeeze3A_605, %shift_right_logical3A_606 : i32
        %shift_left3A_608 = arith.constant 7 : i32
        %shift_left3A_609 = arith.shli %shift_right_logical3A_607, %shift_left3A_608 : i32
        %multiple_of3A_610 = tpu.assume_multiple %shift_left3A_609, 128 : i32
        %dma_start3A_611 = arith.constant 0 : i32
        %dma_start3A_612 = tpu.memref_slice %arg3[%dma_start3A_611, %multiple_of3A_610] : memref<64x1000000xf32, #tpu.memory_space<hbm>> -> memref<64x128xf32, #tpu.memory_space<hbm>>
        %dma_start3A_613 = arith.constant 0 : i32
        %dma_start3A_614 = tpu.memref_slice %arg3[%dma_start3A_613, %multiple_of3A_610] : memref<64x1000000xf32, #tpu.memory_space<hbm>> -> memref<64x128xf32, #tpu.memory_space<hbm>>
        tpu.enqueue_dma source(%dma_start3A_614 : memref<64x128xf32, #tpu.memory_space<hbm>>) target(%arg11 : memref<64x128xf32, #tpu.memory_space<vmem>>) target_semaphore(%arg19 : memref<!tpu.dma_semaphore, #tpu.memory_space<semaphore_mem>>)
      } else {
      }
      %add3A_280 = arith.constant 4 : i32
      %add3A_281 = arith.addi %add3A_171, %add3A_280 : i32
      %dma_wait3A_282 = arith.constant 0 : i32
      %dma_wait3A_283 = arith.constant 0 : i32
      %dma_wait3A_284 = tpu.memref_slice %arg3[%dma_wait3A_282, %dma_wait3A_283] : memref<64x1000000xf32, #tpu.memory_space<hbm>> -> memref<64x128xf32, #tpu.memory_space<hbm>>
      %dma_wait3A_285 = arith.constant 0 : i32
      %dma_wait3A_286 = arith.constant 0 : i32
      %dma_wait3A_287 = tpu.memref_slice %arg3[%dma_wait3A_285, %dma_wait3A_286] : memref<64x1000000xf32, #tpu.memory_space<hbm>> -> memref<64x128xf32, #tpu.memory_space<hbm>>
      tpu.wait_dma2 semaphore(%arg20 : memref<!tpu.dma_semaphore, #tpu.memory_space<semaphore_mem>>) src(%dma_wait3A_287 : memref<64x128xf32, #tpu.memory_space<hbm>>) dst(%arg12 : memref<64x128xf32, #tpu.memory_space<vmem>>)
      %slice3A_288 = vector.extract_strided_slice %get3A_173 {offsets = [4], sizes = [1], strides = [1]} : vector<16xi32> to vector<1xi32>
      %squeeze3A_289 = vector.extract %slice3A_288[0] : i32 from vector<1xi32>
      %and3A_290 = arith.constant 127 : i32
      %and3A_291 = arith.andi %squeeze3A_289, %and3A_290 : i32
      %broadcast_in_dim3A_292 = vector.broadcast %and3A_291 : i32 to vector<16xi32>
      %mul3A_293 = arith.constant 16 : i32
      %mul3A_294 = arith.muli %scan3A_167, %mul3A_293 : i32
      %add3A_295 = arith.constant 4 : i32
      %add3A_296 = arith.addi %mul3A_294, %add3A_295 : i32
      %broadcast_in_dim3A_297 = vector.broadcast %add3A_296 : i32 to vector<16xi32>
      %gather3A_298 = tpu.vector_load_idx %arg12[%add3A_5, %broadcast_in_dim3A_292] : memref<64x128xf32, #tpu.memory_space<vmem>>[vector<16xi32>, vector<16xi32>], vector<16xf32>,
      tpu.vector_store_idx %arg6[%add3A_5, %broadcast_in_dim3A_297], %gather3A_298 : memref<64x128xf32, #tpu.memory_space<vmem>>[vector<16xi32>, vector<16xi32>], vector<16xf32>,
      %gather3A_299 = tpu.vector_load_idx %arg12[%add3A_9, %broadcast_in_dim3A_292] : memref<64x128xf32, #tpu.memory_space<vmem>>[vector<16xi32>, vector<16xi32>], vector<16xf32>,
      tpu.vector_store_idx %arg6[%add3A_9, %broadcast_in_dim3A_297], %gather3A_299 : memref<64x128xf32, #tpu.memory_space<vmem>>[vector<16xi32>, vector<16xi32>], vector<16xf32>,
      %gather3A_300 = tpu.vector_load_idx %arg12[%add3A_13, %broadcast_in_dim3A_292] : memref<64x128xf32, #tpu.memory_space<vmem>>[vector<16xi32>, vector<16xi32>], vector<16xf32>,
      tpu.vector_store_idx %arg6[%add3A_13, %broadcast_in_dim3A_297], %gather3A_300 : memref<64x128xf32, #tpu.memory_space<vmem>>[vector<16xi32>, vector<16xi32>], vector<16xf32>,
      %gather3A_301 = tpu.vector_load_idx %arg12[%add3A_17, %broadcast_in_dim3A_292] : memref<64x128xf32, #tpu.memory_space<vmem>>[vector<16xi32>, vector<16xi32>], vector<16xf32>,
      tpu.vector_store_idx %arg6[%add3A_17, %broadcast_in_dim3A_297], %gather3A_301 : memref<64x128xf32, #tpu.memory_space<vmem>>[vector<16xi32>, vector<16xi32>], vector<16xf32>,
      %lt3A_302 = arith.constant 504 : i32
      %lt3A_303 = arith.cmpi slt, %add3A_281, %lt3A_302 : i32
      %convert_element_type3A_304 = arith.extui %lt3A_303 : i1 to i32
      %cond3A_305 = arith.constant 0 : i32
      %cond3A_306 = arith.cmpi ne, %convert_element_type3A_304, %cond3A_305 : i32
      scf.if %cond3A_306 {
        %slice3A_604 = vector.extract_strided_slice %get3A_177 {offsets = [4], sizes = [1], strides = [1]} : vector<16xi32> to vector<1xi32>
        %squeeze3A_605 = vector.extract %slice3A_604[0] : i32 from vector<1xi32>
        %shift_right_logical3A_606 = arith.constant 7 : i32
        %shift_right_logical3A_607 = arith.shrui %squeeze3A_605, %shift_right_logical3A_606 : i32
        %shift_left3A_608 = arith.constant 7 : i32
        %shift_left3A_609 = arith.shli %shift_right_logical3A_607, %shift_left3A_608 : i32
        %multiple_of3A_610 = tpu.assume_multiple %shift_left3A_609, 128 : i32
        %dma_start3A_611 = arith.constant 0 : i32
        %dma_start3A_612 = tpu.memref_slice %arg3[%dma_start3A_611, %multiple_of3A_610] : memref<64x1000000xf32, #tpu.memory_space<hbm>> -> memref<64x128xf32, #tpu.memory_space<hbm>>
        %dma_start3A_613 = arith.constant 0 : i32
        %dma_start3A_614 = tpu.memref_slice %arg3[%dma_start3A_613, %multiple_of3A_610] : memref<64x1000000xf32, #tpu.memory_space<hbm>> -> memref<64x128xf32, #tpu.memory_space<hbm>>
        tpu.enqueue_dma source(%dma_start3A_614 : memref<64x128xf32, #tpu.memory_space<hbm>>) target(%arg12 : memref<64x128xf32, #tpu.memory_space<vmem>>) target_semaphore(%arg20 : memref<!tpu.dma_semaphore, #tpu.memory_space<semaphore_mem>>)
      } else {
      }
      %add3A_307 = arith.constant 5 : i32
      %add3A_308 = arith.addi %add3A_171, %add3A_307 : i32
      %dma_wait3A_309 = arith.constant 0 : i32
      %dma_wait3A_310 = arith.constant 0 : i32
      %dma_wait3A_311 = tpu.memref_slice %arg3[%dma_wait3A_309, %dma_wait3A_310] : memref<64x1000000xf32, #tpu.memory_space<hbm>> -> memref<64x128xf32, #tpu.memory_space<hbm>>
      %dma_wait3A_312 = arith.constant 0 : i32
      %dma_wait3A_313 = arith.constant 0 : i32
      %dma_wait3A_314 = tpu.memref_slice %arg3[%dma_wait3A_312, %dma_wait3A_313] : memref<64x1000000xf32, #tpu.memory_space<hbm>> -> memref<64x128xf32, #tpu.memory_space<hbm>>
      tpu.wait_dma2 semaphore(%arg21 : memref<!tpu.dma_semaphore, #tpu.memory_space<semaphore_mem>>) src(%dma_wait3A_314 : memref<64x128xf32, #tpu.memory_space<hbm>>) dst(%arg13 : memref<64x128xf32, #tpu.memory_space<vmem>>)
      %slice3A_315 = vector.extract_strided_slice %get3A_173 {offsets = [5], sizes = [1], strides = [1]} : vector<16xi32> to vector<1xi32>
      %squeeze3A_316 = vector.extract %slice3A_315[0] : i32 from vector<1xi32>
      %and3A_317 = arith.constant 127 : i32
      %and3A_318 = arith.andi %squeeze3A_316, %and3A_317 : i32
      %broadcast_in_dim3A_319 = vector.broadcast %and3A_318 : i32 to vector<16xi32>
      %mul3A_320 = arith.constant 16 : i32
      %mul3A_321 = arith.muli %scan3A_167, %mul3A_320 : i32
      %add3A_322 = arith.constant 5 : i32
      %add3A_323 = arith.addi %mul3A_321, %add3A_322 : i32
      %broadcast_in_dim3A_324 = vector.broadcast %add3A_323 : i32 to vector<16xi32>
      %gather3A_325 = tpu.vector_load_idx %arg13[%add3A_5, %broadcast_in_dim3A_319] : memref<64x128xf32, #tpu.memory_space<vmem>>[vector<16xi32>, vector<16xi32>], vector<16xf32>,
      tpu.vector_store_idx %arg6[%add3A_5, %broadcast_in_dim3A_324], %gather3A_325 : memref<64x128xf32, #tpu.memory_space<vmem>>[vector<16xi32>, vector<16xi32>], vector<16xf32>,
      %gather3A_326 = tpu.vector_load_idx %arg13[%add3A_9, %broadcast_in_dim3A_319] : memref<64x128xf32, #tpu.memory_space<vmem>>[vector<16xi32>, vector<16xi32>], vector<16xf32>,
      tpu.vector_store_idx %arg6[%add3A_9, %broadcast_in_dim3A_324], %gather3A_326 : memref<64x128xf32, #tpu.memory_space<vmem>>[vector<16xi32>, vector<16xi32>], vector<16xf32>,
      %gather3A_327 = tpu.vector_load_idx %arg13[%add3A_13, %broadcast_in_dim3A_319] : memref<64x128xf32, #tpu.memory_space<vmem>>[vector<16xi32>, vector<16xi32>], vector<16xf32>,
      tpu.vector_store_idx %arg6[%add3A_13, %broadcast_in_dim3A_324], %gather3A_327 : memref<64x128xf32, #tpu.memory_space<vmem>>[vector<16xi32>, vector<16xi32>], vector<16xf32>,
      %gather3A_328 = tpu.vector_load_idx %arg13[%add3A_17, %broadcast_in_dim3A_319] : memref<64x128xf32, #tpu.memory_space<vmem>>[vector<16xi32>, vector<16xi32>], vector<16xf32>,
      tpu.vector_store_idx %arg6[%add3A_17, %broadcast_in_dim3A_324], %gather3A_328 : memref<64x128xf32, #tpu.memory_space<vmem>>[vector<16xi32>, vector<16xi32>], vector<16xf32>,
      %lt3A_329 = arith.constant 504 : i32
      %lt3A_330 = arith.cmpi slt, %add3A_308, %lt3A_329 : i32
      %convert_element_type3A_331 = arith.extui %lt3A_330 : i1 to i32
      %cond3A_332 = arith.constant 0 : i32
      %cond3A_333 = arith.cmpi ne, %convert_element_type3A_331, %cond3A_332 : i32
      scf.if %cond3A_333 {
        %slice3A_604 = vector.extract_strided_slice %get3A_177 {offsets = [5], sizes = [1], strides = [1]} : vector<16xi32> to vector<1xi32>
        %squeeze3A_605 = vector.extract %slice3A_604[0] : i32 from vector<1xi32>
        %shift_right_logical3A_606 = arith.constant 7 : i32
        %shift_right_logical3A_607 = arith.shrui %squeeze3A_605, %shift_right_logical3A_606 : i32
        %shift_left3A_608 = arith.constant 7 : i32
        %shift_left3A_609 = arith.shli %shift_right_logical3A_607, %shift_left3A_608 : i32
        %multiple_of3A_610 = tpu.assume_multiple %shift_left3A_609, 128 : i32
        %dma_start3A_611 = arith.constant 0 : i32
        %dma_start3A_612 = tpu.memref_slice %arg3[%dma_start3A_611, %multiple_of3A_610] : memref<64x1000000xf32, #tpu.memory_space<hbm>> -> memref<64x128xf32, #tpu.memory_space<hbm>>
        %dma_start3A_613 = arith.constant 0 : i32
        %dma_start3A_614 = tpu.memref_slice %arg3[%dma_start3A_613, %multiple_of3A_610] : memref<64x1000000xf32, #tpu.memory_space<hbm>> -> memref<64x128xf32, #tpu.memory_space<hbm>>
        tpu.enqueue_dma source(%dma_start3A_614 : memref<64x128xf32, #tpu.memory_space<hbm>>) target(%arg13 : memref<64x128xf32, #tpu.memory_space<vmem>>) target_semaphore(%arg21 : memref<!tpu.dma_semaphore, #tpu.memory_space<semaphore_mem>>)
      } else {
      }
      %add3A_334 = arith.constant 6 : i32
      %add3A_335 = arith.addi %add3A_171, %add3A_334 : i32
      %dma_wait3A_336 = arith.constant 0 : i32
      %dma_wait3A_337 = arith.constant 0 : i32
      %dma_wait3A_338 = tpu.memref_slice %arg3[%dma_wait3A_336, %dma_wait3A_337] : memref<64x1000000xf32, #tpu.memory_space<hbm>> -> memref<64x128xf32, #tpu.memory_space<hbm>>
      %dma_wait3A_339 = arith.constant 0 : i32
      %dma_wait3A_340 = arith.constant 0 : i32
      %dma_wait3A_341 = tpu.memref_slice %arg3[%dma_wait3A_339, %dma_wait3A_340] : memref<64x1000000xf32, #tpu.memory_space<hbm>> -> memref<64x128xf32, #tpu.memory_space<hbm>>
      tpu.wait_dma2 semaphore(%arg22 : memref<!tpu.dma_semaphore, #tpu.memory_space<semaphore_mem>>) src(%dma_wait3A_341 : memref<64x128xf32, #tpu.memory_space<hbm>>) dst(%arg14 : memref<64x128xf32, #tpu.memory_space<vmem>>)
      %slice3A_342 = vector.extract_strided_slice %get3A_173 {offsets = [6], sizes = [1], strides = [1]} : vector<16xi32> to vector<1xi32>
      %squeeze3A_343 = vector.extract %slice3A_342[0] : i32 from vector<1xi32>
      %and3A_344 = arith.constant 127 : i32
      %and3A_345 = arith.andi %squeeze3A_343, %and3A_344 : i32
      %broadcast_in_dim3A_346 = vector.broadcast %and3A_345 : i32 to vector<16xi32>
      %mul3A_347 = arith.constant 16 : i32
      %mul3A_348 = arith.muli %scan3A_167, %mul3A_347 : i32
      %add3A_349 = arith.constant 6 : i32
      %add3A_350 = arith.addi %mul3A_348, %add3A_349 : i32
      %broadcast_in_dim3A_351 = vector.broadcast %add3A_350 : i32 to vector<16xi32>
      %gather3A_352 = tpu.vector_load_idx %arg14[%add3A_5, %broadcast_in_dim3A_346] : memref<64x128xf32, #tpu.memory_space<vmem>>[vector<16xi32>, vector<16xi32>], vector<16xf32>,
      tpu.vector_store_idx %arg6[%add3A_5, %broadcast_in_dim3A_351], %gather3A_352 : memref<64x128xf32, #tpu.memory_space<vmem>>[vector<16xi32>, vector<16xi32>], vector<16xf32>,
      %gather3A_353 = tpu.vector_load_idx %arg14[%add3A_9, %broadcast_in_dim3A_346] : memref<64x128xf32, #tpu.memory_space<vmem>>[vector<16xi32>, vector<16xi32>], vector<16xf32>,
      tpu.vector_store_idx %arg6[%add3A_9, %broadcast_in_dim3A_351], %gather3A_353 : memref<64x128xf32, #tpu.memory_space<vmem>>[vector<16xi32>, vector<16xi32>], vector<16xf32>,
      %gather3A_354 = tpu.vector_load_idx %arg14[%add3A_13, %broadcast_in_dim3A_346] : memref<64x128xf32, #tpu.memory_space<vmem>>[vector<16xi32>, vector<16xi32>], vector<16xf32>,
      tpu.vector_store_idx %arg6[%add3A_13, %broadcast_in_dim3A_351], %gather3A_354 : memref<64x128xf32, #tpu.memory_space<vmem>>[vector<16xi32>, vector<16xi32>], vector<16xf32>,
      %gather3A_355 = tpu.vector_load_idx %arg14[%add3A_17, %broadcast_in_dim3A_346] : memref<64x128xf32, #tpu.memory_space<vmem>>[vector<16xi32>, vector<16xi32>], vector<16xf32>,
      tpu.vector_store_idx %arg6[%add3A_17, %broadcast_in_dim3A_351], %gather3A_355 : memref<64x128xf32, #tpu.memory_space<vmem>>[vector<16xi32>, vector<16xi32>], vector<16xf32>,
      %lt3A_356 = arith.constant 504 : i32
      %lt3A_357 = arith.cmpi slt, %add3A_335, %lt3A_356 : i32
      %convert_element_type3A_358 = arith.extui %lt3A_357 : i1 to i32
      %cond3A_359 = arith.constant 0 : i32
      %cond3A_360 = arith.cmpi ne, %convert_element_type3A_358, %cond3A_359 : i32
      scf.if %cond3A_360 {
        %slice3A_604 = vector.extract_strided_slice %get3A_177 {offsets = [6], sizes = [1], strides = [1]} : vector<16xi32> to vector<1xi32>
        %squeeze3A_605 = vector.extract %slice3A_604[0] : i32 from vector<1xi32>
        %shift_right_logical3A_606 = arith.constant 7 : i32
        %shift_right_logical3A_607 = arith.shrui %squeeze3A_605, %shift_right_logical3A_606 : i32
        %shift_left3A_608 = arith.constant 7 : i32
        %shift_left3A_609 = arith.shli %shift_right_logical3A_607, %shift_left3A_608 : i32
        %multiple_of3A_610 = tpu.assume_multiple %shift_left3A_609, 128 : i32
        %dma_start3A_611 = arith.constant 0 : i32
        %dma_start3A_612 = tpu.memref_slice %arg3[%dma_start3A_611, %multiple_of3A_610] : memref<64x1000000xf32, #tpu.memory_space<hbm>> -> memref<64x128xf32, #tpu.memory_space<hbm>>
        %dma_start3A_613 = arith.constant 0 : i32
        %dma_start3A_614 = tpu.memref_slice %arg3[%dma_start3A_613, %multiple_of3A_610] : memref<64x1000000xf32, #tpu.memory_space<hbm>> -> memref<64x128xf32, #tpu.memory_space<hbm>>
        tpu.enqueue_dma source(%dma_start3A_614 : memref<64x128xf32, #tpu.memory_space<hbm>>) target(%arg14 : memref<64x128xf32, #tpu.memory_space<vmem>>) target_semaphore(%arg22 : memref<!tpu.dma_semaphore, #tpu.memory_space<semaphore_mem>>)
      } else {
      }
      %add3A_361 = arith.constant 7 : i32
      %add3A_362 = arith.addi %add3A_171, %add3A_361 : i32
      %dma_wait3A_363 = arith.constant 0 : i32
      %dma_wait3A_364 = arith.constant 0 : i32
      %dma_wait3A_365 = tpu.memref_slice %arg3[%dma_wait3A_363, %dma_wait3A_364] : memref<64x1000000xf32, #tpu.memory_space<hbm>> -> memref<64x128xf32, #tpu.memory_space<hbm>>
      %dma_wait3A_366 = arith.constant 0 : i32
      %dma_wait3A_367 = arith.constant 0 : i32
      %dma_wait3A_368 = tpu.memref_slice %arg3[%dma_wait3A_366, %dma_wait3A_367] : memref<64x1000000xf32, #tpu.memory_space<hbm>> -> memref<64x128xf32, #tpu.memory_space<hbm>>
      tpu.wait_dma2 semaphore(%arg23 : memref<!tpu.dma_semaphore, #tpu.memory_space<semaphore_mem>>) src(%dma_wait3A_368 : memref<64x128xf32, #tpu.memory_space<hbm>>) dst(%arg15 : memref<64x128xf32, #tpu.memory_space<vmem>>)
      %slice3A_369 = vector.extract_strided_slice %get3A_173 {offsets = [7], sizes = [1], strides = [1]} : vector<16xi32> to vector<1xi32>
      %squeeze3A_370 = vector.extract %slice3A_369[0] : i32 from vector<1xi32>
      %and3A_371 = arith.constant 127 : i32
      %and3A_372 = arith.andi %squeeze3A_370, %and3A_371 : i32
      %broadcast_in_dim3A_373 = vector.broadcast %and3A_372 : i32 to vector<16xi32>
      %mul3A_374 = arith.constant 16 : i32
      %mul3A_375 = arith.muli %scan3A_167, %mul3A_374 : i32
      %add3A_376 = arith.constant 7 : i32
      %add3A_377 = arith.addi %mul3A_375, %add3A_376 : i32
      %broadcast_in_dim3A_378 = vector.broadcast %add3A_377 : i32 to vector<16xi32>
      %gather3A_379 = tpu.vector_load_idx %arg15[%add3A_5, %broadcast_in_dim3A_373] : memref<64x128xf32, #tpu.memory_space<vmem>>[vector<16xi32>, vector<16xi32>], vector<16xf32>,
      tpu.vector_store_idx %arg6[%add3A_5, %broadcast_in_dim3A_378], %gather3A_379 : memref<64x128xf32, #tpu.memory_space<vmem>>[vector<16xi32>, vector<16xi32>], vector<16xf32>,
      %gather3A_380 = tpu.vector_load_idx %arg15[%add3A_9, %broadcast_in_dim3A_373] : memref<64x128xf32, #tpu.memory_space<vmem>>[vector<16xi32>, vector<16xi32>], vector<16xf32>,
      tpu.vector_store_idx %arg6[%add3A_9, %broadcast_in_dim3A_378], %gather3A_380 : memref<64x128xf32, #tpu.memory_space<vmem>>[vector<16xi32>, vector<16xi32>], vector<16xf32>,
      %gather3A_381 = tpu.vector_load_idx %arg15[%add3A_13, %broadcast_in_dim3A_373] : memref<64x128xf32, #tpu.memory_space<vmem>>[vector<16xi32>, vector<16xi32>], vector<16xf32>,
      tpu.vector_store_idx %arg6[%add3A_13, %broadcast_in_dim3A_378], %gather3A_381 : memref<64x128xf32, #tpu.memory_space<vmem>>[vector<16xi32>, vector<16xi32>], vector<16xf32>,
      %gather3A_382 = tpu.vector_load_idx %arg15[%add3A_17, %broadcast_in_dim3A_373] : memref<64x128xf32, #tpu.memory_space<vmem>>[vector<16xi32>, vector<16xi32>], vector<16xf32>,
      tpu.vector_store_idx %arg6[%add3A_17, %broadcast_in_dim3A_378], %gather3A_382 : memref<64x128xf32, #tpu.memory_space<vmem>>[vector<16xi32>, vector<16xi32>], vector<16xf32>,
      %lt3A_383 = arith.constant 504 : i32
      %lt3A_384 = arith.cmpi slt, %add3A_362, %lt3A_383 : i32
      %convert_element_type3A_385 = arith.extui %lt3A_384 : i1 to i32
      %cond3A_386 = arith.constant 0 : i32
      %cond3A_387 = arith.cmpi ne, %convert_element_type3A_385, %cond3A_386 : i32
      scf.if %cond3A_387 {
        %slice3A_604 = vector.extract_strided_slice %get3A_177 {offsets = [7], sizes = [1], strides = [1]} : vector<16xi32> to vector<1xi32>
        %squeeze3A_605 = vector.extract %slice3A_604[0] : i32 from vector<1xi32>
        %shift_right_logical3A_606 = arith.constant 7 : i32
        %shift_right_logical3A_607 = arith.shrui %squeeze3A_605, %shift_right_logical3A_606 : i32
        %shift_left3A_608 = arith.constant 7 : i32
        %shift_left3A_609 = arith.shli %shift_right_logical3A_607, %shift_left3A_608 : i32
        %multiple_of3A_610 = tpu.assume_multiple %shift_left3A_609, 128 : i32
        %dma_start3A_611 = arith.constant 0 : i32
        %dma_start3A_612 = tpu.memref_slice %arg3[%dma_start3A_611, %multiple_of3A_610] : memref<64x1000000xf32, #tpu.memory_space<hbm>> -> memref<64x128xf32, #tpu.memory_space<hbm>>
        %dma_start3A_613 = arith.constant 0 : i32
        %dma_start3A_614 = tpu.memref_slice %arg3[%dma_start3A_613, %multiple_of3A_610] : memref<64x1000000xf32, #tpu.memory_space<hbm>> -> memref<64x128xf32, #tpu.memory_space<hbm>>
        tpu.enqueue_dma source(%dma_start3A_614 : memref<64x128xf32, #tpu.memory_space<hbm>>) target(%arg15 : memref<64x128xf32, #tpu.memory_space<vmem>>) target_semaphore(%arg23 : memref<!tpu.dma_semaphore, #tpu.memory_space<semaphore_mem>>)
      } else {
      }
      %add3A_388 = arith.constant 8 : i32
      %add3A_389 = arith.addi %add3A_171, %add3A_388 : i32
      %dma_wait3A_390 = arith.constant 0 : i32
      %dma_wait3A_391 = arith.constant 0 : i32
      %dma_wait3A_392 = tpu.memref_slice %arg3[%dma_wait3A_390, %dma_wait3A_391] : memref<64x1000000xf32, #tpu.memory_space<hbm>> -> memref<64x128xf32, #tpu.memory_space<hbm>>
      %dma_wait3A_393 = arith.constant 0 : i32
      %dma_wait3A_394 = arith.constant 0 : i32
      %dma_wait3A_395 = tpu.memref_slice %arg3[%dma_wait3A_393, %dma_wait3A_394] : memref<64x1000000xf32, #tpu.memory_space<hbm>> -> memref<64x128xf32, #tpu.memory_space<hbm>>
      tpu.wait_dma2 semaphore(%arg16 : memref<!tpu.dma_semaphore, #tpu.memory_space<semaphore_mem>>) src(%dma_wait3A_395 : memref<64x128xf32, #tpu.memory_space<hbm>>) dst(%arg8 : memref<64x128xf32, #tpu.memory_space<vmem>>)
      %slice3A_396 = vector.extract_strided_slice %get3A_173 {offsets = [8], sizes = [1], strides = [1]} : vector<16xi32> to vector<1xi32>
      %squeeze3A_397 = vector.extract %slice3A_396[0] : i32 from vector<1xi32>
      %and3A_398 = arith.constant 127 : i32
      %and3A_399 = arith.andi %squeeze3A_397, %and3A_398 : i32
      %broadcast_in_dim3A_400 = vector.broadcast %and3A_399 : i32 to vector<16xi32>
      %mul3A_401 = arith.constant 16 : i32
      %mul3A_402 = arith.muli %scan3A_167, %mul3A_401 : i32
      %add3A_403 = arith.constant 8 : i32
      %add3A_404 = arith.addi %mul3A_402, %add3A_403 : i32
      %broadcast_in_dim3A_405 = vector.broadcast %add3A_404 : i32 to vector<16xi32>
      %gather3A_406 = tpu.vector_load_idx %arg8[%add3A_5, %broadcast_in_dim3A_400] : memref<64x128xf32, #tpu.memory_space<vmem>>[vector<16xi32>, vector<16xi32>], vector<16xf32>,
      tpu.vector_store_idx %arg6[%add3A_5, %broadcast_in_dim3A_405], %gather3A_406 : memref<64x128xf32, #tpu.memory_space<vmem>>[vector<16xi32>, vector<16xi32>], vector<16xf32>,
      %gather3A_407 = tpu.vector_load_idx %arg8[%add3A_9, %broadcast_in_dim3A_400] : memref<64x128xf32, #tpu.memory_space<vmem>>[vector<16xi32>, vector<16xi32>], vector<16xf32>,
      tpu.vector_store_idx %arg6[%add3A_9, %broadcast_in_dim3A_405], %gather3A_407 : memref<64x128xf32, #tpu.memory_space<vmem>>[vector<16xi32>, vector<16xi32>], vector<16xf32>,
      %gather3A_408 = tpu.vector_load_idx %arg8[%add3A_13, %broadcast_in_dim3A_400] : memref<64x128xf32, #tpu.memory_space<vmem>>[vector<16xi32>, vector<16xi32>], vector<16xf32>,
      tpu.vector_store_idx %arg6[%add3A_13, %broadcast_in_dim3A_405], %gather3A_408 : memref<64x128xf32, #tpu.memory_space<vmem>>[vector<16xi32>, vector<16xi32>], vector<16xf32>,
      %gather3A_409 = tpu.vector_load_idx %arg8[%add3A_17, %broadcast_in_dim3A_400] : memref<64x128xf32, #tpu.memory_space<vmem>>[vector<16xi32>, vector<16xi32>], vector<16xf32>,
      tpu.vector_store_idx %arg6[%add3A_17, %broadcast_in_dim3A_405], %gather3A_409 : memref<64x128xf32, #tpu.memory_space<vmem>>[vector<16xi32>, vector<16xi32>], vector<16xf32>,
      %lt3A_410 = arith.constant 504 : i32
      %lt3A_411 = arith.cmpi slt, %add3A_389, %lt3A_410 : i32
      %convert_element_type3A_412 = arith.extui %lt3A_411 : i1 to i32
      %cond3A_413 = arith.constant 0 : i32
      %cond3A_414 = arith.cmpi ne, %convert_element_type3A_412, %cond3A_413 : i32
      scf.if %cond3A_414 {
        %slice3A_604 = vector.extract_strided_slice %get3A_177 {offsets = [8], sizes = [1], strides = [1]} : vector<16xi32> to vector<1xi32>
        %squeeze3A_605 = vector.extract %slice3A_604[0] : i32 from vector<1xi32>
        %shift_right_logical3A_606 = arith.constant 7 : i32
        %shift_right_logical3A_607 = arith.shrui %squeeze3A_605, %shift_right_logical3A_606 : i32
        %shift_left3A_608 = arith.constant 7 : i32
        %shift_left3A_609 = arith.shli %shift_right_logical3A_607, %shift_left3A_608 : i32
        %multiple_of3A_610 = tpu.assume_multiple %shift_left3A_609, 128 : i32
        %dma_start3A_611 = arith.constant 0 : i32
        %dma_start3A_612 = tpu.memref_slice %arg3[%dma_start3A_611, %multiple_of3A_610] : memref<64x1000000xf32, #tpu.memory_space<hbm>> -> memref<64x128xf32, #tpu.memory_space<hbm>>
        %dma_start3A_613 = arith.constant 0 : i32
        %dma_start3A_614 = tpu.memref_slice %arg3[%dma_start3A_613, %multiple_of3A_610] : memref<64x1000000xf32, #tpu.memory_space<hbm>> -> memref<64x128xf32, #tpu.memory_space<hbm>>
        tpu.enqueue_dma source(%dma_start3A_614 : memref<64x128xf32, #tpu.memory_space<hbm>>) target(%arg8 : memref<64x128xf32, #tpu.memory_space<vmem>>) target_semaphore(%arg16 : memref<!tpu.dma_semaphore, #tpu.memory_space<semaphore_mem>>)
      } else {
      }
      %add3A_415 = arith.constant 9 : i32
      %add3A_416 = arith.addi %add3A_171, %add3A_415 : i32
      %dma_wait3A_417 = arith.constant 0 : i32
      %dma_wait3A_418 = arith.constant 0 : i32
      %dma_wait3A_419 = tpu.memref_slice %arg3[%dma_wait3A_417, %dma_wait3A_418] : memref<64x1000000xf32, #tpu.memory_space<hbm>> -> memref<64x128xf32, #tpu.memory_space<hbm>>
      %dma_wait3A_420 = arith.constant 0 : i32
      %dma_wait3A_421 = arith.constant 0 : i32
      %dma_wait3A_422 = tpu.memref_slice %arg3[%dma_wait3A_420, %dma_wait3A_421] : memref<64x1000000xf32, #tpu.memory_space<hbm>> -> memref<64x128xf32, #tpu.memory_space<hbm>>
      tpu.wait_dma2 semaphore(%arg17 : memref<!tpu.dma_semaphore, #tpu.memory_space<semaphore_mem>>) src(%dma_wait3A_422 : memref<64x128xf32, #tpu.memory_space<hbm>>) dst(%arg9 : memref<64x128xf32, #tpu.memory_space<vmem>>)
      %slice3A_423 = vector.extract_strided_slice %get3A_173 {offsets = [9], sizes = [1], strides = [1]} : vector<16xi32> to vector<1xi32>
      %squeeze3A_424 = vector.extract %slice3A_423[0] : i32 from vector<1xi32>
      %and3A_425 = arith.constant 127 : i32
      %and3A_426 = arith.andi %squeeze3A_424, %and3A_425 : i32
      %broadcast_in_dim3A_427 = vector.broadcast %and3A_426 : i32 to vector<16xi32>
      %mul3A_428 = arith.constant 16 : i32
      %mul3A_429 = arith.muli %scan3A_167, %mul3A_428 : i32
      %add3A_430 = arith.constant 9 : i32
      %add3A_431 = arith.addi %mul3A_429, %add3A_430 : i32
      %broadcast_in_dim3A_432 = vector.broadcast %add3A_431 : i32 to vector<16xi32>
      %gather3A_433 = tpu.vector_load_idx %arg9[%add3A_5, %broadcast_in_dim3A_427] : memref<64x128xf32, #tpu.memory_space<vmem>>[vector<16xi32>, vector<16xi32>], vector<16xf32>,
      tpu.vector_store_idx %arg6[%add3A_5, %broadcast_in_dim3A_432], %gather3A_433 : memref<64x128xf32, #tpu.memory_space<vmem>>[vector<16xi32>, vector<16xi32>], vector<16xf32>,
      %gather3A_434 = tpu.vector_load_idx %arg9[%add3A_9, %broadcast_in_dim3A_427] : memref<64x128xf32, #tpu.memory_space<vmem>>[vector<16xi32>, vector<16xi32>], vector<16xf32>,
      tpu.vector_store_idx %arg6[%add3A_9, %broadcast_in_dim3A_432], %gather3A_434 : memref<64x128xf32, #tpu.memory_space<vmem>>[vector<16xi32>, vector<16xi32>], vector<16xf32>,
      %gather3A_435 = tpu.vector_load_idx %arg9[%add3A_13, %broadcast_in_dim3A_427] : memref<64x128xf32, #tpu.memory_space<vmem>>[vector<16xi32>, vector<16xi32>], vector<16xf32>,
      tpu.vector_store_idx %arg6[%add3A_13, %broadcast_in_dim3A_432], %gather3A_435 : memref<64x128xf32, #tpu.memory_space<vmem>>[vector<16xi32>, vector<16xi32>], vector<16xf32>,
      %gather3A_436 = tpu.vector_load_idx %arg9[%add3A_17, %broadcast_in_dim3A_427] : memref<64x128xf32, #tpu.memory_space<vmem>>[vector<16xi32>, vector<16xi32>], vector<16xf32>,
      tpu.vector_store_idx %arg6[%add3A_17, %broadcast_in_dim3A_432], %gather3A_436 : memref<64x128xf32, #tpu.memory_space<vmem>>[vector<16xi32>, vector<16xi32>], vector<16xf32>,
      %lt3A_437 = arith.constant 504 : i32
      %lt3A_438 = arith.cmpi slt, %add3A_416, %lt3A_437 : i32
      %convert_element_type3A_439 = arith.extui %lt3A_438 : i1 to i32
      %cond3A_440 = arith.constant 0 : i32
      %cond3A_441 = arith.cmpi ne, %convert_element_type3A_439, %cond3A_440 : i32
      scf.if %cond3A_441 {
        %slice3A_604 = vector.extract_strided_slice %get3A_177 {offsets = [9], sizes = [1], strides = [1]} : vector<16xi32> to vector<1xi32>
        %squeeze3A_605 = vector.extract %slice3A_604[0] : i32 from vector<1xi32>
        %shift_right_logical3A_606 = arith.constant 7 : i32
        %shift_right_logical3A_607 = arith.shrui %squeeze3A_605, %shift_right_logical3A_606 : i32
        %shift_left3A_608 = arith.constant 7 : i32
        %shift_left3A_609 = arith.shli %shift_right_logical3A_607, %shift_left3A_608 : i32
        %multiple_of3A_610 = tpu.assume_multiple %shift_left3A_609, 128 : i32
        %dma_start3A_611 = arith.constant 0 : i32
        %dma_start3A_612 = tpu.memref_slice %arg3[%dma_start3A_611, %multiple_of3A_610] : memref<64x1000000xf32, #tpu.memory_space<hbm>> -> memref<64x128xf32, #tpu.memory_space<hbm>>
        %dma_start3A_613 = arith.constant 0 : i32
        %dma_start3A_614 = tpu.memref_slice %arg3[%dma_start3A_613, %multiple_of3A_610] : memref<64x1000000xf32, #tpu.memory_space<hbm>> -> memref<64x128xf32, #tpu.memory_space<hbm>>
        tpu.enqueue_dma source(%dma_start3A_614 : memref<64x128xf32, #tpu.memory_space<hbm>>) target(%arg9 : memref<64x128xf32, #tpu.memory_space<vmem>>) target_semaphore(%arg17 : memref<!tpu.dma_semaphore, #tpu.memory_space<semaphore_mem>>)
      } else {
      }
      %add3A_442 = arith.constant 10 : i32
      %add3A_443 = arith.addi %add3A_171, %add3A_442 : i32
      %dma_wait3A_444 = arith.constant 0 : i32
      %dma_wait3A_445 = arith.constant 0 : i32
      %dma_wait3A_446 = tpu.memref_slice %arg3[%dma_wait3A_444, %dma_wait3A_445] : memref<64x1000000xf32, #tpu.memory_space<hbm>> -> memref<64x128xf32, #tpu.memory_space<hbm>>
      %dma_wait3A_447 = arith.constant 0 : i32
      %dma_wait3A_448 = arith.constant 0 : i32
      %dma_wait3A_449 = tpu.memref_slice %arg3[%dma_wait3A_447, %dma_wait3A_448] : memref<64x1000000xf32, #tpu.memory_space<hbm>> -> memref<64x128xf32, #tpu.memory_space<hbm>>
      tpu.wait_dma2 semaphore(%arg18 : memref<!tpu.dma_semaphore, #tpu.memory_space<semaphore_mem>>) src(%dma_wait3A_449 : memref<64x128xf32, #tpu.memory_space<hbm>>) dst(%arg10 : memref<64x128xf32, #tpu.memory_space<vmem>>)
      %slice3A_450 = vector.extract_strided_slice %get3A_173 {offsets = [10], sizes = [1], strides = [1]} : vector<16xi32> to vector<1xi32>
      %squeeze3A_451 = vector.extract %slice3A_450[0] : i32 from vector<1xi32>
      %and3A_452 = arith.constant 127 : i32
      %and3A_453 = arith.andi %squeeze3A_451, %and3A_452 : i32
      %broadcast_in_dim3A_454 = vector.broadcast %and3A_453 : i32 to vector<16xi32>
      %mul3A_455 = arith.constant 16 : i32
      %mul3A_456 = arith.muli %scan3A_167, %mul3A_455 : i32
      %add3A_457 = arith.constant 10 : i32
      %add3A_458 = arith.addi %mul3A_456, %add3A_457 : i32
      %broadcast_in_dim3A_459 = vector.broadcast %add3A_458 : i32 to vector<16xi32>
      %gather3A_460 = tpu.vector_load_idx %arg10[%add3A_5, %broadcast_in_dim3A_454] : memref<64x128xf32, #tpu.memory_space<vmem>>[vector<16xi32>, vector<16xi32>], vector<16xf32>,
      tpu.vector_store_idx %arg6[%add3A_5, %broadcast_in_dim3A_459], %gather3A_460 : memref<64x128xf32, #tpu.memory_space<vmem>>[vector<16xi32>, vector<16xi32>], vector<16xf32>,
      %gather3A_461 = tpu.vector_load_idx %arg10[%add3A_9, %broadcast_in_dim3A_454] : memref<64x128xf32, #tpu.memory_space<vmem>>[vector<16xi32>, vector<16xi32>], vector<16xf32>,
      tpu.vector_store_idx %arg6[%add3A_9, %broadcast_in_dim3A_459], %gather3A_461 : memref<64x128xf32, #tpu.memory_space<vmem>>[vector<16xi32>, vector<16xi32>], vector<16xf32>,
      %gather3A_462 = tpu.vector_load_idx %arg10[%add3A_13, %broadcast_in_dim3A_454] : memref<64x128xf32, #tpu.memory_space<vmem>>[vector<16xi32>, vector<16xi32>], vector<16xf32>,
      tpu.vector_store_idx %arg6[%add3A_13, %broadcast_in_dim3A_459], %gather3A_462 : memref<64x128xf32, #tpu.memory_space<vmem>>[vector<16xi32>, vector<16xi32>], vector<16xf32>,
      %gather3A_463 = tpu.vector_load_idx %arg10[%add3A_17, %broadcast_in_dim3A_454] : memref<64x128xf32, #tpu.memory_space<vmem>>[vector<16xi32>, vector<16xi32>], vector<16xf32>,
      tpu.vector_store_idx %arg6[%add3A_17, %broadcast_in_dim3A_459], %gather3A_463 : memref<64x128xf32, #tpu.memory_space<vmem>>[vector<16xi32>, vector<16xi32>], vector<16xf32>,
      %lt3A_464 = arith.constant 504 : i32
      %lt3A_465 = arith.cmpi slt, %add3A_443, %lt3A_464 : i32
      %convert_element_type3A_466 = arith.extui %lt3A_465 : i1 to i32
      %cond3A_467 = arith.constant 0 : i32
      %cond3A_468 = arith.cmpi ne, %convert_element_type3A_466, %cond3A_467 : i32
      scf.if %cond3A_468 {
        %slice3A_604 = vector.extract_strided_slice %get3A_177 {offsets = [10], sizes = [1], strides = [1]} : vector<16xi32> to vector<1xi32>
        %squeeze3A_605 = vector.extract %slice3A_604[0] : i32 from vector<1xi32>
        %shift_right_logical3A_606 = arith.constant 7 : i32
        %shift_right_logical3A_607 = arith.shrui %squeeze3A_605, %shift_right_logical3A_606 : i32
        %shift_left3A_608 = arith.constant 7 : i32
        %shift_left3A_609 = arith.shli %shift_right_logical3A_607, %shift_left3A_608 : i32
        %multiple_of3A_610 = tpu.assume_multiple %shift_left3A_609, 128 : i32
        %dma_start3A_611 = arith.constant 0 : i32
        %dma_start3A_612 = tpu.memref_slice %arg3[%dma_start3A_611, %multiple_of3A_610] : memref<64x1000000xf32, #tpu.memory_space<hbm>> -> memref<64x128xf32, #tpu.memory_space<hbm>>
        %dma_start3A_613 = arith.constant 0 : i32
        %dma_start3A_614 = tpu.memref_slice %arg3[%dma_start3A_613, %multiple_of3A_610] : memref<64x1000000xf32, #tpu.memory_space<hbm>> -> memref<64x128xf32, #tpu.memory_space<hbm>>
        tpu.enqueue_dma source(%dma_start3A_614 : memref<64x128xf32, #tpu.memory_space<hbm>>) target(%arg10 : memref<64x128xf32, #tpu.memory_space<vmem>>) target_semaphore(%arg18 : memref<!tpu.dma_semaphore, #tpu.memory_space<semaphore_mem>>)
      } else {
      }
      %add3A_469 = arith.constant 11 : i32
      %add3A_470 = arith.addi %add3A_171, %add3A_469 : i32
      %dma_wait3A_471 = arith.constant 0 : i32
      %dma_wait3A_472 = arith.constant 0 : i32
      %dma_wait3A_473 = tpu.memref_slice %arg3[%dma_wait3A_471, %dma_wait3A_472] : memref<64x1000000xf32, #tpu.memory_space<hbm>> -> memref<64x128xf32, #tpu.memory_space<hbm>>
      %dma_wait3A_474 = arith.constant 0 : i32
      %dma_wait3A_475 = arith.constant 0 : i32
      %dma_wait3A_476 = tpu.memref_slice %arg3[%dma_wait3A_474, %dma_wait3A_475] : memref<64x1000000xf32, #tpu.memory_space<hbm>> -> memref<64x128xf32, #tpu.memory_space<hbm>>
      tpu.wait_dma2 semaphore(%arg19 : memref<!tpu.dma_semaphore, #tpu.memory_space<semaphore_mem>>) src(%dma_wait3A_476 : memref<64x128xf32, #tpu.memory_space<hbm>>) dst(%arg11 : memref<64x128xf32, #tpu.memory_space<vmem>>)
      %slice3A_477 = vector.extract_strided_slice %get3A_173 {offsets = [11], sizes = [1], strides = [1]} : vector<16xi32> to vector<1xi32>
      %squeeze3A_478 = vector.extract %slice3A_477[0] : i32 from vector<1xi32>
      %and3A_479 = arith.constant 127 : i32
      %and3A_480 = arith.andi %squeeze3A_478, %and3A_479 : i32
      %broadcast_in_dim3A_481 = vector.broadcast %and3A_480 : i32 to vector<16xi32>
      %mul3A_482 = arith.constant 16 : i32
      %mul3A_483 = arith.muli %scan3A_167, %mul3A_482 : i32
      %add3A_484 = arith.constant 11 : i32
      %add3A_485 = arith.addi %mul3A_483, %add3A_484 : i32
      %broadcast_in_dim3A_486 = vector.broadcast %add3A_485 : i32 to vector<16xi32>
      %gather3A_487 = tpu.vector_load_idx %arg11[%add3A_5, %broadcast_in_dim3A_481] : memref<64x128xf32, #tpu.memory_space<vmem>>[vector<16xi32>, vector<16xi32>], vector<16xf32>,
      tpu.vector_store_idx %arg6[%add3A_5, %broadcast_in_dim3A_486], %gather3A_487 : memref<64x128xf32, #tpu.memory_space<vmem>>[vector<16xi32>, vector<16xi32>], vector<16xf32>,
      %gather3A_488 = tpu.vector_load_idx %arg11[%add3A_9, %broadcast_in_dim3A_481] : memref<64x128xf32, #tpu.memory_space<vmem>>[vector<16xi32>, vector<16xi32>], vector<16xf32>,
      tpu.vector_store_idx %arg6[%add3A_9, %broadcast_in_dim3A_486], %gather3A_488 : memref<64x128xf32, #tpu.memory_space<vmem>>[vector<16xi32>, vector<16xi32>], vector<16xf32>,
      %gather3A_489 = tpu.vector_load_idx %arg11[%add3A_13, %broadcast_in_dim3A_481] : memref<64x128xf32, #tpu.memory_space<vmem>>[vector<16xi32>, vector<16xi32>], vector<16xf32>,
      tpu.vector_store_idx %arg6[%add3A_13, %broadcast_in_dim3A_486], %gather3A_489 : memref<64x128xf32, #tpu.memory_space<vmem>>[vector<16xi32>, vector<16xi32>], vector<16xf32>,
      %gather3A_490 = tpu.vector_load_idx %arg11[%add3A_17, %broadcast_in_dim3A_481] : memref<64x128xf32, #tpu.memory_space<vmem>>[vector<16xi32>, vector<16xi32>], vector<16xf32>,
      tpu.vector_store_idx %arg6[%add3A_17, %broadcast_in_dim3A_486], %gather3A_490 : memref<64x128xf32, #tpu.memory_space<vmem>>[vector<16xi32>, vector<16xi32>], vector<16xf32>,
      %lt3A_491 = arith.constant 504 : i32
      %lt3A_492 = arith.cmpi slt, %add3A_470, %lt3A_491 : i32
      %convert_element_type3A_493 = arith.extui %lt3A_492 : i1 to i32
      %cond3A_494 = arith.constant 0 : i32
      %cond3A_495 = arith.cmpi ne, %convert_element_type3A_493, %cond3A_494 : i32
      scf.if %cond3A_495 {
        %slice3A_604 = vector.extract_strided_slice %get3A_177 {offsets = [11], sizes = [1], strides = [1]} : vector<16xi32> to vector<1xi32>
        %squeeze3A_605 = vector.extract %slice3A_604[0] : i32 from vector<1xi32>
        %shift_right_logical3A_606 = arith.constant 7 : i32
        %shift_right_logical3A_607 = arith.shrui %squeeze3A_605, %shift_right_logical3A_606 : i32
        %shift_left3A_608 = arith.constant 7 : i32
        %shift_left3A_609 = arith.shli %shift_right_logical3A_607, %shift_left3A_608 : i32
        %multiple_of3A_610 = tpu.assume_multiple %shift_left3A_609, 128 : i32
        %dma_start3A_611 = arith.constant 0 : i32
        %dma_start3A_612 = tpu.memref_slice %arg3[%dma_start3A_611, %multiple_of3A_610] : memref<64x1000000xf32, #tpu.memory_space<hbm>> -> memref<64x128xf32, #tpu.memory_space<hbm>>
        %dma_start3A_613 = arith.constant 0 : i32
        %dma_start3A_614 = tpu.memref_slice %arg3[%dma_start3A_613, %multiple_of3A_610] : memref<64x1000000xf32, #tpu.memory_space<hbm>> -> memref<64x128xf32, #tpu.memory_space<hbm>>
        tpu.enqueue_dma source(%dma_start3A_614 : memref<64x128xf32, #tpu.memory_space<hbm>>) target(%arg11 : memref<64x128xf32, #tpu.memory_space<vmem>>) target_semaphore(%arg19 : memref<!tpu.dma_semaphore, #tpu.memory_space<semaphore_mem>>)
      } else {
      }
      %add3A_496 = arith.constant 12 : i32
      %add3A_497 = arith.addi %add3A_171, %add3A_496 : i32
      %dma_wait3A_498 = arith.constant 0 : i32
      %dma_wait3A_499 = arith.constant 0 : i32
      %dma_wait3A_500 = tpu.memref_slice %arg3[%dma_wait3A_498, %dma_wait3A_499] : memref<64x1000000xf32, #tpu.memory_space<hbm>> -> memref<64x128xf32, #tpu.memory_space<hbm>>
      %dma_wait3A_501 = arith.constant 0 : i32
      %dma_wait3A_502 = arith.constant 0 : i32
      %dma_wait3A_503 = tpu.memref_slice %arg3[%dma_wait3A_501, %dma_wait3A_502] : memref<64x1000000xf32, #tpu.memory_space<hbm>> -> memref<64x128xf32, #tpu.memory_space<hbm>>
      tpu.wait_dma2 semaphore(%arg20 : memref<!tpu.dma_semaphore, #tpu.memory_space<semaphore_mem>>) src(%dma_wait3A_503 : memref<64x128xf32, #tpu.memory_space<hbm>>) dst(%arg12 : memref<64x128xf32, #tpu.memory_space<vmem>>)
      %slice3A_504 = vector.extract_strided_slice %get3A_173 {offsets = [12], sizes = [1], strides = [1]} : vector<16xi32> to vector<1xi32>
      %squeeze3A_505 = vector.extract %slice3A_504[0] : i32 from vector<1xi32>
      %and3A_506 = arith.constant 127 : i32
      %and3A_507 = arith.andi %squeeze3A_505, %and3A_506 : i32
      %broadcast_in_dim3A_508 = vector.broadcast %and3A_507 : i32 to vector<16xi32>
      %mul3A_509 = arith.constant 16 : i32
      %mul3A_510 = arith.muli %scan3A_167, %mul3A_509 : i32
      %add3A_511 = arith.constant 12 : i32
      %add3A_512 = arith.addi %mul3A_510, %add3A_511 : i32
      %broadcast_in_dim3A_513 = vector.broadcast %add3A_512 : i32 to vector<16xi32>
      %gather3A_514 = tpu.vector_load_idx %arg12[%add3A_5, %broadcast_in_dim3A_508] : memref<64x128xf32, #tpu.memory_space<vmem>>[vector<16xi32>, vector<16xi32>], vector<16xf32>,
      tpu.vector_store_idx %arg6[%add3A_5, %broadcast_in_dim3A_513], %gather3A_514 : memref<64x128xf32, #tpu.memory_space<vmem>>[vector<16xi32>, vector<16xi32>], vector<16xf32>,
      %gather3A_515 = tpu.vector_load_idx %arg12[%add3A_9, %broadcast_in_dim3A_508] : memref<64x128xf32, #tpu.memory_space<vmem>>[vector<16xi32>, vector<16xi32>], vector<16xf32>,
      tpu.vector_store_idx %arg6[%add3A_9, %broadcast_in_dim3A_513], %gather3A_515 : memref<64x128xf32, #tpu.memory_space<vmem>>[vector<16xi32>, vector<16xi32>], vector<16xf32>,
      %gather3A_516 = tpu.vector_load_idx %arg12[%add3A_13, %broadcast_in_dim3A_508] : memref<64x128xf32, #tpu.memory_space<vmem>>[vector<16xi32>, vector<16xi32>], vector<16xf32>,
      tpu.vector_store_idx %arg6[%add3A_13, %broadcast_in_dim3A_513], %gather3A_516 : memref<64x128xf32, #tpu.memory_space<vmem>>[vector<16xi32>, vector<16xi32>], vector<16xf32>,
      %gather3A_517 = tpu.vector_load_idx %arg12[%add3A_17, %broadcast_in_dim3A_508] : memref<64x128xf32, #tpu.memory_space<vmem>>[vector<16xi32>, vector<16xi32>], vector<16xf32>,
      tpu.vector_store_idx %arg6[%add3A_17, %broadcast_in_dim3A_513], %gather3A_517 : memref<64x128xf32, #tpu.memory_space<vmem>>[vector<16xi32>, vector<16xi32>], vector<16xf32>,
      %lt3A_518 = arith.constant 504 : i32
      %lt3A_519 = arith.cmpi slt, %add3A_497, %lt3A_518 : i32
      %convert_element_type3A_520 = arith.extui %lt3A_519 : i1 to i32
      %cond3A_521 = arith.constant 0 : i32
      %cond3A_522 = arith.cmpi ne, %convert_element_type3A_520, %cond3A_521 : i32
      scf.if %cond3A_522 {
        %slice3A_604 = vector.extract_strided_slice %get3A_177 {offsets = [12], sizes = [1], strides = [1]} : vector<16xi32> to vector<1xi32>
        %squeeze3A_605 = vector.extract %slice3A_604[0] : i32 from vector<1xi32>
        %shift_right_logical3A_606 = arith.constant 7 : i32
        %shift_right_logical3A_607 = arith.shrui %squeeze3A_605, %shift_right_logical3A_606 : i32
        %shift_left3A_608 = arith.constant 7 : i32
        %shift_left3A_609 = arith.shli %shift_right_logical3A_607, %shift_left3A_608 : i32
        %multiple_of3A_610 = tpu.assume_multiple %shift_left3A_609, 128 : i32
        %dma_start3A_611 = arith.constant 0 : i32
        %dma_start3A_612 = tpu.memref_slice %arg3[%dma_start3A_611, %multiple_of3A_610] : memref<64x1000000xf32, #tpu.memory_space<hbm>> -> memref<64x128xf32, #tpu.memory_space<hbm>>
        %dma_start3A_613 = arith.constant 0 : i32
        %dma_start3A_614 = tpu.memref_slice %arg3[%dma_start3A_613, %multiple_of3A_610] : memref<64x1000000xf32, #tpu.memory_space<hbm>> -> memref<64x128xf32, #tpu.memory_space<hbm>>
        tpu.enqueue_dma source(%dma_start3A_614 : memref<64x128xf32, #tpu.memory_space<hbm>>) target(%arg12 : memref<64x128xf32, #tpu.memory_space<vmem>>) target_semaphore(%arg20 : memref<!tpu.dma_semaphore, #tpu.memory_space<semaphore_mem>>)
      } else {
      }
      %add3A_523 = arith.constant 13 : i32
      %add3A_524 = arith.addi %add3A_171, %add3A_523 : i32
      %dma_wait3A_525 = arith.constant 0 : i32
      %dma_wait3A_526 = arith.constant 0 : i32
      %dma_wait3A_527 = tpu.memref_slice %arg3[%dma_wait3A_525, %dma_wait3A_526] : memref<64x1000000xf32, #tpu.memory_space<hbm>> -> memref<64x128xf32, #tpu.memory_space<hbm>>
      %dma_wait3A_528 = arith.constant 0 : i32
      %dma_wait3A_529 = arith.constant 0 : i32
      %dma_wait3A_530 = tpu.memref_slice %arg3[%dma_wait3A_528, %dma_wait3A_529] : memref<64x1000000xf32, #tpu.memory_space<hbm>> -> memref<64x128xf32, #tpu.memory_space<hbm>>
      tpu.wait_dma2 semaphore(%arg21 : memref<!tpu.dma_semaphore, #tpu.memory_space<semaphore_mem>>) src(%dma_wait3A_530 : memref<64x128xf32, #tpu.memory_space<hbm>>) dst(%arg13 : memref<64x128xf32, #tpu.memory_space<vmem>>)
      %slice3A_531 = vector.extract_strided_slice %get3A_173 {offsets = [13], sizes = [1], strides = [1]} : vector<16xi32> to vector<1xi32>
      %squeeze3A_532 = vector.extract %slice3A_531[0] : i32 from vector<1xi32>
      %and3A_533 = arith.constant 127 : i32
      %and3A_534 = arith.andi %squeeze3A_532, %and3A_533 : i32
      %broadcast_in_dim3A_535 = vector.broadcast %and3A_534 : i32 to vector<16xi32>
      %mul3A_536 = arith.constant 16 : i32
      %mul3A_537 = arith.muli %scan3A_167, %mul3A_536 : i32
      %add3A_538 = arith.constant 13 : i32
      %add3A_539 = arith.addi %mul3A_537, %add3A_538 : i32
      %broadcast_in_dim3A_540 = vector.broadcast %add3A_539 : i32 to vector<16xi32>
      %gather3A_541 = tpu.vector_load_idx %arg13[%add3A_5, %broadcast_in_dim3A_535] : memref<64x128xf32, #tpu.memory_space<vmem>>[vector<16xi32>, vector<16xi32>], vector<16xf32>,
      tpu.vector_store_idx %arg6[%add3A_5, %broadcast_in_dim3A_540], %gather3A_541 : memref<64x128xf32, #tpu.memory_space<vmem>>[vector<16xi32>, vector<16xi32>], vector<16xf32>,
      %gather3A_542 = tpu.vector_load_idx %arg13[%add3A_9, %broadcast_in_dim3A_535] : memref<64x128xf32, #tpu.memory_space<vmem>>[vector<16xi32>, vector<16xi32>], vector<16xf32>,
      tpu.vector_store_idx %arg6[%add3A_9, %broadcast_in_dim3A_540], %gather3A_542 : memref<64x128xf32, #tpu.memory_space<vmem>>[vector<16xi32>, vector<16xi32>], vector<16xf32>,
      %gather3A_543 = tpu.vector_load_idx %arg13[%add3A_13, %broadcast_in_dim3A_535] : memref<64x128xf32, #tpu.memory_space<vmem>>[vector<16xi32>, vector<16xi32>], vector<16xf32>,
      tpu.vector_store_idx %arg6[%add3A_13, %broadcast_in_dim3A_540], %gather3A_543 : memref<64x128xf32, #tpu.memory_space<vmem>>[vector<16xi32>, vector<16xi32>], vector<16xf32>,
      %gather3A_544 = tpu.vector_load_idx %arg13[%add3A_17, %broadcast_in_dim3A_535] : memref<64x128xf32, #tpu.memory_space<vmem>>[vector<16xi32>, vector<16xi32>], vector<16xf32>,
      tpu.vector_store_idx %arg6[%add3A_17, %broadcast_in_dim3A_540], %gather3A_544 : memref<64x128xf32, #tpu.memory_space<vmem>>[vector<16xi32>, vector<16xi32>], vector<16xf32>,
      %lt3A_545 = arith.constant 504 : i32
      %lt3A_546 = arith.cmpi slt, %add3A_524, %lt3A_545 : i32
      %convert_element_type3A_547 = arith.extui %lt3A_546 : i1 to i32
      %cond3A_548 = arith.constant 0 : i32
      %cond3A_549 = arith.cmpi ne, %convert_element_type3A_547, %cond3A_548 : i32
      scf.if %cond3A_549 {
        %slice3A_604 = vector.extract_strided_slice %get3A_177 {offsets = [13], sizes = [1], strides = [1]} : vector<16xi32> to vector<1xi32>
        %squeeze3A_605 = vector.extract %slice3A_604[0] : i32 from vector<1xi32>
        %shift_right_logical3A_606 = arith.constant 7 : i32
        %shift_right_logical3A_607 = arith.shrui %squeeze3A_605, %shift_right_logical3A_606 : i32
        %shift_left3A_608 = arith.constant 7 : i32
        %shift_left3A_609 = arith.shli %shift_right_logical3A_607, %shift_left3A_608 : i32
        %multiple_of3A_610 = tpu.assume_multiple %shift_left3A_609, 128 : i32
        %dma_start3A_611 = arith.constant 0 : i32
        %dma_start3A_612 = tpu.memref_slice %arg3[%dma_start3A_611, %multiple_of3A_610] : memref<64x1000000xf32, #tpu.memory_space<hbm>> -> memref<64x128xf32, #tpu.memory_space<hbm>>
        %dma_start3A_613 = arith.constant 0 : i32
        %dma_start3A_614 = tpu.memref_slice %arg3[%dma_start3A_613, %multiple_of3A_610] : memref<64x1000000xf32, #tpu.memory_space<hbm>> -> memref<64x128xf32, #tpu.memory_space<hbm>>
        tpu.enqueue_dma source(%dma_start3A_614 : memref<64x128xf32, #tpu.memory_space<hbm>>) target(%arg13 : memref<64x128xf32, #tpu.memory_space<vmem>>) target_semaphore(%arg21 : memref<!tpu.dma_semaphore, #tpu.memory_space<semaphore_mem>>)
      } else {
      }
      %add3A_550 = arith.constant 14 : i32
      %add3A_551 = arith.addi %add3A_171, %add3A_550 : i32
      %dma_wait3A_552 = arith.constant 0 : i32
      %dma_wait3A_553 = arith.constant 0 : i32
      %dma_wait3A_554 = tpu.memref_slice %arg3[%dma_wait3A_552, %dma_wait3A_553] : memref<64x1000000xf32, #tpu.memory_space<hbm>> -> memref<64x128xf32, #tpu.memory_space<hbm>>
      %dma_wait3A_555 = arith.constant 0 : i32
      %dma_wait3A_556 = arith.constant 0 : i32
      %dma_wait3A_557 = tpu.memref_slice %arg3[%dma_wait3A_555, %dma_wait3A_556] : memref<64x1000000xf32, #tpu.memory_space<hbm>> -> memref<64x128xf32, #tpu.memory_space<hbm>>
      tpu.wait_dma2 semaphore(%arg22 : memref<!tpu.dma_semaphore, #tpu.memory_space<semaphore_mem>>) src(%dma_wait3A_557 : memref<64x128xf32, #tpu.memory_space<hbm>>) dst(%arg14 : memref<64x128xf32, #tpu.memory_space<vmem>>)
      %slice3A_558 = vector.extract_strided_slice %get3A_173 {offsets = [14], sizes = [1], strides = [1]} : vector<16xi32> to vector<1xi32>
      %squeeze3A_559 = vector.extract %slice3A_558[0] : i32 from vector<1xi32>
      %and3A_560 = arith.constant 127 : i32
      %and3A_561 = arith.andi %squeeze3A_559, %and3A_560 : i32
      %broadcast_in_dim3A_562 = vector.broadcast %and3A_561 : i32 to vector<16xi32>
      %mul3A_563 = arith.constant 16 : i32
      %mul3A_564 = arith.muli %scan3A_167, %mul3A_563 : i32
      %add3A_565 = arith.constant 14 : i32
      %add3A_566 = arith.addi %mul3A_564, %add3A_565 : i32
      %broadcast_in_dim3A_567 = vector.broadcast %add3A_566 : i32 to vector<16xi32>
      %gather3A_568 = tpu.vector_load_idx %arg14[%add3A_5, %broadcast_in_dim3A_562] : memref<64x128xf32, #tpu.memory_space<vmem>>[vector<16xi32>, vector<16xi32>], vector<16xf32>,
      tpu.vector_store_idx %arg6[%add3A_5, %broadcast_in_dim3A_567], %gather3A_568 : memref<64x128xf32, #tpu.memory_space<vmem>>[vector<16xi32>, vector<16xi32>], vector<16xf32>,
      %gather3A_569 = tpu.vector_load_idx %arg14[%add3A_9, %broadcast_in_dim3A_562] : memref<64x128xf32, #tpu.memory_space<vmem>>[vector<16xi32>, vector<16xi32>], vector<16xf32>,
      tpu.vector_store_idx %arg6[%add3A_9, %broadcast_in_dim3A_567], %gather3A_569 : memref<64x128xf32, #tpu.memory_space<vmem>>[vector<16xi32>, vector<16xi32>], vector<16xf32>,
      %gather3A_570 = tpu.vector_load_idx %arg14[%add3A_13, %broadcast_in_dim3A_562] : memref<64x128xf32, #tpu.memory_space<vmem>>[vector<16xi32>, vector<16xi32>], vector<16xf32>,
      tpu.vector_store_idx %arg6[%add3A_13, %broadcast_in_dim3A_567], %gather3A_570 : memref<64x128xf32, #tpu.memory_space<vmem>>[vector<16xi32>, vector<16xi32>], vector<16xf32>,
      %gather3A_571 = tpu.vector_load_idx %arg14[%add3A_17, %broadcast_in_dim3A_562] : memref<64x128xf32, #tpu.memory_space<vmem>>[vector<16xi32>, vector<16xi32>], vector<16xf32>,
      tpu.vector_store_idx %arg6[%add3A_17, %broadcast_in_dim3A_567], %gather3A_571 : memref<64x128xf32, #tpu.memory_space<vmem>>[vector<16xi32>, vector<16xi32>], vector<16xf32>,
      %lt3A_572 = arith.constant 504 : i32
      %lt3A_573 = arith.cmpi slt, %add3A_551, %lt3A_572 : i32
      %convert_element_type3A_574 = arith.extui %lt3A_573 : i1 to i32
      %cond3A_575 = arith.constant 0 : i32
      %cond3A_576 = arith.cmpi ne, %convert_element_type3A_574, %cond3A_575 : i32
      scf.if %cond3A_576 {
        %slice3A_604 = vector.extract_strided_slice %get3A_177 {offsets = [14], sizes = [1], strides = [1]} : vector<16xi32> to vector<1xi32>
        %squeeze3A_605 = vector.extract %slice3A_604[0] : i32 from vector<1xi32>
        %shift_right_logical3A_606 = arith.constant 7 : i32
        %shift_right_logical3A_607 = arith.shrui %squeeze3A_605, %shift_right_logical3A_606 : i32
        %shift_left3A_608 = arith.constant 7 : i32
        %shift_left3A_609 = arith.shli %shift_right_logical3A_607, %shift_left3A_608 : i32
        %multiple_of3A_610 = tpu.assume_multiple %shift_left3A_609, 128 : i32
        %dma_start3A_611 = arith.constant 0 : i32
        %dma_start3A_612 = tpu.memref_slice %arg3[%dma_start3A_611, %multiple_of3A_610] : memref<64x1000000xf32, #tpu.memory_space<hbm>> -> memref<64x128xf32, #tpu.memory_space<hbm>>
        %dma_start3A_613 = arith.constant 0 : i32
        %dma_start3A_614 = tpu.memref_slice %arg3[%dma_start3A_613, %multiple_of3A_610] : memref<64x1000000xf32, #tpu.memory_space<hbm>> -> memref<64x128xf32, #tpu.memory_space<hbm>>
        tpu.enqueue_dma source(%dma_start3A_614 : memref<64x128xf32, #tpu.memory_space<hbm>>) target(%arg14 : memref<64x128xf32, #tpu.memory_space<vmem>>) target_semaphore(%arg22 : memref<!tpu.dma_semaphore, #tpu.memory_space<semaphore_mem>>)
      } else {
      }
      %add3A_577 = arith.constant 15 : i32
      %add3A_578 = arith.addi %add3A_171, %add3A_577 : i32
      %dma_wait3A_579 = arith.constant 0 : i32
      %dma_wait3A_580 = arith.constant 0 : i32
      %dma_wait3A_581 = tpu.memref_slice %arg3[%dma_wait3A_579, %dma_wait3A_580] : memref<64x1000000xf32, #tpu.memory_space<hbm>> -> memref<64x128xf32, #tpu.memory_space<hbm>>
      %dma_wait3A_582 = arith.constant 0 : i32
      %dma_wait3A_583 = arith.constant 0 : i32
      %dma_wait3A_584 = tpu.memref_slice %arg3[%dma_wait3A_582, %dma_wait3A_583] : memref<64x1000000xf32, #tpu.memory_space<hbm>> -> memref<64x128xf32, #tpu.memory_space<hbm>>
      tpu.wait_dma2 semaphore(%arg23 : memref<!tpu.dma_semaphore, #tpu.memory_space<semaphore_mem>>) src(%dma_wait3A_584 : memref<64x128xf32, #tpu.memory_space<hbm>>) dst(%arg15 : memref<64x128xf32, #tpu.memory_space<vmem>>)
      %slice3A_585 = vector.extract_strided_slice %get3A_173 {offsets = [15], sizes = [1], strides = [1]} : vector<16xi32> to vector<1xi32>
      %squeeze3A_586 = vector.extract %slice3A_585[0] : i32 from vector<1xi32>
      %and3A_587 = arith.constant 127 : i32
      %and3A_588 = arith.andi %squeeze3A_586, %and3A_587 : i32
      %broadcast_in_dim3A_589 = vector.broadcast %and3A_588 : i32 to vector<16xi32>
      %mul3A_590 = arith.constant 16 : i32
      %mul3A_591 = arith.muli %scan3A_167, %mul3A_590 : i32
      %add3A_592 = arith.constant 15 : i32
      %add3A_593 = arith.addi %mul3A_591, %add3A_592 : i32
      %broadcast_in_dim3A_594 = vector.broadcast %add3A_593 : i32 to vector<16xi32>
      %gather3A_595 = tpu.vector_load_idx %arg15[%add3A_5, %broadcast_in_dim3A_589] : memref<64x128xf32, #tpu.memory_space<vmem>>[vector<16xi32>, vector<16xi32>], vector<16xf32>,
      tpu.vector_store_idx %arg6[%add3A_5, %broadcast_in_dim3A_594], %gather3A_595 : memref<64x128xf32, #tpu.memory_space<vmem>>[vector<16xi32>, vector<16xi32>], vector<16xf32>,
      %gather3A_596 = tpu.vector_load_idx %arg15[%add3A_9, %broadcast_in_dim3A_589] : memref<64x128xf32, #tpu.memory_space<vmem>>[vector<16xi32>, vector<16xi32>], vector<16xf32>,
      tpu.vector_store_idx %arg6[%add3A_9, %broadcast_in_dim3A_594], %gather3A_596 : memref<64x128xf32, #tpu.memory_space<vmem>>[vector<16xi32>, vector<16xi32>], vector<16xf32>,
      %gather3A_597 = tpu.vector_load_idx %arg15[%add3A_13, %broadcast_in_dim3A_589] : memref<64x128xf32, #tpu.memory_space<vmem>>[vector<16xi32>, vector<16xi32>], vector<16xf32>,
      tpu.vector_store_idx %arg6[%add3A_13, %broadcast_in_dim3A_594], %gather3A_597 : memref<64x128xf32, #tpu.memory_space<vmem>>[vector<16xi32>, vector<16xi32>], vector<16xf32>,
      %gather3A_598 = tpu.vector_load_idx %arg15[%add3A_17, %broadcast_in_dim3A_589] : memref<64x128xf32, #tpu.memory_space<vmem>>[vector<16xi32>, vector<16xi32>], vector<16xf32>,
      tpu.vector_store_idx %arg6[%add3A_17, %broadcast_in_dim3A_594], %gather3A_598 : memref<64x128xf32, #tpu.memory_space<vmem>>[vector<16xi32>, vector<16xi32>], vector<16xf32>,
      %lt3A_599 = arith.constant 504 : i32
      %lt3A_600 = arith.cmpi slt, %add3A_578, %lt3A_599 : i32
      %convert_element_type3A_601 = arith.extui %lt3A_600 : i1 to i32
      %cond3A_602 = arith.constant 0 : i32
      %cond3A_603 = arith.cmpi ne, %convert_element_type3A_601, %cond3A_602 : i32
      scf.if %cond3A_603 {
        %slice3A_604 = vector.extract_strided_slice %get3A_177 {offsets = [15], sizes = [1], strides = [1]} : vector<16xi32> to vector<1xi32>
        %squeeze3A_605 = vector.extract %slice3A_604[0] : i32 from vector<1xi32>
        %shift_right_logical3A_606 = arith.constant 7 : i32
        %shift_right_logical3A_607 = arith.shrui %squeeze3A_605, %shift_right_logical3A_606 : i32
        %shift_left3A_608 = arith.constant 7 : i32
        %shift_left3A_609 = arith.shli %shift_right_logical3A_607, %shift_left3A_608 : i32
        %multiple_of3A_610 = tpu.assume_multiple %shift_left3A_609, 128 : i32
        %dma_start3A_611 = arith.constant 0 : i32
        %dma_start3A_612 = tpu.memref_slice %arg3[%dma_start3A_611, %multiple_of3A_610] : memref<64x1000000xf32, #tpu.memory_space<hbm>> -> memref<64x128xf32, #tpu.memory_space<hbm>>
        %dma_start3A_613 = arith.constant 0 : i32
        %dma_start3A_614 = tpu.memref_slice %arg3[%dma_start3A_613, %multiple_of3A_610] : memref<64x1000000xf32, #tpu.memory_space<hbm>> -> memref<64x128xf32, #tpu.memory_space<hbm>>
        tpu.enqueue_dma source(%dma_start3A_614 : memref<64x128xf32, #tpu.memory_space<hbm>>) target(%arg15 : memref<64x128xf32, #tpu.memory_space<vmem>>) target_semaphore(%arg23 : memref<!tpu.dma_semaphore, #tpu.memory_space<semaphore_mem>>)
      } else {
      }
    }
    %scan3A_131 = arith.constant 8 : i32
    %add3A_132 = arith.constant 256 : i32
    %add3A_133 = arith.addi %mul3A_2, %add3A_132 : i32
    %dma_start3A_134 = arith.constant 0 : i32
    %dma_start3A_135 = tpu.memref_slice %arg4[%dma_start3A_134, %add3A_133] : memref<64x16384xf32, #tpu.memory_space<hbm>> -> memref<64x128xf32, #tpu.memory_space<hbm>>
    %dma_start3A_136 = arith.constant 0 : i32
    %dma_start3A_137 = tpu.memref_slice %arg4[%dma_start3A_136, %add3A_133] : memref<64x16384xf32, #tpu.memory_space<hbm>> -> memref<64x128xf32, #tpu.memory_space<hbm>>
    tpu.enqueue_dma source(%arg6 : memref<64x128xf32, #tpu.memory_space<vmem>>) target(%dma_start3A_137 : memref<64x128xf32, #tpu.memory_space<hbm>>) target_semaphore(%arg24 : memref<!tpu.dma_semaphore, #tpu.memory_space<semaphore_mem>>)
    %dma_wait3A_138 = arith.constant 0 : i32
    %dma_wait3A_139 = arith.constant 0 : i32
    %dma_wait3A_140 = tpu.memref_slice %arg3[%dma_wait3A_138, %dma_wait3A_139] : memref<64x1000000xf32, #tpu.memory_space<hbm>> -> memref<64x128xf32, #tpu.memory_space<hbm>>
    %dma_wait3A_141 = arith.constant 0 : i32
    %dma_wait3A_142 = arith.constant 0 : i32
    %dma_wait3A_143 = tpu.memref_slice %arg3[%dma_wait3A_141, %dma_wait3A_142] : memref<64x1000000xf32, #tpu.memory_space<hbm>> -> memref<64x128xf32, #tpu.memory_space<hbm>>
    tpu.wait_dma2 semaphore(%arg24 : memref<!tpu.dma_semaphore, #tpu.memory_space<semaphore_mem>>) src(%dma_wait3A_143 : memref<64x128xf32, #tpu.memory_space<hbm>>) dst(%arg7 : memref<64x128xf32, #tpu.memory_space<vmem>>)
    %scan3A_144 = arith.constant 0 : i32
    %scan3A_145 = arith.constant 8 : i32
    %scan3A_146 = arith.addi %scan3A_144, %scan3A_145 : i32
    %scan3A_147 = arith.constant 1 : i32
    scf.for %scan3A_167 = %scan3A_144 to %scan3A_146 step %scan3A_147  : i32 {
      %mul3A_168 = arith.constant 16 : i32
      %mul3A_169 = arith.muli %scan3A_167, %mul3A_168 : i32
      %add3A_170 = arith.constant 384 : i32
      %add3A_171 = arith.addi %add3A_170, %mul3A_169 : i32
      %get3A_172 = arith.index_cast %add3A_171 : i32 to index
      %get3A_173 = tpu.vector_load %arg5[%get3A_172] {strides = array<i32>} : memref<528xi32, #tpu.memory_space<vmem>>, vector<16xi32>,
      %add3A_174 = arith.constant 8 : i32
      %add3A_175 = arith.addi %add3A_171, %add3A_174 : i32
      %get3A_176 = arith.index_cast %add3A_175 : i32 to index
      %get3A_177 = tpu.vector_load %arg5[%get3A_176] {strides = array<i32>} : memref<528xi32, #tpu.memory_space<vmem>>, vector<16xi32>,
      %add3A_178 = arith.constant 0 : i32
      %add3A_179 = arith.addi %add3A_171, %add3A_178 : i32
      %dma_wait3A_180 = arith.constant 0 : i32
      %dma_wait3A_181 = arith.constant 0 : i32
      %dma_wait3A_182 = tpu.memref_slice %arg3[%dma_wait3A_180, %dma_wait3A_181] : memref<64x1000000xf32, #tpu.memory_space<hbm>> -> memref<64x128xf32, #tpu.memory_space<hbm>>
      %dma_wait3A_183 = arith.constant 0 : i32
      %dma_wait3A_184 = arith.constant 0 : i32
      %dma_wait3A_185 = tpu.memref_slice %arg3[%dma_wait3A_183, %dma_wait3A_184] : memref<64x1000000xf32, #tpu.memory_space<hbm>> -> memref<64x128xf32, #tpu.memory_space<hbm>>
      tpu.wait_dma2 semaphore(%arg16 : memref<!tpu.dma_semaphore, #tpu.memory_space<semaphore_mem>>) src(%dma_wait3A_185 : memref<64x128xf32, #tpu.memory_space<hbm>>) dst(%arg8 : memref<64x128xf32, #tpu.memory_space<vmem>>)
      %slice3A_186 = vector.extract_strided_slice %get3A_173 {offsets = [0], sizes = [1], strides = [1]} : vector<16xi32> to vector<1xi32>
      %squeeze3A_187 = vector.extract %slice3A_186[0] : i32 from vector<1xi32>
      %and3A = arith.constant 127 : i32
      %and3A_188 = arith.andi %squeeze3A_187, %and3A : i32
      %broadcast_in_dim3A = vector.broadcast %and3A_188 : i32 to vector<16xi32>
      %mul3A_189 = arith.constant 16 : i32
      %mul3A_190 = arith.muli %scan3A_167, %mul3A_189 : i32
      %add3A_191 = arith.constant 0 : i32
      %add3A_192 = arith.addi %mul3A_190, %add3A_191 : i32
      %broadcast_in_dim3A_193 = vector.broadcast %add3A_192 : i32 to vector<16xi32>
      %gather3A = tpu.vector_load_idx %arg8[%add3A_5, %broadcast_in_dim3A] : memref<64x128xf32, #tpu.memory_space<vmem>>[vector<16xi32>, vector<16xi32>], vector<16xf32>,
      tpu.vector_store_idx %arg7[%add3A_5, %broadcast_in_dim3A_193], %gather3A : memref<64x128xf32, #tpu.memory_space<vmem>>[vector<16xi32>, vector<16xi32>], vector<16xf32>,
      %gather3A_194 = tpu.vector_load_idx %arg8[%add3A_9, %broadcast_in_dim3A] : memref<64x128xf32, #tpu.memory_space<vmem>>[vector<16xi32>, vector<16xi32>], vector<16xf32>,
      tpu.vector_store_idx %arg7[%add3A_9, %broadcast_in_dim3A_193], %gather3A_194 : memref<64x128xf32, #tpu.memory_space<vmem>>[vector<16xi32>, vector<16xi32>], vector<16xf32>,
      %gather3A_195 = tpu.vector_load_idx %arg8[%add3A_13, %broadcast_in_dim3A] : memref<64x128xf32, #tpu.memory_space<vmem>>[vector<16xi32>, vector<16xi32>], vector<16xf32>,
      tpu.vector_store_idx %arg7[%add3A_13, %broadcast_in_dim3A_193], %gather3A_195 : memref<64x128xf32, #tpu.memory_space<vmem>>[vector<16xi32>, vector<16xi32>], vector<16xf32>,
      %gather3A_196 = tpu.vector_load_idx %arg8[%add3A_17, %broadcast_in_dim3A] : memref<64x128xf32, #tpu.memory_space<vmem>>[vector<16xi32>, vector<16xi32>], vector<16xf32>,
      tpu.vector_store_idx %arg7[%add3A_17, %broadcast_in_dim3A_193], %gather3A_196 : memref<64x128xf32, #tpu.memory_space<vmem>>[vector<16xi32>, vector<16xi32>], vector<16xf32>,
      %lt3A = arith.constant 504 : i32
      %lt3A_197 = arith.cmpi slt, %add3A_179, %lt3A : i32
      %convert_element_type3A = arith.extui %lt3A_197 : i1 to i32
      %cond3A = arith.constant 0 : i32
      %cond3A_198 = arith.cmpi ne, %convert_element_type3A, %cond3A : i32
      scf.if %cond3A_198 {
        %slice3A_604 = vector.extract_strided_slice %get3A_177 {offsets = [0], sizes = [1], strides = [1]} : vector<16xi32> to vector<1xi32>
        %squeeze3A_605 = vector.extract %slice3A_604[0] : i32 from vector<1xi32>
        %shift_right_logical3A_606 = arith.constant 7 : i32
        %shift_right_logical3A_607 = arith.shrui %squeeze3A_605, %shift_right_logical3A_606 : i32
        %shift_left3A_608 = arith.constant 7 : i32
        %shift_left3A_609 = arith.shli %shift_right_logical3A_607, %shift_left3A_608 : i32
        %multiple_of3A_610 = tpu.assume_multiple %shift_left3A_609, 128 : i32
        %dma_start3A_611 = arith.constant 0 : i32
        %dma_start3A_612 = tpu.memref_slice %arg3[%dma_start3A_611, %multiple_of3A_610] : memref<64x1000000xf32, #tpu.memory_space<hbm>> -> memref<64x128xf32, #tpu.memory_space<hbm>>
        %dma_start3A_613 = arith.constant 0 : i32
        %dma_start3A_614 = tpu.memref_slice %arg3[%dma_start3A_613, %multiple_of3A_610] : memref<64x1000000xf32, #tpu.memory_space<hbm>> -> memref<64x128xf32, #tpu.memory_space<hbm>>
        tpu.enqueue_dma source(%dma_start3A_614 : memref<64x128xf32, #tpu.memory_space<hbm>>) target(%arg8 : memref<64x128xf32, #tpu.memory_space<vmem>>) target_semaphore(%arg16 : memref<!tpu.dma_semaphore, #tpu.memory_space<semaphore_mem>>)
      } else {
      }
      %add3A_199 = arith.constant 1 : i32
      %add3A_200 = arith.addi %add3A_171, %add3A_199 : i32
      %dma_wait3A_201 = arith.constant 0 : i32
      %dma_wait3A_202 = arith.constant 0 : i32
      %dma_wait3A_203 = tpu.memref_slice %arg3[%dma_wait3A_201, %dma_wait3A_202] : memref<64x1000000xf32, #tpu.memory_space<hbm>> -> memref<64x128xf32, #tpu.memory_space<hbm>>
      %dma_wait3A_204 = arith.constant 0 : i32
      %dma_wait3A_205 = arith.constant 0 : i32
      %dma_wait3A_206 = tpu.memref_slice %arg3[%dma_wait3A_204, %dma_wait3A_205] : memref<64x1000000xf32, #tpu.memory_space<hbm>> -> memref<64x128xf32, #tpu.memory_space<hbm>>
      tpu.wait_dma2 semaphore(%arg17 : memref<!tpu.dma_semaphore, #tpu.memory_space<semaphore_mem>>) src(%dma_wait3A_206 : memref<64x128xf32, #tpu.memory_space<hbm>>) dst(%arg9 : memref<64x128xf32, #tpu.memory_space<vmem>>)
      %slice3A_207 = vector.extract_strided_slice %get3A_173 {offsets = [1], sizes = [1], strides = [1]} : vector<16xi32> to vector<1xi32>
      %squeeze3A_208 = vector.extract %slice3A_207[0] : i32 from vector<1xi32>
      %and3A_209 = arith.constant 127 : i32
      %and3A_210 = arith.andi %squeeze3A_208, %and3A_209 : i32
      %broadcast_in_dim3A_211 = vector.broadcast %and3A_210 : i32 to vector<16xi32>
      %mul3A_212 = arith.constant 16 : i32
      %mul3A_213 = arith.muli %scan3A_167, %mul3A_212 : i32
      %add3A_214 = arith.constant 1 : i32
      %add3A_215 = arith.addi %mul3A_213, %add3A_214 : i32
      %broadcast_in_dim3A_216 = vector.broadcast %add3A_215 : i32 to vector<16xi32>
      %gather3A_217 = tpu.vector_load_idx %arg9[%add3A_5, %broadcast_in_dim3A_211] : memref<64x128xf32, #tpu.memory_space<vmem>>[vector<16xi32>, vector<16xi32>], vector<16xf32>,
      tpu.vector_store_idx %arg7[%add3A_5, %broadcast_in_dim3A_216], %gather3A_217 : memref<64x128xf32, #tpu.memory_space<vmem>>[vector<16xi32>, vector<16xi32>], vector<16xf32>,
      %gather3A_218 = tpu.vector_load_idx %arg9[%add3A_9, %broadcast_in_dim3A_211] : memref<64x128xf32, #tpu.memory_space<vmem>>[vector<16xi32>, vector<16xi32>], vector<16xf32>,
      tpu.vector_store_idx %arg7[%add3A_9, %broadcast_in_dim3A_216], %gather3A_218 : memref<64x128xf32, #tpu.memory_space<vmem>>[vector<16xi32>, vector<16xi32>], vector<16xf32>,
      %gather3A_219 = tpu.vector_load_idx %arg9[%add3A_13, %broadcast_in_dim3A_211] : memref<64x128xf32, #tpu.memory_space<vmem>>[vector<16xi32>, vector<16xi32>], vector<16xf32>,
      tpu.vector_store_idx %arg7[%add3A_13, %broadcast_in_dim3A_216], %gather3A_219 : memref<64x128xf32, #tpu.memory_space<vmem>>[vector<16xi32>, vector<16xi32>], vector<16xf32>,
      %gather3A_220 = tpu.vector_load_idx %arg9[%add3A_17, %broadcast_in_dim3A_211] : memref<64x128xf32, #tpu.memory_space<vmem>>[vector<16xi32>, vector<16xi32>], vector<16xf32>,
      tpu.vector_store_idx %arg7[%add3A_17, %broadcast_in_dim3A_216], %gather3A_220 : memref<64x128xf32, #tpu.memory_space<vmem>>[vector<16xi32>, vector<16xi32>], vector<16xf32>,
      %lt3A_221 = arith.constant 504 : i32
      %lt3A_222 = arith.cmpi slt, %add3A_200, %lt3A_221 : i32
      %convert_element_type3A_223 = arith.extui %lt3A_222 : i1 to i32
      %cond3A_224 = arith.constant 0 : i32
      %cond3A_225 = arith.cmpi ne, %convert_element_type3A_223, %cond3A_224 : i32
      scf.if %cond3A_225 {
        %slice3A_604 = vector.extract_strided_slice %get3A_177 {offsets = [1], sizes = [1], strides = [1]} : vector<16xi32> to vector<1xi32>
        %squeeze3A_605 = vector.extract %slice3A_604[0] : i32 from vector<1xi32>
        %shift_right_logical3A_606 = arith.constant 7 : i32
        %shift_right_logical3A_607 = arith.shrui %squeeze3A_605, %shift_right_logical3A_606 : i32
        %shift_left3A_608 = arith.constant 7 : i32
        %shift_left3A_609 = arith.shli %shift_right_logical3A_607, %shift_left3A_608 : i32
        %multiple_of3A_610 = tpu.assume_multiple %shift_left3A_609, 128 : i32
        %dma_start3A_611 = arith.constant 0 : i32
        %dma_start3A_612 = tpu.memref_slice %arg3[%dma_start3A_611, %multiple_of3A_610] : memref<64x1000000xf32, #tpu.memory_space<hbm>> -> memref<64x128xf32, #tpu.memory_space<hbm>>
        %dma_start3A_613 = arith.constant 0 : i32
        %dma_start3A_614 = tpu.memref_slice %arg3[%dma_start3A_613, %multiple_of3A_610] : memref<64x1000000xf32, #tpu.memory_space<hbm>> -> memref<64x128xf32, #tpu.memory_space<hbm>>
        tpu.enqueue_dma source(%dma_start3A_614 : memref<64x128xf32, #tpu.memory_space<hbm>>) target(%arg9 : memref<64x128xf32, #tpu.memory_space<vmem>>) target_semaphore(%arg17 : memref<!tpu.dma_semaphore, #tpu.memory_space<semaphore_mem>>)
      } else {
      }
      %add3A_226 = arith.constant 2 : i32
      %add3A_227 = arith.addi %add3A_171, %add3A_226 : i32
      %dma_wait3A_228 = arith.constant 0 : i32
      %dma_wait3A_229 = arith.constant 0 : i32
      %dma_wait3A_230 = tpu.memref_slice %arg3[%dma_wait3A_228, %dma_wait3A_229] : memref<64x1000000xf32, #tpu.memory_space<hbm>> -> memref<64x128xf32, #tpu.memory_space<hbm>>
      %dma_wait3A_231 = arith.constant 0 : i32
      %dma_wait3A_232 = arith.constant 0 : i32
      %dma_wait3A_233 = tpu.memref_slice %arg3[%dma_wait3A_231, %dma_wait3A_232] : memref<64x1000000xf32, #tpu.memory_space<hbm>> -> memref<64x128xf32, #tpu.memory_space<hbm>>
      tpu.wait_dma2 semaphore(%arg18 : memref<!tpu.dma_semaphore, #tpu.memory_space<semaphore_mem>>) src(%dma_wait3A_233 : memref<64x128xf32, #tpu.memory_space<hbm>>) dst(%arg10 : memref<64x128xf32, #tpu.memory_space<vmem>>)
      %slice3A_234 = vector.extract_strided_slice %get3A_173 {offsets = [2], sizes = [1], strides = [1]} : vector<16xi32> to vector<1xi32>
      %squeeze3A_235 = vector.extract %slice3A_234[0] : i32 from vector<1xi32>
      %and3A_236 = arith.constant 127 : i32
      %and3A_237 = arith.andi %squeeze3A_235, %and3A_236 : i32
      %broadcast_in_dim3A_238 = vector.broadcast %and3A_237 : i32 to vector<16xi32>
      %mul3A_239 = arith.constant 16 : i32
      %mul3A_240 = arith.muli %scan3A_167, %mul3A_239 : i32
      %add3A_241 = arith.constant 2 : i32
      %add3A_242 = arith.addi %mul3A_240, %add3A_241 : i32
      %broadcast_in_dim3A_243 = vector.broadcast %add3A_242 : i32 to vector<16xi32>
      %gather3A_244 = tpu.vector_load_idx %arg10[%add3A_5, %broadcast_in_dim3A_238] : memref<64x128xf32, #tpu.memory_space<vmem>>[vector<16xi32>, vector<16xi32>], vector<16xf32>,
      tpu.vector_store_idx %arg7[%add3A_5, %broadcast_in_dim3A_243], %gather3A_244 : memref<64x128xf32, #tpu.memory_space<vmem>>[vector<16xi32>, vector<16xi32>], vector<16xf32>,
      %gather3A_245 = tpu.vector_load_idx %arg10[%add3A_9, %broadcast_in_dim3A_238] : memref<64x128xf32, #tpu.memory_space<vmem>>[vector<16xi32>, vector<16xi32>], vector<16xf32>,
      tpu.vector_store_idx %arg7[%add3A_9, %broadcast_in_dim3A_243], %gather3A_245 : memref<64x128xf32, #tpu.memory_space<vmem>>[vector<16xi32>, vector<16xi32>], vector<16xf32>,
      %gather3A_246 = tpu.vector_load_idx %arg10[%add3A_13, %broadcast_in_dim3A_238] : memref<64x128xf32, #tpu.memory_space<vmem>>[vector<16xi32>, vector<16xi32>], vector<16xf32>,
      tpu.vector_store_idx %arg7[%add3A_13, %broadcast_in_dim3A_243], %gather3A_246 : memref<64x128xf32, #tpu.memory_space<vmem>>[vector<16xi32>, vector<16xi32>], vector<16xf32>,
      %gather3A_247 = tpu.vector_load_idx %arg10[%add3A_17, %broadcast_in_dim3A_238] : memref<64x128xf32, #tpu.memory_space<vmem>>[vector<16xi32>, vector<16xi32>], vector<16xf32>,
      tpu.vector_store_idx %arg7[%add3A_17, %broadcast_in_dim3A_243], %gather3A_247 : memref<64x128xf32, #tpu.memory_space<vmem>>[vector<16xi32>, vector<16xi32>], vector<16xf32>,
      %lt3A_248 = arith.constant 504 : i32
      %lt3A_249 = arith.cmpi slt, %add3A_227, %lt3A_248 : i32
      %convert_element_type3A_250 = arith.extui %lt3A_249 : i1 to i32
      %cond3A_251 = arith.constant 0 : i32
      %cond3A_252 = arith.cmpi ne, %convert_element_type3A_250, %cond3A_251 : i32
      scf.if %cond3A_252 {
        %slice3A_604 = vector.extract_strided_slice %get3A_177 {offsets = [2], sizes = [1], strides = [1]} : vector<16xi32> to vector<1xi32>
        %squeeze3A_605 = vector.extract %slice3A_604[0] : i32 from vector<1xi32>
        %shift_right_logical3A_606 = arith.constant 7 : i32
        %shift_right_logical3A_607 = arith.shrui %squeeze3A_605, %shift_right_logical3A_606 : i32
        %shift_left3A_608 = arith.constant 7 : i32
        %shift_left3A_609 = arith.shli %shift_right_logical3A_607, %shift_left3A_608 : i32
        %multiple_of3A_610 = tpu.assume_multiple %shift_left3A_609, 128 : i32
        %dma_start3A_611 = arith.constant 0 : i32
        %dma_start3A_612 = tpu.memref_slice %arg3[%dma_start3A_611, %multiple_of3A_610] : memref<64x1000000xf32, #tpu.memory_space<hbm>> -> memref<64x128xf32, #tpu.memory_space<hbm>>
        %dma_start3A_613 = arith.constant 0 : i32
        %dma_start3A_614 = tpu.memref_slice %arg3[%dma_start3A_613, %multiple_of3A_610] : memref<64x1000000xf32, #tpu.memory_space<hbm>> -> memref<64x128xf32, #tpu.memory_space<hbm>>
        tpu.enqueue_dma source(%dma_start3A_614 : memref<64x128xf32, #tpu.memory_space<hbm>>) target(%arg10 : memref<64x128xf32, #tpu.memory_space<vmem>>) target_semaphore(%arg18 : memref<!tpu.dma_semaphore, #tpu.memory_space<semaphore_mem>>)
      } else {
      }
      %add3A_253 = arith.constant 3 : i32
      %add3A_254 = arith.addi %add3A_171, %add3A_253 : i32
      %dma_wait3A_255 = arith.constant 0 : i32
      %dma_wait3A_256 = arith.constant 0 : i32
      %dma_wait3A_257 = tpu.memref_slice %arg3[%dma_wait3A_255, %dma_wait3A_256] : memref<64x1000000xf32, #tpu.memory_space<hbm>> -> memref<64x128xf32, #tpu.memory_space<hbm>>
      %dma_wait3A_258 = arith.constant 0 : i32
      %dma_wait3A_259 = arith.constant 0 : i32
      %dma_wait3A_260 = tpu.memref_slice %arg3[%dma_wait3A_258, %dma_wait3A_259] : memref<64x1000000xf32, #tpu.memory_space<hbm>> -> memref<64x128xf32, #tpu.memory_space<hbm>>
      tpu.wait_dma2 semaphore(%arg19 : memref<!tpu.dma_semaphore, #tpu.memory_space<semaphore_mem>>) src(%dma_wait3A_260 : memref<64x128xf32, #tpu.memory_space<hbm>>) dst(%arg11 : memref<64x128xf32, #tpu.memory_space<vmem>>)
      %slice3A_261 = vector.extract_strided_slice %get3A_173 {offsets = [3], sizes = [1], strides = [1]} : vector<16xi32> to vector<1xi32>
      %squeeze3A_262 = vector.extract %slice3A_261[0] : i32 from vector<1xi32>
      %and3A_263 = arith.constant 127 : i32
      %and3A_264 = arith.andi %squeeze3A_262, %and3A_263 : i32
      %broadcast_in_dim3A_265 = vector.broadcast %and3A_264 : i32 to vector<16xi32>
      %mul3A_266 = arith.constant 16 : i32
      %mul3A_267 = arith.muli %scan3A_167, %mul3A_266 : i32
      %add3A_268 = arith.constant 3 : i32
      %add3A_269 = arith.addi %mul3A_267, %add3A_268 : i32
      %broadcast_in_dim3A_270 = vector.broadcast %add3A_269 : i32 to vector<16xi32>
      %gather3A_271 = tpu.vector_load_idx %arg11[%add3A_5, %broadcast_in_dim3A_265] : memref<64x128xf32, #tpu.memory_space<vmem>>[vector<16xi32>, vector<16xi32>], vector<16xf32>,
      tpu.vector_store_idx %arg7[%add3A_5, %broadcast_in_dim3A_270], %gather3A_271 : memref<64x128xf32, #tpu.memory_space<vmem>>[vector<16xi32>, vector<16xi32>], vector<16xf32>,
      %gather3A_272 = tpu.vector_load_idx %arg11[%add3A_9, %broadcast_in_dim3A_265] : memref<64x128xf32, #tpu.memory_space<vmem>>[vector<16xi32>, vector<16xi32>], vector<16xf32>,
      tpu.vector_store_idx %arg7[%add3A_9, %broadcast_in_dim3A_270], %gather3A_272 : memref<64x128xf32, #tpu.memory_space<vmem>>[vector<16xi32>, vector<16xi32>], vector<16xf32>,
      %gather3A_273 = tpu.vector_load_idx %arg11[%add3A_13, %broadcast_in_dim3A_265] : memref<64x128xf32, #tpu.memory_space<vmem>>[vector<16xi32>, vector<16xi32>], vector<16xf32>,
      tpu.vector_store_idx %arg7[%add3A_13, %broadcast_in_dim3A_270], %gather3A_273 : memref<64x128xf32, #tpu.memory_space<vmem>>[vector<16xi32>, vector<16xi32>], vector<16xf32>,
      %gather3A_274 = tpu.vector_load_idx %arg11[%add3A_17, %broadcast_in_dim3A_265] : memref<64x128xf32, #tpu.memory_space<vmem>>[vector<16xi32>, vector<16xi32>], vector<16xf32>,
      tpu.vector_store_idx %arg7[%add3A_17, %broadcast_in_dim3A_270], %gather3A_274 : memref<64x128xf32, #tpu.memory_space<vmem>>[vector<16xi32>, vector<16xi32>], vector<16xf32>,
      %lt3A_275 = arith.constant 504 : i32
      %lt3A_276 = arith.cmpi slt, %add3A_254, %lt3A_275 : i32
      %convert_element_type3A_277 = arith.extui %lt3A_276 : i1 to i32
      %cond3A_278 = arith.constant 0 : i32
      %cond3A_279 = arith.cmpi ne, %convert_element_type3A_277, %cond3A_278 : i32
      scf.if %cond3A_279 {
        %slice3A_604 = vector.extract_strided_slice %get3A_177 {offsets = [3], sizes = [1], strides = [1]} : vector<16xi32> to vector<1xi32>
        %squeeze3A_605 = vector.extract %slice3A_604[0] : i32 from vector<1xi32>
        %shift_right_logical3A_606 = arith.constant 7 : i32
        %shift_right_logical3A_607 = arith.shrui %squeeze3A_605, %shift_right_logical3A_606 : i32
        %shift_left3A_608 = arith.constant 7 : i32
        %shift_left3A_609 = arith.shli %shift_right_logical3A_607, %shift_left3A_608 : i32
        %multiple_of3A_610 = tpu.assume_multiple %shift_left3A_609, 128 : i32
        %dma_start3A_611 = arith.constant 0 : i32
        %dma_start3A_612 = tpu.memref_slice %arg3[%dma_start3A_611, %multiple_of3A_610] : memref<64x1000000xf32, #tpu.memory_space<hbm>> -> memref<64x128xf32, #tpu.memory_space<hbm>>
        %dma_start3A_613 = arith.constant 0 : i32
        %dma_start3A_614 = tpu.memref_slice %arg3[%dma_start3A_613, %multiple_of3A_610] : memref<64x1000000xf32, #tpu.memory_space<hbm>> -> memref<64x128xf32, #tpu.memory_space<hbm>>
        tpu.enqueue_dma source(%dma_start3A_614 : memref<64x128xf32, #tpu.memory_space<hbm>>) target(%arg11 : memref<64x128xf32, #tpu.memory_space<vmem>>) target_semaphore(%arg19 : memref<!tpu.dma_semaphore, #tpu.memory_space<semaphore_mem>>)
      } else {
      }
      %add3A_280 = arith.constant 4 : i32
      %add3A_281 = arith.addi %add3A_171, %add3A_280 : i32
      %dma_wait3A_282 = arith.constant 0 : i32
      %dma_wait3A_283 = arith.constant 0 : i32
      %dma_wait3A_284 = tpu.memref_slice %arg3[%dma_wait3A_282, %dma_wait3A_283] : memref<64x1000000xf32, #tpu.memory_space<hbm>> -> memref<64x128xf32, #tpu.memory_space<hbm>>
      %dma_wait3A_285 = arith.constant 0 : i32
      %dma_wait3A_286 = arith.constant 0 : i32
      %dma_wait3A_287 = tpu.memref_slice %arg3[%dma_wait3A_285, %dma_wait3A_286] : memref<64x1000000xf32, #tpu.memory_space<hbm>> -> memref<64x128xf32, #tpu.memory_space<hbm>>
      tpu.wait_dma2 semaphore(%arg20 : memref<!tpu.dma_semaphore, #tpu.memory_space<semaphore_mem>>) src(%dma_wait3A_287 : memref<64x128xf32, #tpu.memory_space<hbm>>) dst(%arg12 : memref<64x128xf32, #tpu.memory_space<vmem>>)
      %slice3A_288 = vector.extract_strided_slice %get3A_173 {offsets = [4], sizes = [1], strides = [1]} : vector<16xi32> to vector<1xi32>
      %squeeze3A_289 = vector.extract %slice3A_288[0] : i32 from vector<1xi32>
      %and3A_290 = arith.constant 127 : i32
      %and3A_291 = arith.andi %squeeze3A_289, %and3A_290 : i32
      %broadcast_in_dim3A_292 = vector.broadcast %and3A_291 : i32 to vector<16xi32>
      %mul3A_293 = arith.constant 16 : i32
      %mul3A_294 = arith.muli %scan3A_167, %mul3A_293 : i32
      %add3A_295 = arith.constant 4 : i32
      %add3A_296 = arith.addi %mul3A_294, %add3A_295 : i32
      %broadcast_in_dim3A_297 = vector.broadcast %add3A_296 : i32 to vector<16xi32>
      %gather3A_298 = tpu.vector_load_idx %arg12[%add3A_5, %broadcast_in_dim3A_292] : memref<64x128xf32, #tpu.memory_space<vmem>>[vector<16xi32>, vector<16xi32>], vector<16xf32>,
      tpu.vector_store_idx %arg7[%add3A_5, %broadcast_in_dim3A_297], %gather3A_298 : memref<64x128xf32, #tpu.memory_space<vmem>>[vector<16xi32>, vector<16xi32>], vector<16xf32>,
      %gather3A_299 = tpu.vector_load_idx %arg12[%add3A_9, %broadcast_in_dim3A_292] : memref<64x128xf32, #tpu.memory_space<vmem>>[vector<16xi32>, vector<16xi32>], vector<16xf32>,
      tpu.vector_store_idx %arg7[%add3A_9, %broadcast_in_dim3A_297], %gather3A_299 : memref<64x128xf32, #tpu.memory_space<vmem>>[vector<16xi32>, vector<16xi32>], vector<16xf32>,
      %gather3A_300 = tpu.vector_load_idx %arg12[%add3A_13, %broadcast_in_dim3A_292] : memref<64x128xf32, #tpu.memory_space<vmem>>[vector<16xi32>, vector<16xi32>], vector<16xf32>,
      tpu.vector_store_idx %arg7[%add3A_13, %broadcast_in_dim3A_297], %gather3A_300 : memref<64x128xf32, #tpu.memory_space<vmem>>[vector<16xi32>, vector<16xi32>], vector<16xf32>,
      %gather3A_301 = tpu.vector_load_idx %arg12[%add3A_17, %broadcast_in_dim3A_292] : memref<64x128xf32, #tpu.memory_space<vmem>>[vector<16xi32>, vector<16xi32>], vector<16xf32>,
      tpu.vector_store_idx %arg7[%add3A_17, %broadcast_in_dim3A_297], %gather3A_301 : memref<64x128xf32, #tpu.memory_space<vmem>>[vector<16xi32>, vector<16xi32>], vector<16xf32>,
      %lt3A_302 = arith.constant 504 : i32
      %lt3A_303 = arith.cmpi slt, %add3A_281, %lt3A_302 : i32
      %convert_element_type3A_304 = arith.extui %lt3A_303 : i1 to i32
      %cond3A_305 = arith.constant 0 : i32
      %cond3A_306 = arith.cmpi ne, %convert_element_type3A_304, %cond3A_305 : i32
      scf.if %cond3A_306 {
        %slice3A_604 = vector.extract_strided_slice %get3A_177 {offsets = [4], sizes = [1], strides = [1]} : vector<16xi32> to vector<1xi32>
        %squeeze3A_605 = vector.extract %slice3A_604[0] : i32 from vector<1xi32>
        %shift_right_logical3A_606 = arith.constant 7 : i32
        %shift_right_logical3A_607 = arith.shrui %squeeze3A_605, %shift_right_logical3A_606 : i32
        %shift_left3A_608 = arith.constant 7 : i32
        %shift_left3A_609 = arith.shli %shift_right_logical3A_607, %shift_left3A_608 : i32
        %multiple_of3A_610 = tpu.assume_multiple %shift_left3A_609, 128 : i32
        %dma_start3A_611 = arith.constant 0 : i32
        %dma_start3A_612 = tpu.memref_slice %arg3[%dma_start3A_611, %multiple_of3A_610] : memref<64x1000000xf32, #tpu.memory_space<hbm>> -> memref<64x128xf32, #tpu.memory_space<hbm>>
        %dma_start3A_613 = arith.constant 0 : i32
        %dma_start3A_614 = tpu.memref_slice %arg3[%dma_start3A_613, %multiple_of3A_610] : memref<64x1000000xf32, #tpu.memory_space<hbm>> -> memref<64x128xf32, #tpu.memory_space<hbm>>
        tpu.enqueue_dma source(%dma_start3A_614 : memref<64x128xf32, #tpu.memory_space<hbm>>) target(%arg12 : memref<64x128xf32, #tpu.memory_space<vmem>>) target_semaphore(%arg20 : memref<!tpu.dma_semaphore, #tpu.memory_space<semaphore_mem>>)
      } else {
      }
      %add3A_307 = arith.constant 5 : i32
      %add3A_308 = arith.addi %add3A_171, %add3A_307 : i32
      %dma_wait3A_309 = arith.constant 0 : i32
      %dma_wait3A_310 = arith.constant 0 : i32
      %dma_wait3A_311 = tpu.memref_slice %arg3[%dma_wait3A_309, %dma_wait3A_310] : memref<64x1000000xf32, #tpu.memory_space<hbm>> -> memref<64x128xf32, #tpu.memory_space<hbm>>
      %dma_wait3A_312 = arith.constant 0 : i32
      %dma_wait3A_313 = arith.constant 0 : i32
      %dma_wait3A_314 = tpu.memref_slice %arg3[%dma_wait3A_312, %dma_wait3A_313] : memref<64x1000000xf32, #tpu.memory_space<hbm>> -> memref<64x128xf32, #tpu.memory_space<hbm>>
      tpu.wait_dma2 semaphore(%arg21 : memref<!tpu.dma_semaphore, #tpu.memory_space<semaphore_mem>>) src(%dma_wait3A_314 : memref<64x128xf32, #tpu.memory_space<hbm>>) dst(%arg13 : memref<64x128xf32, #tpu.memory_space<vmem>>)
      %slice3A_315 = vector.extract_strided_slice %get3A_173 {offsets = [5], sizes = [1], strides = [1]} : vector<16xi32> to vector<1xi32>
      %squeeze3A_316 = vector.extract %slice3A_315[0] : i32 from vector<1xi32>
      %and3A_317 = arith.constant 127 : i32
      %and3A_318 = arith.andi %squeeze3A_316, %and3A_317 : i32
      %broadcast_in_dim3A_319 = vector.broadcast %and3A_318 : i32 to vector<16xi32>
      %mul3A_320 = arith.constant 16 : i32
      %mul3A_321 = arith.muli %scan3A_167, %mul3A_320 : i32
      %add3A_322 = arith.constant 5 : i32
      %add3A_323 = arith.addi %mul3A_321, %add3A_322 : i32
      %broadcast_in_dim3A_324 = vector.broadcast %add3A_323 : i32 to vector<16xi32>
      %gather3A_325 = tpu.vector_load_idx %arg13[%add3A_5, %broadcast_in_dim3A_319] : memref<64x128xf32, #tpu.memory_space<vmem>>[vector<16xi32>, vector<16xi32>], vector<16xf32>,
      tpu.vector_store_idx %arg7[%add3A_5, %broadcast_in_dim3A_324], %gather3A_325 : memref<64x128xf32, #tpu.memory_space<vmem>>[vector<16xi32>, vector<16xi32>], vector<16xf32>,
      %gather3A_326 = tpu.vector_load_idx %arg13[%add3A_9, %broadcast_in_dim3A_319] : memref<64x128xf32, #tpu.memory_space<vmem>>[vector<16xi32>, vector<16xi32>], vector<16xf32>,
      tpu.vector_store_idx %arg7[%add3A_9, %broadcast_in_dim3A_324], %gather3A_326 : memref<64x128xf32, #tpu.memory_space<vmem>>[vector<16xi32>, vector<16xi32>], vector<16xf32>,
      %gather3A_327 = tpu.vector_load_idx %arg13[%add3A_13, %broadcast_in_dim3A_319] : memref<64x128xf32, #tpu.memory_space<vmem>>[vector<16xi32>, vector<16xi32>], vector<16xf32>,
      tpu.vector_store_idx %arg7[%add3A_13, %broadcast_in_dim3A_324], %gather3A_327 : memref<64x128xf32, #tpu.memory_space<vmem>>[vector<16xi32>, vector<16xi32>], vector<16xf32>,
      %gather3A_328 = tpu.vector_load_idx %arg13[%add3A_17, %broadcast_in_dim3A_319] : memref<64x128xf32, #tpu.memory_space<vmem>>[vector<16xi32>, vector<16xi32>], vector<16xf32>,
      tpu.vector_store_idx %arg7[%add3A_17, %broadcast_in_dim3A_324], %gather3A_328 : memref<64x128xf32, #tpu.memory_space<vmem>>[vector<16xi32>, vector<16xi32>], vector<16xf32>,
      %lt3A_329 = arith.constant 504 : i32
      %lt3A_330 = arith.cmpi slt, %add3A_308, %lt3A_329 : i32
      %convert_element_type3A_331 = arith.extui %lt3A_330 : i1 to i32
      %cond3A_332 = arith.constant 0 : i32
      %cond3A_333 = arith.cmpi ne, %convert_element_type3A_331, %cond3A_332 : i32
      scf.if %cond3A_333 {
        %slice3A_604 = vector.extract_strided_slice %get3A_177 {offsets = [5], sizes = [1], strides = [1]} : vector<16xi32> to vector<1xi32>
        %squeeze3A_605 = vector.extract %slice3A_604[0] : i32 from vector<1xi32>
        %shift_right_logical3A_606 = arith.constant 7 : i32
        %shift_right_logical3A_607 = arith.shrui %squeeze3A_605, %shift_right_logical3A_606 : i32
        %shift_left3A_608 = arith.constant 7 : i32
        %shift_left3A_609 = arith.shli %shift_right_logical3A_607, %shift_left3A_608 : i32
        %multiple_of3A_610 = tpu.assume_multiple %shift_left3A_609, 128 : i32
        %dma_start3A_611 = arith.constant 0 : i32
        %dma_start3A_612 = tpu.memref_slice %arg3[%dma_start3A_611, %multiple_of3A_610] : memref<64x1000000xf32, #tpu.memory_space<hbm>> -> memref<64x128xf32, #tpu.memory_space<hbm>>
        %dma_start3A_613 = arith.constant 0 : i32
        %dma_start3A_614 = tpu.memref_slice %arg3[%dma_start3A_613, %multiple_of3A_610] : memref<64x1000000xf32, #tpu.memory_space<hbm>> -> memref<64x128xf32, #tpu.memory_space<hbm>>
        tpu.enqueue_dma source(%dma_start3A_614 : memref<64x128xf32, #tpu.memory_space<hbm>>) target(%arg13 : memref<64x128xf32, #tpu.memory_space<vmem>>) target_semaphore(%arg21 : memref<!tpu.dma_semaphore, #tpu.memory_space<semaphore_mem>>)
      } else {
      }
      %add3A_334 = arith.constant 6 : i32
      %add3A_335 = arith.addi %add3A_171, %add3A_334 : i32
      %dma_wait3A_336 = arith.constant 0 : i32
      %dma_wait3A_337 = arith.constant 0 : i32
      %dma_wait3A_338 = tpu.memref_slice %arg3[%dma_wait3A_336, %dma_wait3A_337] : memref<64x1000000xf32, #tpu.memory_space<hbm>> -> memref<64x128xf32, #tpu.memory_space<hbm>>
      %dma_wait3A_339 = arith.constant 0 : i32
      %dma_wait3A_340 = arith.constant 0 : i32
      %dma_wait3A_341 = tpu.memref_slice %arg3[%dma_wait3A_339, %dma_wait3A_340] : memref<64x1000000xf32, #tpu.memory_space<hbm>> -> memref<64x128xf32, #tpu.memory_space<hbm>>
      tpu.wait_dma2 semaphore(%arg22 : memref<!tpu.dma_semaphore, #tpu.memory_space<semaphore_mem>>) src(%dma_wait3A_341 : memref<64x128xf32, #tpu.memory_space<hbm>>) dst(%arg14 : memref<64x128xf32, #tpu.memory_space<vmem>>)
      %slice3A_342 = vector.extract_strided_slice %get3A_173 {offsets = [6], sizes = [1], strides = [1]} : vector<16xi32> to vector<1xi32>
      %squeeze3A_343 = vector.extract %slice3A_342[0] : i32 from vector<1xi32>
      %and3A_344 = arith.constant 127 : i32
      %and3A_345 = arith.andi %squeeze3A_343, %and3A_344 : i32
      %broadcast_in_dim3A_346 = vector.broadcast %and3A_345 : i32 to vector<16xi32>
      %mul3A_347 = arith.constant 16 : i32
      %mul3A_348 = arith.muli %scan3A_167, %mul3A_347 : i32
      %add3A_349 = arith.constant 6 : i32
      %add3A_350 = arith.addi %mul3A_348, %add3A_349 : i32
      %broadcast_in_dim3A_351 = vector.broadcast %add3A_350 : i32 to vector<16xi32>
      %gather3A_352 = tpu.vector_load_idx %arg14[%add3A_5, %broadcast_in_dim3A_346] : memref<64x128xf32, #tpu.memory_space<vmem>>[vector<16xi32>, vector<16xi32>], vector<16xf32>,
      tpu.vector_store_idx %arg7[%add3A_5, %broadcast_in_dim3A_351], %gather3A_352 : memref<64x128xf32, #tpu.memory_space<vmem>>[vector<16xi32>, vector<16xi32>], vector<16xf32>,
      %gather3A_353 = tpu.vector_load_idx %arg14[%add3A_9, %broadcast_in_dim3A_346] : memref<64x128xf32, #tpu.memory_space<vmem>>[vector<16xi32>, vector<16xi32>], vector<16xf32>,
      tpu.vector_store_idx %arg7[%add3A_9, %broadcast_in_dim3A_351], %gather3A_353 : memref<64x128xf32, #tpu.memory_space<vmem>>[vector<16xi32>, vector<16xi32>], vector<16xf32>,
      %gather3A_354 = tpu.vector_load_idx %arg14[%add3A_13, %broadcast_in_dim3A_346] : memref<64x128xf32, #tpu.memory_space<vmem>>[vector<16xi32>, vector<16xi32>], vector<16xf32>,
      tpu.vector_store_idx %arg7[%add3A_13, %broadcast_in_dim3A_351], %gather3A_354 : memref<64x128xf32, #tpu.memory_space<vmem>>[vector<16xi32>, vector<16xi32>], vector<16xf32>,
      %gather3A_355 = tpu.vector_load_idx %arg14[%add3A_17, %broadcast_in_dim3A_346] : memref<64x128xf32, #tpu.memory_space<vmem>>[vector<16xi32>, vector<16xi32>], vector<16xf32>,
      tpu.vector_store_idx %arg7[%add3A_17, %broadcast_in_dim3A_351], %gather3A_355 : memref<64x128xf32, #tpu.memory_space<vmem>>[vector<16xi32>, vector<16xi32>], vector<16xf32>,
      %lt3A_356 = arith.constant 504 : i32
      %lt3A_357 = arith.cmpi slt, %add3A_335, %lt3A_356 : i32
      %convert_element_type3A_358 = arith.extui %lt3A_357 : i1 to i32
      %cond3A_359 = arith.constant 0 : i32
      %cond3A_360 = arith.cmpi ne, %convert_element_type3A_358, %cond3A_359 : i32
      scf.if %cond3A_360 {
        %slice3A_604 = vector.extract_strided_slice %get3A_177 {offsets = [6], sizes = [1], strides = [1]} : vector<16xi32> to vector<1xi32>
        %squeeze3A_605 = vector.extract %slice3A_604[0] : i32 from vector<1xi32>
        %shift_right_logical3A_606 = arith.constant 7 : i32
        %shift_right_logical3A_607 = arith.shrui %squeeze3A_605, %shift_right_logical3A_606 : i32
        %shift_left3A_608 = arith.constant 7 : i32
        %shift_left3A_609 = arith.shli %shift_right_logical3A_607, %shift_left3A_608 : i32
        %multiple_of3A_610 = tpu.assume_multiple %shift_left3A_609, 128 : i32
        %dma_start3A_611 = arith.constant 0 : i32
        %dma_start3A_612 = tpu.memref_slice %arg3[%dma_start3A_611, %multiple_of3A_610] : memref<64x1000000xf32, #tpu.memory_space<hbm>> -> memref<64x128xf32, #tpu.memory_space<hbm>>
        %dma_start3A_613 = arith.constant 0 : i32
        %dma_start3A_614 = tpu.memref_slice %arg3[%dma_start3A_613, %multiple_of3A_610] : memref<64x1000000xf32, #tpu.memory_space<hbm>> -> memref<64x128xf32, #tpu.memory_space<hbm>>
        tpu.enqueue_dma source(%dma_start3A_614 : memref<64x128xf32, #tpu.memory_space<hbm>>) target(%arg14 : memref<64x128xf32, #tpu.memory_space<vmem>>) target_semaphore(%arg22 : memref<!tpu.dma_semaphore, #tpu.memory_space<semaphore_mem>>)
      } else {
      }
      %add3A_361 = arith.constant 7 : i32
      %add3A_362 = arith.addi %add3A_171, %add3A_361 : i32
      %dma_wait3A_363 = arith.constant 0 : i32
      %dma_wait3A_364 = arith.constant 0 : i32
      %dma_wait3A_365 = tpu.memref_slice %arg3[%dma_wait3A_363, %dma_wait3A_364] : memref<64x1000000xf32, #tpu.memory_space<hbm>> -> memref<64x128xf32, #tpu.memory_space<hbm>>
      %dma_wait3A_366 = arith.constant 0 : i32
      %dma_wait3A_367 = arith.constant 0 : i32
      %dma_wait3A_368 = tpu.memref_slice %arg3[%dma_wait3A_366, %dma_wait3A_367] : memref<64x1000000xf32, #tpu.memory_space<hbm>> -> memref<64x128xf32, #tpu.memory_space<hbm>>
      tpu.wait_dma2 semaphore(%arg23 : memref<!tpu.dma_semaphore, #tpu.memory_space<semaphore_mem>>) src(%dma_wait3A_368 : memref<64x128xf32, #tpu.memory_space<hbm>>) dst(%arg15 : memref<64x128xf32, #tpu.memory_space<vmem>>)
      %slice3A_369 = vector.extract_strided_slice %get3A_173 {offsets = [7], sizes = [1], strides = [1]} : vector<16xi32> to vector<1xi32>
      %squeeze3A_370 = vector.extract %slice3A_369[0] : i32 from vector<1xi32>
      %and3A_371 = arith.constant 127 : i32
      %and3A_372 = arith.andi %squeeze3A_370, %and3A_371 : i32
      %broadcast_in_dim3A_373 = vector.broadcast %and3A_372 : i32 to vector<16xi32>
      %mul3A_374 = arith.constant 16 : i32
      %mul3A_375 = arith.muli %scan3A_167, %mul3A_374 : i32
      %add3A_376 = arith.constant 7 : i32
      %add3A_377 = arith.addi %mul3A_375, %add3A_376 : i32
      %broadcast_in_dim3A_378 = vector.broadcast %add3A_377 : i32 to vector<16xi32>
      %gather3A_379 = tpu.vector_load_idx %arg15[%add3A_5, %broadcast_in_dim3A_373] : memref<64x128xf32, #tpu.memory_space<vmem>>[vector<16xi32>, vector<16xi32>], vector<16xf32>,
      tpu.vector_store_idx %arg7[%add3A_5, %broadcast_in_dim3A_378], %gather3A_379 : memref<64x128xf32, #tpu.memory_space<vmem>>[vector<16xi32>, vector<16xi32>], vector<16xf32>,
      %gather3A_380 = tpu.vector_load_idx %arg15[%add3A_9, %broadcast_in_dim3A_373] : memref<64x128xf32, #tpu.memory_space<vmem>>[vector<16xi32>, vector<16xi32>], vector<16xf32>,
      tpu.vector_store_idx %arg7[%add3A_9, %broadcast_in_dim3A_378], %gather3A_380 : memref<64x128xf32, #tpu.memory_space<vmem>>[vector<16xi32>, vector<16xi32>], vector<16xf32>,
      %gather3A_381 = tpu.vector_load_idx %arg15[%add3A_13, %broadcast_in_dim3A_373] : memref<64x128xf32, #tpu.memory_space<vmem>>[vector<16xi32>, vector<16xi32>], vector<16xf32>,
      tpu.vector_store_idx %arg7[%add3A_13, %broadcast_in_dim3A_378], %gather3A_381 : memref<64x128xf32, #tpu.memory_space<vmem>>[vector<16xi32>, vector<16xi32>], vector<16xf32>,
      %gather3A_382 = tpu.vector_load_idx %arg15[%add3A_17, %broadcast_in_dim3A_373] : memref<64x128xf32, #tpu.memory_space<vmem>>[vector<16xi32>, vector<16xi32>], vector<16xf32>,
      tpu.vector_store_idx %arg7[%add3A_17, %broadcast_in_dim3A_378], %gather3A_382 : memref<64x128xf32, #tpu.memory_space<vmem>>[vector<16xi32>, vector<16xi32>], vector<16xf32>,
      %lt3A_383 = arith.constant 504 : i32
      %lt3A_384 = arith.cmpi slt, %add3A_362, %lt3A_383 : i32
      %convert_element_type3A_385 = arith.extui %lt3A_384 : i1 to i32
      %cond3A_386 = arith.constant 0 : i32
      %cond3A_387 = arith.cmpi ne, %convert_element_type3A_385, %cond3A_386 : i32
      scf.if %cond3A_387 {
        %slice3A_604 = vector.extract_strided_slice %get3A_177 {offsets = [7], sizes = [1], strides = [1]} : vector<16xi32> to vector<1xi32>
        %squeeze3A_605 = vector.extract %slice3A_604[0] : i32 from vector<1xi32>
        %shift_right_logical3A_606 = arith.constant 7 : i32
        %shift_right_logical3A_607 = arith.shrui %squeeze3A_605, %shift_right_logical3A_606 : i32
        %shift_left3A_608 = arith.constant 7 : i32
        %shift_left3A_609 = arith.shli %shift_right_logical3A_607, %shift_left3A_608 : i32
        %multiple_of3A_610 = tpu.assume_multiple %shift_left3A_609, 128 : i32
        %dma_start3A_611 = arith.constant 0 : i32
        %dma_start3A_612 = tpu.memref_slice %arg3[%dma_start3A_611, %multiple_of3A_610] : memref<64x1000000xf32, #tpu.memory_space<hbm>> -> memref<64x128xf32, #tpu.memory_space<hbm>>
        %dma_start3A_613 = arith.constant 0 : i32
        %dma_start3A_614 = tpu.memref_slice %arg3[%dma_start3A_613, %multiple_of3A_610] : memref<64x1000000xf32, #tpu.memory_space<hbm>> -> memref<64x128xf32, #tpu.memory_space<hbm>>
        tpu.enqueue_dma source(%dma_start3A_614 : memref<64x128xf32, #tpu.memory_space<hbm>>) target(%arg15 : memref<64x128xf32, #tpu.memory_space<vmem>>) target_semaphore(%arg23 : memref<!tpu.dma_semaphore, #tpu.memory_space<semaphore_mem>>)
      } else {
      }
      %add3A_388 = arith.constant 8 : i32
      %add3A_389 = arith.addi %add3A_171, %add3A_388 : i32
      %dma_wait3A_390 = arith.constant 0 : i32
      %dma_wait3A_391 = arith.constant 0 : i32
      %dma_wait3A_392 = tpu.memref_slice %arg3[%dma_wait3A_390, %dma_wait3A_391] : memref<64x1000000xf32, #tpu.memory_space<hbm>> -> memref<64x128xf32, #tpu.memory_space<hbm>>
      %dma_wait3A_393 = arith.constant 0 : i32
      %dma_wait3A_394 = arith.constant 0 : i32
      %dma_wait3A_395 = tpu.memref_slice %arg3[%dma_wait3A_393, %dma_wait3A_394] : memref<64x1000000xf32, #tpu.memory_space<hbm>> -> memref<64x128xf32, #tpu.memory_space<hbm>>
      tpu.wait_dma2 semaphore(%arg16 : memref<!tpu.dma_semaphore, #tpu.memory_space<semaphore_mem>>) src(%dma_wait3A_395 : memref<64x128xf32, #tpu.memory_space<hbm>>) dst(%arg8 : memref<64x128xf32, #tpu.memory_space<vmem>>)
      %slice3A_396 = vector.extract_strided_slice %get3A_173 {offsets = [8], sizes = [1], strides = [1]} : vector<16xi32> to vector<1xi32>
      %squeeze3A_397 = vector.extract %slice3A_396[0] : i32 from vector<1xi32>
      %and3A_398 = arith.constant 127 : i32
      %and3A_399 = arith.andi %squeeze3A_397, %and3A_398 : i32
      %broadcast_in_dim3A_400 = vector.broadcast %and3A_399 : i32 to vector<16xi32>
      %mul3A_401 = arith.constant 16 : i32
      %mul3A_402 = arith.muli %scan3A_167, %mul3A_401 : i32
      %add3A_403 = arith.constant 8 : i32
      %add3A_404 = arith.addi %mul3A_402, %add3A_403 : i32
      %broadcast_in_dim3A_405 = vector.broadcast %add3A_404 : i32 to vector<16xi32>
      %gather3A_406 = tpu.vector_load_idx %arg8[%add3A_5, %broadcast_in_dim3A_400] : memref<64x128xf32, #tpu.memory_space<vmem>>[vector<16xi32>, vector<16xi32>], vector<16xf32>,
      tpu.vector_store_idx %arg7[%add3A_5, %broadcast_in_dim3A_405], %gather3A_406 : memref<64x128xf32, #tpu.memory_space<vmem>>[vector<16xi32>, vector<16xi32>], vector<16xf32>,
      %gather3A_407 = tpu.vector_load_idx %arg8[%add3A_9, %broadcast_in_dim3A_400] : memref<64x128xf32, #tpu.memory_space<vmem>>[vector<16xi32>, vector<16xi32>], vector<16xf32>,
      tpu.vector_store_idx %arg7[%add3A_9, %broadcast_in_dim3A_405], %gather3A_407 : memref<64x128xf32, #tpu.memory_space<vmem>>[vector<16xi32>, vector<16xi32>], vector<16xf32>,
      %gather3A_408 = tpu.vector_load_idx %arg8[%add3A_13, %broadcast_in_dim3A_400] : memref<64x128xf32, #tpu.memory_space<vmem>>[vector<16xi32>, vector<16xi32>], vector<16xf32>,
      tpu.vector_store_idx %arg7[%add3A_13, %broadcast_in_dim3A_405], %gather3A_408 : memref<64x128xf32, #tpu.memory_space<vmem>>[vector<16xi32>, vector<16xi32>], vector<16xf32>,
      %gather3A_409 = tpu.vector_load_idx %arg8[%add3A_17, %broadcast_in_dim3A_400] : memref<64x128xf32, #tpu.memory_space<vmem>>[vector<16xi32>, vector<16xi32>], vector<16xf32>,
      tpu.vector_store_idx %arg7[%add3A_17, %broadcast_in_dim3A_405], %gather3A_409 : memref<64x128xf32, #tpu.memory_space<vmem>>[vector<16xi32>, vector<16xi32>], vector<16xf32>,
      %lt3A_410 = arith.constant 504 : i32
      %lt3A_411 = arith.cmpi slt, %add3A_389, %lt3A_410 : i32
      %convert_element_type3A_412 = arith.extui %lt3A_411 : i1 to i32
      %cond3A_413 = arith.constant 0 : i32
      %cond3A_414 = arith.cmpi ne, %convert_element_type3A_412, %cond3A_413 : i32
      scf.if %cond3A_414 {
        %slice3A_604 = vector.extract_strided_slice %get3A_177 {offsets = [8], sizes = [1], strides = [1]} : vector<16xi32> to vector<1xi32>
        %squeeze3A_605 = vector.extract %slice3A_604[0] : i32 from vector<1xi32>
        %shift_right_logical3A_606 = arith.constant 7 : i32
        %shift_right_logical3A_607 = arith.shrui %squeeze3A_605, %shift_right_logical3A_606 : i32
        %shift_left3A_608 = arith.constant 7 : i32
        %shift_left3A_609 = arith.shli %shift_right_logical3A_607, %shift_left3A_608 : i32
        %multiple_of3A_610 = tpu.assume_multiple %shift_left3A_609, 128 : i32
        %dma_start3A_611 = arith.constant 0 : i32
        %dma_start3A_612 = tpu.memref_slice %arg3[%dma_start3A_611, %multiple_of3A_610] : memref<64x1000000xf32, #tpu.memory_space<hbm>> -> memref<64x128xf32, #tpu.memory_space<hbm>>
        %dma_start3A_613 = arith.constant 0 : i32
        %dma_start3A_614 = tpu.memref_slice %arg3[%dma_start3A_613, %multiple_of3A_610] : memref<64x1000000xf32, #tpu.memory_space<hbm>> -> memref<64x128xf32, #tpu.memory_space<hbm>>
        tpu.enqueue_dma source(%dma_start3A_614 : memref<64x128xf32, #tpu.memory_space<hbm>>) target(%arg8 : memref<64x128xf32, #tpu.memory_space<vmem>>) target_semaphore(%arg16 : memref<!tpu.dma_semaphore, #tpu.memory_space<semaphore_mem>>)
      } else {
      }
      %add3A_415 = arith.constant 9 : i32
      %add3A_416 = arith.addi %add3A_171, %add3A_415 : i32
      %dma_wait3A_417 = arith.constant 0 : i32
      %dma_wait3A_418 = arith.constant 0 : i32
      %dma_wait3A_419 = tpu.memref_slice %arg3[%dma_wait3A_417, %dma_wait3A_418] : memref<64x1000000xf32, #tpu.memory_space<hbm>> -> memref<64x128xf32, #tpu.memory_space<hbm>>
      %dma_wait3A_420 = arith.constant 0 : i32
      %dma_wait3A_421 = arith.constant 0 : i32
      %dma_wait3A_422 = tpu.memref_slice %arg3[%dma_wait3A_420, %dma_wait3A_421] : memref<64x1000000xf32, #tpu.memory_space<hbm>> -> memref<64x128xf32, #tpu.memory_space<hbm>>
      tpu.wait_dma2 semaphore(%arg17 : memref<!tpu.dma_semaphore, #tpu.memory_space<semaphore_mem>>) src(%dma_wait3A_422 : memref<64x128xf32, #tpu.memory_space<hbm>>) dst(%arg9 : memref<64x128xf32, #tpu.memory_space<vmem>>)
      %slice3A_423 = vector.extract_strided_slice %get3A_173 {offsets = [9], sizes = [1], strides = [1]} : vector<16xi32> to vector<1xi32>
      %squeeze3A_424 = vector.extract %slice3A_423[0] : i32 from vector<1xi32>
      %and3A_425 = arith.constant 127 : i32
      %and3A_426 = arith.andi %squeeze3A_424, %and3A_425 : i32
      %broadcast_in_dim3A_427 = vector.broadcast %and3A_426 : i32 to vector<16xi32>
      %mul3A_428 = arith.constant 16 : i32
      %mul3A_429 = arith.muli %scan3A_167, %mul3A_428 : i32
      %add3A_430 = arith.constant 9 : i32
      %add3A_431 = arith.addi %mul3A_429, %add3A_430 : i32
      %broadcast_in_dim3A_432 = vector.broadcast %add3A_431 : i32 to vector<16xi32>
      %gather3A_433 = tpu.vector_load_idx %arg9[%add3A_5, %broadcast_in_dim3A_427] : memref<64x128xf32, #tpu.memory_space<vmem>>[vector<16xi32>, vector<16xi32>], vector<16xf32>,
      tpu.vector_store_idx %arg7[%add3A_5, %broadcast_in_dim3A_432], %gather3A_433 : memref<64x128xf32, #tpu.memory_space<vmem>>[vector<16xi32>, vector<16xi32>], vector<16xf32>,
      %gather3A_434 = tpu.vector_load_idx %arg9[%add3A_9, %broadcast_in_dim3A_427] : memref<64x128xf32, #tpu.memory_space<vmem>>[vector<16xi32>, vector<16xi32>], vector<16xf32>,
      tpu.vector_store_idx %arg7[%add3A_9, %broadcast_in_dim3A_432], %gather3A_434 : memref<64x128xf32, #tpu.memory_space<vmem>>[vector<16xi32>, vector<16xi32>], vector<16xf32>,
      %gather3A_435 = tpu.vector_load_idx %arg9[%add3A_13, %broadcast_in_dim3A_427] : memref<64x128xf32, #tpu.memory_space<vmem>>[vector<16xi32>, vector<16xi32>], vector<16xf32>,
      tpu.vector_store_idx %arg7[%add3A_13, %broadcast_in_dim3A_432], %gather3A_435 : memref<64x128xf32, #tpu.memory_space<vmem>>[vector<16xi32>, vector<16xi32>], vector<16xf32>,
      %gather3A_436 = tpu.vector_load_idx %arg9[%add3A_17, %broadcast_in_dim3A_427] : memref<64x128xf32, #tpu.memory_space<vmem>>[vector<16xi32>, vector<16xi32>], vector<16xf32>,
      tpu.vector_store_idx %arg7[%add3A_17, %broadcast_in_dim3A_432], %gather3A_436 : memref<64x128xf32, #tpu.memory_space<vmem>>[vector<16xi32>, vector<16xi32>], vector<16xf32>,
      %lt3A_437 = arith.constant 504 : i32
      %lt3A_438 = arith.cmpi slt, %add3A_416, %lt3A_437 : i32
      %convert_element_type3A_439 = arith.extui %lt3A_438 : i1 to i32
      %cond3A_440 = arith.constant 0 : i32
      %cond3A_441 = arith.cmpi ne, %convert_element_type3A_439, %cond3A_440 : i32
      scf.if %cond3A_441 {
        %slice3A_604 = vector.extract_strided_slice %get3A_177 {offsets = [9], sizes = [1], strides = [1]} : vector<16xi32> to vector<1xi32>
        %squeeze3A_605 = vector.extract %slice3A_604[0] : i32 from vector<1xi32>
        %shift_right_logical3A_606 = arith.constant 7 : i32
        %shift_right_logical3A_607 = arith.shrui %squeeze3A_605, %shift_right_logical3A_606 : i32
        %shift_left3A_608 = arith.constant 7 : i32
        %shift_left3A_609 = arith.shli %shift_right_logical3A_607, %shift_left3A_608 : i32
        %multiple_of3A_610 = tpu.assume_multiple %shift_left3A_609, 128 : i32
        %dma_start3A_611 = arith.constant 0 : i32
        %dma_start3A_612 = tpu.memref_slice %arg3[%dma_start3A_611, %multiple_of3A_610] : memref<64x1000000xf32, #tpu.memory_space<hbm>> -> memref<64x128xf32, #tpu.memory_space<hbm>>
        %dma_start3A_613 = arith.constant 0 : i32
        %dma_start3A_614 = tpu.memref_slice %arg3[%dma_start3A_613, %multiple_of3A_610] : memref<64x1000000xf32, #tpu.memory_space<hbm>> -> memref<64x128xf32, #tpu.memory_space<hbm>>
        tpu.enqueue_dma source(%dma_start3A_614 : memref<64x128xf32, #tpu.memory_space<hbm>>) target(%arg9 : memref<64x128xf32, #tpu.memory_space<vmem>>) target_semaphore(%arg17 : memref<!tpu.dma_semaphore, #tpu.memory_space<semaphore_mem>>)
      } else {
      }
      %add3A_442 = arith.constant 10 : i32
      %add3A_443 = arith.addi %add3A_171, %add3A_442 : i32
      %dma_wait3A_444 = arith.constant 0 : i32
      %dma_wait3A_445 = arith.constant 0 : i32
      %dma_wait3A_446 = tpu.memref_slice %arg3[%dma_wait3A_444, %dma_wait3A_445] : memref<64x1000000xf32, #tpu.memory_space<hbm>> -> memref<64x128xf32, #tpu.memory_space<hbm>>
      %dma_wait3A_447 = arith.constant 0 : i32
      %dma_wait3A_448 = arith.constant 0 : i32
      %dma_wait3A_449 = tpu.memref_slice %arg3[%dma_wait3A_447, %dma_wait3A_448] : memref<64x1000000xf32, #tpu.memory_space<hbm>> -> memref<64x128xf32, #tpu.memory_space<hbm>>
      tpu.wait_dma2 semaphore(%arg18 : memref<!tpu.dma_semaphore, #tpu.memory_space<semaphore_mem>>) src(%dma_wait3A_449 : memref<64x128xf32, #tpu.memory_space<hbm>>) dst(%arg10 : memref<64x128xf32, #tpu.memory_space<vmem>>)
      %slice3A_450 = vector.extract_strided_slice %get3A_173 {offsets = [10], sizes = [1], strides = [1]} : vector<16xi32> to vector<1xi32>
      %squeeze3A_451 = vector.extract %slice3A_450[0] : i32 from vector<1xi32>
      %and3A_452 = arith.constant 127 : i32
      %and3A_453 = arith.andi %squeeze3A_451, %and3A_452 : i32
      %broadcast_in_dim3A_454 = vector.broadcast %and3A_453 : i32 to vector<16xi32>
      %mul3A_455 = arith.constant 16 : i32
      %mul3A_456 = arith.muli %scan3A_167, %mul3A_455 : i32
      %add3A_457 = arith.constant 10 : i32
      %add3A_458 = arith.addi %mul3A_456, %add3A_457 : i32
      %broadcast_in_dim3A_459 = vector.broadcast %add3A_458 : i32 to vector<16xi32>
      %gather3A_460 = tpu.vector_load_idx %arg10[%add3A_5, %broadcast_in_dim3A_454] : memref<64x128xf32, #tpu.memory_space<vmem>>[vector<16xi32>, vector<16xi32>], vector<16xf32>,
      tpu.vector_store_idx %arg7[%add3A_5, %broadcast_in_dim3A_459], %gather3A_460 : memref<64x128xf32, #tpu.memory_space<vmem>>[vector<16xi32>, vector<16xi32>], vector<16xf32>,
      %gather3A_461 = tpu.vector_load_idx %arg10[%add3A_9, %broadcast_in_dim3A_454] : memref<64x128xf32, #tpu.memory_space<vmem>>[vector<16xi32>, vector<16xi32>], vector<16xf32>,
      tpu.vector_store_idx %arg7[%add3A_9, %broadcast_in_dim3A_459], %gather3A_461 : memref<64x128xf32, #tpu.memory_space<vmem>>[vector<16xi32>, vector<16xi32>], vector<16xf32>,
      %gather3A_462 = tpu.vector_load_idx %arg10[%add3A_13, %broadcast_in_dim3A_454] : memref<64x128xf32, #tpu.memory_space<vmem>>[vector<16xi32>, vector<16xi32>], vector<16xf32>,
      tpu.vector_store_idx %arg7[%add3A_13, %broadcast_in_dim3A_459], %gather3A_462 : memref<64x128xf32, #tpu.memory_space<vmem>>[vector<16xi32>, vector<16xi32>], vector<16xf32>,
      %gather3A_463 = tpu.vector_load_idx %arg10[%add3A_17, %broadcast_in_dim3A_454] : memref<64x128xf32, #tpu.memory_space<vmem>>[vector<16xi32>, vector<16xi32>], vector<16xf32>,
      tpu.vector_store_idx %arg7[%add3A_17, %broadcast_in_dim3A_459], %gather3A_463 : memref<64x128xf32, #tpu.memory_space<vmem>>[vector<16xi32>, vector<16xi32>], vector<16xf32>,
      %lt3A_464 = arith.constant 504 : i32
      %lt3A_465 = arith.cmpi slt, %add3A_443, %lt3A_464 : i32
      %convert_element_type3A_466 = arith.extui %lt3A_465 : i1 to i32
      %cond3A_467 = arith.constant 0 : i32
      %cond3A_468 = arith.cmpi ne, %convert_element_type3A_466, %cond3A_467 : i32
      scf.if %cond3A_468 {
        %slice3A_604 = vector.extract_strided_slice %get3A_177 {offsets = [10], sizes = [1], strides = [1]} : vector<16xi32> to vector<1xi32>
        %squeeze3A_605 = vector.extract %slice3A_604[0] : i32 from vector<1xi32>
        %shift_right_logical3A_606 = arith.constant 7 : i32
        %shift_right_logical3A_607 = arith.shrui %squeeze3A_605, %shift_right_logical3A_606 : i32
        %shift_left3A_608 = arith.constant 7 : i32
        %shift_left3A_609 = arith.shli %shift_right_logical3A_607, %shift_left3A_608 : i32
        %multiple_of3A_610 = tpu.assume_multiple %shift_left3A_609, 128 : i32
        %dma_start3A_611 = arith.constant 0 : i32
        %dma_start3A_612 = tpu.memref_slice %arg3[%dma_start3A_611, %multiple_of3A_610] : memref<64x1000000xf32, #tpu.memory_space<hbm>> -> memref<64x128xf32, #tpu.memory_space<hbm>>
        %dma_start3A_613 = arith.constant 0 : i32
        %dma_start3A_614 = tpu.memref_slice %arg3[%dma_start3A_613, %multiple_of3A_610] : memref<64x1000000xf32, #tpu.memory_space<hbm>> -> memref<64x128xf32, #tpu.memory_space<hbm>>
        tpu.enqueue_dma source(%dma_start3A_614 : memref<64x128xf32, #tpu.memory_space<hbm>>) target(%arg10 : memref<64x128xf32, #tpu.memory_space<vmem>>) target_semaphore(%arg18 : memref<!tpu.dma_semaphore, #tpu.memory_space<semaphore_mem>>)
      } else {
      }
      %add3A_469 = arith.constant 11 : i32
      %add3A_470 = arith.addi %add3A_171, %add3A_469 : i32
      %dma_wait3A_471 = arith.constant 0 : i32
      %dma_wait3A_472 = arith.constant 0 : i32
      %dma_wait3A_473 = tpu.memref_slice %arg3[%dma_wait3A_471, %dma_wait3A_472] : memref<64x1000000xf32, #tpu.memory_space<hbm>> -> memref<64x128xf32, #tpu.memory_space<hbm>>
      %dma_wait3A_474 = arith.constant 0 : i32
      %dma_wait3A_475 = arith.constant 0 : i32
      %dma_wait3A_476 = tpu.memref_slice %arg3[%dma_wait3A_474, %dma_wait3A_475] : memref<64x1000000xf32, #tpu.memory_space<hbm>> -> memref<64x128xf32, #tpu.memory_space<hbm>>
      tpu.wait_dma2 semaphore(%arg19 : memref<!tpu.dma_semaphore, #tpu.memory_space<semaphore_mem>>) src(%dma_wait3A_476 : memref<64x128xf32, #tpu.memory_space<hbm>>) dst(%arg11 : memref<64x128xf32, #tpu.memory_space<vmem>>)
      %slice3A_477 = vector.extract_strided_slice %get3A_173 {offsets = [11], sizes = [1], strides = [1]} : vector<16xi32> to vector<1xi32>
      %squeeze3A_478 = vector.extract %slice3A_477[0] : i32 from vector<1xi32>
      %and3A_479 = arith.constant 127 : i32
      %and3A_480 = arith.andi %squeeze3A_478, %and3A_479 : i32
      %broadcast_in_dim3A_481 = vector.broadcast %and3A_480 : i32 to vector<16xi32>
      %mul3A_482 = arith.constant 16 : i32
      %mul3A_483 = arith.muli %scan3A_167, %mul3A_482 : i32
      %add3A_484 = arith.constant 11 : i32
      %add3A_485 = arith.addi %mul3A_483, %add3A_484 : i32
      %broadcast_in_dim3A_486 = vector.broadcast %add3A_485 : i32 to vector<16xi32>
      %gather3A_487 = tpu.vector_load_idx %arg11[%add3A_5, %broadcast_in_dim3A_481] : memref<64x128xf32, #tpu.memory_space<vmem>>[vector<16xi32>, vector<16xi32>], vector<16xf32>,
      tpu.vector_store_idx %arg7[%add3A_5, %broadcast_in_dim3A_486], %gather3A_487 : memref<64x128xf32, #tpu.memory_space<vmem>>[vector<16xi32>, vector<16xi32>], vector<16xf32>,
      %gather3A_488 = tpu.vector_load_idx %arg11[%add3A_9, %broadcast_in_dim3A_481] : memref<64x128xf32, #tpu.memory_space<vmem>>[vector<16xi32>, vector<16xi32>], vector<16xf32>,
      tpu.vector_store_idx %arg7[%add3A_9, %broadcast_in_dim3A_486], %gather3A_488 : memref<64x128xf32, #tpu.memory_space<vmem>>[vector<16xi32>, vector<16xi32>], vector<16xf32>,
      %gather3A_489 = tpu.vector_load_idx %arg11[%add3A_13, %broadcast_in_dim3A_481] : memref<64x128xf32, #tpu.memory_space<vmem>>[vector<16xi32>, vector<16xi32>], vector<16xf32>,
      tpu.vector_store_idx %arg7[%add3A_13, %broadcast_in_dim3A_486], %gather3A_489 : memref<64x128xf32, #tpu.memory_space<vmem>>[vector<16xi32>, vector<16xi32>], vector<16xf32>,
      %gather3A_490 = tpu.vector_load_idx %arg11[%add3A_17, %broadcast_in_dim3A_481] : memref<64x128xf32, #tpu.memory_space<vmem>>[vector<16xi32>, vector<16xi32>], vector<16xf32>,
      tpu.vector_store_idx %arg7[%add3A_17, %broadcast_in_dim3A_486], %gather3A_490 : memref<64x128xf32, #tpu.memory_space<vmem>>[vector<16xi32>, vector<16xi32>], vector<16xf32>,
      %lt3A_491 = arith.constant 504 : i32
      %lt3A_492 = arith.cmpi slt, %add3A_470, %lt3A_491 : i32
      %convert_element_type3A_493 = arith.extui %lt3A_492 : i1 to i32
      %cond3A_494 = arith.constant 0 : i32
      %cond3A_495 = arith.cmpi ne, %convert_element_type3A_493, %cond3A_494 : i32
      scf.if %cond3A_495 {
        %slice3A_604 = vector.extract_strided_slice %get3A_177 {offsets = [11], sizes = [1], strides = [1]} : vector<16xi32> to vector<1xi32>
        %squeeze3A_605 = vector.extract %slice3A_604[0] : i32 from vector<1xi32>
        %shift_right_logical3A_606 = arith.constant 7 : i32
        %shift_right_logical3A_607 = arith.shrui %squeeze3A_605, %shift_right_logical3A_606 : i32
        %shift_left3A_608 = arith.constant 7 : i32
        %shift_left3A_609 = arith.shli %shift_right_logical3A_607, %shift_left3A_608 : i32
        %multiple_of3A_610 = tpu.assume_multiple %shift_left3A_609, 128 : i32
        %dma_start3A_611 = arith.constant 0 : i32
        %dma_start3A_612 = tpu.memref_slice %arg3[%dma_start3A_611, %multiple_of3A_610] : memref<64x1000000xf32, #tpu.memory_space<hbm>> -> memref<64x128xf32, #tpu.memory_space<hbm>>
        %dma_start3A_613 = arith.constant 0 : i32
        %dma_start3A_614 = tpu.memref_slice %arg3[%dma_start3A_613, %multiple_of3A_610] : memref<64x1000000xf32, #tpu.memory_space<hbm>> -> memref<64x128xf32, #tpu.memory_space<hbm>>
        tpu.enqueue_dma source(%dma_start3A_614 : memref<64x128xf32, #tpu.memory_space<hbm>>) target(%arg11 : memref<64x128xf32, #tpu.memory_space<vmem>>) target_semaphore(%arg19 : memref<!tpu.dma_semaphore, #tpu.memory_space<semaphore_mem>>)
      } else {
      }
      %add3A_496 = arith.constant 12 : i32
      %add3A_497 = arith.addi %add3A_171, %add3A_496 : i32
      %dma_wait3A_498 = arith.constant 0 : i32
      %dma_wait3A_499 = arith.constant 0 : i32
      %dma_wait3A_500 = tpu.memref_slice %arg3[%dma_wait3A_498, %dma_wait3A_499] : memref<64x1000000xf32, #tpu.memory_space<hbm>> -> memref<64x128xf32, #tpu.memory_space<hbm>>
      %dma_wait3A_501 = arith.constant 0 : i32
      %dma_wait3A_502 = arith.constant 0 : i32
      %dma_wait3A_503 = tpu.memref_slice %arg3[%dma_wait3A_501, %dma_wait3A_502] : memref<64x1000000xf32, #tpu.memory_space<hbm>> -> memref<64x128xf32, #tpu.memory_space<hbm>>
      tpu.wait_dma2 semaphore(%arg20 : memref<!tpu.dma_semaphore, #tpu.memory_space<semaphore_mem>>) src(%dma_wait3A_503 : memref<64x128xf32, #tpu.memory_space<hbm>>) dst(%arg12 : memref<64x128xf32, #tpu.memory_space<vmem>>)
      %slice3A_504 = vector.extract_strided_slice %get3A_173 {offsets = [12], sizes = [1], strides = [1]} : vector<16xi32> to vector<1xi32>
      %squeeze3A_505 = vector.extract %slice3A_504[0] : i32 from vector<1xi32>
      %and3A_506 = arith.constant 127 : i32
      %and3A_507 = arith.andi %squeeze3A_505, %and3A_506 : i32
      %broadcast_in_dim3A_508 = vector.broadcast %and3A_507 : i32 to vector<16xi32>
      %mul3A_509 = arith.constant 16 : i32
      %mul3A_510 = arith.muli %scan3A_167, %mul3A_509 : i32
      %add3A_511 = arith.constant 12 : i32
      %add3A_512 = arith.addi %mul3A_510, %add3A_511 : i32
      %broadcast_in_dim3A_513 = vector.broadcast %add3A_512 : i32 to vector<16xi32>
      %gather3A_514 = tpu.vector_load_idx %arg12[%add3A_5, %broadcast_in_dim3A_508] : memref<64x128xf32, #tpu.memory_space<vmem>>[vector<16xi32>, vector<16xi32>], vector<16xf32>,
      tpu.vector_store_idx %arg7[%add3A_5, %broadcast_in_dim3A_513], %gather3A_514 : memref<64x128xf32, #tpu.memory_space<vmem>>[vector<16xi32>, vector<16xi32>], vector<16xf32>,
      %gather3A_515 = tpu.vector_load_idx %arg12[%add3A_9, %broadcast_in_dim3A_508] : memref<64x128xf32, #tpu.memory_space<vmem>>[vector<16xi32>, vector<16xi32>], vector<16xf32>,
      tpu.vector_store_idx %arg7[%add3A_9, %broadcast_in_dim3A_513], %gather3A_515 : memref<64x128xf32, #tpu.memory_space<vmem>>[vector<16xi32>, vector<16xi32>], vector<16xf32>,
      %gather3A_516 = tpu.vector_load_idx %arg12[%add3A_13, %broadcast_in_dim3A_508] : memref<64x128xf32, #tpu.memory_space<vmem>>[vector<16xi32>, vector<16xi32>], vector<16xf32>,
      tpu.vector_store_idx %arg7[%add3A_13, %broadcast_in_dim3A_513], %gather3A_516 : memref<64x128xf32, #tpu.memory_space<vmem>>[vector<16xi32>, vector<16xi32>], vector<16xf32>,
      %gather3A_517 = tpu.vector_load_idx %arg12[%add3A_17, %broadcast_in_dim3A_508] : memref<64x128xf32, #tpu.memory_space<vmem>>[vector<16xi32>, vector<16xi32>], vector<16xf32>,
      tpu.vector_store_idx %arg7[%add3A_17, %broadcast_in_dim3A_513], %gather3A_517 : memref<64x128xf32, #tpu.memory_space<vmem>>[vector<16xi32>, vector<16xi32>], vector<16xf32>,
      %lt3A_518 = arith.constant 504 : i32
      %lt3A_519 = arith.cmpi slt, %add3A_497, %lt3A_518 : i32
      %convert_element_type3A_520 = arith.extui %lt3A_519 : i1 to i32
      %cond3A_521 = arith.constant 0 : i32
      %cond3A_522 = arith.cmpi ne, %convert_element_type3A_520, %cond3A_521 : i32
      scf.if %cond3A_522 {
        %slice3A_604 = vector.extract_strided_slice %get3A_177 {offsets = [12], sizes = [1], strides = [1]} : vector<16xi32> to vector<1xi32>
        %squeeze3A_605 = vector.extract %slice3A_604[0] : i32 from vector<1xi32>
        %shift_right_logical3A_606 = arith.constant 7 : i32
        %shift_right_logical3A_607 = arith.shrui %squeeze3A_605, %shift_right_logical3A_606 : i32
        %shift_left3A_608 = arith.constant 7 : i32
        %shift_left3A_609 = arith.shli %shift_right_logical3A_607, %shift_left3A_608 : i32
        %multiple_of3A_610 = tpu.assume_multiple %shift_left3A_609, 128 : i32
        %dma_start3A_611 = arith.constant 0 : i32
        %dma_start3A_612 = tpu.memref_slice %arg3[%dma_start3A_611, %multiple_of3A_610] : memref<64x1000000xf32, #tpu.memory_space<hbm>> -> memref<64x128xf32, #tpu.memory_space<hbm>>
        %dma_start3A_613 = arith.constant 0 : i32
        %dma_start3A_614 = tpu.memref_slice %arg3[%dma_start3A_613, %multiple_of3A_610] : memref<64x1000000xf32, #tpu.memory_space<hbm>> -> memref<64x128xf32, #tpu.memory_space<hbm>>
        tpu.enqueue_dma source(%dma_start3A_614 : memref<64x128xf32, #tpu.memory_space<hbm>>) target(%arg12 : memref<64x128xf32, #tpu.memory_space<vmem>>) target_semaphore(%arg20 : memref<!tpu.dma_semaphore, #tpu.memory_space<semaphore_mem>>)
      } else {
      }
      %add3A_523 = arith.constant 13 : i32
      %add3A_524 = arith.addi %add3A_171, %add3A_523 : i32
      %dma_wait3A_525 = arith.constant 0 : i32
      %dma_wait3A_526 = arith.constant 0 : i32
      %dma_wait3A_527 = tpu.memref_slice %arg3[%dma_wait3A_525, %dma_wait3A_526] : memref<64x1000000xf32, #tpu.memory_space<hbm>> -> memref<64x128xf32, #tpu.memory_space<hbm>>
      %dma_wait3A_528 = arith.constant 0 : i32
      %dma_wait3A_529 = arith.constant 0 : i32
      %dma_wait3A_530 = tpu.memref_slice %arg3[%dma_wait3A_528, %dma_wait3A_529] : memref<64x1000000xf32, #tpu.memory_space<hbm>> -> memref<64x128xf32, #tpu.memory_space<hbm>>
      tpu.wait_dma2 semaphore(%arg21 : memref<!tpu.dma_semaphore, #tpu.memory_space<semaphore_mem>>) src(%dma_wait3A_530 : memref<64x128xf32, #tpu.memory_space<hbm>>) dst(%arg13 : memref<64x128xf32, #tpu.memory_space<vmem>>)
      %slice3A_531 = vector.extract_strided_slice %get3A_173 {offsets = [13], sizes = [1], strides = [1]} : vector<16xi32> to vector<1xi32>
      %squeeze3A_532 = vector.extract %slice3A_531[0] : i32 from vector<1xi32>
      %and3A_533 = arith.constant 127 : i32
      %and3A_534 = arith.andi %squeeze3A_532, %and3A_533 : i32
      %broadcast_in_dim3A_535 = vector.broadcast %and3A_534 : i32 to vector<16xi32>
      %mul3A_536 = arith.constant 16 : i32
      %mul3A_537 = arith.muli %scan3A_167, %mul3A_536 : i32
      %add3A_538 = arith.constant 13 : i32
      %add3A_539 = arith.addi %mul3A_537, %add3A_538 : i32
      %broadcast_in_dim3A_540 = vector.broadcast %add3A_539 : i32 to vector<16xi32>
      %gather3A_541 = tpu.vector_load_idx %arg13[%add3A_5, %broadcast_in_dim3A_535] : memref<64x128xf32, #tpu.memory_space<vmem>>[vector<16xi32>, vector<16xi32>], vector<16xf32>,
      tpu.vector_store_idx %arg7[%add3A_5, %broadcast_in_dim3A_540], %gather3A_541 : memref<64x128xf32, #tpu.memory_space<vmem>>[vector<16xi32>, vector<16xi32>], vector<16xf32>,
      %gather3A_542 = tpu.vector_load_idx %arg13[%add3A_9, %broadcast_in_dim3A_535] : memref<64x128xf32, #tpu.memory_space<vmem>>[vector<16xi32>, vector<16xi32>], vector<16xf32>,
      tpu.vector_store_idx %arg7[%add3A_9, %broadcast_in_dim3A_540], %gather3A_542 : memref<64x128xf32, #tpu.memory_space<vmem>>[vector<16xi32>, vector<16xi32>], vector<16xf32>,
      %gather3A_543 = tpu.vector_load_idx %arg13[%add3A_13, %broadcast_in_dim3A_535] : memref<64x128xf32, #tpu.memory_space<vmem>>[vector<16xi32>, vector<16xi32>], vector<16xf32>,
      tpu.vector_store_idx %arg7[%add3A_13, %broadcast_in_dim3A_540], %gather3A_543 : memref<64x128xf32, #tpu.memory_space<vmem>>[vector<16xi32>, vector<16xi32>], vector<16xf32>,
      %gather3A_544 = tpu.vector_load_idx %arg13[%add3A_17, %broadcast_in_dim3A_535] : memref<64x128xf32, #tpu.memory_space<vmem>>[vector<16xi32>, vector<16xi32>], vector<16xf32>,
      tpu.vector_store_idx %arg7[%add3A_17, %broadcast_in_dim3A_540], %gather3A_544 : memref<64x128xf32, #tpu.memory_space<vmem>>[vector<16xi32>, vector<16xi32>], vector<16xf32>,
      %lt3A_545 = arith.constant 504 : i32
      %lt3A_546 = arith.cmpi slt, %add3A_524, %lt3A_545 : i32
      %convert_element_type3A_547 = arith.extui %lt3A_546 : i1 to i32
      %cond3A_548 = arith.constant 0 : i32
      %cond3A_549 = arith.cmpi ne, %convert_element_type3A_547, %cond3A_548 : i32
      scf.if %cond3A_549 {
        %slice3A_604 = vector.extract_strided_slice %get3A_177 {offsets = [13], sizes = [1], strides = [1]} : vector<16xi32> to vector<1xi32>
        %squeeze3A_605 = vector.extract %slice3A_604[0] : i32 from vector<1xi32>
        %shift_right_logical3A_606 = arith.constant 7 : i32
        %shift_right_logical3A_607 = arith.shrui %squeeze3A_605, %shift_right_logical3A_606 : i32
        %shift_left3A_608 = arith.constant 7 : i32
        %shift_left3A_609 = arith.shli %shift_right_logical3A_607, %shift_left3A_608 : i32
        %multiple_of3A_610 = tpu.assume_multiple %shift_left3A_609, 128 : i32
        %dma_start3A_611 = arith.constant 0 : i32
        %dma_start3A_612 = tpu.memref_slice %arg3[%dma_start3A_611, %multiple_of3A_610] : memref<64x1000000xf32, #tpu.memory_space<hbm>> -> memref<64x128xf32, #tpu.memory_space<hbm>>
        %dma_start3A_613 = arith.constant 0 : i32
        %dma_start3A_614 = tpu.memref_slice %arg3[%dma_start3A_613, %multiple_of3A_610] : memref<64x1000000xf32, #tpu.memory_space<hbm>> -> memref<64x128xf32, #tpu.memory_space<hbm>>
        tpu.enqueue_dma source(%dma_start3A_614 : memref<64x128xf32, #tpu.memory_space<hbm>>) target(%arg13 : memref<64x128xf32, #tpu.memory_space<vmem>>) target_semaphore(%arg21 : memref<!tpu.dma_semaphore, #tpu.memory_space<semaphore_mem>>)
      } else {
      }
      %add3A_550 = arith.constant 14 : i32
      %add3A_551 = arith.addi %add3A_171, %add3A_550 : i32
      %dma_wait3A_552 = arith.constant 0 : i32
      %dma_wait3A_553 = arith.constant 0 : i32
      %dma_wait3A_554 = tpu.memref_slice %arg3[%dma_wait3A_552, %dma_wait3A_553] : memref<64x1000000xf32, #tpu.memory_space<hbm>> -> memref<64x128xf32, #tpu.memory_space<hbm>>
      %dma_wait3A_555 = arith.constant 0 : i32
      %dma_wait3A_556 = arith.constant 0 : i32
      %dma_wait3A_557 = tpu.memref_slice %arg3[%dma_wait3A_555, %dma_wait3A_556] : memref<64x1000000xf32, #tpu.memory_space<hbm>> -> memref<64x128xf32, #tpu.memory_space<hbm>>
      tpu.wait_dma2 semaphore(%arg22 : memref<!tpu.dma_semaphore, #tpu.memory_space<semaphore_mem>>) src(%dma_wait3A_557 : memref<64x128xf32, #tpu.memory_space<hbm>>) dst(%arg14 : memref<64x128xf32, #tpu.memory_space<vmem>>)
      %slice3A_558 = vector.extract_strided_slice %get3A_173 {offsets = [14], sizes = [1], strides = [1]} : vector<16xi32> to vector<1xi32>
      %squeeze3A_559 = vector.extract %slice3A_558[0] : i32 from vector<1xi32>
      %and3A_560 = arith.constant 127 : i32
      %and3A_561 = arith.andi %squeeze3A_559, %and3A_560 : i32
      %broadcast_in_dim3A_562 = vector.broadcast %and3A_561 : i32 to vector<16xi32>
      %mul3A_563 = arith.constant 16 : i32
      %mul3A_564 = arith.muli %scan3A_167, %mul3A_563 : i32
      %add3A_565 = arith.constant 14 : i32
      %add3A_566 = arith.addi %mul3A_564, %add3A_565 : i32
      %broadcast_in_dim3A_567 = vector.broadcast %add3A_566 : i32 to vector<16xi32>
      %gather3A_568 = tpu.vector_load_idx %arg14[%add3A_5, %broadcast_in_dim3A_562] : memref<64x128xf32, #tpu.memory_space<vmem>>[vector<16xi32>, vector<16xi32>], vector<16xf32>,
      tpu.vector_store_idx %arg7[%add3A_5, %broadcast_in_dim3A_567], %gather3A_568 : memref<64x128xf32, #tpu.memory_space<vmem>>[vector<16xi32>, vector<16xi32>], vector<16xf32>,
      %gather3A_569 = tpu.vector_load_idx %arg14[%add3A_9, %broadcast_in_dim3A_562] : memref<64x128xf32, #tpu.memory_space<vmem>>[vector<16xi32>, vector<16xi32>], vector<16xf32>,
      tpu.vector_store_idx %arg7[%add3A_9, %broadcast_in_dim3A_567], %gather3A_569 : memref<64x128xf32, #tpu.memory_space<vmem>>[vector<16xi32>, vector<16xi32>], vector<16xf32>,
      %gather3A_570 = tpu.vector_load_idx %arg14[%add3A_13, %broadcast_in_dim3A_562] : memref<64x128xf32, #tpu.memory_space<vmem>>[vector<16xi32>, vector<16xi32>], vector<16xf32>,
      tpu.vector_store_idx %arg7[%add3A_13, %broadcast_in_dim3A_567], %gather3A_570 : memref<64x128xf32, #tpu.memory_space<vmem>>[vector<16xi32>, vector<16xi32>], vector<16xf32>,
      %gather3A_571 = tpu.vector_load_idx %arg14[%add3A_17, %broadcast_in_dim3A_562] : memref<64x128xf32, #tpu.memory_space<vmem>>[vector<16xi32>, vector<16xi32>], vector<16xf32>,
      tpu.vector_store_idx %arg7[%add3A_17, %broadcast_in_dim3A_567], %gather3A_571 : memref<64x128xf32, #tpu.memory_space<vmem>>[vector<16xi32>, vector<16xi32>], vector<16xf32>,
      %lt3A_572 = arith.constant 504 : i32
      %lt3A_573 = arith.cmpi slt, %add3A_551, %lt3A_572 : i32
      %convert_element_type3A_574 = arith.extui %lt3A_573 : i1 to i32
      %cond3A_575 = arith.constant 0 : i32
      %cond3A_576 = arith.cmpi ne, %convert_element_type3A_574, %cond3A_575 : i32
      scf.if %cond3A_576 {
        %slice3A_604 = vector.extract_strided_slice %get3A_177 {offsets = [14], sizes = [1], strides = [1]} : vector<16xi32> to vector<1xi32>
        %squeeze3A_605 = vector.extract %slice3A_604[0] : i32 from vector<1xi32>
        %shift_right_logical3A_606 = arith.constant 7 : i32
        %shift_right_logical3A_607 = arith.shrui %squeeze3A_605, %shift_right_logical3A_606 : i32
        %shift_left3A_608 = arith.constant 7 : i32
        %shift_left3A_609 = arith.shli %shift_right_logical3A_607, %shift_left3A_608 : i32
        %multiple_of3A_610 = tpu.assume_multiple %shift_left3A_609, 128 : i32
        %dma_start3A_611 = arith.constant 0 : i32
        %dma_start3A_612 = tpu.memref_slice %arg3[%dma_start3A_611, %multiple_of3A_610] : memref<64x1000000xf32, #tpu.memory_space<hbm>> -> memref<64x128xf32, #tpu.memory_space<hbm>>
        %dma_start3A_613 = arith.constant 0 : i32
        %dma_start3A_614 = tpu.memref_slice %arg3[%dma_start3A_613, %multiple_of3A_610] : memref<64x1000000xf32, #tpu.memory_space<hbm>> -> memref<64x128xf32, #tpu.memory_space<hbm>>
        tpu.enqueue_dma source(%dma_start3A_614 : memref<64x128xf32, #tpu.memory_space<hbm>>) target(%arg14 : memref<64x128xf32, #tpu.memory_space<vmem>>) target_semaphore(%arg22 : memref<!tpu.dma_semaphore, #tpu.memory_space<semaphore_mem>>)
      } else {
      }
      %add3A_577 = arith.constant 15 : i32
      %add3A_578 = arith.addi %add3A_171, %add3A_577 : i32
      %dma_wait3A_579 = arith.constant 0 : i32
      %dma_wait3A_580 = arith.constant 0 : i32
      %dma_wait3A_581 = tpu.memref_slice %arg3[%dma_wait3A_579, %dma_wait3A_580] : memref<64x1000000xf32, #tpu.memory_space<hbm>> -> memref<64x128xf32, #tpu.memory_space<hbm>>
      %dma_wait3A_582 = arith.constant 0 : i32
      %dma_wait3A_583 = arith.constant 0 : i32
      %dma_wait3A_584 = tpu.memref_slice %arg3[%dma_wait3A_582, %dma_wait3A_583] : memref<64x1000000xf32, #tpu.memory_space<hbm>> -> memref<64x128xf32, #tpu.memory_space<hbm>>
      tpu.wait_dma2 semaphore(%arg23 : memref<!tpu.dma_semaphore, #tpu.memory_space<semaphore_mem>>) src(%dma_wait3A_584 : memref<64x128xf32, #tpu.memory_space<hbm>>) dst(%arg15 : memref<64x128xf32, #tpu.memory_space<vmem>>)
      %slice3A_585 = vector.extract_strided_slice %get3A_173 {offsets = [15], sizes = [1], strides = [1]} : vector<16xi32> to vector<1xi32>
      %squeeze3A_586 = vector.extract %slice3A_585[0] : i32 from vector<1xi32>
      %and3A_587 = arith.constant 127 : i32
      %and3A_588 = arith.andi %squeeze3A_586, %and3A_587 : i32
      %broadcast_in_dim3A_589 = vector.broadcast %and3A_588 : i32 to vector<16xi32>
      %mul3A_590 = arith.constant 16 : i32
      %mul3A_591 = arith.muli %scan3A_167, %mul3A_590 : i32
      %add3A_592 = arith.constant 15 : i32
      %add3A_593 = arith.addi %mul3A_591, %add3A_592 : i32
      %broadcast_in_dim3A_594 = vector.broadcast %add3A_593 : i32 to vector<16xi32>
      %gather3A_595 = tpu.vector_load_idx %arg15[%add3A_5, %broadcast_in_dim3A_589] : memref<64x128xf32, #tpu.memory_space<vmem>>[vector<16xi32>, vector<16xi32>], vector<16xf32>,
      tpu.vector_store_idx %arg7[%add3A_5, %broadcast_in_dim3A_594], %gather3A_595 : memref<64x128xf32, #tpu.memory_space<vmem>>[vector<16xi32>, vector<16xi32>], vector<16xf32>,
      %gather3A_596 = tpu.vector_load_idx %arg15[%add3A_9, %broadcast_in_dim3A_589] : memref<64x128xf32, #tpu.memory_space<vmem>>[vector<16xi32>, vector<16xi32>], vector<16xf32>,
      tpu.vector_store_idx %arg7[%add3A_9, %broadcast_in_dim3A_594], %gather3A_596 : memref<64x128xf32, #tpu.memory_space<vmem>>[vector<16xi32>, vector<16xi32>], vector<16xf32>,
      %gather3A_597 = tpu.vector_load_idx %arg15[%add3A_13, %broadcast_in_dim3A_589] : memref<64x128xf32, #tpu.memory_space<vmem>>[vector<16xi32>, vector<16xi32>], vector<16xf32>,
      tpu.vector_store_idx %arg7[%add3A_13, %broadcast_in_dim3A_594], %gather3A_597 : memref<64x128xf32, #tpu.memory_space<vmem>>[vector<16xi32>, vector<16xi32>], vector<16xf32>,
      %gather3A_598 = tpu.vector_load_idx %arg15[%add3A_17, %broadcast_in_dim3A_589] : memref<64x128xf32, #tpu.memory_space<vmem>>[vector<16xi32>, vector<16xi32>], vector<16xf32>,
      tpu.vector_store_idx %arg7[%add3A_17, %broadcast_in_dim3A_594], %gather3A_598 : memref<64x128xf32, #tpu.memory_space<vmem>>[vector<16xi32>, vector<16xi32>], vector<16xf32>,
      %lt3A_599 = arith.constant 504 : i32
      %lt3A_600 = arith.cmpi slt, %add3A_578, %lt3A_599 : i32
      %convert_element_type3A_601 = arith.extui %lt3A_600 : i1 to i32
      %cond3A_602 = arith.constant 0 : i32
      %cond3A_603 = arith.cmpi ne, %convert_element_type3A_601, %cond3A_602 : i32
      scf.if %cond3A_603 {
        %slice3A_604 = vector.extract_strided_slice %get3A_177 {offsets = [15], sizes = [1], strides = [1]} : vector<16xi32> to vector<1xi32>
        %squeeze3A_605 = vector.extract %slice3A_604[0] : i32 from vector<1xi32>
        %shift_right_logical3A_606 = arith.constant 7 : i32
        %shift_right_logical3A_607 = arith.shrui %squeeze3A_605, %shift_right_logical3A_606 : i32
        %shift_left3A_608 = arith.constant 7 : i32
        %shift_left3A_609 = arith.shli %shift_right_logical3A_607, %shift_left3A_608 : i32
        %multiple_of3A_610 = tpu.assume_multiple %shift_left3A_609, 128 : i32
        %dma_start3A_611 = arith.constant 0 : i32
        %dma_start3A_612 = tpu.memref_slice %arg3[%dma_start3A_611, %multiple_of3A_610] : memref<64x1000000xf32, #tpu.memory_space<hbm>> -> memref<64x128xf32, #tpu.memory_space<hbm>>
        %dma_start3A_613 = arith.constant 0 : i32
        %dma_start3A_614 = tpu.memref_slice %arg3[%dma_start3A_613, %multiple_of3A_610] : memref<64x1000000xf32, #tpu.memory_space<hbm>> -> memref<64x128xf32, #tpu.memory_space<hbm>>
        tpu.enqueue_dma source(%dma_start3A_614 : memref<64x128xf32, #tpu.memory_space<hbm>>) target(%arg15 : memref<64x128xf32, #tpu.memory_space<vmem>>) target_semaphore(%arg23 : memref<!tpu.dma_semaphore, #tpu.memory_space<semaphore_mem>>)
      } else {
      }
    }
    %scan3A_148 = arith.constant 8 : i32
    %add3A_149 = arith.constant 384 : i32
    %add3A_150 = arith.addi %mul3A_2, %add3A_149 : i32
    %dma_start3A_151 = arith.constant 0 : i32
    %dma_start3A_152 = tpu.memref_slice %arg4[%dma_start3A_151, %add3A_150] : memref<64x16384xf32, #tpu.memory_space<hbm>> -> memref<64x128xf32, #tpu.memory_space<hbm>>
    %dma_start3A_153 = arith.constant 0 : i32
    %dma_start3A_154 = tpu.memref_slice %arg4[%dma_start3A_153, %add3A_150] : memref<64x16384xf32, #tpu.memory_space<hbm>> -> memref<64x128xf32, #tpu.memory_space<hbm>>
    tpu.enqueue_dma source(%arg7 : memref<64x128xf32, #tpu.memory_space<vmem>>) target(%dma_start3A_154 : memref<64x128xf32, #tpu.memory_space<hbm>>) target_semaphore(%arg24 : memref<!tpu.dma_semaphore, #tpu.memory_space<semaphore_mem>>)
    %dma_wait3A_155 = arith.constant 0 : i32
    %dma_wait3A_156 = arith.constant 0 : i32
    %dma_wait3A_157 = tpu.memref_slice %arg3[%dma_wait3A_155, %dma_wait3A_156] : memref<64x1000000xf32, #tpu.memory_space<hbm>> -> memref<64x128xf32, #tpu.memory_space<hbm>>
    %dma_wait3A_158 = arith.constant 0 : i32
    %dma_wait3A_159 = arith.constant 0 : i32
    %dma_wait3A_160 = tpu.memref_slice %arg3[%dma_wait3A_158, %dma_wait3A_159] : memref<64x1000000xf32, #tpu.memory_space<hbm>> -> memref<64x128xf32, #tpu.memory_space<hbm>>
    tpu.wait_dma2 semaphore(%arg24 : memref<!tpu.dma_semaphore, #tpu.memory_space<semaphore_mem>>) src(%dma_wait3A_160 : memref<64x128xf32, #tpu.memory_space<hbm>>) dst(%arg6 : memref<64x128xf32, #tpu.memory_space<vmem>>)
    %dma_wait3A_161 = arith.constant 0 : i32
    %dma_wait3A_162 = arith.constant 0 : i32
    %dma_wait3A_163 = tpu.memref_slice %arg3[%dma_wait3A_161, %dma_wait3A_162] : memref<64x1000000xf32, #tpu.memory_space<hbm>> -> memref<64x128xf32, #tpu.memory_space<hbm>>
    %dma_wait3A_164 = arith.constant 0 : i32
    %dma_wait3A_165 = arith.constant 0 : i32
    %dma_wait3A_166 = tpu.memref_slice %arg3[%dma_wait3A_164, %dma_wait3A_165] : memref<64x1000000xf32, #tpu.memory_space<hbm>> -> memref<64x128xf32, #tpu.memory_space<hbm>>
    tpu.wait_dma2 semaphore(%arg24 : memref<!tpu.dma_semaphore, #tpu.memory_space<semaphore_mem>>) src(%dma_wait3A_166 : memref<64x128xf32, #tpu.memory_space<hbm>>) dst(%arg7 : memref<64x128xf32, #tpu.memory_space<vmem>>)
    return
  }
}

</mosaic_0001>

<sc_bundles>
// kernel: kernel.3.cloned.1.call-start
scs
__scs_entry_jumppad:
0x0: {  	(pc) =	sbr.rel $0x88, $3  }
0x1: {  	(tag) =	ssettag $0x0;
	lr =	simm.s32 $0x1  }
0x2: {  	[smem:$0x3F9F] =	sst lr;
	_ =	strace $0xD0000000  }
0x3: {  	_ = 	snop  }
0x4: {  	_ = 	snop  }
0x5: {  	_ = 	snop  }
0x6: {  	_ = 	snop  }
0x7: {  	_ = 	snop  }
__scs_overlays_trampoline_lowered:
0x8: {  	[smem:$0x3FAE] =	sst s0  }
0x9: {  	[smem:$0x3FAF] =	sst s1  }
0xa: {  	[smem:$0x3FB0] =	sst s2  }
0xb: {  	[smem:$0x3FB1] =	sst s3  }
0xc: {  	[smem:$0x3FB2] =	sst s4  }
0xd: {  	[smem:$0x3FB3] =	sst s5  }
0xe: {  	[smem:$0x3FB4] =	sst s6  }
0xf: {  	[smem:$0x3FB5] =	sst s7  }
0x10: {  	[smem:$0x3FB6] =	sst s8  }
0x11: {  	[smem:$0x3FB7] =	sst s9;
	s0 =	simm.s32 @!p0 $0x0  }
0x12: {  	s1 =	sld [smem:$0x3F9D];
	s0 =	simm.s32 @p0 $0x1  }
0x13: {  	[smem:$0x3FB8] =	sst s0;
	s0 =	simm.s32 @!p1 $0x0  }
0x14: {  	s2 =	sld [smem:$0x3F9C];
	s0 =	simm.s32 @p1 $0x1  }
0x15: {  	[smem:$0x3FB9] =	sst s0;
	s0 =	simm.s32 @!p2 $0x0  }
0x16: {  	s3 =	sld [smem:$0x3FDB];
	s0 =	simm.s32 @p2 $0x1  }
0x17: {  	s4 =	simm.s32 $0x1BF5;
	[smem:$0x3FBB] =	sst s0  }
0x18: {  	s0 =	sld [smem:$0x3F9E];
	_ =	swait.ge [sflag:s4], $0x0  }
0x19: {  	s7 =	sld [smem:$0x3F9F]  }
0x1a: {  	s8 =	sadd.s32 $0xFFFFE003, lr  }
0x1b: {  	s9 =	sadd.s32 $0xFFFFFEF7, lr;
	s5 =	simm.s32 $0xFFFFFFFF;
	p2 =	slt.u32 s8, $0xFFFFF086  }
0x1c: {  	p1 =	slt.u32 s9, $0xF7A;
	s5 =	simm.s32 @!p2 $0x0  }
0x1d: {  	s5 =	simm.s32 @p1 $0x1;
	p0 =	seq.s32 s7, s2  }
0x1e: {  	s7 =	smul.u32 @!p0 $0xF7A, s2;
	p2 =	seq.s32 @!p0 s5, $0x0  }
0x1f: {  	s9 =	smul.u32 $0xF7A, s1;
	s8 =	simm.s32 @!p0 $0x1BF5;
	p2 =	por !p2, p0  }
0x20: {  	[sflag:s8] =	ssyncset.s32 @!p0 $0xFFFFF086;
	s6 =	sadd.s32 @!p0 s3, s7;
	s7 =	simm.s32 @!p0 $0x108  }
0x21: {  	s3 =	sadd.s32 s3, s9;
	s6 =	sadd.s32 @!p0 $0x88, s6;
	s7 =	simm.s32 @p2 $0x1082  }
0x22: {  	[simem:s7], [sflag:s8] =	dma.local @!p0 [hbm:s6], $0xF7A  }
0x23: {  	s9 =	sor.u32 $0xD0000000, s2;
	s6 =	simm.s32 $0x108;
	_ =	swait.ge @!p0 [sflag:s8], $0x0  }
0x24: {  	s3 =	sadd.s32 $0x88, s3;
	s6 =	simm.s32 @!p1 $0x1082;
	[sflag:s4] =	ssyncset.s32 $0xFFFFF086  }
0x25: {  	[simem:s6], [sflag:s4] =	dma.local [hbm:s3], $0xF7A  }
0x26: {  	[smem:$0x3F9F] =	sst s1;
	(tag) =	ssettag s2;
	_ =	strace s9  }
0x27: {  	s1 =	sld [smem:$0x3FAF]  }
0x28: {  	s2 =	sld [smem:$0x3FB0]  }
0x29: {  	s4 =	sld [smem:$0x3FB2]  }
0x2a: {  	p0 =	seq.s32 s5, $0x0;
	s5 =	sld [smem:$0x3FB3]  }
0x2b: {  	s6 =	sld [smem:$0x3FB4]  }
0x2c: {  	s7 =	sld [smem:$0x3FB5]  }
0x2d: {  	s3 =	simm.s32 $0x108;
	s8 =	sld [smem:$0x3FB6]  }
0x2e: {  	s3 =	simm.s32 @!p0 $0x1082;
	s9 =	sld [smem:$0x3FB7]  }
0x2f: {  	lr =	sadd.s32 s0, s3;
	s0 =	sld [smem:$0x3FAE]  }
0x30: {  	s3 =	sld [smem:$0x3FB1]  }
0x31: {  	[smem:$0x3FBA] =	sst s10  }
0x32: {  	s10 =	sld [smem:$0x3FB8];
	_ =	sdelay $0x3  }
0x33: {  	p0 =	seq.s32 s10, $0x1;
	s10 =	sld [smem:$0x3FBA];
	_ =	sdelay $0x3  }
0x34: {  	[smem:$0x3FBA] =	sst s10  }
0x35: {  	s10 =	sld [smem:$0x3FB9];
	_ =	sdelay $0x3  }
0x36: {  	p1 =	seq.s32 s10, $0x1;
	s10 =	sld [smem:$0x3FBA];
	_ =	sdelay $0x3  }
0x37: {  	[smem:$0x3FBA] =	sst s10  }
0x38: {  	s10 =	sld [smem:$0x3FBB]  }
0x39: {  	_ = 	snop;
	(pc) =	sbr.ind lr, $3  }
0x3a: {  	_ = 	snop  }
0x3b: {  	_ = 	snop  }
0x3c: {  	p2 =	seq.s32 s10, $0x1;
	s10 =	sld [smem:$0x3FBA]  }
0x3d: {  	_ =	shalt  }
0x3e: {  	_ =	shalt  }
0x3f: {  	_ =	shalt  }
0x40: {  	_ =	shalt  }
0x41: {  	_ =	shalt  }
0x42: {  	_ =	shalt  }
0x43: {  	_ =	shalt  }
0x44: {  	_ =	shalt  }
0x45: {  	_ =	shalt  }
0x46: {  	_ =	shalt  }
0x47: {  	_ =	shalt  }
0x48: {  	_ =	shalt  }
0x49: {  	_ =	shalt  }
0x4a: {  	_ =	shalt  }
0x4b: {  	_ =	shalt  }
0x4c: {  	_ =	shalt  }
0x4d: {  	_ =	shalt  }
0x4e: {  	_ =	shalt  }
0x4f: {  	_ =	shalt  }
0x50: {  	_ =	shalt  }
0x51: {  	_ =	shalt  }
0x52: {  	_ =	shalt  }
0x53: {  	_ =	shalt  }
0x54: {  	_ =	shalt  }
0x55: {  	_ =	shalt  }
0x56: {  	_ =	shalt  }
0x57: {  	_ =	shalt  }
0x58: {  	_ =	shalt  }
0x59: {  	_ =	shalt  }
0x5a: {  	_ =	shalt  }
0x5b: {  	_ =	shalt  }
0x5c: {  	_ =	shalt  }
0x5d: {  	_ =	shalt  }
0x5e: {  	_ =	shalt  }
0x5f: {  	_ =	shalt  }
0x60: {  	_ =	shalt  }
0x61: {  	_ =	shalt  }
0x62: {  	_ =	shalt  }
0x63: {  	_ =	shalt  }
0x64: {  	_ =	shalt  }
0x65: {  	_ =	shalt  }
0x66: {  	_ =	shalt  }
0x67: {  	_ =	shalt  }
0x68: {  	_ =	shalt  }
0x69: {  	_ =	shalt  }
0x6a: {  	_ =	shalt  }
0x6b: {  	_ =	shalt  }
0x6c: {  	_ =	shalt  }
0x6d: {  	_ =	shalt  }
0x6e: {  	_ =	shalt  }
0x6f: {  	_ =	shalt  }
0x70: {  	_ =	shalt  }
0x71: {  	_ =	shalt  }
0x72: {  	_ =	shalt  }
0x73: {  	_ =	shalt  }
0x74: {  	_ =	shalt  }
0x75: {  	_ =	shalt  }
0x76: {  	_ =	shalt  }
0x77: {  	_ =	shalt  }
0x78: {  	_ =	shalt  }
0x79: {  	_ =	shalt  }
0x7a: {  	_ =	shalt  }
0x7b: {  	_ =	shalt  }
0x7c: {  	_ =	shalt  }
0x7d: {  	_ =	shalt  }
0x7e: {  	_ =	shalt  }
0x7f: {  	_ =	shalt  }
0x80: {  	_ =	shalt  }
0x81: {  	_ =	shalt  }
0x82: {  	_ =	shalt  }
0x83: {  	_ =	shalt  }
0x84: {  	_ =	shalt  }
0x85: {  	_ =	shalt  }
0x86: {  	_ =	shalt  }
0x87: {  	_ =	shalt  }
.Lfunc_end0:
.L_simem_size_0:
called_computation_lowered:
.L_overlay_start_0:
0x88: {  	s2 =	sld [smem:$0x3FD9]  }
0x89: {  	s3 =	sld [smem:$0x3FFE];
	_ =	sdelay $0x1  }
0x8a: {  	s1 =	srdreg.scid  }
0x8b: {  	s0 =	sand.u32 $0x1, s1  }
0x8c: {  	s18 =	sshll.u32 s0, $0xA;
	s2 =	sadd.s32 s3, s2  }
0x8d: {  	s2 =	sadd.s32 s2, s18  }
0x8e: {  	[smem:$0x3FC6] =	sst s2  }
0x8f: {  	_ = 	snop  }
0x90: {  	s2 =	sld [smem:$0x3FC9]  }
0x91: {  	s19 =	sld [smem:$0x3FC8]  }
0x92: {  	s4 =	sld [smem:$0x3FD0];
	(tm) =	ssettm $0x1  }
0x93: {  	s5 =	sld [smem:$0x3FFB];
	_ =	sdelay $0x3  }
0x94: {  	_ =	strace s5  }
0x95: {  	s5 =	sld [smem:$0x3FFC];
	_ =	sdelay $0x3  }
0x96: {  	_ =	strace s5  }
0x97: {  	s5 =	sld [smem:$0x3FFD];
	_ =	sdelay $0x3  }
0x98: {  	_ =	strace s5  }
0x99: {  	_ =	strace $0x8FFFFFFF  }
0x9a: {  	s20 =	sld [smem:$0x3FDB];
	_ =	sdelay $0x1  }
0x9b: {  	s6 =	simm.s32 $_scs_section_size  }
0x9c: {  	s7 =	simm.s32 $_size__tile_overlayer_lowered;
	s8 =	simm.s32 $_tile_overlayer_lowered  }
0x9d: {  	s23 =	simm.s32 $0x1BFF;
	s22 =	sshll.u32 s8, $0x1;
	s5 =	sadd.s32 s6, s20  }
0x9e: {  	s9 =	simm.s32 $0x0;
	s21 =	sshll.u32 s7, $0x1;
	s7 =	sadd.s32 s22, s5  }
0x9f: {  	[timem:s9], [sflag:s23] =	dma.local [hbm:s7], s21  }
0xa0: {  	_ =	swait.ge [sflag:s23], s21  }
0xa1: {  	s6 =	ssub.s32 $0x0, s21;
	[sflag:s23] =	ssyncset.done $0x0  }
0xa2: {  	[sflag:s23] =	ssyncadd.s32 s6;
	_ =	sdelay $0x1  }
0xa3: {  	s24 =	simm.s32 $0x1B8B  }
0xa4: {  	_ =	swait.ge [sflag:s24], $0x1  }
0xa5: {  	[sflag:s24] =	ssyncset.done $0x0  }
0xa6: {  	s25 =	simm.s32 $0x1B8E;
	[sflag:s24] =	ssyncadd.s32 $0xFFFFFFFF  }
0xa7: {  	s26 =	simm.s32 $execute0_lowered;
	[smem:$0x3FD2] =	sst s25  }
0xa8: {  	s6 =	sshll.u32 s26, $0x1;
	_ =	strace $0x80000046;
	[dreg:$0x1] =	wrdreg $0xFFFFFFFF  }
0xa9: {  	s28 =	simm.s32 $_size_execute0_lowered;
	s5 =	sadd.s32 s5, s6;
	[dreg:$0x0] =	wrdreg $0x0  }
0xaa: {  	s6 =	sshll.u32 s28, $0x1;
	[dreg:$0x2] =	wrdreg s5  }
0xab: {  	[dreg:$0x3] =	wrdreg s6  }
0xac: {  	[dreg:$0x4] =	wrdreg $0xC0  }
0xad: {  	_ =	task [dreg:s9], $0x5FFFF  }
0xae: {  	[dreg:$0x1] =	wrdreg $0xFFFFFFFF  }
0xaf: {  	[dreg:$0x0] =	wrdreg $0x60  }
0xb0: {  	[dreg:$0x2] =	wrdreg s2  }
0xb1: {  	[dreg:$0x3] =	wrdreg s19  }
0xb2: {  	[dreg:$0x4] =	wrdreg s4  }
0xb3: {  	[dreg:$0x5] =	wrdreg $0x9  }
0xb4: {  	_ =	task.clear_ibuf [dreg:s9], $0x6FFFF;
	_ =	strace $0x90000046  }
0xb5: {  	s29 =	simm.s32 $0x9;
	_ =	strace $0x80000048  }
0xb6: {  	_ =	swait.ge [sflag:s29], $0x1  }
0xb7: {  	[sflag:s29] =	ssyncadd.s32 $0xFFFFFFFF  }
0xb8: {  	_ =	strace $0x90000048  }
0xb9: {  	_ =	sfence  }
0xba: {  	s30 =	sld [smem:$0x0];
	_ =	sdelay $0x2  }
0xbb: {  	s31 =	sshll.u32 s1, $0xD;
	s1 =	sshrl.u32 s1, $0x2  }
0xbc: {  	s3 =	sand.u32 $0x4000, s31;
	s1 =	sadd.s32 s1, s30  }
0xbd: {  	s0 =	sor.u32 s3, s0;
	s1 =	sshll.u32 s1, $0x11  }
0xbe: {  	s0 =	sor.u32 s1, s0  }
0xbf: {  	s0 =	sadd.s32 $0x8F2B, s0  }
0xc0: {  	[sflag:s0] =	ssyncadd.remote.s32 $0x1  }
0xc1: {  	_ =	sfence.sel $0xFFFF  }
0xc2: {  	[dreg:$0x0] =	wrdreg $0xFFFFFFFF;
	(pc) =	sbr.abs _section_cstart, $3  }
0xc3: {  	[dreg:$0x1] =	wrdreg $0xFFFFFFFF  }
0xc4: {  	_ =	task.clear_ibuf [dreg:s9], $0x2FFFF;
	_ =	strace $0x9FFFFFFF  }
0xc5: {  	(tm) =	ssettm $0x7FFFFFFF  }
tec
execute0_lowered:
.L_overlay_start_1:
0x0: {  	(tag) =	ssettag $0x1  }
0x1: {  	s0 =	rddreg [dreg:$0x0]  }
0x2: {  	s1 =	rddreg [dreg:$0x1]  }
0x3: {  	s2 =	rddreg [dreg:$0x2];
	s3 =	srdreg.scid  }
0x4: {  	s5 =	simm.s32 $0x0;
	s4 =	stileid.u32;
	s10 =	simm.s32 $0xA  }
0x5: {  	s11 =	simm.s32 $0x400;
	s12 =	simm.s32 $0x7A1400;
	s13 =	simm.s32 $0x4280  }
0x6: {  	s14 =	simm.s32 $0x6280;
	s15 =	simm.s32 $0x8280;
	s16 =	simm.s32 $0xA280  }
0x7: {  	s17 =	simm.s32 $0xC280;
	s18 =	simm.s32 $0xE280;
	s19 =	simm.s32 $0x10280  }
0x8: {  	s28 =	simm.s32 $0x6;
	s29 =	simm.s32 $0x7;
	s30 =	simm.s32 $0x8  }
0x9: {  	s31 =	simm.s32 $0x20000;
	s3 =	sand.u32 $0x1, s3;
	[smem:$0x7FF] =	sst s5  }
0xa: {  	s4 =	sshll.u32 s4, $0xA;
	s20 =	sshll.u32 s3, $0x9;
	s3 =	ssub.s32 $0x2, s3  }
0xb: {  	_ =	strace $0x80000047;
	s4 =	sor.u32 s20, s4;
	s21 =	sshrl.u32 s3, $0x1  }
0xc: {  	s20 =	simm.s32 $0x12280;
	s6 =	sshrl.u32 s4, $0x3;
	s4 =	sadd.s32 s2, s4  }
0xd: {  	s22 =	ssub.s32 s3, s21;
	s0 =	sadd.s32 s0, s6;
	[dreg:$0x4] =	wrdreg s4  }
0xe: {  	s21 =	simm.s32 $0x1;
	s23 =	sadd.s32 $0x80, s4;
	[dreg:$0x5] =	wrdreg s0  }
0xf: {  	s2 =	simm.s32 $0x9;
	s24 =	sadd.s32 $0x100, s4;
	[dreg:$0x6] =	wrdreg s23  }
0x10: {  	v0 =	vlaneseq.u32;
	s3 =	simm.s32 $0x0;
	s25 =	sadd.s32 $0x180, s4;
	[dreg:$0x7] =	wrdreg s24  }
0x11: {  	v0 =	vmul.u32 $0x80, v0;
	s26 =	smax.u32 s22, $0x1;
	s22 =	simm.s32 $0x280;
	[dreg:$0x8] =	wrdreg s25  }
0x12: {  	[dreg:$0x9] =	wrdreg s26;
	s23 =	simm.s32 $0x2;
	s24 =	simm.s32 $0x3  }
0x13: {  	v1 =	vor.u32 $0x800, v0;
	v2 =	vor.u32 $0x1000, v0;
	v3 =	vor.u32 $0x1800, v0;
	s25 =	simm.s32 $0x4;
	s26 =	simm.s32 $0x5;
	s0 =	simm.s32 $0x2280  }
.LBB2_1:
0x14: {  	s4 =	simm.s32 $0x0;
	s5 =	rddreg [dreg:$0x5]  }
0x15: {  	[tilespmem:s4], [sflag:$0xA] =	stream.linear.gather [hbm4b:s5+s4], $0x200, $0x38;
	[tilespmem:$0x14280] =	vst v63  }
0x16: {  	_ =	swait.ge [sflag:s10], $0x200  }
0x17: {  	[sflag:s10] =	ssyncset.done $0x0  }
0x18: {  	[sflag:s10] =	ssyncadd.s32 $0xFFFFFE00  }
0x19: {  	v4 =	vld [tilespmem:$0x0];
	_ =	sdelay $0x4  }
0x1a: {  	(v2sf) =	vpush v4, $0x0  }
0x1b: {  	(v2sf) =	vpush v4, $0x1;
	_ =	sdelay $0x1  }
0x1c: {  	(v2sf) =	vpush v4, $0x2;
	_ =	sdelay $0x4  }
0x1d: {  	(v2sf) =	vpush v4, $0x3  }
0x1e: {  	(v2sf) =	vpush v4, $0x4;
	_ =	sdelay $0x5  }
0x1f: {  	s9 =	spop (v2sf);
	(v2sf) =	vpush v4, $0x5  }
0x20: {  	s4 =	spop (v2sf);
	(v2sf) =	vpush v4, $0x6  }
0x21: {  	s5 =	sand.u32 $0xFFFFF80, s9  }
0x22: {  	s5 =	sadd.s32 s1, s5;
	s6 =	spop (v2sf)  }
0x23: {  	(v2sf) =	vpush v4, $0x7;
	[tilespmem:s13], [sflag:$0x1] =	stream.strided.gather [hbm4b:s5+s11], $0x2000, s12, s11, $0x38;
	[tilespmem:$0x14280] =	vst v63  }
0x24: {  	s5 =	sand.u32 $0xFFFFF80, s4  }
0x25: {  	s5 =	sadd.s32 s1, s5  }
0x26: {  	[tilespmem:s14], [sflag:$0x2] =	stream.strided.gather [hbm4b:s5+s11], $0x2000, s12, s11, $0x38;
	[tilespmem:$0x14280] =	vst v63  }
0x27: {  	s5 =	sand.u32 $0xFFFFF80, s6;
	s6 =	spop (v2sf)  }
0x28: {  	s5 =	sadd.s32 s1, s5;
	s7 =	sand.u32 $0xFFFFF80, s6;
	s8 =	spop (v2sf)  }
0x29: {  	[tilespmem:s15], [sflag:$0x3] =	stream.strided.gather [hbm4b:s5+s11], $0x2000, s12, s11, $0x38;
	[tilespmem:$0x14280] =	vst v63  }
0x2a: {  	s5 =	sadd.s32 s1, s7;
	s9 =	sand.u32 $0xFFFFF80, s8  }
0x2b: {  	[tilespmem:s16], [sflag:$0x4] =	stream.strided.gather [hbm4b:s5+s11], $0x2000, s12, s11, $0x38;
	[tilespmem:$0x14280] =	vst v63  }
0x2c: {  	s5 =	sadd.s32 s1, s9  }
0x2d: {  	[tilespmem:s17], [sflag:$0x5] =	stream.strided.gather [hbm4b:s5+s11], $0x2000, s12, s11, $0x38;
	[tilespmem:$0x14280] =	vst v63  }
0x2e: {  	s4 =	spop (v2sf)  }
0x2f: {  	s6 =	sand.u32 $0xFFFFF80, s4;
	s7 =	spop (v2sf)  }
0x30: {  	s5 =	sadd.s32 s1, s6;
	s8 =	sand.u32 $0xFFFFF80, s7  }
0x31: {  	[tilespmem:s18], [sflag:$0x6] =	stream.strided.gather [hbm4b:s5+s11], $0x2000, s12, s11, $0x38;
	[tilespmem:$0x14280] =	vst v63  }
0x32: {  	s9 =	spop (v2sf);
	s5 =	sadd.s32 s1, s8  }
0x33: {  	[tilespmem:s19], [sflag:$0x7] =	stream.strided.gather [hbm4b:s5+s11], $0x2000, s12, s11, $0x38;
	[tilespmem:$0x14280] =	vst v63  }
0x34: {  	s5 =	sand.u32 $0xFFFFF80, s9  }
0x35: {  	s5 =	sadd.s32 s1, s5  }
0x36: {  	[tilespmem:s20], [sflag:$0x8] =	stream.strided.gather [hbm4b:s5+s11], $0x2000, s12, s11, $0x38;
	[tilespmem:$0x14280] =	vst v63  }
0x37: {  	s6 =	simm.s32 $0x8;
	s5 =	simm.s32 $0xF  }
.LBB2_2:
0x38: {  	v5 =	vld [tilespmem:s6+$0xFFFFFFF8];
	_ =	sdelay $0x3  }
0x39: {  	v4 =	vld [tilespmem:s6+$0x0];
	_ =	swait.ge [sflag:s21], $0x2000  }
0x3a: {  	(v2sf) =	vpush v5, $0x0;
	_ =	sdelay $0xe  }
0x3b: {  	s7 =	spop (v2sf)  }
0x3c: {  	s7 =	sand.u32 $0x7F, s7  }
0x3d: {  	s8 =	sadd.s32 $0xFFFFFFF1, s5;
	v6 =	vor.u32 s7, v0  }
0x3e: {  	v7 =	vmov s8  }
0x3f: {  	v7 =	vand.u32 $0x70, v7  }
0x40: {  	[sflag:s21] =	ssyncset.done $0x0;
	v7 =	vbroadcast v7, $0x0  }
0x41: {  	[sflag:s21] =	ssyncadd.s32 $0xFFFFE000  }
0x42: {  	v8 =	vor.u32 v0, v7;
	v6 =	vld.idx.msk [tilespmem:v6+s13+$0x0], $0xffff  }
0x43: {  	v9 =	vor.u32 s7, v1;
	_ =	sdelay $0x3  }
0x44: {  	[tilespmem:v8+s22+$0x0] =	vst.idx.msk $0xffff, v6  }
0x45: {  	v48 =	vor.u32 v1, v7;
	(v2sf) =	vpush v4, $0x0;
	v6 =	vld.idx.msk [tilespmem:v9+s13+$0x0], $0xffff  }
0x46: {  	v49 =	vor.u32 s7, v2;
	_ =	sdelay $0x3  }
0x47: {  	[tilespmem:v48+s22+$0x0] =	vst.idx.msk $0xffff, v6  }
0x48: {  	v50 =	vor.u32 v2, v7;
	v6 =	vld.idx.msk [tilespmem:v49+s13+$0x0], $0xffff  }
0x49: {  	v51 =	vor.u32 s7, v3;
	_ =	sdelay $0x3  }
0x4a: {  	[tilespmem:v50+s22+$0x0] =	vst.idx.msk $0xffff, v6  }
0x4b: {  	v7 =	vor.u32 v3, v7;
	v6 =	vld.idx.msk [tilespmem:v51+s13+$0x0], $0xffff;
	_ =	sdelay $0x2  }
0x4c: {  	s4 =	spop (v2sf)  }
0x4d: {  	s7 =	sand.u32 $0xFFFFF80, s4  }
0x4e: {  	s7 =	sadd.s32 s1, s7;
	[tilespmem:v7+s22+$0x0] =	vst.idx.msk $0xffff, v6  }
0x4f: {  	[tilespmem:s13], [sflag:$0x1] =	stream.strided.gather [hbm4b:s7+s11], $0x2000, s12, s11, $0x38;
	[tilespmem:$0x14280] =	vst v63  }
0x50: {  	_ =	swait.ge [sflag:s23], $0x2000  }
0x51: {  	(v2sf) =	vpush v5, $0x1;
	_ =	sdelay $0xe  }
0x52: {  	s8 =	spop (v2sf)  }
0x53: {  	s7 =	sand.u32 $0x7F, s8  }
0x54: {  	s9 =	sadd.s32 $0xFFFFFFF2, s5;
	v52 =	vor.u32 s7, v0  }
0x55: {  	v53 =	vmov s9  }
0x56: {  	v7 =	vand.u32 $0x71, v53  }
0x57: {  	v7 =	vbroadcast v7, $0x0;
	[sflag:s23] =	ssyncset.done $0x0  }
0x58: {  	[sflag:s23] =	ssyncadd.s32 $0xFFFFE000  }
0x59: {  	v54 =	vor.u32 v0, v7;
	v6 =	vld.idx.msk [tilespmem:v52+s14+$0x0], $0xffff  }
0x5a: {  	v55 =	vor.u32 s7, v1;
	_ =	sdelay $0x3  }
0x5b: {  	[tilespmem:v54+s22+$0x0] =	vst.idx.msk $0xffff, v6  }
0x5c: {  	v56 =	vor.u32 v1, v7;
	(v2sf) =	vpush v4, $0x1;
	v6 =	vld.idx.msk [tilespmem:v55+s14+$0x0], $0xffff  }
0x5d: {  	v57 =	vor.u32 s7, v2;
	_ =	sdelay $0x3  }
0x5e: {  	[tilespmem:v56+s22+$0x0] =	vst.idx.msk $0xffff, v6  }
0x5f: {  	v58 =	vor.u32 v2, v7;
	v6 =	vld.idx.msk [tilespmem:v57+s14+$0x0], $0xffff  }
0x60: {  	v59 =	vor.u32 s7, v3;
	_ =	sdelay $0x3  }
0x61: {  	[tilespmem:v58+s22+$0x0] =	vst.idx.msk $0xffff, v6  }
0x62: {  	v7 =	vor.u32 v3, v7;
	v6 =	vld.idx.msk [tilespmem:v59+s14+$0x0], $0xffff;
	_ =	sdelay $0x2  }
0x63: {  	s4 =	spop (v2sf)  }
0x64: {  	s7 =	sand.u32 $0xFFFFF80, s4  }
0x65: {  	s7 =	sadd.s32 s1, s7;
	[tilespmem:v7+s22+$0x0] =	vst.idx.msk $0xffff, v6  }
0x66: {  	[tilespmem:s14], [sflag:$0x2] =	stream.strided.gather [hbm4b:s7+s11], $0x2000, s12, s11, $0x38;
	[tilespmem:$0x14280] =	vst v63  }
0x67: {  	_ =	swait.ge [sflag:s24], $0x2000  }
0x68: {  	(v2sf) =	vpush v5, $0x2;
	_ =	sdelay $0xe  }
0x69: {  	s8 =	spop (v2sf)  }
0x6a: {  	s7 =	sand.u32 $0x7F, s8  }
0x6b: {  	s9 =	sadd.s32 $0xFFFFFFF3, s5;
	v60 =	vor.u32 s7, v0  }
0x6c: {  	v61 =	vmov s9  }
0x6d: {  	v7 =	vand.u32 $0x72, v61  }
0x6e: {  	v7 =	vbroadcast v7, $0x0;
	[sflag:s24] =	ssyncset.done $0x0  }
0x6f: {  	[sflag:s24] =	ssyncadd.s32 $0xFFFFE000  }
0x70: {  	v62 =	vor.u32 v0, v7;
	v6 =	vld.idx.msk [tilespmem:v60+s15+$0x0], $0xffff  }
0x71: {  	v63 =	vor.u32 s7, v1;
	_ =	sdelay $0x3  }
0x72: {  	[tilespmem:v62+s22+$0x0] =	vst.idx.msk $0xffff, v6  }
0x73: {  	v12 =	vor.u32 v1, v7;
	(v2sf) =	vpush v4, $0x2;
	v6 =	vld.idx.msk [tilespmem:v63+s15+$0x0], $0xffff  }
0x74: {  	v13 =	vor.u32 s7, v2;
	_ =	sdelay $0x3  }
0x75: {  	[tilespmem:v12+s22+$0x0] =	vst.idx.msk $0xffff, v6  }
0x76: {  	v14 =	vor.u32 v2, v7;
	v6 =	vld.idx.msk [tilespmem:v13+s15+$0x0], $0xffff  }
0x77: {  	v15 =	vor.u32 s7, v3;
	_ =	sdelay $0x3  }
0x78: {  	[tilespmem:v14+s22+$0x0] =	vst.idx.msk $0xffff, v6  }
0x79: {  	v7 =	vor.u32 v3, v7;
	v6 =	vld.idx.msk [tilespmem:v15+s15+$0x0], $0xffff;
	_ =	sdelay $0x2  }
0x7a: {  	s4 =	spop (v2sf)  }
0x7b: {  	s7 =	sand.u32 $0xFFFFF80, s4  }
0x7c: {  	s7 =	sadd.s32 s1, s7;
	[tilespmem:v7+s22+$0x0] =	vst.idx.msk $0xffff, v6  }
0x7d: {  	[tilespmem:s15], [sflag:$0x3] =	stream.strided.gather [hbm4b:s7+s11], $0x2000, s12, s11, $0x38;
	[tilespmem:$0x14280] =	vst v63  }
0x7e: {  	_ =	swait.ge [sflag:s25], $0x2000  }
0x7f: {  	(v2sf) =	vpush v5, $0x3;
	_ =	sdelay $0xe  }
0x80: {  	s8 =	spop (v2sf)  }
0x81: {  	s7 =	sand.u32 $0x7F, s8  }
0x82: {  	s9 =	sadd.s32 $0xFFFFFFF4, s5;
	v16 =	vor.u32 s7, v0  }
0x83: {  	v17 =	vmov s9  }
0x84: {  	v7 =	vand.u32 $0x73, v17  }
0x85: {  	v7 =	vbroadcast v7, $0x0;
	[sflag:s25] =	ssyncset.done $0x0  }
0x86: {  	[sflag:s25] =	ssyncadd.s32 $0xFFFFE000  }
0x87: {  	v18 =	vor.u32 v0, v7;
	v6 =	vld.idx.msk [tilespmem:v16+s16+$0x0], $0xffff  }
0x88: {  	v19 =	vor.u32 s7, v1;
	_ =	sdelay $0x3  }
0x89: {  	[tilespmem:v18+s22+$0x0] =	vst.idx.msk $0xffff, v6  }
0x8a: {  	v20 =	vor.u32 v1, v7;
	(v2sf) =	vpush v4, $0x3;
	v6 =	vld.idx.msk [tilespmem:v19+s16+$0x0], $0xffff  }
0x8b: {  	v21 =	vor.u32 s7, v2;
	_ =	sdelay $0x3  }
0x8c: {  	[tilespmem:v20+s22+$0x0] =	vst.idx.msk $0xffff, v6  }
0x8d: {  	v22 =	vor.u32 v2, v7;
	v6 =	vld.idx.msk [tilespmem:v21+s16+$0x0], $0xffff  }
0x8e: {  	v23 =	vor.u32 s7, v3;
	_ =	sdelay $0x3  }
0x8f: {  	[tilespmem:v22+s22+$0x0] =	vst.idx.msk $0xffff, v6  }
0x90: {  	v7 =	vor.u32 v3, v7;
	v6 =	vld.idx.msk [tilespmem:v23+s16+$0x0], $0xffff;
	_ =	sdelay $0x2  }
0x91: {  	s4 =	spop (v2sf)  }
0x92: {  	s7 =	sand.u32 $0xFFFFF80, s4  }
0x93: {  	s7 =	sadd.s32 s1, s7;
	[tilespmem:v7+s22+$0x0] =	vst.idx.msk $0xffff, v6  }
0x94: {  	[tilespmem:s16], [sflag:$0x4] =	stream.strided.gather [hbm4b:s7+s11], $0x2000, s12, s11, $0x38;
	[tilespmem:$0x14280] =	vst v63  }
0x95: {  	_ =	swait.ge [sflag:s26], $0x2000  }
0x96: {  	(v2sf) =	vpush v5, $0x4;
	_ =	sdelay $0xe  }
0x97: {  	s8 =	spop (v2sf)  }
0x98: {  	s7 =	sand.u32 $0x7F, s8  }
0x99: {  	s9 =	sadd.s32 $0xFFFFFFF5, s5;
	v24 =	vor.u32 s7, v0  }
0x9a: {  	v25 =	vmov s9  }
0x9b: {  	v7 =	vand.u32 $0x74, v25  }
0x9c: {  	v7 =	vbroadcast v7, $0x0;
	[sflag:s26] =	ssyncset.done $0x0  }
0x9d: {  	[sflag:s26] =	ssyncadd.s32 $0xFFFFE000  }
0x9e: {  	v26 =	vor.u32 v0, v7;
	v6 =	vld.idx.msk [tilespmem:v24+s17+$0x0], $0xffff  }
0x9f: {  	v27 =	vor.u32 s7, v1;
	_ =	sdelay $0x3  }
0xa0: {  	[tilespmem:v26+s22+$0x0] =	vst.idx.msk $0xffff, v6  }
0xa1: {  	v28 =	vor.u32 v1, v7;
	(v2sf) =	vpush v4, $0x4;
	v6 =	vld.idx.msk [tilespmem:v27+s17+$0x0], $0xffff  }
0xa2: {  	v29 =	vor.u32 s7, v2;
	_ =	sdelay $0x3  }
0xa3: {  	[tilespmem:v28+s22+$0x0] =	vst.idx.msk $0xffff, v6  }
0xa4: {  	v30 =	vor.u32 v2, v7;
	v6 =	vld.idx.msk [tilespmem:v29+s17+$0x0], $0xffff  }
0xa5: {  	v31 =	vor.u32 s7, v3;
	_ =	sdelay $0x3  }
0xa6: {  	[tilespmem:v30+s22+$0x0] =	vst.idx.msk $0xffff, v6  }
0xa7: {  	v7 =	vor.u32 v3, v7;
	v6 =	vld.idx.msk [tilespmem:v31+s17+$0x0], $0xffff;
	_ =	sdelay $0x2  }
0xa8: {  	s4 =	spop (v2sf)  }
0xa9: {  	s7 =	sand.u32 $0xFFFFF80, s4  }
0xaa: {  	s7 =	sadd.s32 s1, s7;
	[tilespmem:v7+s22+$0x0] =	vst.idx.msk $0xffff, v6  }
0xab: {  	[tilespmem:s17], [sflag:$0x5] =	stream.strided.gather [hbm4b:s7+s11], $0x2000, s12, s11, $0x38;
	[tilespmem:$0x14280] =	vst v63  }
0xac: {  	_ =	swait.ge [sflag:s28], $0x2000  }
0xad: {  	(v2sf) =	vpush v5, $0x5;
	_ =	sdelay $0xe  }
0xae: {  	s8 =	spop (v2sf)  }
0xaf: {  	s7 =	sand.u32 $0x7F, s8  }
0xb0: {  	s9 =	sadd.s32 $0xFFFFFFF6, s5;
	v32 =	vor.u32 s7, v0  }
0xb1: {  	v33 =	vmov s9  }
0xb2: {  	v7 =	vand.u32 $0x75, v33  }
0xb3: {  	v7 =	vbroadcast v7, $0x0;
	[sflag:s28] =	ssyncset.done $0x0  }
0xb4: {  	[sflag:s28] =	ssyncadd.s32 $0xFFFFE000  }
0xb5: {  	v34 =	vor.u32 v0, v7;
	v6 =	vld.idx.msk [tilespmem:v32+s18+$0x0], $0xffff  }
0xb6: {  	v35 =	vor.u32 s7, v1;
	_ =	sdelay $0x3  }
0xb7: {  	[tilespmem:v34+s22+$0x0] =	vst.idx.msk $0xffff, v6  }
0xb8: {  	v36 =	vor.u32 v1, v7;
	(v2sf) =	vpush v4, $0x5;
	v6 =	vld.idx.msk [tilespmem:v35+s18+$0x0], $0xffff  }
0xb9: {  	v37 =	vor.u32 s7, v2;
	_ =	sdelay $0x3  }
0xba: {  	[tilespmem:v36+s22+$0x0] =	vst.idx.msk $0xffff, v6  }
0xbb: {  	v38 =	vor.u32 v2, v7;
	v6 =	vld.idx.msk [tilespmem:v37+s18+$0x0], $0xffff  }
0xbc: {  	v39 =	vor.u32 s7, v3;
	_ =	sdelay $0x3  }
0xbd: {  	[tilespmem:v38+s22+$0x0] =	vst.idx.msk $0xffff, v6  }
0xbe: {  	v7 =	vor.u32 v3, v7;
	v6 =	vld.idx.msk [tilespmem:v39+s18+$0x0], $0xffff;
	_ =	sdelay $0x2  }
0xbf: {  	s4 =	spop (v2sf)  }
0xc0: {  	s7 =	sand.u32 $0xFFFFF80, s4  }
0xc1: {  	s7 =	sadd.s32 s1, s7;
	[tilespmem:v7+s22+$0x0] =	vst.idx.msk $0xffff, v6  }
0xc2: {  	[tilespmem:s18], [sflag:$0x6] =	stream.strided.gather [hbm4b:s7+s11], $0x2000, s12, s11, $0x38;
	[tilespmem:$0x14280] =	vst v63  }
0xc3: {  	_ =	swait.ge [sflag:s29], $0x2000  }
0xc4: {  	(v2sf) =	vpush v5, $0x6;
	_ =	sdelay $0xe  }
0xc5: {  	s8 =	spop (v2sf)  }
0xc6: {  	s7 =	sand.u32 $0x7F, s8  }
0xc7: {  	s9 =	sadd.s32 $0xFFFFFFF7, s5;
	v40 =	vor.u32 s7, v0  }
0xc8: {  	v41 =	vmov s9  }
0xc9: {  	v7 =	vand.u32 $0x76, v41  }
0xca: {  	v7 =	vbroadcast v7, $0x0;
	[sflag:s29] =	ssyncset.done $0x0  }
0xcb: {  	[sflag:s29] =	ssyncadd.s32 $0xFFFFE000  }
0xcc: {  	v42 =	vor.u32 v0, v7;
	v6 =	vld.idx.msk [tilespmem:v40+s19+$0x0], $0xffff  }
0xcd: {  	v43 =	vor.u32 s7, v1;
	_ =	sdelay $0x3  }
0xce: {  	[tilespmem:v42+s22+$0x0] =	vst.idx.msk $0xffff, v6  }
0xcf: {  	v44 =	vor.u32 v1, v7;
	(v2sf) =	vpush v4, $0x6;
	v6 =	vld.idx.msk [tilespmem:v43+s19+$0x0], $0xffff  }
0xd0: {  	v45 =	vor.u32 s7, v2;
	_ =	sdelay $0x3  }
0xd1: {  	[tilespmem:v44+s22+$0x0] =	vst.idx.msk $0xffff, v6  }
0xd2: {  	v46 =	vor.u32 v2, v7;
	v6 =	vld.idx.msk [tilespmem:v45+s19+$0x0], $0xffff  }
0xd3: {  	v47 =	vor.u32 s7, v3;
	_ =	sdelay $0x3  }
0xd4: {  	[tilespmem:v46+s22+$0x0] =	vst.idx.msk $0xffff, v6  }
0xd5: {  	v7 =	vor.u32 v3, v7;
	v6 =	vld.idx.msk [tilespmem:v47+s19+$0x0], $0xffff;
	_ =	sdelay $0x2  }
0xd6: {  	s4 =	spop (v2sf)  }
0xd7: {  	s7 =	sand.u32 $0xFFFFF80, s4  }
0xd8: {  	s7 =	sadd.s32 s1, s7;
	[tilespmem:v7+s22+$0x0] =	vst.idx.msk $0xffff, v6  }
0xd9: {  	[tilespmem:s19], [sflag:$0x7] =	stream.strided.gather [hbm4b:s7+s11], $0x2000, s12, s11, $0x38;
	[tilespmem:$0x14280] =	vst v63  }
0xda: {  	_ =	swait.ge [sflag:s30], $0x2000  }
0xdb: {  	(v2sf) =	vpush v5, $0x7;
	_ =	sdelay $0xe  }
0xdc: {  	s8 =	spop (v2sf)  }
0xdd: {  	s7 =	sand.u32 $0x7F, s8  }
0xde: {  	s9 =	sadd.s32 $0xFFFFFFF8, s5;
	v48 =	vor.u32 s7, v0  }
0xdf: {  	v49 =	vmov s9  }
0xe0: {  	v7 =	vand.u32 $0x77, v49  }
0xe1: {  	v7 =	vbroadcast v7, $0x0;
	[sflag:s30] =	ssyncset.done $0x0  }
0xe2: {  	[sflag:s30] =	ssyncadd.s32 $0xFFFFE000  }
0xe3: {  	v50 =	vor.u32 v0, v7;
	v6 =	vld.idx.msk [tilespmem:v48+s20+$0x0], $0xffff  }
0xe4: {  	v51 =	vor.u32 s7, v1;
	_ =	sdelay $0x3  }
0xe5: {  	[tilespmem:v50+s22+$0x0] =	vst.idx.msk $0xffff, v6  }
0xe6: {  	v52 =	vor.u32 v1, v7;
	(v2sf) =	vpush v4, $0x7;
	v6 =	vld.idx.msk [tilespmem:v51+s20+$0x0], $0xffff  }
0xe7: {  	v53 =	vor.u32 s7, v2;
	_ =	sdelay $0x3  }
0xe8: {  	[tilespmem:v52+s22+$0x0] =	vst.idx.msk $0xffff, v6  }
0xe9: {  	v54 =	vor.u32 v2, v7;
	v6 =	vld.idx.msk [tilespmem:v53+s20+$0x0], $0xffff  }
0xea: {  	v55 =	vor.u32 s7, v3;
	_ =	sdelay $0x3  }
0xeb: {  	[tilespmem:v54+s22+$0x0] =	vst.idx.msk $0xffff, v6  }
0xec: {  	v7 =	vor.u32 v3, v7;
	v6 =	vld.idx.msk [tilespmem:v55+s20+$0x0], $0xffff;
	_ =	sdelay $0x2  }
0xed: {  	s4 =	spop (v2sf)  }
0xee: {  	s7 =	sand.u32 $0xFFFFF80, s4  }
0xef: {  	s7 =	sadd.s32 s1, s7;
	[tilespmem:v7+s22+$0x0] =	vst.idx.msk $0xffff, v6  }
0xf0: {  	[tilespmem:s20], [sflag:$0x8] =	stream.strided.gather [hbm4b:s7+s11], $0x2000, s12, s11, $0x38;
	[tilespmem:$0x14280] =	vst v63  }
0xf1: {  	_ =	swait.ge [sflag:s21], $0x2000  }
0xf2: {  	(v2sf) =	vpush v5, $0x8;
	_ =	sdelay $0xe  }
0xf3: {  	s8 =	spop (v2sf)  }
0xf4: {  	s7 =	sand.u32 $0x7F, s8  }
0xf5: {  	s9 =	sadd.s32 $0xFFFFFFF9, s5;
	v56 =	vor.u32 s7, v0  }
0xf6: {  	v57 =	vmov s9  }
0xf7: {  	v7 =	vand.u32 $0x78, v57  }
0xf8: {  	v7 =	vbroadcast v7, $0x0;
	[sflag:s21] =	ssyncset.done $0x0  }
0xf9: {  	[sflag:s21] =	ssyncadd.s32 $0xFFFFE000  }
0xfa: {  	v58 =	vor.u32 v0, v7;
	v6 =	vld.idx.msk [tilespmem:v56+s13+$0x0], $0xffff  }
0xfb: {  	v59 =	vor.u32 s7, v1;
	_ =	sdelay $0x3  }
0xfc: {  	[tilespmem:v58+s22+$0x0] =	vst.idx.msk $0xffff, v6  }
0xfd: {  	v60 =	vor.u32 v1, v7;
	(v2sf) =	vpush v4, $0x8;
	v6 =	vld.idx.msk [tilespmem:v59+s13+$0x0], $0xffff  }
0xfe: {  	v61 =	vor.u32 s7, v2;
	_ =	sdelay $0x3  }
0xff: {  	[tilespmem:v60+s22+$0x0] =	vst.idx.msk $0xffff, v6  }
0x100: {  	v62 =	vor.u32 v2, v7;
	v6 =	vld.idx.msk [tilespmem:v61+s13+$0x0], $0xffff  }
0x101: {  	v63 =	vor.u32 s7, v3;
	_ =	sdelay $0x3  }
0x102: {  	[tilespmem:v62+s22+$0x0] =	vst.idx.msk $0xffff, v6  }
0x103: {  	v7 =	vor.u32 v3, v7;
	v6 =	vld.idx.msk [tilespmem:v63+s13+$0x0], $0xffff;
	_ =	sdelay $0x2  }
0x104: {  	s4 =	spop (v2sf)  }
0x105: {  	s7 =	sand.u32 $0xFFFFF80, s4  }
0x106: {  	s7 =	sadd.s32 s1, s7;
	[tilespmem:v7+s22+$0x0] =	vst.idx.msk $0xffff, v6  }
0x107: {  	[tilespmem:s13], [sflag:$0x1] =	stream.strided.gather [hbm4b:s7+s11], $0x2000, s12, s11, $0x38;
	[tilespmem:$0x14280] =	vst v63  }
0x108: {  	_ =	swait.ge [sflag:s23], $0x2000  }
0x109: {  	(v2sf) =	vpush v5, $0x9;
	_ =	sdelay $0xe  }
0x10a: {  	s8 =	spop (v2sf)  }
0x10b: {  	s7 =	sand.u32 $0x7F, s8  }
0x10c: {  	s9 =	sadd.s32 $0xFFFFFFFA, s5;
	v11 =	vor.u32 s7, v0  }
0x10d: {  	v12 =	vmov s9  }
0x10e: {  	v7 =	vand.u32 $0x79, v12  }
0x10f: {  	v7 =	vbroadcast v7, $0x0;
	[sflag:s23] =	ssyncset.done $0x0  }
0x110: {  	[sflag:s23] =	ssyncadd.s32 $0xFFFFE000  }
0x111: {  	v13 =	vor.u32 v0, v7;
	v6 =	vld.idx.msk [tilespmem:v11+s14+$0x0], $0xffff  }
0x112: {  	v14 =	vor.u32 s7, v1;
	_ =	sdelay $0x3  }
0x113: {  	[tilespmem:v13+s22+$0x0] =	vst.idx.msk $0xffff, v6  }
0x114: {  	v15 =	vor.u32 v1, v7;
	(v2sf) =	vpush v4, $0x9;
	v6 =	vld.idx.msk [tilespmem:v14+s14+$0x0], $0xffff  }
0x115: {  	v16 =	vor.u32 s7, v2;
	_ =	sdelay $0x3  }
0x116: {  	[tilespmem:v15+s22+$0x0] =	vst.idx.msk $0xffff, v6  }
0x117: {  	v17 =	vor.u32 v2, v7;
	v6 =	vld.idx.msk [tilespmem:v16+s14+$0x0], $0xffff  }
0x118: {  	v18 =	vor.u32 s7, v3;
	_ =	sdelay $0x3  }
0x119: {  	[tilespmem:v17+s22+$0x0] =	vst.idx.msk $0xffff, v6  }
0x11a: {  	v7 =	vor.u32 v3, v7;
	v6 =	vld.idx.msk [tilespmem:v18+s14+$0x0], $0xffff;
	_ =	sdelay $0x2  }
0x11b: {  	s4 =	spop (v2sf)  }
0x11c: {  	s7 =	sand.u32 $0xFFFFF80, s4  }
0x11d: {  	s7 =	sadd.s32 s1, s7;
	[tilespmem:v7+s22+$0x0] =	vst.idx.msk $0xffff, v6  }
0x11e: {  	[tilespmem:s14], [sflag:$0x2] =	stream.strided.gather [hbm4b:s7+s11], $0x2000, s12, s11, $0x38;
	[tilespmem:$0x14280] =	vst v63  }
0x11f: {  	_ =	swait.ge [sflag:s24], $0x2000  }
0x120: {  	(v2sf) =	vpush v5, $0xA;
	_ =	sdelay $0xe  }
0x121: {  	s8 =	spop (v2sf)  }
0x122: {  	s7 =	sand.u32 $0x7F, s8  }
0x123: {  	s9 =	sadd.s32 $0xFFFFFFFB, s5;
	v19 =	vor.u32 s7, v0  }
0x124: {  	v20 =	vmov s9  }
0x125: {  	v7 =	vand.u32 $0x7A, v20  }
0x126: {  	v7 =	vbroadcast v7, $0x0;
	[sflag:s24] =	ssyncset.done $0x0  }
0x127: {  	[sflag:s24] =	ssyncadd.s32 $0xFFFFE000  }
0x128: {  	v21 =	vor.u32 v0, v7;
	v6 =	vld.idx.msk [tilespmem:v19+s15+$0x0], $0xffff  }
0x129: {  	v22 =	vor.u32 s7, v1;
	_ =	sdelay $0x3  }
0x12a: {  	[tilespmem:v21+s22+$0x0] =	vst.idx.msk $0xffff, v6  }
0x12b: {  	v23 =	vor.u32 v1, v7;
	(v2sf) =	vpush v4, $0xA;
	v6 =	vld.idx.msk [tilespmem:v22+s15+$0x0], $0xffff  }
0x12c: {  	v24 =	vor.u32 s7, v2;
	_ =	sdelay $0x3  }
0x12d: {  	[tilespmem:v23+s22+$0x0] =	vst.idx.msk $0xffff, v6  }
0x12e: {  	v25 =	vor.u32 v2, v7;
	v6 =	vld.idx.msk [tilespmem:v24+s15+$0x0], $0xffff  }
0x12f: {  	v26 =	vor.u32 s7, v3;
	_ =	sdelay $0x3  }
0x130: {  	[tilespmem:v25+s22+$0x0] =	vst.idx.msk $0xffff, v6  }
0x131: {  	v7 =	vor.u32 v3, v7;
	v6 =	vld.idx.msk [tilespmem:v26+s15+$0x0], $0xffff;
	_ =	sdelay $0x2  }
0x132: {  	s4 =	spop (v2sf)  }
0x133: {  	s7 =	sand.u32 $0xFFFFF80, s4  }
0x134: {  	s7 =	sadd.s32 s1, s7;
	[tilespmem:v7+s22+$0x0] =	vst.idx.msk $0xffff, v6  }
0x135: {  	[tilespmem:s15], [sflag:$0x3] =	stream.strided.gather [hbm4b:s7+s11], $0x2000, s12, s11, $0x38;
	[tilespmem:$0x14280] =	vst v63  }
0x136: {  	_ =	swait.ge [sflag:s25], $0x2000  }
0x137: {  	(v2sf) =	vpush v5, $0xB;
	_ =	sdelay $0xe  }
0x138: {  	s8 =	spop (v2sf)  }
0x139: {  	s7 =	sand.u32 $0x7F, s8  }
0x13a: {  	s9 =	sadd.s32 $0xFFFFFFFC, s5;
	v27 =	vor.u32 s7, v0  }
0x13b: {  	v28 =	vmov s9  }
0x13c: {  	v7 =	vand.u32 $0x7B, v28  }
0x13d: {  	v7 =	vbroadcast v7, $0x0;
	[sflag:s25] =	ssyncset.done $0x0  }
0x13e: {  	[sflag:s25] =	ssyncadd.s32 $0xFFFFE000  }
0x13f: {  	v29 =	vor.u32 v0, v7;
	v6 =	vld.idx.msk [tilespmem:v27+s16+$0x0], $0xffff  }
0x140: {  	v30 =	vor.u32 s7, v1;
	_ =	sdelay $0x3  }
0x141: {  	[tilespmem:v29+s22+$0x0] =	vst.idx.msk $0xffff, v6  }
0x142: {  	v31 =	vor.u32 v1, v7;
	(v2sf) =	vpush v4, $0xB;
	v6 =	vld.idx.msk [tilespmem:v30+s16+$0x0], $0xffff  }
0x143: {  	v32 =	vor.u32 s7, v2;
	_ =	sdelay $0x3  }
0x144: {  	[tilespmem:v31+s22+$0x0] =	vst.idx.msk $0xffff, v6  }
0x145: {  	v33 =	vor.u32 v2, v7;
	v6 =	vld.idx.msk [tilespmem:v32+s16+$0x0], $0xffff  }
0x146: {  	v34 =	vor.u32 s7, v3;
	_ =	sdelay $0x3  }
0x147: {  	[tilespmem:v33+s22+$0x0] =	vst.idx.msk $0xffff, v6  }
0x148: {  	v7 =	vor.u32 v3, v7;
	v6 =	vld.idx.msk [tilespmem:v34+s16+$0x0], $0xffff;
	_ =	sdelay $0x2  }
0x149: {  	s4 =	spop (v2sf)  }
0x14a: {  	s7 =	sand.u32 $0xFFFFF80, s4  }
0x14b: {  	s7 =	sadd.s32 s1, s7;
	[tilespmem:v7+s22+$0x0] =	vst.idx.msk $0xffff, v6  }
0x14c: {  	[tilespmem:s16], [sflag:$0x4] =	stream.strided.gather [hbm4b:s7+s11], $0x2000, s12, s11, $0x38;
	[tilespmem:$0x14280] =	vst v63  }
0x14d: {  	_ =	swait.ge [sflag:s26], $0x2000  }
0x14e: {  	(v2sf) =	vpush v5, $0xC;
	_ =	sdelay $0xe  }
0x14f: {  	s8 =	spop (v2sf)  }
0x150: {  	s7 =	sand.u32 $0x7F, s8  }
0x151: {  	s9 =	sadd.s32 $0xFFFFFFFD, s5;
	v35 =	vor.u32 s7, v0  }
0x152: {  	v36 =	vmov s9  }
0x153: {  	v7 =	vand.u32 $0x7C, v36  }
0x154: {  	v7 =	vbroadcast v7, $0x0;
	[sflag:s26] =	ssyncset.done $0x0  }
0x155: {  	[sflag:s26] =	ssyncadd.s32 $0xFFFFE000  }
0x156: {  	v37 =	vor.u32 v0, v7;
	v6 =	vld.idx.msk [tilespmem:v35+s17+$0x0], $0xffff  }
0x157: {  	v38 =	vor.u32 s7, v1;
	_ =	sdelay $0x3  }
0x158: {  	[tilespmem:v37+s22+$0x0] =	vst.idx.msk $0xffff, v6  }
0x159: {  	v39 =	vor.u32 v1, v7;
	(v2sf) =	vpush v4, $0xC;
	v6 =	vld.idx.msk [tilespmem:v38+s17+$0x0], $0xffff  }
0x15a: {  	v40 =	vor.u32 s7, v2;
	_ =	sdelay $0x3  }
0x15b: {  	[tilespmem:v39+s22+$0x0] =	vst.idx.msk $0xffff, v6  }
0x15c: {  	v41 =	vor.u32 v2, v7;
	v6 =	vld.idx.msk [tilespmem:v40+s17+$0x0], $0xffff  }
0x15d: {  	v42 =	vor.u32 s7, v3;
	_ =	sdelay $0x3  }
0x15e: {  	[tilespmem:v41+s22+$0x0] =	vst.idx.msk $0xffff, v6  }
0x15f: {  	v7 =	vor.u32 v3, v7;
	v6 =	vld.idx.msk [tilespmem:v42+s17+$0x0], $0xffff;
	_ =	sdelay $0x2  }
0x160: {  	s4 =	spop (v2sf)  }
0x161: {  	s7 =	sand.u32 $0xFFFFF80, s4  }
0x162: {  	s7 =	sadd.s32 s1, s7;
	[tilespmem:v7+s22+$0x0] =	vst.idx.msk $0xffff, v6  }
0x163: {  	[tilespmem:s17], [sflag:$0x5] =	stream.strided.gather [hbm4b:s7+s11], $0x2000, s12, s11, $0x38;
	[tilespmem:$0x14280] =	vst v63  }
0x164: {  	_ =	swait.ge [sflag:s28], $0x2000  }
0x165: {  	(v2sf) =	vpush v5, $0xD;
	_ =	sdelay $0xe  }
0x166: {  	s8 =	spop (v2sf)  }
0x167: {  	s7 =	sand.u32 $0x7F, s8  }
0x168: {  	s9 =	sadd.s32 $0xFFFFFFFE, s5;
	v43 =	vor.u32 s7, v0  }
0x169: {  	v44 =	vmov s9  }
0x16a: {  	v7 =	vand.u32 $0x7D, v44  }
0x16b: {  	v7 =	vbroadcast v7, $0x0;
	[sflag:s28] =	ssyncset.done $0x0  }
0x16c: {  	[sflag:s28] =	ssyncadd.s32 $0xFFFFE000  }
0x16d: {  	v45 =	vor.u32 v0, v7;
	v6 =	vld.idx.msk [tilespmem:v43+s18+$0x0], $0xffff  }
0x16e: {  	v46 =	vor.u32 s7, v1;
	_ =	sdelay $0x3  }
0x16f: {  	[tilespmem:v45+s22+$0x0] =	vst.idx.msk $0xffff, v6  }
0x170: {  	v47 =	vor.u32 v1, v7;
	(v2sf) =	vpush v4, $0xD;
	v6 =	vld.idx.msk [tilespmem:v46+s18+$0x0], $0xffff  }
0x171: {  	v48 =	vor.u32 s7, v2;
	_ =	sdelay $0x3  }
0x172: {  	[tilespmem:v47+s22+$0x0] =	vst.idx.msk $0xffff, v6  }
0x173: {  	v49 =	vor.u32 v2, v7;
	v6 =	vld.idx.msk [tilespmem:v48+s18+$0x0], $0xffff  }
0x174: {  	v50 =	vor.u32 s7, v3;
	_ =	sdelay $0x3  }
0x175: {  	[tilespmem:v49+s22+$0x0] =	vst.idx.msk $0xffff, v6  }
0x176: {  	v7 =	vor.u32 v3, v7;
	v6 =	vld.idx.msk [tilespmem:v50+s18+$0x0], $0xffff;
	_ =	sdelay $0x2  }
0x177: {  	s4 =	spop (v2sf)  }
0x178: {  	s7 =	sand.u32 $0xFFFFF80, s4  }
0x179: {  	s7 =	sadd.s32 s1, s7;
	[tilespmem:v7+s22+$0x0] =	vst.idx.msk $0xffff, v6  }
0x17a: {  	[tilespmem:s18], [sflag:$0x6] =	stream.strided.gather [hbm4b:s7+s11], $0x2000, s12, s11, $0x38;
	[tilespmem:$0x14280] =	vst v63  }
0x17b: {  	_ =	swait.ge [sflag:s29], $0x2000  }
0x17c: {  	(v2sf) =	vpush v5, $0xE;
	_ =	sdelay $0xe  }
0x17d: {  	s8 =	spop (v2sf)  }
0x17e: {  	s7 =	sand.u32 $0x7F, s8  }
0x17f: {  	s9 =	sadd.s32 $0xFFFFFFFF, s5;
	v51 =	vor.u32 s7, v0  }
0x180: {  	v52 =	vmov s9  }
0x181: {  	v7 =	vand.u32 $0x7E, v52  }
0x182: {  	v7 =	vbroadcast v7, $0x0;
	[sflag:s29] =	ssyncset.done $0x0  }
0x183: {  	[sflag:s29] =	ssyncadd.s32 $0xFFFFE000  }
0x184: {  	v53 =	vor.u32 v0, v7;
	v6 =	vld.idx.msk [tilespmem:v51+s19+$0x0], $0xffff  }
0x185: {  	v54 =	vor.u32 s7, v1;
	_ =	sdelay $0x3  }
0x186: {  	[tilespmem:v53+s22+$0x0] =	vst.idx.msk $0xffff, v6  }
0x187: {  	v55 =	vor.u32 v1, v7;
	(v2sf) =	vpush v4, $0xE;
	v6 =	vld.idx.msk [tilespmem:v54+s19+$0x0], $0xffff  }
0x188: {  	v56 =	vor.u32 s7, v2;
	_ =	sdelay $0x3  }
0x189: {  	[tilespmem:v55+s22+$0x0] =	vst.idx.msk $0xffff, v6  }
0x18a: {  	v57 =	vor.u32 v2, v7;
	v6 =	vld.idx.msk [tilespmem:v56+s19+$0x0], $0xffff  }
0x18b: {  	v58 =	vor.u32 s7, v3;
	_ =	sdelay $0x3  }
0x18c: {  	[tilespmem:v57+s22+$0x0] =	vst.idx.msk $0xffff, v6  }
0x18d: {  	v7 =	vor.u32 v3, v7;
	v6 =	vld.idx.msk [tilespmem:v58+s19+$0x0], $0xffff;
	_ =	sdelay $0x2  }
0x18e: {  	s4 =	spop (v2sf)  }
0x18f: {  	s7 =	sand.u32 $0xFFFFF80, s4  }
0x190: {  	s7 =	sadd.s32 s1, s7;
	[tilespmem:v7+s22+$0x0] =	vst.idx.msk $0xffff, v6  }
0x191: {  	[tilespmem:s19], [sflag:$0x7] =	stream.strided.gather [hbm4b:s7+s11], $0x2000, s12, s11, $0x38;
	[tilespmem:$0x14280] =	vst v63  }
0x192: {  	_ =	swait.ge [sflag:s30], $0x2000  }
0x193: {  	(v2sf) =	vpush v5, $0xF;
	_ =	sdelay $0xe  }
0x194: {  	s8 =	spop (v2sf)  }
0x195: {  	s7 =	sand.u32 $0x7F, s8  }
0x196: {  	v5 =	vor.u32 s7, v0  }
0x197: {  	v59 =	vmov s5  }
0x198: {  	v6 =	vand.u32 $0x7F, v59  }
0x199: {  	v6 =	vbroadcast v6, $0x0;
	[sflag:s30] =	ssyncset.done $0x0  }
0x19a: {  	[sflag:s30] =	ssyncadd.s32 $0xFFFFE000  }
0x19b: {  	v60 =	vor.u32 v0, v6;
	v5 =	vld.idx.msk [tilespmem:v5+s20+$0x0], $0xffff  }
0x19c: {  	v61 =	vor.u32 s7, v1;
	_ =	sdelay $0x3  }
0x19d: {  	[tilespmem:v60+s22+$0x0] =	vst.idx.msk $0xffff, v5  }
0x19e: {  	v62 =	vor.u32 v1, v6;
	(v2sf) =	vpush v4, $0xF;
	v5 =	vld.idx.msk [tilespmem:v61+s20+$0x0], $0xffff  }
0x19f: {  	v4 =	vor.u32 s7, v2;
	_ =	sdelay $0x3  }
0x1a0: {  	[tilespmem:v62+s22+$0x0] =	vst.idx.msk $0xffff, v5  }
0x1a1: {  	v5 =	vor.u32 v2, v6;
	v4 =	vld.idx.msk [tilespmem:v4+s20+$0x0], $0xffff  }
0x1a2: {  	v63 =	vor.u32 s7, v3;
	_ =	sdelay $0x3  }
0x1a3: {  	[tilespmem:v5+s22+$0x0] =	vst.idx.msk $0xffff, v4  }
0x1a4: {  	v5 =	vor.u32 v3, v6;
	v4 =	vld.idx.msk [tilespmem:v63+s20+$0x0], $0xffff  }
0x1a5: {  	p0 =	sne.s32 s5, $0x7F  }
.Ltmp0:
0x1a6: {  	_ = 	snop;
	(pc) =	sbr.rel @p0 .LBB2_2-.Ltmp0, $4  }
0x1a7: {  	s9 =	spop (v2sf)  }
0x1a8: {  	s7 =	sand.u32 $0xFFFFF80, s9  }
0x1a9: {  	s6 =	sadd.s32 $0x10, s6;
	s5 =	sadd.s32 $0x10, s5;
	s7 =	sadd.s32 s1, s7;
	[tilespmem:v5+s22+$0x0] =	vst.idx.msk $0xffff, v4  }
0x1aa: {  	[tilespmem:s20], [sflag:$0x8] =	stream.strided.gather [hbm4b:s7+s11], $0x2000, s12, s11, $0x38;
	[tilespmem:$0x14280] =	vst v63  }
0x1ab: {  	s4 =	rddreg [dreg:$0x4];
	s5 =	simm.s32 $0xF;
	s6 =	simm.s32 $0x88  }
0x1ac: {  	[hbm4b:s4+s11] =	stream.strided.scatter [tilespmem:s22], [sflag:$0x9], $0x2000, s31, s11, $0x38;
	[tilespmem:$0x14280] =	vst v63  }
.LBB2_4:
0x1ad: {  	v5 =	vld [tilespmem:s6+$0xFFFFFFF8];
	_ =	sdelay $0x3  }
0x1ae: {  	v4 =	vld [tilespmem:s6+$0x0];
	_ =	swait.ge [sflag:s21], $0x2000  }
0x1af: {  	(v2sf) =	vpush v5, $0x0;
	_ =	sdelay $0xe  }
0x1b0: {  	s7 =	spop (v2sf)  }
0x1b1: {  	s7 =	sand.u32 $0x7F, s7  }
0x1b2: {  	s8 =	sadd.s32 $0xFFFFFFF1, s5;
	v6 =	vor.u32 s7, v0  }
0x1b3: {  	v7 =	vmov s8  }
0x1b4: {  	v7 =	vand.u32 $0x70, v7  }
0x1b5: {  	[sflag:s21] =	ssyncset.done $0x0;
	v7 =	vbroadcast v7, $0x0  }
0x1b6: {  	[sflag:s21] =	ssyncadd.s32 $0xFFFFE000  }
0x1b7: {  	v8 =	vor.u32 v0, v7;
	v6 =	vld.idx.msk [tilespmem:v6+s13+$0x0], $0xffff  }
0x1b8: {  	v9 =	vor.u32 s7, v1;
	_ =	sdelay $0x3  }
0x1b9: {  	[tilespmem:v8+s0+$0x0] =	vst.idx.msk $0xffff, v6  }
0x1ba: {  	v48 =	vor.u32 v1, v7;
	(v2sf) =	vpush v4, $0x0;
	v6 =	vld.idx.msk [tilespmem:v9+s13+$0x0], $0xffff  }
0x1bb: {  	v49 =	vor.u32 s7, v2;
	_ =	sdelay $0x3  }
0x1bc: {  	[tilespmem:v48+s0+$0x0] =	vst.idx.msk $0xffff, v6  }
0x1bd: {  	v50 =	vor.u32 v2, v7;
	v6 =	vld.idx.msk [tilespmem:v49+s13+$0x0], $0xffff  }
0x1be: {  	v51 =	vor.u32 s7, v3;
	_ =	sdelay $0x3  }
0x1bf: {  	[tilespmem:v50+s0+$0x0] =	vst.idx.msk $0xffff, v6  }
0x1c0: {  	v7 =	vor.u32 v3, v7;
	v6 =	vld.idx.msk [tilespmem:v51+s13+$0x0], $0xffff;
	_ =	sdelay $0x2  }
0x1c1: {  	s4 =	spop (v2sf)  }
0x1c2: {  	s7 =	sand.u32 $0xFFFFF80, s4  }
0x1c3: {  	s7 =	sadd.s32 s1, s7;
	[tilespmem:v7+s0+$0x0] =	vst.idx.msk $0xffff, v6  }
0x1c4: {  	[tilespmem:s13], [sflag:$0x1] =	stream.strided.gather [hbm4b:s7+s11], $0x2000, s12, s11, $0x38;
	[tilespmem:$0x14280] =	vst v63  }
0x1c5: {  	_ =	swait.ge [sflag:s23], $0x2000  }
0x1c6: {  	(v2sf) =	vpush v5, $0x1;
	_ =	sdelay $0xe  }
0x1c7: {  	s8 =	spop (v2sf)  }
0x1c8: {  	s7 =	sand.u32 $0x7F, s8  }
0x1c9: {  	s9 =	sadd.s32 $0xFFFFFFF2, s5;
	v52 =	vor.u32 s7, v0  }
0x1ca: {  	v53 =	vmov s9  }
0x1cb: {  	v7 =	vand.u32 $0x71, v53  }
0x1cc: {  	v7 =	vbroadcast v7, $0x0;
	[sflag:s23] =	ssyncset.done $0x0  }
0x1cd: {  	[sflag:s23] =	ssyncadd.s32 $0xFFFFE000  }
0x1ce: {  	v54 =	vor.u32 v0, v7;
	v6 =	vld.idx.msk [tilespmem:v52+s14+$0x0], $0xffff  }
0x1cf: {  	v55 =	vor.u32 s7, v1;
	_ =	sdelay $0x3  }
0x1d0: {  	[tilespmem:v54+s0+$0x0] =	vst.idx.msk $0xffff, v6  }
0x1d1: {  	v56 =	vor.u32 v1, v7;
	(v2sf) =	vpush v4, $0x1;
	v6 =	vld.idx.msk [tilespmem:v55+s14+$0x0], $0xffff  }
0x1d2: {  	v57 =	vor.u32 s7, v2;
	_ =	sdelay $0x3  }
0x1d3: {  	[tilespmem:v56+s0+$0x0] =	vst.idx.msk $0xffff, v6  }
0x1d4: {  	v58 =	vor.u32 v2, v7;
	v6 =	vld.idx.msk [tilespmem:v57+s14+$0x0], $0xffff  }
0x1d5: {  	v59 =	vor.u32 s7, v3;
	_ =	sdelay $0x3  }
0x1d6: {  	[tilespmem:v58+s0+$0x0] =	vst.idx.msk $0xffff, v6  }
0x1d7: {  	v7 =	vor.u32 v3, v7;
	v6 =	vld.idx.msk [tilespmem:v59+s14+$0x0], $0xffff;
	_ =	sdelay $0x2  }
0x1d8: {  	s4 =	spop (v2sf)  }
0x1d9: {  	s7 =	sand.u32 $0xFFFFF80, s4  }
0x1da: {  	s7 =	sadd.s32 s1, s7;
	[tilespmem:v7+s0+$0x0] =	vst.idx.msk $0xffff, v6  }
0x1db: {  	[tilespmem:s14], [sflag:$0x2] =	stream.strided.gather [hbm4b:s7+s11], $0x2000, s12, s11, $0x38;
	[tilespmem:$0x14280] =	vst v63  }
0x1dc: {  	_ =	swait.ge [sflag:s24], $0x2000  }
0x1dd: {  	(v2sf) =	vpush v5, $0x2;
	_ =	sdelay $0xe  }
0x1de: {  	s8 =	spop (v2sf)  }
0x1df: {  	s7 =	sand.u32 $0x7F, s8  }
0x1e0: {  	s9 =	sadd.s32 $0xFFFFFFF3, s5;
	v60 =	vor.u32 s7, v0  }
0x1e1: {  	v61 =	vmov s9  }
0x1e2: {  	v7 =	vand.u32 $0x72, v61  }
0x1e3: {  	v7 =	vbroadcast v7, $0x0;
	[sflag:s24] =	ssyncset.done $0x0  }
0x1e4: {  	[sflag:s24] =	ssyncadd.s32 $0xFFFFE000  }
0x1e5: {  	v62 =	vor.u32 v0, v7;
	v6 =	vld.idx.msk [tilespmem:v60+s15+$0x0], $0xffff  }
0x1e6: {  	v63 =	vor.u32 s7, v1;
	_ =	sdelay $0x3  }
0x1e7: {  	[tilespmem:v62+s0+$0x0] =	vst.idx.msk $0xffff, v6  }
0x1e8: {  	v12 =	vor.u32 v1, v7;
	(v2sf) =	vpush v4, $0x2;
	v6 =	vld.idx.msk [tilespmem:v63+s15+$0x0], $0xffff  }
0x1e9: {  	v13 =	vor.u32 s7, v2;
	_ =	sdelay $0x3  }
0x1ea: {  	[tilespmem:v12+s0+$0x0] =	vst.idx.msk $0xffff, v6  }
0x1eb: {  	v14 =	vor.u32 v2, v7;
	v6 =	vld.idx.msk [tilespmem:v13+s15+$0x0], $0xffff  }
0x1ec: {  	v15 =	vor.u32 s7, v3;
	_ =	sdelay $0x3  }
0x1ed: {  	[tilespmem:v14+s0+$0x0] =	vst.idx.msk $0xffff, v6  }
0x1ee: {  	v7 =	vor.u32 v3, v7;
	v6 =	vld.idx.msk [tilespmem:v15+s15+$0x0], $0xffff;
	_ =	sdelay $0x2  }
0x1ef: {  	s4 =	spop (v2sf)  }
0x1f0: {  	s7 =	sand.u32 $0xFFFFF80, s4  }
0x1f1: {  	s7 =	sadd.s32 s1, s7;
	[tilespmem:v7+s0+$0x0] =	vst.idx.msk $0xffff, v6  }
0x1f2: {  	[tilespmem:s15], [sflag:$0x3] =	stream.strided.gather [hbm4b:s7+s11], $0x2000, s12, s11, $0x38;
	[tilespmem:$0x14280] =	vst v63  }
0x1f3: {  	_ =	swait.ge [sflag:s25], $0x2000  }
0x1f4: {  	(v2sf) =	vpush v5, $0x3;
	_ =	sdelay $0xe  }
0x1f5: {  	s8 =	spop (v2sf)  }
0x1f6: {  	s7 =	sand.u32 $0x7F, s8  }
0x1f7: {  	s9 =	sadd.s32 $0xFFFFFFF4, s5;
	v16 =	vor.u32 s7, v0  }
0x1f8: {  	v17 =	vmov s9  }
0x1f9: {  	v7 =	vand.u32 $0x73, v17  }
0x1fa: {  	v7 =	vbroadcast v7, $0x0;
	[sflag:s25] =	ssyncset.done $0x0  }
0x1fb: {  	[sflag:s25] =	ssyncadd.s32 $0xFFFFE000  }
0x1fc: {  	v18 =	vor.u32 v0, v7;
	v6 =	vld.idx.msk [tilespmem:v16+s16+$0x0], $0xffff  }
0x1fd: {  	v19 =	vor.u32 s7, v1;
	_ =	sdelay $0x3  }
0x1fe: {  	[tilespmem:v18+s0+$0x0] =	vst.idx.msk $0xffff, v6  }
0x1ff: {  	v20 =	vor.u32 v1, v7;
	(v2sf) =	vpush v4, $0x3;
	v6 =	vld.idx.msk [tilespmem:v19+s16+$0x0], $0xffff  }
0x200: {  	v21 =	vor.u32 s7, v2;
	_ =	sdelay $0x3  }
0x201: {  	[tilespmem:v20+s0+$0x0] =	vst.idx.msk $0xffff, v6  }
0x202: {  	v22 =	vor.u32 v2, v7;
	v6 =	vld.idx.msk [tilespmem:v21+s16+$0x0], $0xffff  }
0x203: {  	v23 =	vor.u32 s7, v3;
	_ =	sdelay $0x3  }
0x204: {  	[tilespmem:v22+s0+$0x0] =	vst.idx.msk $0xffff, v6  }
0x205: {  	v7 =	vor.u32 v3, v7;
	v6 =	vld.idx.msk [tilespmem:v23+s16+$0x0], $0xffff;
	_ =	sdelay $0x2  }
0x206: {  	s4 =	spop (v2sf)  }
0x207: {  	s7 =	sand.u32 $0xFFFFF80, s4  }
0x208: {  	s7 =	sadd.s32 s1, s7;
	[tilespmem:v7+s0+$0x0] =	vst.idx.msk $0xffff, v6  }
0x209: {  	[tilespmem:s16], [sflag:$0x4] =	stream.strided.gather [hbm4b:s7+s11], $0x2000, s12, s11, $0x38;
	[tilespmem:$0x14280] =	vst v63  }
0x20a: {  	_ =	swait.ge [sflag:s26], $0x2000  }
0x20b: {  	(v2sf) =	vpush v5, $0x4;
	_ =	sdelay $0xe  }
0x20c: {  	s8 =	spop (v2sf)  }
0x20d: {  	s7 =	sand.u32 $0x7F, s8  }
0x20e: {  	s9 =	sadd.s32 $0xFFFFFFF5, s5;
	v24 =	vor.u32 s7, v0  }
0x20f: {  	v25 =	vmov s9  }
0x210: {  	v7 =	vand.u32 $0x74, v25  }
0x211: {  	v7 =	vbroadcast v7, $0x0;
	[sflag:s26] =	ssyncset.done $0x0  }
0x212: {  	[sflag:s26] =	ssyncadd.s32 $0xFFFFE000  }
0x213: {  	v26 =	vor.u32 v0, v7;
	v6 =	vld.idx.msk [tilespmem:v24+s17+$0x0], $0xffff  }
0x214: {  	v27 =	vor.u32 s7, v1;
	_ =	sdelay $0x3  }
0x215: {  	[tilespmem:v26+s0+$0x0] =	vst.idx.msk $0xffff, v6  }
0x216: {  	v28 =	vor.u32 v1, v7;
	(v2sf) =	vpush v4, $0x4;
	v6 =	vld.idx.msk [tilespmem:v27+s17+$0x0], $0xffff  }
0x217: {  	v29 =	vor.u32 s7, v2;
	_ =	sdelay $0x3  }
0x218: {  	[tilespmem:v28+s0+$0x0] =	vst.idx.msk $0xffff, v6  }
0x219: {  	v30 =	vor.u32 v2, v7;
	v6 =	vld.idx.msk [tilespmem:v29+s17+$0x0], $0xffff  }
0x21a: {  	v31 =	vor.u32 s7, v3;
	_ =	sdelay $0x3  }
0x21b: {  	[tilespmem:v30+s0+$0x0] =	vst.idx.msk $0xffff, v6  }
0x21c: {  	v7 =	vor.u32 v3, v7;
	v6 =	vld.idx.msk [tilespmem:v31+s17+$0x0], $0xffff;
	_ =	sdelay $0x2  }
0x21d: {  	s4 =	spop (v2sf)  }
0x21e: {  	s7 =	sand.u32 $0xFFFFF80, s4  }
0x21f: {  	s7 =	sadd.s32 s1, s7;
	[tilespmem:v7+s0+$0x0] =	vst.idx.msk $0xffff, v6  }
0x220: {  	[tilespmem:s17], [sflag:$0x5] =	stream.strided.gather [hbm4b:s7+s11], $0x2000, s12, s11, $0x38;
	[tilespmem:$0x14280] =	vst v63  }
0x221: {  	_ =	swait.ge [sflag:s28], $0x2000  }
0x222: {  	(v2sf) =	vpush v5, $0x5;
	_ =	sdelay $0xe  }
0x223: {  	s8 =	spop (v2sf)  }
0x224: {  	s7 =	sand.u32 $0x7F, s8  }
0x225: {  	s9 =	sadd.s32 $0xFFFFFFF6, s5;
	v32 =	vor.u32 s7, v0  }
0x226: {  	v33 =	vmov s9  }
0x227: {  	v7 =	vand.u32 $0x75, v33  }
0x228: {  	v7 =	vbroadcast v7, $0x0;
	[sflag:s28] =	ssyncset.done $0x0  }
0x229: {  	[sflag:s28] =	ssyncadd.s32 $0xFFFFE000  }
0x22a: {  	v34 =	vor.u32 v0, v7;
	v6 =	vld.idx.msk [tilespmem:v32+s18+$0x0], $0xffff  }
0x22b: {  	v35 =	vor.u32 s7, v1;
	_ =	sdelay $0x3  }
0x22c: {  	[tilespmem:v34+s0+$0x0] =	vst.idx.msk $0xffff, v6  }
0x22d: {  	v36 =	vor.u32 v1, v7;
	(v2sf) =	vpush v4, $0x5;
	v6 =	vld.idx.msk [tilespmem:v35+s18+$0x0], $0xffff  }
0x22e: {  	v37 =	vor.u32 s7, v2;
	_ =	sdelay $0x3  }
0x22f: {  	[tilespmem:v36+s0+$0x0] =	vst.idx.msk $0xffff, v6  }
0x230: {  	v38 =	vor.u32 v2, v7;
	v6 =	vld.idx.msk [tilespmem:v37+s18+$0x0], $0xffff  }
0x231: {  	v39 =	vor.u32 s7, v3;
	_ =	sdelay $0x3  }
0x232: {  	[tilespmem:v38+s0+$0x0] =	vst.idx.msk $0xffff, v6  }
0x233: {  	v7 =	vor.u32 v3, v7;
	v6 =	vld.idx.msk [tilespmem:v39+s18+$0x0], $0xffff;
	_ =	sdelay $0x2  }
0x234: {  	s4 =	spop (v2sf)  }
0x235: {  	s7 =	sand.u32 $0xFFFFF80, s4  }
0x236: {  	s7 =	sadd.s32 s1, s7;
	[tilespmem:v7+s0+$0x0] =	vst.idx.msk $0xffff, v6  }
0x237: {  	[tilespmem:s18], [sflag:$0x6] =	stream.strided.gather [hbm4b:s7+s11], $0x2000, s12, s11, $0x38;
	[tilespmem:$0x14280] =	vst v63  }
0x238: {  	_ =	swait.ge [sflag:s29], $0x2000  }
0x239: {  	(v2sf) =	vpush v5, $0x6;
	_ =	sdelay $0xe  }
0x23a: {  	s8 =	spop (v2sf)  }
0x23b: {  	s7 =	sand.u32 $0x7F, s8  }
0x23c: {  	s9 =	sadd.s32 $0xFFFFFFF7, s5;
	v40 =	vor.u32 s7, v0  }
0x23d: {  	v41 =	vmov s9  }
0x23e: {  	v7 =	vand.u32 $0x76, v41  }
0x23f: {  	v7 =	vbroadcast v7, $0x0;
	[sflag:s29] =	ssyncset.done $0x0  }
0x240: {  	[sflag:s29] =	ssyncadd.s32 $0xFFFFE000  }
0x241: {  	v42 =	vor.u32 v0, v7;
	v6 =	vld.idx.msk [tilespmem:v40+s19+$0x0], $0xffff  }
0x242: {  	v43 =	vor.u32 s7, v1;
	_ =	sdelay $0x3  }
0x243: {  	[tilespmem:v42+s0+$0x0] =	vst.idx.msk $0xffff, v6  }
0x244: {  	v44 =	vor.u32 v1, v7;
	(v2sf) =	vpush v4, $0x6;
	v6 =	vld.idx.msk [tilespmem:v43+s19+$0x0], $0xffff  }
0x245: {  	v45 =	vor.u32 s7, v2;
	_ =	sdelay $0x3  }
0x246: {  	[tilespmem:v44+s0+$0x0] =	vst.idx.msk $0xffff, v6  }
0x247: {  	v46 =	vor.u32 v2, v7;
	v6 =	vld.idx.msk [tilespmem:v45+s19+$0x0], $0xffff  }
0x248: {  	v47 =	vor.u32 s7, v3;
	_ =	sdelay $0x3  }
0x249: {  	[tilespmem:v46+s0+$0x0] =	vst.idx.msk $0xffff, v6  }
0x24a: {  	v7 =	vor.u32 v3, v7;
	v6 =	vld.idx.msk [tilespmem:v47+s19+$0x0], $0xffff;
	_ =	sdelay $0x2  }
0x24b: {  	s4 =	spop (v2sf)  }
0x24c: {  	s7 =	sand.u32 $0xFFFFF80, s4  }
0x24d: {  	s7 =	sadd.s32 s1, s7;
	[tilespmem:v7+s0+$0x0] =	vst.idx.msk $0xffff, v6  }
0x24e: {  	[tilespmem:s19], [sflag:$0x7] =	stream.strided.gather [hbm4b:s7+s11], $0x2000, s12, s11, $0x38;
	[tilespmem:$0x14280] =	vst v63  }
0x24f: {  	_ =	swait.ge [sflag:s30], $0x2000  }
0x250: {  	(v2sf) =	vpush v5, $0x7;
	_ =	sdelay $0xe  }
0x251: {  	s8 =	spop (v2sf)  }
0x252: {  	s7 =	sand.u32 $0x7F, s8  }
0x253: {  	s9 =	sadd.s32 $0xFFFFFFF8, s5;
	v48 =	vor.u32 s7, v0  }
0x254: {  	v49 =	vmov s9  }
0x255: {  	v7 =	vand.u32 $0x77, v49  }
0x256: {  	v7 =	vbroadcast v7, $0x0;
	[sflag:s30] =	ssyncset.done $0x0  }
0x257: {  	[sflag:s30] =	ssyncadd.s32 $0xFFFFE000  }
0x258: {  	v50 =	vor.u32 v0, v7;
	v6 =	vld.idx.msk [tilespmem:v48+s20+$0x0], $0xffff  }
0x259: {  	v51 =	vor.u32 s7, v1;
	_ =	sdelay $0x3  }
0x25a: {  	[tilespmem:v50+s0+$0x0] =	vst.idx.msk $0xffff, v6  }
0x25b: {  	v52 =	vor.u32 v1, v7;
	(v2sf) =	vpush v4, $0x7;
	v6 =	vld.idx.msk [tilespmem:v51+s20+$0x0], $0xffff  }
0x25c: {  	v53 =	vor.u32 s7, v2;
	_ =	sdelay $0x3  }
0x25d: {  	[tilespmem:v52+s0+$0x0] =	vst.idx.msk $0xffff, v6  }
0x25e: {  	v54 =	vor.u32 v2, v7;
	v6 =	vld.idx.msk [tilespmem:v53+s20+$0x0], $0xffff  }
0x25f: {  	v55 =	vor.u32 s7, v3;
	_ =	sdelay $0x3  }
0x260: {  	[tilespmem:v54+s0+$0x0] =	vst.idx.msk $0xffff, v6  }
0x261: {  	v7 =	vor.u32 v3, v7;
	v6 =	vld.idx.msk [tilespmem:v55+s20+$0x0], $0xffff;
	_ =	sdelay $0x2  }
0x262: {  	s4 =	spop (v2sf)  }
0x263: {  	s7 =	sand.u32 $0xFFFFF80, s4  }
0x264: {  	s7 =	sadd.s32 s1, s7;
	[tilespmem:v7+s0+$0x0] =	vst.idx.msk $0xffff, v6  }
0x265: {  	[tilespmem:s20], [sflag:$0x8] =	stream.strided.gather [hbm4b:s7+s11], $0x2000, s12, s11, $0x38;
	[tilespmem:$0x14280] =	vst v63  }
0x266: {  	_ =	swait.ge [sflag:s21], $0x2000  }
0x267: {  	(v2sf) =	vpush v5, $0x8;
	_ =	sdelay $0xe  }
0x268: {  	s8 =	spop (v2sf)  }
0x269: {  	s7 =	sand.u32 $0x7F, s8  }
0x26a: {  	s9 =	sadd.s32 $0xFFFFFFF9, s5;
	v56 =	vor.u32 s7, v0  }
0x26b: {  	v57 =	vmov s9  }
0x26c: {  	v7 =	vand.u32 $0x78, v57  }
0x26d: {  	v7 =	vbroadcast v7, $0x0;
	[sflag:s21] =	ssyncset.done $0x0  }
0x26e: {  	[sflag:s21] =	ssyncadd.s32 $0xFFFFE000  }
0x26f: {  	v58 =	vor.u32 v0, v7;
	v6 =	vld.idx.msk [tilespmem:v56+s13+$0x0], $0xffff  }
0x270: {  	v59 =	vor.u32 s7, v1;
	_ =	sdelay $0x3  }
0x271: {  	[tilespmem:v58+s0+$0x0] =	vst.idx.msk $0xffff, v6  }
0x272: {  	v60 =	vor.u32 v1, v7;
	(v2sf) =	vpush v4, $0x8;
	v6 =	vld.idx.msk [tilespmem:v59+s13+$0x0], $0xffff  }
0x273: {  	v61 =	vor.u32 s7, v2;
	_ =	sdelay $0x3  }
0x274: {  	[tilespmem:v60+s0+$0x0] =	vst.idx.msk $0xffff, v6  }
0x275: {  	v62 =	vor.u32 v2, v7;
	v6 =	vld.idx.msk [tilespmem:v61+s13+$0x0], $0xffff  }
0x276: {  	v63 =	vor.u32 s7, v3;
	_ =	sdelay $0x3  }
0x277: {  	[tilespmem:v62+s0+$0x0] =	vst.idx.msk $0xffff, v6  }
0x278: {  	v7 =	vor.u32 v3, v7;
	v6 =	vld.idx.msk [tilespmem:v63+s13+$0x0], $0xffff;
	_ =	sdelay $0x2  }
0x279: {  	s4 =	spop (v2sf)  }
0x27a: {  	s7 =	sand.u32 $0xFFFFF80, s4  }
0x27b: {  	s7 =	sadd.s32 s1, s7;
	[tilespmem:v7+s0+$0x0] =	vst.idx.msk $0xffff, v6  }
0x27c: {  	[tilespmem:s13], [sflag:$0x1] =	stream.strided.gather [hbm4b:s7+s11], $0x2000, s12, s11, $0x38;
	[tilespmem:$0x14280] =	vst v63  }
0x27d: {  	_ =	swait.ge [sflag:s23], $0x2000  }
0x27e: {  	(v2sf) =	vpush v5, $0x9;
	_ =	sdelay $0xe  }
0x27f: {  	s8 =	spop (v2sf)  }
0x280: {  	s7 =	sand.u32 $0x7F, s8  }
0x281: {  	s9 =	sadd.s32 $0xFFFFFFFA, s5;
	v11 =	vor.u32 s7, v0  }
0x282: {  	v12 =	vmov s9  }
0x283: {  	v7 =	vand.u32 $0x79, v12  }
0x284: {  	v7 =	vbroadcast v7, $0x0;
	[sflag:s23] =	ssyncset.done $0x0  }
0x285: {  	[sflag:s23] =	ssyncadd.s32 $0xFFFFE000  }
0x286: {  	v13 =	vor.u32 v0, v7;
	v6 =	vld.idx.msk [tilespmem:v11+s14+$0x0], $0xffff  }
0x287: {  	v14 =	vor.u32 s7, v1;
	_ =	sdelay $0x3  }
0x288: {  	[tilespmem:v13+s0+$0x0] =	vst.idx.msk $0xffff, v6  }
0x289: {  	v15 =	vor.u32 v1, v7;
	(v2sf) =	vpush v4, $0x9;
	v6 =	vld.idx.msk [tilespmem:v14+s14+$0x0], $0xffff  }
0x28a: {  	v16 =	vor.u32 s7, v2;
	_ =	sdelay $0x3  }
0x28b: {  	[tilespmem:v15+s0+$0x0] =	vst.idx.msk $0xffff, v6  }
0x28c: {  	v17 =	vor.u32 v2, v7;
	v6 =	vld.idx.msk [tilespmem:v16+s14+$0x0], $0xffff  }
0x28d: {  	v18 =	vor.u32 s7, v3;
	_ =	sdelay $0x3  }
0x28e: {  	[tilespmem:v17+s0+$0x0] =	vst.idx.msk $0xffff, v6  }
0x28f: {  	v7 =	vor.u32 v3, v7;
	v6 =	vld.idx.msk [tilespmem:v18+s14+$0x0], $0xffff;
	_ =	sdelay $0x2  }
0x290: {  	s4 =	spop (v2sf)  }
0x291: {  	s7 =	sand.u32 $0xFFFFF80, s4  }
0x292: {  	s7 =	sadd.s32 s1, s7;
	[tilespmem:v7+s0+$0x0] =	vst.idx.msk $0xffff, v6  }
0x293: {  	[tilespmem:s14], [sflag:$0x2] =	stream.strided.gather [hbm4b:s7+s11], $0x2000, s12, s11, $0x38;
	[tilespmem:$0x14280] =	vst v63  }
0x294: {  	_ =	swait.ge [sflag:s24], $0x2000  }
0x295: {  	(v2sf) =	vpush v5, $0xA;
	_ =	sdelay $0xe  }
0x296: {  	s8 =	spop (v2sf)  }
0x297: {  	s7 =	sand.u32 $0x7F, s8  }
0x298: {  	s9 =	sadd.s32 $0xFFFFFFFB, s5;
	v19 =	vor.u32 s7, v0  }
0x299: {  	v20 =	vmov s9  }
0x29a: {  	v7 =	vand.u32 $0x7A, v20  }
0x29b: {  	v7 =	vbroadcast v7, $0x0;
	[sflag:s24] =	ssyncset.done $0x0  }
0x29c: {  	[sflag:s24] =	ssyncadd.s32 $0xFFFFE000  }
0x29d: {  	v21 =	vor.u32 v0, v7;
	v6 =	vld.idx.msk [tilespmem:v19+s15+$0x0], $0xffff  }
0x29e: {  	v22 =	vor.u32 s7, v1;
	_ =	sdelay $0x3  }
0x29f: {  	[tilespmem:v21+s0+$0x0] =	vst.idx.msk $0xffff, v6  }
0x2a0: {  	v23 =	vor.u32 v1, v7;
	(v2sf) =	vpush v4, $0xA;
	v6 =	vld.idx.msk [tilespmem:v22+s15+$0x0], $0xffff  }
0x2a1: {  	v24 =	vor.u32 s7, v2;
	_ =	sdelay $0x3  }
0x2a2: {  	[tilespmem:v23+s0+$0x0] =	vst.idx.msk $0xffff, v6  }
0x2a3: {  	v25 =	vor.u32 v2, v7;
	v6 =	vld.idx.msk [tilespmem:v24+s15+$0x0], $0xffff  }
0x2a4: {  	v26 =	vor.u32 s7, v3;
	_ =	sdelay $0x3  }
0x2a5: {  	[tilespmem:v25+s0+$0x0] =	vst.idx.msk $0xffff, v6  }
0x2a6: {  	v7 =	vor.u32 v3, v7;
	v6 =	vld.idx.msk [tilespmem:v26+s15+$0x0], $0xffff;
	_ =	sdelay $0x2  }
0x2a7: {  	s4 =	spop (v2sf)  }
0x2a8: {  	s7 =	sand.u32 $0xFFFFF80, s4  }
0x2a9: {  	s7 =	sadd.s32 s1, s7;
	[tilespmem:v7+s0+$0x0] =	vst.idx.msk $0xffff, v6  }
0x2aa: {  	[tilespmem:s15], [sflag:$0x3] =	stream.strided.gather [hbm4b:s7+s11], $0x2000, s12, s11, $0x38;
	[tilespmem:$0x14280] =	vst v63  }
0x2ab: {  	_ =	swait.ge [sflag:s25], $0x2000  }
0x2ac: {  	(v2sf) =	vpush v5, $0xB;
	_ =	sdelay $0xe  }
0x2ad: {  	s8 =	spop (v2sf)  }
0x2ae: {  	s7 =	sand.u32 $0x7F, s8  }
0x2af: {  	s9 =	sadd.s32 $0xFFFFFFFC, s5;
	v27 =	vor.u32 s7, v0  }
0x2b0: {  	v28 =	vmov s9  }
0x2b1: {  	v7 =	vand.u32 $0x7B, v28  }
0x2b2: {  	v7 =	vbroadcast v7, $0x0;
	[sflag:s25] =	ssyncset.done $0x0  }
0x2b3: {  	[sflag:s25] =	ssyncadd.s32 $0xFFFFE000  }
0x2b4: {  	v29 =	vor.u32 v0, v7;
	v6 =	vld.idx.msk [tilespmem:v27+s16+$0x0], $0xffff  }
0x2b5: {  	v30 =	vor.u32 s7, v1;
	_ =	sdelay $0x3  }
0x2b6: {  	[tilespmem:v29+s0+$0x0] =	vst.idx.msk $0xffff, v6  }
0x2b7: {  	v31 =	vor.u32 v1, v7;
	(v2sf) =	vpush v4, $0xB;
	v6 =	vld.idx.msk [tilespmem:v30+s16+$0x0], $0xffff  }
0x2b8: {  	v32 =	vor.u32 s7, v2;
	_ =	sdelay $0x3  }
0x2b9: {  	[tilespmem:v31+s0+$0x0] =	vst.idx.msk $0xffff, v6  }
0x2ba: {  	v33 =	vor.u32 v2, v7;
	v6 =	vld.idx.msk [tilespmem:v32+s16+$0x0], $0xffff  }
0x2bb: {  	v34 =	vor.u32 s7, v3;
	_ =	sdelay $0x3  }
0x2bc: {  	[tilespmem:v33+s0+$0x0] =	vst.idx.msk $0xffff, v6  }
0x2bd: {  	v7 =	vor.u32 v3, v7;
	v6 =	vld.idx.msk [tilespmem:v34+s16+$0x0], $0xffff;
	_ =	sdelay $0x2  }
0x2be: {  	s4 =	spop (v2sf)  }
0x2bf: {  	s7 =	sand.u32 $0xFFFFF80, s4  }
0x2c0: {  	s7 =	sadd.s32 s1, s7;
	[tilespmem:v7+s0+$0x0] =	vst.idx.msk $0xffff, v6  }
0x2c1: {  	[tilespmem:s16], [sflag:$0x4] =	stream.strided.gather [hbm4b:s7+s11], $0x2000, s12, s11, $0x38;
	[tilespmem:$0x14280] =	vst v63  }
0x2c2: {  	_ =	swait.ge [sflag:s26], $0x2000  }
0x2c3: {  	(v2sf) =	vpush v5, $0xC;
	_ =	sdelay $0xe  }
0x2c4: {  	s8 =	spop (v2sf)  }
0x2c5: {  	s7 =	sand.u32 $0x7F, s8  }
0x2c6: {  	s9 =	sadd.s32 $0xFFFFFFFD, s5;
	v35 =	vor.u32 s7, v0  }
0x2c7: {  	v36 =	vmov s9  }
0x2c8: {  	v7 =	vand.u32 $0x7C, v36  }
0x2c9: {  	v7 =	vbroadcast v7, $0x0;
	[sflag:s26] =	ssyncset.done $0x0  }
0x2ca: {  	[sflag:s26] =	ssyncadd.s32 $0xFFFFE000  }
0x2cb: {  	v37 =	vor.u32 v0, v7;
	v6 =	vld.idx.msk [tilespmem:v35+s17+$0x0], $0xffff  }
0x2cc: {  	v38 =	vor.u32 s7, v1;
	_ =	sdelay $0x3  }
0x2cd: {  	[tilespmem:v37+s0+$0x0] =	vst.idx.msk $0xffff, v6  }
0x2ce: {  	v39 =	vor.u32 v1, v7;
	(v2sf) =	vpush v4, $0xC;
	v6 =	vld.idx.msk [tilespmem:v38+s17+$0x0], $0xffff  }
0x2cf: {  	v40 =	vor.u32 s7, v2;
	_ =	sdelay $0x3  }
0x2d0: {  	[tilespmem:v39+s0+$0x0] =	vst.idx.msk $0xffff, v6  }
0x2d1: {  	v41 =	vor.u32 v2, v7;
	v6 =	vld.idx.msk [tilespmem:v40+s17+$0x0], $0xffff  }
0x2d2: {  	v42 =	vor.u32 s7, v3;
	_ =	sdelay $0x3  }
0x2d3: {  	[tilespmem:v41+s0+$0x0] =	vst.idx.msk $0xffff, v6  }
0x2d4: {  	v7 =	vor.u32 v3, v7;
	v6 =	vld.idx.msk [tilespmem:v42+s17+$0x0], $0xffff;
	_ =	sdelay $0x2  }
0x2d5: {  	s4 =	spop (v2sf)  }
0x2d6: {  	s7 =	sand.u32 $0xFFFFF80, s4  }
0x2d7: {  	s7 =	sadd.s32 s1, s7;
	[tilespmem:v7+s0+$0x0] =	vst.idx.msk $0xffff, v6  }
0x2d8: {  	[tilespmem:s17], [sflag:$0x5] =	stream.strided.gather [hbm4b:s7+s11], $0x2000, s12, s11, $0x38;
	[tilespmem:$0x14280] =	vst v63  }
0x2d9: {  	_ =	swait.ge [sflag:s28], $0x2000  }
0x2da: {  	(v2sf) =	vpush v5, $0xD;
	_ =	sdelay $0xe  }
0x2db: {  	s8 =	spop (v2sf)  }
0x2dc: {  	s7 =	sand.u32 $0x7F, s8  }
0x2dd: {  	s9 =	sadd.s32 $0xFFFFFFFE, s5;
	v43 =	vor.u32 s7, v0  }
0x2de: {  	v44 =	vmov s9  }
0x2df: {  	v7 =	vand.u32 $0x7D, v44  }
0x2e0: {  	v7 =	vbroadcast v7, $0x0;
	[sflag:s28] =	ssyncset.done $0x0  }
0x2e1: {  	[sflag:s28] =	ssyncadd.s32 $0xFFFFE000  }
0x2e2: {  	v45 =	vor.u32 v0, v7;
	v6 =	vld.idx.msk [tilespmem:v43+s18+$0x0], $0xffff  }
0x2e3: {  	v46 =	vor.u32 s7, v1;
	_ =	sdelay $0x3  }
0x2e4: {  	[tilespmem:v45+s0+$0x0] =	vst.idx.msk $0xffff, v6  }
0x2e5: {  	v47 =	vor.u32 v1, v7;
	(v2sf) =	vpush v4, $0xD;
	v6 =	vld.idx.msk [tilespmem:v46+s18+$0x0], $0xffff  }
0x2e6: {  	v48 =	vor.u32 s7, v2;
	_ =	sdelay $0x3  }
0x2e7: {  	[tilespmem:v47+s0+$0x0] =	vst.idx.msk $0xffff, v6  }
0x2e8: {  	v49 =	vor.u32 v2, v7;
	v6 =	vld.idx.msk [tilespmem:v48+s18+$0x0], $0xffff  }
0x2e9: {  	v50 =	vor.u32 s7, v3;
	_ =	sdelay $0x3  }
0x2ea: {  	[tilespmem:v49+s0+$0x0] =	vst.idx.msk $0xffff, v6  }
0x2eb: {  	v7 =	vor.u32 v3, v7;
	v6 =	vld.idx.msk [tilespmem:v50+s18+$0x0], $0xffff;
	_ =	sdelay $0x2  }
0x2ec: {  	s4 =	spop (v2sf)  }
0x2ed: {  	s7 =	sand.u32 $0xFFFFF80, s4  }
0x2ee: {  	s7 =	sadd.s32 s1, s7;
	[tilespmem:v7+s0+$0x0] =	vst.idx.msk $0xffff, v6  }
0x2ef: {  	[tilespmem:s18], [sflag:$0x6] =	stream.strided.gather [hbm4b:s7+s11], $0x2000, s12, s11, $0x38;
	[tilespmem:$0x14280] =	vst v63  }
0x2f0: {  	_ =	swait.ge [sflag:s29], $0x2000  }
0x2f1: {  	(v2sf) =	vpush v5, $0xE;
	_ =	sdelay $0xe  }
0x2f2: {  	s8 =	spop (v2sf)  }
0x2f3: {  	s7 =	sand.u32 $0x7F, s8  }
0x2f4: {  	s9 =	sadd.s32 $0xFFFFFFFF, s5;
	v51 =	vor.u32 s7, v0  }
0x2f5: {  	v52 =	vmov s9  }
0x2f6: {  	v7 =	vand.u32 $0x7E, v52  }
0x2f7: {  	v7 =	vbroadcast v7, $0x0;
	[sflag:s29] =	ssyncset.done $0x0  }
0x2f8: {  	[sflag:s29] =	ssyncadd.s32 $0xFFFFE000  }
0x2f9: {  	v53 =	vor.u32 v0, v7;
	v6 =	vld.idx.msk [tilespmem:v51+s19+$0x0], $0xffff  }
0x2fa: {  	v54 =	vor.u32 s7, v1;
	_ =	sdelay $0x3  }
0x2fb: {  	[tilespmem:v53+s0+$0x0] =	vst.idx.msk $0xffff, v6  }
0x2fc: {  	v55 =	vor.u32 v1, v7;
	(v2sf) =	vpush v4, $0xE;
	v6 =	vld.idx.msk [tilespmem:v54+s19+$0x0], $0xffff  }
0x2fd: {  	v56 =	vor.u32 s7, v2;
	_ =	sdelay $0x3  }
0x2fe: {  	[tilespmem:v55+s0+$0x0] =	vst.idx.msk $0xffff, v6  }
0x2ff: {  	v57 =	vor.u32 v2, v7;
	v6 =	vld.idx.msk [tilespmem:v56+s19+$0x0], $0xffff  }
0x300: {  	v58 =	vor.u32 s7, v3;
	_ =	sdelay $0x3  }
0x301: {  	[tilespmem:v57+s0+$0x0] =	vst.idx.msk $0xffff, v6  }
0x302: {  	v7 =	vor.u32 v3, v7;
	v6 =	vld.idx.msk [tilespmem:v58+s19+$0x0], $0xffff;
	_ =	sdelay $0x2  }
0x303: {  	s4 =	spop (v2sf)  }
0x304: {  	s7 =	sand.u32 $0xFFFFF80, s4  }
0x305: {  	s7 =	sadd.s32 s1, s7;
	[tilespmem:v7+s0+$0x0] =	vst.idx.msk $0xffff, v6  }
0x306: {  	[tilespmem:s19], [sflag:$0x7] =	stream.strided.gather [hbm4b:s7+s11], $0x2000, s12, s11, $0x38;
	[tilespmem:$0x14280] =	vst v63  }
0x307: {  	_ =	swait.ge [sflag:s30], $0x2000  }
0x308: {  	(v2sf) =	vpush v5, $0xF;
	_ =	sdelay $0xe  }
0x309: {  	s8 =	spop (v2sf)  }
0x30a: {  	s7 =	sand.u32 $0x7F, s8  }
0x30b: {  	v5 =	vor.u32 s7, v0  }
0x30c: {  	v59 =	vmov s5  }
0x30d: {  	v6 =	vand.u32 $0x7F, v59  }
0x30e: {  	v6 =	vbroadcast v6, $0x0;
	[sflag:s30] =	ssyncset.done $0x0  }
0x30f: {  	[sflag:s30] =	ssyncadd.s32 $0xFFFFE000  }
0x310: {  	v60 =	vor.u32 v0, v6;
	v5 =	vld.idx.msk [tilespmem:v5+s20+$0x0], $0xffff  }
0x311: {  	v61 =	vor.u32 s7, v1;
	_ =	sdelay $0x3  }
0x312: {  	[tilespmem:v60+s0+$0x0] =	vst.idx.msk $0xffff, v5  }
0x313: {  	v62 =	vor.u32 v1, v6;
	(v2sf) =	vpush v4, $0xF;
	v5 =	vld.idx.msk [tilespmem:v61+s20+$0x0], $0xffff  }
0x314: {  	v4 =	vor.u32 s7, v2;
	_ =	sdelay $0x3  }
0x315: {  	[tilespmem:v62+s0+$0x0] =	vst.idx.msk $0xffff, v5  }
0x316: {  	v5 =	vor.u32 v2, v6;
	v4 =	vld.idx.msk [tilespmem:v4+s20+$0x0], $0xffff  }
0x317: {  	v63 =	vor.u32 s7, v3;
	_ =	sdelay $0x3  }
0x318: {  	[tilespmem:v5+s0+$0x0] =	vst.idx.msk $0xffff, v4  }
0x319: {  	v5 =	vor.u32 v3, v6;
	v4 =	vld.idx.msk [tilespmem:v63+s20+$0x0], $0xffff  }
0x31a: {  	p0 =	sne.s32 s5, $0x7F  }
.Ltmp1:
0x31b: {  	_ = 	snop;
	(pc) =	sbr.rel @p0 .LBB2_4-.Ltmp1, $4  }
0x31c: {  	s9 =	spop (v2sf)  }
0x31d: {  	s7 =	sand.u32 $0xFFFFF80, s9  }
0x31e: {  	s6 =	sadd.s32 $0x10, s6;
	s5 =	sadd.s32 $0x10, s5;
	s7 =	sadd.s32 s1, s7;
	[tilespmem:v5+s0+$0x0] =	vst.idx.msk $0xffff, v4  }
0x31f: {  	[tilespmem:s20], [sflag:$0x8] =	stream.strided.gather [hbm4b:s7+s11], $0x2000, s12, s11, $0x38;
	[tilespmem:$0x14280] =	vst v63  }
0x320: {  	s4 =	rddreg [dreg:$0x6]  }
0x321: {  	[hbm4b:s4+s11] =	stream.strided.scatter [tilespmem:s0], [sflag:$0x9], $0x2000, s31, s11, $0x38;
	[tilespmem:$0x14280] =	vst v63  }
0x322: {  	_ =	swait.ge [sflag:s2], $0x2000  }
0x323: {  	[sflag:s2] =	ssyncset.done $0x0  }
0x324: {  	s5 =	simm.s32 $0xF;
	s6 =	simm.s32 $0x108;
	[sflag:s2] =	ssyncadd.s32 $0xFFFFE000  }
.LBB2_6:
0x325: {  	v5 =	vld [tilespmem:s6+$0xFFFFFFF8];
	_ =	sdelay $0x3  }
0x326: {  	v4 =	vld [tilespmem:s6+$0x0];
	_ =	swait.ge [sflag:s21], $0x2000  }
0x327: {  	(v2sf) =	vpush v5, $0x0;
	_ =	sdelay $0xe  }
0x328: {  	s7 =	spop (v2sf)  }
0x329: {  	s7 =	sand.u32 $0x7F, s7  }
0x32a: {  	s8 =	sadd.s32 $0xFFFFFFF1, s5;
	v6 =	vor.u32 s7, v0  }
0x32b: {  	v7 =	vmov s8  }
0x32c: {  	v7 =	vand.u32 $0x70, v7  }
0x32d: {  	[sflag:s21] =	ssyncset.done $0x0;
	v7 =	vbroadcast v7, $0x0  }
0x32e: {  	[sflag:s21] =	ssyncadd.s32 $0xFFFFE000  }
0x32f: {  	v8 =	vor.u32 v0, v7;
	v6 =	vld.idx.msk [tilespmem:v6+s13+$0x0], $0xffff  }
0x330: {  	v9 =	vor.u32 s7, v1;
	_ =	sdelay $0x3  }
0x331: {  	[tilespmem:v8+s22+$0x0] =	vst.idx.msk $0xffff, v6  }
0x332: {  	v48 =	vor.u32 v1, v7;
	(v2sf) =	vpush v4, $0x0;
	v6 =	vld.idx.msk [tilespmem:v9+s13+$0x0], $0xffff  }
0x333: {  	v49 =	vor.u32 s7, v2;
	_ =	sdelay $0x3  }
0x334: {  	[tilespmem:v48+s22+$0x0] =	vst.idx.msk $0xffff, v6  }
0x335: {  	v50 =	vor.u32 v2, v7;
	v6 =	vld.idx.msk [tilespmem:v49+s13+$0x0], $0xffff  }
0x336: {  	v51 =	vor.u32 s7, v3;
	_ =	sdelay $0x3  }
0x337: {  	[tilespmem:v50+s22+$0x0] =	vst.idx.msk $0xffff, v6  }
0x338: {  	v7 =	vor.u32 v3, v7;
	v6 =	vld.idx.msk [tilespmem:v51+s13+$0x0], $0xffff;
	_ =	sdelay $0x2  }
0x339: {  	s4 =	spop (v2sf)  }
0x33a: {  	s7 =	sand.u32 $0xFFFFF80, s4  }
0x33b: {  	s7 =	sadd.s32 s1, s7;
	[tilespmem:v7+s22+$0x0] =	vst.idx.msk $0xffff, v6  }
0x33c: {  	[tilespmem:s13], [sflag:$0x1] =	stream.strided.gather [hbm4b:s7+s11], $0x2000, s12, s11, $0x38;
	[tilespmem:$0x14280] =	vst v63  }
0x33d: {  	_ =	swait.ge [sflag:s23], $0x2000  }
0x33e: {  	(v2sf) =	vpush v5, $0x1;
	_ =	sdelay $0xe  }
0x33f: {  	s8 =	spop (v2sf)  }
0x340: {  	s7 =	sand.u32 $0x7F, s8  }
0x341: {  	s9 =	sadd.s32 $0xFFFFFFF2, s5;
	v52 =	vor.u32 s7, v0  }
0x342: {  	v53 =	vmov s9  }
0x343: {  	v7 =	vand.u32 $0x71, v53  }
0x344: {  	v7 =	vbroadcast v7, $0x0;
	[sflag:s23] =	ssyncset.done $0x0  }
0x345: {  	[sflag:s23] =	ssyncadd.s32 $0xFFFFE000  }
0x346: {  	v54 =	vor.u32 v0, v7;
	v6 =	vld.idx.msk [tilespmem:v52+s14+$0x0], $0xffff  }
0x347: {  	v55 =	vor.u32 s7, v1;
	_ =	sdelay $0x3  }
0x348: {  	[tilespmem:v54+s22+$0x0] =	vst.idx.msk $0xffff, v6  }
0x349: {  	v56 =	vor.u32 v1, v7;
	(v2sf) =	vpush v4, $0x1;
	v6 =	vld.idx.msk [tilespmem:v55+s14+$0x0], $0xffff  }
0x34a: {  	v57 =	vor.u32 s7, v2;
	_ =	sdelay $0x3  }
0x34b: {  	[tilespmem:v56+s22+$0x0] =	vst.idx.msk $0xffff, v6  }
0x34c: {  	v58 =	vor.u32 v2, v7;
	v6 =	vld.idx.msk [tilespmem:v57+s14+$0x0], $0xffff  }
0x34d: {  	v59 =	vor.u32 s7, v3;
	_ =	sdelay $0x3  }
0x34e: {  	[tilespmem:v58+s22+$0x0] =	vst.idx.msk $0xffff, v6  }
0x34f: {  	v7 =	vor.u32 v3, v7;
	v6 =	vld.idx.msk [tilespmem:v59+s14+$0x0], $0xffff;
	_ =	sdelay $0x2  }
0x350: {  	s4 =	spop (v2sf)  }
0x351: {  	s7 =	sand.u32 $0xFFFFF80, s4  }
0x352: {  	s7 =	sadd.s32 s1, s7;
	[tilespmem:v7+s22+$0x0] =	vst.idx.msk $0xffff, v6  }
0x353: {  	[tilespmem:s14], [sflag:$0x2] =	stream.strided.gather [hbm4b:s7+s11], $0x2000, s12, s11, $0x38;
	[tilespmem:$0x14280] =	vst v63  }
0x354: {  	_ =	swait.ge [sflag:s24], $0x2000  }
0x355: {  	(v2sf) =	vpush v5, $0x2;
	_ =	sdelay $0xe  }
0x356: {  	s8 =	spop (v2sf)  }
0x357: {  	s7 =	sand.u32 $0x7F, s8  }
0x358: {  	s9 =	sadd.s32 $0xFFFFFFF3, s5;
	v60 =	vor.u32 s7, v0  }
0x359: {  	v61 =	vmov s9  }
0x35a: {  	v7 =	vand.u32 $0x72, v61  }
0x35b: {  	v7 =	vbroadcast v7, $0x0;
	[sflag:s24] =	ssyncset.done $0x0  }
0x35c: {  	[sflag:s24] =	ssyncadd.s32 $0xFFFFE000  }
0x35d: {  	v62 =	vor.u32 v0, v7;
	v6 =	vld.idx.msk [tilespmem:v60+s15+$0x0], $0xffff  }
0x35e: {  	v63 =	vor.u32 s7, v1;
	_ =	sdelay $0x3  }
0x35f: {  	[tilespmem:v62+s22+$0x0] =	vst.idx.msk $0xffff, v6  }
0x360: {  	v12 =	vor.u32 v1, v7;
	(v2sf) =	vpush v4, $0x2;
	v6 =	vld.idx.msk [tilespmem:v63+s15+$0x0], $0xffff  }
0x361: {  	v13 =	vor.u32 s7, v2;
	_ =	sdelay $0x3  }
0x362: {  	[tilespmem:v12+s22+$0x0] =	vst.idx.msk $0xffff, v6  }
0x363: {  	v14 =	vor.u32 v2, v7;
	v6 =	vld.idx.msk [tilespmem:v13+s15+$0x0], $0xffff  }
0x364: {  	v15 =	vor.u32 s7, v3;
	_ =	sdelay $0x3  }
0x365: {  	[tilespmem:v14+s22+$0x0] =	vst.idx.msk $0xffff, v6  }
0x366: {  	v7 =	vor.u32 v3, v7;
	v6 =	vld.idx.msk [tilespmem:v15+s15+$0x0], $0xffff;
	_ =	sdelay $0x2  }
0x367: {  	s4 =	spop (v2sf)  }
0x368: {  	s7 =	sand.u32 $0xFFFFF80, s4  }
0x369: {  	s7 =	sadd.s32 s1, s7;
	[tilespmem:v7+s22+$0x0] =	vst.idx.msk $0xffff, v6  }
0x36a: {  	[tilespmem:s15], [sflag:$0x3] =	stream.strided.gather [hbm4b:s7+s11], $0x2000, s12, s11, $0x38;
	[tilespmem:$0x14280] =	vst v63  }
0x36b: {  	_ =	swait.ge [sflag:s25], $0x2000  }
0x36c: {  	(v2sf) =	vpush v5, $0x3;
	_ =	sdelay $0xe  }
0x36d: {  	s8 =	spop (v2sf)  }
0x36e: {  	s7 =	sand.u32 $0x7F, s8  }
0x36f: {  	s9 =	sadd.s32 $0xFFFFFFF4, s5;
	v16 =	vor.u32 s7, v0  }
0x370: {  	v17 =	vmov s9  }
0x371: {  	v7 =	vand.u32 $0x73, v17  }
0x372: {  	v7 =	vbroadcast v7, $0x0;
	[sflag:s25] =	ssyncset.done $0x0  }
0x373: {  	[sflag:s25] =	ssyncadd.s32 $0xFFFFE000  }
0x374: {  	v18 =	vor.u32 v0, v7;
	v6 =	vld.idx.msk [tilespmem:v16+s16+$0x0], $0xffff  }
0x375: {  	v19 =	vor.u32 s7, v1;
	_ =	sdelay $0x3  }
0x376: {  	[tilespmem:v18+s22+$0x0] =	vst.idx.msk $0xffff, v6  }
0x377: {  	v20 =	vor.u32 v1, v7;
	(v2sf) =	vpush v4, $0x3;
	v6 =	vld.idx.msk [tilespmem:v19+s16+$0x0], $0xffff  }
0x378: {  	v21 =	vor.u32 s7, v2;
	_ =	sdelay $0x3  }
0x379: {  	[tilespmem:v20+s22+$0x0] =	vst.idx.msk $0xffff, v6  }
0x37a: {  	v22 =	vor.u32 v2, v7;
	v6 =	vld.idx.msk [tilespmem:v21+s16+$0x0], $0xffff  }
0x37b: {  	v23 =	vor.u32 s7, v3;
	_ =	sdelay $0x3  }
0x37c: {  	[tilespmem:v22+s22+$0x0] =	vst.idx.msk $0xffff, v6  }
0x37d: {  	v7 =	vor.u32 v3, v7;
	v6 =	vld.idx.msk [tilespmem:v23+s16+$0x0], $0xffff;
	_ =	sdelay $0x2  }
0x37e: {  	s4 =	spop (v2sf)  }
0x37f: {  	s7 =	sand.u32 $0xFFFFF80, s4  }
0x380: {  	s7 =	sadd.s32 s1, s7;
	[tilespmem:v7+s22+$0x0] =	vst.idx.msk $0xffff, v6  }
0x381: {  	[tilespmem:s16], [sflag:$0x4] =	stream.strided.gather [hbm4b:s7+s11], $0x2000, s12, s11, $0x38;
	[tilespmem:$0x14280] =	vst v63  }
0x382: {  	_ =	swait.ge [sflag:s26], $0x2000  }
0x383: {  	(v2sf) =	vpush v5, $0x4;
	_ =	sdelay $0xe  }
0x384: {  	s8 =	spop (v2sf)  }
0x385: {  	s7 =	sand.u32 $0x7F, s8  }
0x386: {  	s9 =	sadd.s32 $0xFFFFFFF5, s5;
	v24 =	vor.u32 s7, v0  }
0x387: {  	v25 =	vmov s9  }
0x388: {  	v7 =	vand.u32 $0x74, v25  }
0x389: {  	v7 =	vbroadcast v7, $0x0;
	[sflag:s26] =	ssyncset.done $0x0  }
0x38a: {  	[sflag:s26] =	ssyncadd.s32 $0xFFFFE000  }
0x38b: {  	v26 =	vor.u32 v0, v7;
	v6 =	vld.idx.msk [tilespmem:v24+s17+$0x0], $0xffff  }
0x38c: {  	v27 =	vor.u32 s7, v1;
	_ =	sdelay $0x3  }
0x38d: {  	[tilespmem:v26+s22+$0x0] =	vst.idx.msk $0xffff, v6  }
0x38e: {  	v28 =	vor.u32 v1, v7;
	(v2sf) =	vpush v4, $0x4;
	v6 =	vld.idx.msk [tilespmem:v27+s17+$0x0], $0xffff  }
0x38f: {  	v29 =	vor.u32 s7, v2;
	_ =	sdelay $0x3  }
0x390: {  	[tilespmem:v28+s22+$0x0] =	vst.idx.msk $0xffff, v6  }
0x391: {  	v30 =	vor.u32 v2, v7;
	v6 =	vld.idx.msk [tilespmem:v29+s17+$0x0], $0xffff  }
0x392: {  	v31 =	vor.u32 s7, v3;
	_ =	sdelay $0x3  }
0x393: {  	[tilespmem:v30+s22+$0x0] =	vst.idx.msk $0xffff, v6  }
0x394: {  	v7 =	vor.u32 v3, v7;
	v6 =	vld.idx.msk [tilespmem:v31+s17+$0x0], $0xffff;
	_ =	sdelay $0x2  }
0x395: {  	s4 =	spop (v2sf)  }
0x396: {  	s7 =	sand.u32 $0xFFFFF80, s4  }
0x397: {  	s7 =	sadd.s32 s1, s7;
	[tilespmem:v7+s22+$0x0] =	vst.idx.msk $0xffff, v6  }
0x398: {  	[tilespmem:s17], [sflag:$0x5] =	stream.strided.gather [hbm4b:s7+s11], $0x2000, s12, s11, $0x38;
	[tilespmem:$0x14280] =	vst v63  }
0x399: {  	_ =	swait.ge [sflag:s28], $0x2000  }
0x39a: {  	(v2sf) =	vpush v5, $0x5;
	_ =	sdelay $0xe  }
0x39b: {  	s8 =	spop (v2sf)  }
0x39c: {  	s7 =	sand.u32 $0x7F, s8  }
0x39d: {  	s9 =	sadd.s32 $0xFFFFFFF6, s5;
	v32 =	vor.u32 s7, v0  }
0x39e: {  	v33 =	vmov s9  }
0x39f: {  	v7 =	vand.u32 $0x75, v33  }
0x3a0: {  	v7 =	vbroadcast v7, $0x0;
	[sflag:s28] =	ssyncset.done $0x0  }
0x3a1: {  	[sflag:s28] =	ssyncadd.s32 $0xFFFFE000  }
0x3a2: {  	v34 =	vor.u32 v0, v7;
	v6 =	vld.idx.msk [tilespmem:v32+s18+$0x0], $0xffff  }
0x3a3: {  	v35 =	vor.u32 s7, v1;
	_ =	sdelay $0x3  }
0x3a4: {  	[tilespmem:v34+s22+$0x0] =	vst.idx.msk $0xffff, v6  }
0x3a5: {  	v36 =	vor.u32 v1, v7;
	(v2sf) =	vpush v4, $0x5;
	v6 =	vld.idx.msk [tilespmem:v35+s18+$0x0], $0xffff  }
0x3a6: {  	v37 =	vor.u32 s7, v2;
	_ =	sdelay $0x3  }
0x3a7: {  	[tilespmem:v36+s22+$0x0] =	vst.idx.msk $0xffff, v6  }
0x3a8: {  	v38 =	vor.u32 v2, v7;
	v6 =	vld.idx.msk [tilespmem:v37+s18+$0x0], $0xffff  }
0x3a9: {  	v39 =	vor.u32 s7, v3;
	_ =	sdelay $0x3  }
0x3aa: {  	[tilespmem:v38+s22+$0x0] =	vst.idx.msk $0xffff, v6  }
0x3ab: {  	v7 =	vor.u32 v3, v7;
	v6 =	vld.idx.msk [tilespmem:v39+s18+$0x0], $0xffff;
	_ =	sdelay $0x2  }
0x3ac: {  	s4 =	spop (v2sf)  }
0x3ad: {  	s7 =	sand.u32 $0xFFFFF80, s4  }
0x3ae: {  	s7 =	sadd.s32 s1, s7;
	[tilespmem:v7+s22+$0x0] =	vst.idx.msk $0xffff, v6  }
0x3af: {  	[tilespmem:s18], [sflag:$0x6] =	stream.strided.gather [hbm4b:s7+s11], $0x2000, s12, s11, $0x38;
	[tilespmem:$0x14280] =	vst v63  }
0x3b0: {  	_ =	swait.ge [sflag:s29], $0x2000  }
0x3b1: {  	(v2sf) =	vpush v5, $0x6;
	_ =	sdelay $0xe  }
0x3b2: {  	s8 =	spop (v2sf)  }
0x3b3: {  	s7 =	sand.u32 $0x7F, s8  }
0x3b4: {  	s9 =	sadd.s32 $0xFFFFFFF7, s5;
	v40 =	vor.u32 s7, v0  }
0x3b5: {  	v41 =	vmov s9  }
0x3b6: {  	v7 =	vand.u32 $0x76, v41  }
0x3b7: {  	v7 =	vbroadcast v7, $0x0;
	[sflag:s29] =	ssyncset.done $0x0  }
0x3b8: {  	[sflag:s29] =	ssyncadd.s32 $0xFFFFE000  }
0x3b9: {  	v42 =	vor.u32 v0, v7;
	v6 =	vld.idx.msk [tilespmem:v40+s19+$0x0], $0xffff  }
0x3ba: {  	v43 =	vor.u32 s7, v1;
	_ =	sdelay $0x3  }
0x3bb: {  	[tilespmem:v42+s22+$0x0] =	vst.idx.msk $0xffff, v6  }
0x3bc: {  	v44 =	vor.u32 v1, v7;
	(v2sf) =	vpush v4, $0x6;
	v6 =	vld.idx.msk [tilespmem:v43+s19+$0x0], $0xffff  }
0x3bd: {  	v45 =	vor.u32 s7, v2;
	_ =	sdelay $0x3  }
0x3be: {  	[tilespmem:v44+s22+$0x0] =	vst.idx.msk $0xffff, v6  }
0x3bf: {  	v46 =	vor.u32 v2, v7;
	v6 =	vld.idx.msk [tilespmem:v45+s19+$0x0], $0xffff  }
0x3c0: {  	v47 =	vor.u32 s7, v3;
	_ =	sdelay $0x3  }
0x3c1: {  	[tilespmem:v46+s22+$0x0] =	vst.idx.msk $0xffff, v6  }
0x3c2: {  	v7 =	vor.u32 v3, v7;
	v6 =	vld.idx.msk [tilespmem:v47+s19+$0x0], $0xffff;
	_ =	sdelay $0x2  }
0x3c3: {  	s4 =	spop (v2sf)  }
0x3c4: {  	s7 =	sand.u32 $0xFFFFF80, s4  }
0x3c5: {  	s7 =	sadd.s32 s1, s7;
	[tilespmem:v7+s22+$0x0] =	vst.idx.msk $0xffff, v6  }
0x3c6: {  	[tilespmem:s19], [sflag:$0x7] =	stream.strided.gather [hbm4b:s7+s11], $0x2000, s12, s11, $0x38;
	[tilespmem:$0x14280] =	vst v63  }
0x3c7: {  	_ =	swait.ge [sflag:s30], $0x2000  }
0x3c8: {  	(v2sf) =	vpush v5, $0x7;
	_ =	sdelay $0xe  }
0x3c9: {  	s8 =	spop (v2sf)  }
0x3ca: {  	s7 =	sand.u32 $0x7F, s8  }
0x3cb: {  	s9 =	sadd.s32 $0xFFFFFFF8, s5;
	v48 =	vor.u32 s7, v0  }
0x3cc: {  	v49 =	vmov s9  }
0x3cd: {  	v7 =	vand.u32 $0x77, v49  }
0x3ce: {  	v7 =	vbroadcast v7, $0x0;
	[sflag:s30] =	ssyncset.done $0x0  }
0x3cf: {  	[sflag:s30] =	ssyncadd.s32 $0xFFFFE000  }
0x3d0: {  	v50 =	vor.u32 v0, v7;
	v6 =	vld.idx.msk [tilespmem:v48+s20+$0x0], $0xffff  }
0x3d1: {  	v51 =	vor.u32 s7, v1;
	_ =	sdelay $0x3  }
0x3d2: {  	[tilespmem:v50+s22+$0x0] =	vst.idx.msk $0xffff, v6  }
0x3d3: {  	v52 =	vor.u32 v1, v7;
	(v2sf) =	vpush v4, $0x7;
	v6 =	vld.idx.msk [tilespmem:v51+s20+$0x0], $0xffff  }
0x3d4: {  	v53 =	vor.u32 s7, v2;
	_ =	sdelay $0x3  }
0x3d5: {  	[tilespmem:v52+s22+$0x0] =	vst.idx.msk $0xffff, v6  }
0x3d6: {  	v54 =	vor.u32 v2, v7;
	v6 =	vld.idx.msk [tilespmem:v53+s20+$0x0], $0xffff  }
0x3d7: {  	v55 =	vor.u32 s7, v3;
	_ =	sdelay $0x3  }
0x3d8: {  	[tilespmem:v54+s22+$0x0] =	vst.idx.msk $0xffff, v6  }
0x3d9: {  	v7 =	vor.u32 v3, v7;
	v6 =	vld.idx.msk [tilespmem:v55+s20+$0x0], $0xffff;
	_ =	sdelay $0x2  }
0x3da: {  	s4 =	spop (v2sf)  }
0x3db: {  	s7 =	sand.u32 $0xFFFFF80, s4  }
0x3dc: {  	s7 =	sadd.s32 s1, s7;
	[tilespmem:v7+s22+$0x0] =	vst.idx.msk $0xffff, v6  }
0x3dd: {  	[tilespmem:s20], [sflag:$0x8] =	stream.strided.gather [hbm4b:s7+s11], $0x2000, s12, s11, $0x38;
	[tilespmem:$0x14280] =	vst v63  }
0x3de: {  	_ =	swait.ge [sflag:s21], $0x2000  }
0x3df: {  	(v2sf) =	vpush v5, $0x8;
	_ =	sdelay $0xe  }
0x3e0: {  	s8 =	spop (v2sf)  }
0x3e1: {  	s7 =	sand.u32 $0x7F, s8  }
0x3e2: {  	s9 =	sadd.s32 $0xFFFFFFF9, s5;
	v56 =	vor.u32 s7, v0  }
0x3e3: {  	v57 =	vmov s9  }
0x3e4: {  	v7 =	vand.u32 $0x78, v57  }
0x3e5: {  	v7 =	vbroadcast v7, $0x0;
	[sflag:s21] =	ssyncset.done $0x0  }
0x3e6: {  	[sflag:s21] =	ssyncadd.s32 $0xFFFFE000  }
0x3e7: {  	v58 =	vor.u32 v0, v7;
	v6 =	vld.idx.msk [tilespmem:v56+s13+$0x0], $0xffff  }
0x3e8: {  	v59 =	vor.u32 s7, v1;
	_ =	sdelay $0x3  }
0x3e9: {  	[tilespmem:v58+s22+$0x0] =	vst.idx.msk $0xffff, v6  }
0x3ea: {  	v60 =	vor.u32 v1, v7;
	(v2sf) =	vpush v4, $0x8;
	v6 =	vld.idx.msk [tilespmem:v59+s13+$0x0], $0xffff  }
0x3eb: {  	v61 =	vor.u32 s7, v2;
	_ =	sdelay $0x3  }
0x3ec: {  	[tilespmem:v60+s22+$0x0] =	vst.idx.msk $0xffff, v6  }
0x3ed: {  	v62 =	vor.u32 v2, v7;
	v6 =	vld.idx.msk [tilespmem:v61+s13+$0x0], $0xffff  }
0x3ee: {  	v63 =	vor.u32 s7, v3;
	_ =	sdelay $0x3  }
0x3ef: {  	[tilespmem:v62+s22+$0x0] =	vst.idx.msk $0xffff, v6  }
0x3f0: {  	v7 =	vor.u32 v3, v7;
	v6 =	vld.idx.msk [tilespmem:v63+s13+$0x0], $0xffff;
	_ =	sdelay $0x2  }
0x3f1: {  	s4 =	spop (v2sf)  }
0x3f2: {  	s7 =	sand.u32 $0xFFFFF80, s4  }
0x3f3: {  	s7 =	sadd.s32 s1, s7;
	[tilespmem:v7+s22+$0x0] =	vst.idx.msk $0xffff, v6  }
0x3f4: {  	[tilespmem:s13], [sflag:$0x1] =	stream.strided.gather [hbm4b:s7+s11], $0x2000, s12, s11, $0x38;
	[tilespmem:$0x14280] =	vst v63  }
0x3f5: {  	_ =	swait.ge [sflag:s23], $0x2000  }
0x3f6: {  	(v2sf) =	vpush v5, $0x9;
	_ =	sdelay $0xe  }
0x3f7: {  	s8 =	spop (v2sf)  }
0x3f8: {  	s7 =	sand.u32 $0x7F, s8  }
0x3f9: {  	s9 =	sadd.s32 $0xFFFFFFFA, s5;
	v11 =	vor.u32 s7, v0  }
0x3fa: {  	v12 =	vmov s9  }
0x3fb: {  	v7 =	vand.u32 $0x79, v12  }
0x3fc: {  	v7 =	vbroadcast v7, $0x0;
	[sflag:s23] =	ssyncset.done $0x0  }
0x3fd: {  	[sflag:s23] =	ssyncadd.s32 $0xFFFFE000  }
0x3fe: {  	v13 =	vor.u32 v0, v7;
	v6 =	vld.idx.msk [tilespmem:v11+s14+$0x0], $0xffff  }
0x3ff: {  	v14 =	vor.u32 s7, v1;
	_ =	sdelay $0x3  }
0x400: {  	[tilespmem:v13+s22+$0x0] =	vst.idx.msk $0xffff, v6  }
0x401: {  	v15 =	vor.u32 v1, v7;
	(v2sf) =	vpush v4, $0x9;
	v6 =	vld.idx.msk [tilespmem:v14+s14+$0x0], $0xffff  }
0x402: {  	v16 =	vor.u32 s7, v2;
	_ =	sdelay $0x3  }
0x403: {  	[tilespmem:v15+s22+$0x0] =	vst.idx.msk $0xffff, v6  }
0x404: {  	v17 =	vor.u32 v2, v7;
	v6 =	vld.idx.msk [tilespmem:v16+s14+$0x0], $0xffff  }
0x405: {  	v18 =	vor.u32 s7, v3;
	_ =	sdelay $0x3  }
0x406: {  	[tilespmem:v17+s22+$0x0] =	vst.idx.msk $0xffff, v6  }
0x407: {  	v7 =	vor.u32 v3, v7;
	v6 =	vld.idx.msk [tilespmem:v18+s14+$0x0], $0xffff;
	_ =	sdelay $0x2  }
0x408: {  	s4 =	spop (v2sf)  }
0x409: {  	s7 =	sand.u32 $0xFFFFF80, s4  }
0x40a: {  	s7 =	sadd.s32 s1, s7;
	[tilespmem:v7+s22+$0x0] =	vst.idx.msk $0xffff, v6  }
0x40b: {  	[tilespmem:s14], [sflag:$0x2] =	stream.strided.gather [hbm4b:s7+s11], $0x2000, s12, s11, $0x38;
	[tilespmem:$0x14280] =	vst v63  }
0x40c: {  	_ =	swait.ge [sflag:s24], $0x2000  }
0x40d: {  	(v2sf) =	vpush v5, $0xA;
	_ =	sdelay $0xe  }
0x40e: {  	s8 =	spop (v2sf)  }
0x40f: {  	s7 =	sand.u32 $0x7F, s8  }
0x410: {  	s9 =	sadd.s32 $0xFFFFFFFB, s5;
	v19 =	vor.u32 s7, v0  }
0x411: {  	v20 =	vmov s9  }
0x412: {  	v7 =	vand.u32 $0x7A, v20  }
0x413: {  	v7 =	vbroadcast v7, $0x0;
	[sflag:s24] =	ssyncset.done $0x0  }
0x414: {  	[sflag:s24] =	ssyncadd.s32 $0xFFFFE000  }
0x415: {  	v21 =	vor.u32 v0, v7;
	v6 =	vld.idx.msk [tilespmem:v19+s15+$0x0], $0xffff  }
0x416: {  	v22 =	vor.u32 s7, v1;
	_ =	sdelay $0x3  }
0x417: {  	[tilespmem:v21+s22+$0x0] =	vst.idx.msk $0xffff, v6  }
0x418: {  	v23 =	vor.u32 v1, v7;
	(v2sf) =	vpush v4, $0xA;
	v6 =	vld.idx.msk [tilespmem:v22+s15+$0x0], $0xffff  }
0x419: {  	v24 =	vor.u32 s7, v2;
	_ =	sdelay $0x3  }
0x41a: {  	[tilespmem:v23+s22+$0x0] =	vst.idx.msk $0xffff, v6  }
0x41b: {  	v25 =	vor.u32 v2, v7;
	v6 =	vld.idx.msk [tilespmem:v24+s15+$0x0], $0xffff  }
0x41c: {  	v26 =	vor.u32 s7, v3;
	_ =	sdelay $0x3  }
0x41d: {  	[tilespmem:v25+s22+$0x0] =	vst.idx.msk $0xffff, v6  }
0x41e: {  	v7 =	vor.u32 v3, v7;
	v6 =	vld.idx.msk [tilespmem:v26+s15+$0x0], $0xffff;
	_ =	sdelay $0x2  }
0x41f: {  	s4 =	spop (v2sf)  }
0x420: {  	s7 =	sand.u32 $0xFFFFF80, s4  }
0x421: {  	s7 =	sadd.s32 s1, s7;
	[tilespmem:v7+s22+$0x0] =	vst.idx.msk $0xffff, v6  }
0x422: {  	[tilespmem:s15], [sflag:$0x3] =	stream.strided.gather [hbm4b:s7+s11], $0x2000, s12, s11, $0x38;
	[tilespmem:$0x14280] =	vst v63  }
0x423: {  	_ =	swait.ge [sflag:s25], $0x2000  }
0x424: {  	(v2sf) =	vpush v5, $0xB;
	_ =	sdelay $0xe  }
0x425: {  	s8 =	spop (v2sf)  }
0x426: {  	s7 =	sand.u32 $0x7F, s8  }
0x427: {  	s9 =	sadd.s32 $0xFFFFFFFC, s5;
	v27 =	vor.u32 s7, v0  }
0x428: {  	v28 =	vmov s9  }
0x429: {  	v7 =	vand.u32 $0x7B, v28  }
0x42a: {  	v7 =	vbroadcast v7, $0x0;
	[sflag:s25] =	ssyncset.done $0x0  }
0x42b: {  	[sflag:s25] =	ssyncadd.s32 $0xFFFFE000  }
0x42c: {  	v29 =	vor.u32 v0, v7;
	v6 =	vld.idx.msk [tilespmem:v27+s16+$0x0], $0xffff  }
0x42d: {  	v30 =	vor.u32 s7, v1;
	_ =	sdelay $0x3  }
0x42e: {  	[tilespmem:v29+s22+$0x0] =	vst.idx.msk $0xffff, v6  }
0x42f: {  	v31 =	vor.u32 v1, v7;
	(v2sf) =	vpush v4, $0xB;
	v6 =	vld.idx.msk [tilespmem:v30+s16+$0x0], $0xffff  }
0x430: {  	v32 =	vor.u32 s7, v2;
	_ =	sdelay $0x3  }
0x431: {  	[tilespmem:v31+s22+$0x0] =	vst.idx.msk $0xffff, v6  }
0x432: {  	v33 =	vor.u32 v2, v7;
	v6 =	vld.idx.msk [tilespmem:v32+s16+$0x0], $0xffff  }
0x433: {  	v34 =	vor.u32 s7, v3;
	_ =	sdelay $0x3  }
0x434: {  	[tilespmem:v33+s22+$0x0] =	vst.idx.msk $0xffff, v6  }
0x435: {  	v7 =	vor.u32 v3, v7;
	v6 =	vld.idx.msk [tilespmem:v34+s16+$0x0], $0xffff;
	_ =	sdelay $0x2  }
0x436: {  	s4 =	spop (v2sf)  }
0x437: {  	s7 =	sand.u32 $0xFFFFF80, s4  }
0x438: {  	s7 =	sadd.s32 s1, s7;
	[tilespmem:v7+s22+$0x0] =	vst.idx.msk $0xffff, v6  }
0x439: {  	[tilespmem:s16], [sflag:$0x4] =	stream.strided.gather [hbm4b:s7+s11], $0x2000, s12, s11, $0x38;
	[tilespmem:$0x14280] =	vst v63  }
0x43a: {  	_ =	swait.ge [sflag:s26], $0x2000  }
0x43b: {  	(v2sf) =	vpush v5, $0xC;
	_ =	sdelay $0xe  }
0x43c: {  	s8 =	spop (v2sf)  }
0x43d: {  	s7 =	sand.u32 $0x7F, s8  }
0x43e: {  	s9 =	sadd.s32 $0xFFFFFFFD, s5;
	v35 =	vor.u32 s7, v0  }
0x43f: {  	v36 =	vmov s9  }
0x440: {  	v7 =	vand.u32 $0x7C, v36  }
0x441: {  	v7 =	vbroadcast v7, $0x0;
	[sflag:s26] =	ssyncset.done $0x0  }
0x442: {  	[sflag:s26] =	ssyncadd.s32 $0xFFFFE000  }
0x443: {  	v37 =	vor.u32 v0, v7;
	v6 =	vld.idx.msk [tilespmem:v35+s17+$0x0], $0xffff  }
0x444: {  	v38 =	vor.u32 s7, v1;
	_ =	sdelay $0x3  }
0x445: {  	[tilespmem:v37+s22+$0x0] =	vst.idx.msk $0xffff, v6  }
0x446: {  	v39 =	vor.u32 v1, v7;
	(v2sf) =	vpush v4, $0xC;
	v6 =	vld.idx.msk [tilespmem:v38+s17+$0x0], $0xffff  }
0x447: {  	v40 =	vor.u32 s7, v2;
	_ =	sdelay $0x3  }
0x448: {  	[tilespmem:v39+s22+$0x0] =	vst.idx.msk $0xffff, v6  }
0x449: {  	v41 =	vor.u32 v2, v7;
	v6 =	vld.idx.msk [tilespmem:v40+s17+$0x0], $0xffff  }
0x44a: {  	v42 =	vor.u32 s7, v3;
	_ =	sdelay $0x3  }
0x44b: {  	[tilespmem:v41+s22+$0x0] =	vst.idx.msk $0xffff, v6  }
0x44c: {  	v7 =	vor.u32 v3, v7;
	v6 =	vld.idx.msk [tilespmem:v42+s17+$0x0], $0xffff;
	_ =	sdelay $0x2  }
0x44d: {  	s4 =	spop (v2sf)  }
0x44e: {  	s7 =	sand.u32 $0xFFFFF80, s4  }
0x44f: {  	s7 =	sadd.s32 s1, s7;
	[tilespmem:v7+s22+$0x0] =	vst.idx.msk $0xffff, v6  }
0x450: {  	[tilespmem:s17], [sflag:$0x5] =	stream.strided.gather [hbm4b:s7+s11], $0x2000, s12, s11, $0x38;
	[tilespmem:$0x14280] =	vst v63  }
0x451: {  	_ =	swait.ge [sflag:s28], $0x2000  }
0x452: {  	(v2sf) =	vpush v5, $0xD;
	_ =	sdelay $0xe  }
0x453: {  	s8 =	spop (v2sf)  }
0x454: {  	s7 =	sand.u32 $0x7F, s8  }
0x455: {  	s9 =	sadd.s32 $0xFFFFFFFE, s5;
	v43 =	vor.u32 s7, v0  }
0x456: {  	v44 =	vmov s9  }
0x457: {  	v7 =	vand.u32 $0x7D, v44  }
0x458: {  	v7 =	vbroadcast v7, $0x0;
	[sflag:s28] =	ssyncset.done $0x0  }
0x459: {  	[sflag:s28] =	ssyncadd.s32 $0xFFFFE000  }
0x45a: {  	v45 =	vor.u32 v0, v7;
	v6 =	vld.idx.msk [tilespmem:v43+s18+$0x0], $0xffff  }
0x45b: {  	v46 =	vor.u32 s7, v1;
	_ =	sdelay $0x3  }
0x45c: {  	[tilespmem:v45+s22+$0x0] =	vst.idx.msk $0xffff, v6  }
0x45d: {  	v47 =	vor.u32 v1, v7;
	(v2sf) =	vpush v4, $0xD;
	v6 =	vld.idx.msk [tilespmem:v46+s18+$0x0], $0xffff  }
0x45e: {  	v48 =	vor.u32 s7, v2;
	_ =	sdelay $0x3  }
0x45f: {  	[tilespmem:v47+s22+$0x0] =	vst.idx.msk $0xffff, v6  }
0x460: {  	v49 =	vor.u32 v2, v7;
	v6 =	vld.idx.msk [tilespmem:v48+s18+$0x0], $0xffff  }
0x461: {  	v50 =	vor.u32 s7, v3;
	_ =	sdelay $0x3  }
0x462: {  	[tilespmem:v49+s22+$0x0] =	vst.idx.msk $0xffff, v6  }
0x463: {  	v7 =	vor.u32 v3, v7;
	v6 =	vld.idx.msk [tilespmem:v50+s18+$0x0], $0xffff;
	_ =	sdelay $0x2  }
0x464: {  	s4 =	spop (v2sf)  }
0x465: {  	s7 =	sand.u32 $0xFFFFF80, s4  }
0x466: {  	s7 =	sadd.s32 s1, s7;
	[tilespmem:v7+s22+$0x0] =	vst.idx.msk $0xffff, v6  }
0x467: {  	[tilespmem:s18], [sflag:$0x6] =	stream.strided.gather [hbm4b:s7+s11], $0x2000, s12, s11, $0x38;
	[tilespmem:$0x14280] =	vst v63  }
0x468: {  	_ =	swait.ge [sflag:s29], $0x2000  }
0x469: {  	(v2sf) =	vpush v5, $0xE;
	_ =	sdelay $0xe  }
0x46a: {  	s8 =	spop (v2sf)  }
0x46b: {  	s7 =	sand.u32 $0x7F, s8  }
0x46c: {  	s9 =	sadd.s32 $0xFFFFFFFF, s5;
	v51 =	vor.u32 s7, v0  }
0x46d: {  	v52 =	vmov s9  }
0x46e: {  	v7 =	vand.u32 $0x7E, v52  }
0x46f: {  	v7 =	vbroadcast v7, $0x0;
	[sflag:s29] =	ssyncset.done $0x0  }
0x470: {  	[sflag:s29] =	ssyncadd.s32 $0xFFFFE000  }
0x471: {  	v53 =	vor.u32 v0, v7;
	v6 =	vld.idx.msk [tilespmem:v51+s19+$0x0], $0xffff  }
0x472: {  	v54 =	vor.u32 s7, v1;
	_ =	sdelay $0x3  }
0x473: {  	[tilespmem:v53+s22+$0x0] =	vst.idx.msk $0xffff, v6  }
0x474: {  	v55 =	vor.u32 v1, v7;
	(v2sf) =	vpush v4, $0xE;
	v6 =	vld.idx.msk [tilespmem:v54+s19+$0x0], $0xffff  }
0x475: {  	v56 =	vor.u32 s7, v2;
	_ =	sdelay $0x3  }
0x476: {  	[tilespmem:v55+s22+$0x0] =	vst.idx.msk $0xffff, v6  }
0x477: {  	v57 =	vor.u32 v2, v7;
	v6 =	vld.idx.msk [tilespmem:v56+s19+$0x0], $0xffff  }
0x478: {  	v58 =	vor.u32 s7, v3;
	_ =	sdelay $0x3  }
0x479: {  	[tilespmem:v57+s22+$0x0] =	vst.idx.msk $0xffff, v6  }
0x47a: {  	v7 =	vor.u32 v3, v7;
	v6 =	vld.idx.msk [tilespmem:v58+s19+$0x0], $0xffff;
	_ =	sdelay $0x2  }
0x47b: {  	s4 =	spop (v2sf)  }
0x47c: {  	s7 =	sand.u32 $0xFFFFF80, s4  }
0x47d: {  	s7 =	sadd.s32 s1, s7;
	[tilespmem:v7+s22+$0x0] =	vst.idx.msk $0xffff, v6  }
0x47e: {  	[tilespmem:s19], [sflag:$0x7] =	stream.strided.gather [hbm4b:s7+s11], $0x2000, s12, s11, $0x38;
	[tilespmem:$0x14280] =	vst v63  }
0x47f: {  	_ =	swait.ge [sflag:s30], $0x2000  }
0x480: {  	(v2sf) =	vpush v5, $0xF;
	_ =	sdelay $0xe  }
0x481: {  	s8 =	spop (v2sf)  }
0x482: {  	s7 =	sand.u32 $0x7F, s8  }
0x483: {  	v5 =	vor.u32 s7, v0  }
0x484: {  	v59 =	vmov s5  }
0x485: {  	v6 =	vand.u32 $0x7F, v59  }
0x486: {  	v6 =	vbroadcast v6, $0x0;
	[sflag:s30] =	ssyncset.done $0x0  }
0x487: {  	[sflag:s30] =	ssyncadd.s32 $0xFFFFE000  }
0x488: {  	v60 =	vor.u32 v0, v6;
	v5 =	vld.idx.msk [tilespmem:v5+s20+$0x0], $0xffff  }
0x489: {  	v61 =	vor.u32 s7, v1;
	_ =	sdelay $0x3  }
0x48a: {  	[tilespmem:v60+s22+$0x0] =	vst.idx.msk $0xffff, v5  }
0x48b: {  	v62 =	vor.u32 v1, v6;
	(v2sf) =	vpush v4, $0xF;
	v5 =	vld.idx.msk [tilespmem:v61+s20+$0x0], $0xffff  }
0x48c: {  	v4 =	vor.u32 s7, v2;
	_ =	sdelay $0x3  }
0x48d: {  	[tilespmem:v62+s22+$0x0] =	vst.idx.msk $0xffff, v5  }
0x48e: {  	v5 =	vor.u32 v2, v6;
	v4 =	vld.idx.msk [tilespmem:v4+s20+$0x0], $0xffff  }
0x48f: {  	v63 =	vor.u32 s7, v3;
	_ =	sdelay $0x3  }
0x490: {  	[tilespmem:v5+s22+$0x0] =	vst.idx.msk $0xffff, v4  }
0x491: {  	v5 =	vor.u32 v3, v6;
	v4 =	vld.idx.msk [tilespmem:v63+s20+$0x0], $0xffff  }
0x492: {  	p0 =	sne.s32 s5, $0x7F  }
.Ltmp2:
0x493: {  	_ = 	snop;
	(pc) =	sbr.rel @p0 .LBB2_6-.Ltmp2, $4  }
0x494: {  	s9 =	spop (v2sf)  }
0x495: {  	s7 =	sand.u32 $0xFFFFF80, s9  }
0x496: {  	s6 =	sadd.s32 $0x10, s6;
	s5 =	sadd.s32 $0x10, s5;
	s7 =	sadd.s32 s1, s7;
	[tilespmem:v5+s22+$0x0] =	vst.idx.msk $0xffff, v4  }
0x497: {  	[tilespmem:s20], [sflag:$0x8] =	stream.strided.gather [hbm4b:s7+s11], $0x2000, s12, s11, $0x38;
	[tilespmem:$0x14280] =	vst v63  }
0x498: {  	s4 =	rddreg [dreg:$0x7]  }
0x499: {  	[hbm4b:s4+s11] =	stream.strided.scatter [tilespmem:s22], [sflag:$0x9], $0x2000, s31, s11, $0x38;
	[tilespmem:$0x14280] =	vst v63  }
0x49a: {  	_ =	swait.ge [sflag:s2], $0x2000  }
0x49b: {  	[sflag:s2] =	ssyncset.done $0x0  }
0x49c: {  	s5 =	simm.s32 $0x188;
	s6 =	simm.s32 $0x188;
	[sflag:s2] =	ssyncadd.s32 $0xFFFFE000  }
.LBB2_8:
0x49d: {  	v5 =	vld [tilespmem:s5+$0xFFFFFFF8];
	_ =	sdelay $0x3  }
0x49e: {  	v4 =	vld [tilespmem:s5+$0x0];
	_ =	swait.ge [sflag:s21], $0x2000  }
0x49f: {  	(v2sf) =	vpush v5, $0x0;
	_ =	sdelay $0xe  }
0x4a0: {  	s7 =	spop (v2sf)  }
0x4a1: {  	s7 =	sand.u32 $0x7F, s7  }
0x4a2: {  	s8 =	sadd.s32 $0xFFFFFE78, s6;
	v6 =	vor.u32 s7, v0  }
0x4a3: {  	v7 =	vmov s8  }
0x4a4: {  	v7 =	vand.u32 $0x70, v7  }
0x4a5: {  	[sflag:s21] =	ssyncset.done $0x0;
	v7 =	vbroadcast v7, $0x0  }
0x4a6: {  	[sflag:s21] =	ssyncadd.s32 $0xFFFFE000  }
0x4a7: {  	v8 =	vor.u32 v0, v7;
	v6 =	vld.idx.msk [tilespmem:v6+s13+$0x0], $0xffff  }
0x4a8: {  	v9 =	vor.u32 s7, v1;
	_ =	sdelay $0x3  }
0x4a9: {  	[tilespmem:v8+s0+$0x0] =	vst.idx.msk $0xffff, v6  }
0x4aa: {  	v48 =	vor.u32 v1, v7;
	(v2sf) =	vpush v4, $0x0;
	v6 =	vld.idx.msk [tilespmem:v9+s13+$0x0], $0xffff  }
0x4ab: {  	v49 =	vor.u32 s7, v2;
	_ =	sdelay $0x3  }
0x4ac: {  	[tilespmem:v48+s0+$0x0] =	vst.idx.msk $0xffff, v6  }
0x4ad: {  	v50 =	vor.u32 v2, v7;
	v6 =	vld.idx.msk [tilespmem:v49+s13+$0x0], $0xffff  }
0x4ae: {  	v51 =	vor.u32 s7, v3;
	_ =	sdelay $0x3  }
0x4af: {  	[tilespmem:v50+s0+$0x0] =	vst.idx.msk $0xffff, v6  }
0x4b0: {  	v7 =	vor.u32 v3, v7;
	v6 =	vld.idx.msk [tilespmem:v51+s13+$0x0], $0xffff;
	_ =	sdelay $0x2  }
0x4b1: {  	s8 =	spop (v2sf)  }
0x4b2: {  	s7 =	sand.u32 $0xFFFFF80, s8  }
0x4b3: {  	s7 =	sadd.s32 s1, s7;
	[tilespmem:v7+s0+$0x0] =	vst.idx.msk $0xffff, v6  }
0x4b4: {  	[tilespmem:s13], [sflag:$0x1] =	stream.strided.gather [hbm4b:s7+s11], $0x2000, s12, s11, $0x38;
	[tilespmem:$0x14280] =	vst v63  }
0x4b5: {  	_ =	swait.ge [sflag:s23], $0x2000  }
0x4b6: {  	(v2sf) =	vpush v5, $0x1;
	_ =	sdelay $0xe  }
0x4b7: {  	s9 =	spop (v2sf)  }
0x4b8: {  	s7 =	sand.u32 $0x7F, s9  }
0x4b9: {  	s4 =	sadd.s32 $0xFFFFFE79, s6;
	v52 =	vor.u32 s7, v0  }
0x4ba: {  	v53 =	vmov s4  }
0x4bb: {  	v7 =	vand.u32 $0x71, v53  }
0x4bc: {  	v7 =	vbroadcast v7, $0x0;
	[sflag:s23] =	ssyncset.done $0x0  }
0x4bd: {  	[sflag:s23] =	ssyncadd.s32 $0xFFFFE000  }
0x4be: {  	v54 =	vor.u32 v0, v7;
	v6 =	vld.idx.msk [tilespmem:v52+s14+$0x0], $0xffff  }
0x4bf: {  	v55 =	vor.u32 s7, v1;
	_ =	sdelay $0x3  }
0x4c0: {  	[tilespmem:v54+s0+$0x0] =	vst.idx.msk $0xffff, v6  }
0x4c1: {  	v56 =	vor.u32 v1, v7;
	(v2sf) =	vpush v4, $0x1;
	v6 =	vld.idx.msk [tilespmem:v55+s14+$0x0], $0xffff  }
0x4c2: {  	v57 =	vor.u32 s7, v2;
	_ =	sdelay $0x3  }
0x4c3: {  	[tilespmem:v56+s0+$0x0] =	vst.idx.msk $0xffff, v6  }
0x4c4: {  	v58 =	vor.u32 v2, v7;
	v6 =	vld.idx.msk [tilespmem:v57+s14+$0x0], $0xffff  }
0x4c5: {  	v59 =	vor.u32 s7, v3;
	_ =	sdelay $0x3  }
0x4c6: {  	[tilespmem:v58+s0+$0x0] =	vst.idx.msk $0xffff, v6  }
0x4c7: {  	v7 =	vor.u32 v3, v7;
	v6 =	vld.idx.msk [tilespmem:v59+s14+$0x0], $0xffff;
	_ =	sdelay $0x2  }
0x4c8: {  	s8 =	spop (v2sf)  }
0x4c9: {  	s7 =	sand.u32 $0xFFFFF80, s8  }
0x4ca: {  	s7 =	sadd.s32 s1, s7;
	[tilespmem:v7+s0+$0x0] =	vst.idx.msk $0xffff, v6  }
0x4cb: {  	[tilespmem:s14], [sflag:$0x2] =	stream.strided.gather [hbm4b:s7+s11], $0x2000, s12, s11, $0x38;
	[tilespmem:$0x14280] =	vst v63  }
0x4cc: {  	_ =	swait.ge [sflag:s24], $0x2000  }
0x4cd: {  	(v2sf) =	vpush v5, $0x2;
	_ =	sdelay $0xe  }
0x4ce: {  	s9 =	spop (v2sf)  }
0x4cf: {  	s7 =	sand.u32 $0x7F, s9  }
0x4d0: {  	s4 =	sadd.s32 $0xFFFFFE7A, s6;
	v60 =	vor.u32 s7, v0  }
0x4d1: {  	v61 =	vmov s4  }
0x4d2: {  	v7 =	vand.u32 $0x72, v61  }
0x4d3: {  	v7 =	vbroadcast v7, $0x0;
	[sflag:s24] =	ssyncset.done $0x0  }
0x4d4: {  	[sflag:s24] =	ssyncadd.s32 $0xFFFFE000  }
0x4d5: {  	v62 =	vor.u32 v0, v7;
	v6 =	vld.idx.msk [tilespmem:v60+s15+$0x0], $0xffff  }
0x4d6: {  	v63 =	vor.u32 s7, v1;
	_ =	sdelay $0x3  }
0x4d7: {  	[tilespmem:v62+s0+$0x0] =	vst.idx.msk $0xffff, v6  }
0x4d8: {  	v12 =	vor.u32 v1, v7;
	(v2sf) =	vpush v4, $0x2;
	v6 =	vld.idx.msk [tilespmem:v63+s15+$0x0], $0xffff  }
0x4d9: {  	v13 =	vor.u32 s7, v2;
	_ =	sdelay $0x3  }
0x4da: {  	[tilespmem:v12+s0+$0x0] =	vst.idx.msk $0xffff, v6  }
0x4db: {  	v14 =	vor.u32 v2, v7;
	v6 =	vld.idx.msk [tilespmem:v13+s15+$0x0], $0xffff  }
0x4dc: {  	v15 =	vor.u32 s7, v3;
	_ =	sdelay $0x3  }
0x4dd: {  	[tilespmem:v14+s0+$0x0] =	vst.idx.msk $0xffff, v6  }
0x4de: {  	v7 =	vor.u32 v3, v7;
	v6 =	vld.idx.msk [tilespmem:v15+s15+$0x0], $0xffff;
	_ =	sdelay $0x2  }
0x4df: {  	s8 =	spop (v2sf)  }
0x4e0: {  	s7 =	sand.u32 $0xFFFFF80, s8  }
0x4e1: {  	s7 =	sadd.s32 s1, s7;
	[tilespmem:v7+s0+$0x0] =	vst.idx.msk $0xffff, v6  }
0x4e2: {  	[tilespmem:s15], [sflag:$0x3] =	stream.strided.gather [hbm4b:s7+s11], $0x2000, s12, s11, $0x38;
	[tilespmem:$0x14280] =	vst v63  }
0x4e3: {  	_ =	swait.ge [sflag:s25], $0x2000  }
0x4e4: {  	(v2sf) =	vpush v5, $0x3;
	_ =	sdelay $0xe  }
0x4e5: {  	s9 =	spop (v2sf)  }
0x4e6: {  	s7 =	sand.u32 $0x7F, s9  }
0x4e7: {  	s4 =	sadd.s32 $0xFFFFFE7B, s6;
	v16 =	vor.u32 s7, v0  }
0x4e8: {  	v17 =	vmov s4  }
0x4e9: {  	v7 =	vand.u32 $0x73, v17  }
0x4ea: {  	v7 =	vbroadcast v7, $0x0;
	[sflag:s25] =	ssyncset.done $0x0  }
0x4eb: {  	[sflag:s25] =	ssyncadd.s32 $0xFFFFE000  }
0x4ec: {  	v18 =	vor.u32 v0, v7;
	v6 =	vld.idx.msk [tilespmem:v16+s16+$0x0], $0xffff  }
0x4ed: {  	v19 =	vor.u32 s7, v1;
	_ =	sdelay $0x3  }
0x4ee: {  	[tilespmem:v18+s0+$0x0] =	vst.idx.msk $0xffff, v6  }
0x4ef: {  	v20 =	vor.u32 v1, v7;
	(v2sf) =	vpush v4, $0x3;
	v6 =	vld.idx.msk [tilespmem:v19+s16+$0x0], $0xffff  }
0x4f0: {  	v21 =	vor.u32 s7, v2;
	_ =	sdelay $0x3  }
0x4f1: {  	[tilespmem:v20+s0+$0x0] =	vst.idx.msk $0xffff, v6  }
0x4f2: {  	v22 =	vor.u32 v2, v7;
	v6 =	vld.idx.msk [tilespmem:v21+s16+$0x0], $0xffff  }
0x4f3: {  	v23 =	vor.u32 s7, v3;
	_ =	sdelay $0x3  }
0x4f4: {  	[tilespmem:v22+s0+$0x0] =	vst.idx.msk $0xffff, v6  }
0x4f5: {  	v7 =	vor.u32 v3, v7;
	v6 =	vld.idx.msk [tilespmem:v23+s16+$0x0], $0xffff;
	_ =	sdelay $0x2  }
0x4f6: {  	s8 =	spop (v2sf)  }
0x4f7: {  	s7 =	sand.u32 $0xFFFFF80, s8  }
0x4f8: {  	s7 =	sadd.s32 s1, s7;
	[tilespmem:v7+s0+$0x0] =	vst.idx.msk $0xffff, v6  }
0x4f9: {  	[tilespmem:s16], [sflag:$0x4] =	stream.strided.gather [hbm4b:s7+s11], $0x2000, s12, s11, $0x38;
	[tilespmem:$0x14280] =	vst v63  }
0x4fa: {  	_ =	swait.ge [sflag:s26], $0x2000  }
0x4fb: {  	(v2sf) =	vpush v5, $0x4;
	_ =	sdelay $0xe  }
0x4fc: {  	s9 =	spop (v2sf)  }
0x4fd: {  	s7 =	sand.u32 $0x7F, s9  }
0x4fe: {  	s4 =	sadd.s32 $0xFFFFFE7C, s6;
	v24 =	vor.u32 s7, v0  }
0x4ff: {  	v25 =	vmov s4  }
0x500: {  	v7 =	vand.u32 $0x74, v25  }
0x501: {  	v7 =	vbroadcast v7, $0x0;
	[sflag:s26] =	ssyncset.done $0x0  }
0x502: {  	[sflag:s26] =	ssyncadd.s32 $0xFFFFE000  }
0x503: {  	v26 =	vor.u32 v0, v7;
	v6 =	vld.idx.msk [tilespmem:v24+s17+$0x0], $0xffff  }
0x504: {  	v27 =	vor.u32 s7, v1;
	_ =	sdelay $0x3  }
0x505: {  	[tilespmem:v26+s0+$0x0] =	vst.idx.msk $0xffff, v6  }
0x506: {  	v28 =	vor.u32 v1, v7;
	(v2sf) =	vpush v4, $0x4;
	v6 =	vld.idx.msk [tilespmem:v27+s17+$0x0], $0xffff  }
0x507: {  	v29 =	vor.u32 s7, v2;
	_ =	sdelay $0x3  }
0x508: {  	[tilespmem:v28+s0+$0x0] =	vst.idx.msk $0xffff, v6  }
0x509: {  	v30 =	vor.u32 v2, v7;
	v6 =	vld.idx.msk [tilespmem:v29+s17+$0x0], $0xffff  }
0x50a: {  	v31 =	vor.u32 s7, v3;
	_ =	sdelay $0x3  }
0x50b: {  	[tilespmem:v30+s0+$0x0] =	vst.idx.msk $0xffff, v6  }
0x50c: {  	v7 =	vor.u32 v3, v7;
	v6 =	vld.idx.msk [tilespmem:v31+s17+$0x0], $0xffff;
	_ =	sdelay $0x2  }
0x50d: {  	s8 =	spop (v2sf)  }
0x50e: {  	s7 =	sand.u32 $0xFFFFF80, s8  }
0x50f: {  	s7 =	sadd.s32 s1, s7;
	[tilespmem:v7+s0+$0x0] =	vst.idx.msk $0xffff, v6  }
0x510: {  	[tilespmem:s17], [sflag:$0x5] =	stream.strided.gather [hbm4b:s7+s11], $0x2000, s12, s11, $0x38;
	[tilespmem:$0x14280] =	vst v63  }
0x511: {  	_ =	swait.ge [sflag:s28], $0x2000  }
0x512: {  	(v2sf) =	vpush v5, $0x5;
	_ =	sdelay $0xe  }
0x513: {  	s9 =	spop (v2sf)  }
0x514: {  	s7 =	sand.u32 $0x7F, s9  }
0x515: {  	s4 =	sadd.s32 $0xFFFFFE7D, s6;
	v32 =	vor.u32 s7, v0  }
0x516: {  	v33 =	vmov s4  }
0x517: {  	v7 =	vand.u32 $0x75, v33  }
0x518: {  	v7 =	vbroadcast v7, $0x0;
	[sflag:s28] =	ssyncset.done $0x0  }
0x519: {  	[sflag:s28] =	ssyncadd.s32 $0xFFFFE000  }
0x51a: {  	v34 =	vor.u32 v0, v7;
	v6 =	vld.idx.msk [tilespmem:v32+s18+$0x0], $0xffff  }
0x51b: {  	v35 =	vor.u32 s7, v1;
	_ =	sdelay $0x3  }
0x51c: {  	[tilespmem:v34+s0+$0x0] =	vst.idx.msk $0xffff, v6  }
0x51d: {  	v36 =	vor.u32 v1, v7;
	(v2sf) =	vpush v4, $0x5;
	v6 =	vld.idx.msk [tilespmem:v35+s18+$0x0], $0xffff  }
0x51e: {  	v37 =	vor.u32 s7, v2;
	_ =	sdelay $0x3  }
0x51f: {  	[tilespmem:v36+s0+$0x0] =	vst.idx.msk $0xffff, v6  }
0x520: {  	v38 =	vor.u32 v2, v7;
	v6 =	vld.idx.msk [tilespmem:v37+s18+$0x0], $0xffff  }
0x521: {  	v39 =	vor.u32 s7, v3;
	_ =	sdelay $0x3  }
0x522: {  	[tilespmem:v38+s0+$0x0] =	vst.idx.msk $0xffff, v6  }
0x523: {  	v7 =	vor.u32 v3, v7;
	v6 =	vld.idx.msk [tilespmem:v39+s18+$0x0], $0xffff;
	_ =	sdelay $0x2  }
0x524: {  	s8 =	spop (v2sf)  }
0x525: {  	s7 =	sand.u32 $0xFFFFF80, s8  }
0x526: {  	s7 =	sadd.s32 s1, s7;
	[tilespmem:v7+s0+$0x0] =	vst.idx.msk $0xffff, v6  }
0x527: {  	[tilespmem:s18], [sflag:$0x6] =	stream.strided.gather [hbm4b:s7+s11], $0x2000, s12, s11, $0x38;
	[tilespmem:$0x14280] =	vst v63  }
0x528: {  	_ =	swait.ge [sflag:s29], $0x2000  }
0x529: {  	(v2sf) =	vpush v5, $0x6;
	_ =	sdelay $0xe  }
0x52a: {  	s9 =	spop (v2sf)  }
0x52b: {  	s7 =	sand.u32 $0x7F, s9  }
0x52c: {  	s4 =	sadd.s32 $0xFFFFFE7E, s6;
	v40 =	vor.u32 s7, v0  }
0x52d: {  	v41 =	vmov s4  }
0x52e: {  	v7 =	vand.u32 $0x76, v41  }
0x52f: {  	v7 =	vbroadcast v7, $0x0;
	[sflag:s29] =	ssyncset.done $0x0  }
0x530: {  	[sflag:s29] =	ssyncadd.s32 $0xFFFFE000  }
0x531: {  	v42 =	vor.u32 v0, v7;
	v6 =	vld.idx.msk [tilespmem:v40+s19+$0x0], $0xffff  }
0x532: {  	v43 =	vor.u32 s7, v1;
	_ =	sdelay $0x3  }
0x533: {  	[tilespmem:v42+s0+$0x0] =	vst.idx.msk $0xffff, v6  }
0x534: {  	v44 =	vor.u32 v1, v7;
	(v2sf) =	vpush v4, $0x6;
	v6 =	vld.idx.msk [tilespmem:v43+s19+$0x0], $0xffff  }
0x535: {  	v45 =	vor.u32 s7, v2;
	_ =	sdelay $0x3  }
0x536: {  	[tilespmem:v44+s0+$0x0] =	vst.idx.msk $0xffff, v6  }
0x537: {  	v46 =	vor.u32 v2, v7;
	v6 =	vld.idx.msk [tilespmem:v45+s19+$0x0], $0xffff  }
0x538: {  	v47 =	vor.u32 s7, v3;
	_ =	sdelay $0x3  }
0x539: {  	[tilespmem:v46+s0+$0x0] =	vst.idx.msk $0xffff, v6  }
0x53a: {  	v7 =	vor.u32 v3, v7;
	v6 =	vld.idx.msk [tilespmem:v47+s19+$0x0], $0xffff;
	_ =	sdelay $0x2  }
0x53b: {  	s8 =	spop (v2sf)  }
0x53c: {  	s7 =	sand.u32 $0xFFFFF80, s8  }
0x53d: {  	s7 =	sadd.s32 s1, s7;
	[tilespmem:v7+s0+$0x0] =	vst.idx.msk $0xffff, v6  }
0x53e: {  	[tilespmem:s19], [sflag:$0x7] =	stream.strided.gather [hbm4b:s7+s11], $0x2000, s12, s11, $0x38;
	[tilespmem:$0x14280] =	vst v63  }
0x53f: {  	_ =	swait.ge [sflag:s30], $0x2000  }
0x540: {  	(v2sf) =	vpush v5, $0x7;
	_ =	sdelay $0xe  }
0x541: {  	s9 =	spop (v2sf)  }
0x542: {  	s7 =	sand.u32 $0x7F, s9  }
0x543: {  	s4 =	sadd.s32 $0xFFFFFFFF, s6;
	v48 =	vor.u32 s7, v0  }
0x544: {  	v49 =	vmov s4  }
0x545: {  	v7 =	vand.u32 $0x77, v49  }
0x546: {  	v7 =	vbroadcast v7, $0x0;
	[sflag:s30] =	ssyncset.done $0x0  }
0x547: {  	[sflag:s30] =	ssyncadd.s32 $0xFFFFE000  }
0x548: {  	v50 =	vor.u32 v0, v7;
	v6 =	vld.idx.msk [tilespmem:v48+s20+$0x0], $0xffff  }
0x549: {  	v51 =	vor.u32 s7, v1;
	_ =	sdelay $0x3  }
0x54a: {  	[tilespmem:v50+s0+$0x0] =	vst.idx.msk $0xffff, v6  }
0x54b: {  	v52 =	vor.u32 v1, v7;
	(v2sf) =	vpush v4, $0x7;
	v6 =	vld.idx.msk [tilespmem:v51+s20+$0x0], $0xffff  }
0x54c: {  	v53 =	vor.u32 s7, v2;
	_ =	sdelay $0x3  }
0x54d: {  	[tilespmem:v52+s0+$0x0] =	vst.idx.msk $0xffff, v6  }
0x54e: {  	v54 =	vor.u32 v2, v7;
	v6 =	vld.idx.msk [tilespmem:v53+s20+$0x0], $0xffff  }
0x54f: {  	v55 =	vor.u32 s7, v3;
	_ =	sdelay $0x3  }
0x550: {  	[tilespmem:v54+s0+$0x0] =	vst.idx.msk $0xffff, v6  }
0x551: {  	v7 =	vor.u32 v3, v7;
	v6 =	vld.idx.msk [tilespmem:v55+s20+$0x0], $0xffff;
	_ =	sdelay $0x2  }
0x552: {  	s8 =	spop (v2sf)  }
0x553: {  	s7 =	sand.u32 $0xFFFFF80, s8  }
0x554: {  	s7 =	sadd.s32 s1, s7;
	[tilespmem:v7+s0+$0x0] =	vst.idx.msk $0xffff, v6  }
0x555: {  	[tilespmem:s20], [sflag:$0x8] =	stream.strided.gather [hbm4b:s7+s11], $0x2000, s12, s11, $0x38;
	[tilespmem:$0x14280] =	vst v63  }
0x556: {  	_ =	swait.ge [sflag:s21], $0x2000  }
0x557: {  	(v2sf) =	vpush v5, $0x8;
	_ =	sdelay $0xe  }
0x558: {  	s9 =	spop (v2sf)  }
0x559: {  	s7 =	sand.u32 $0x7F, s9  }
0x55a: {  	s4 =	sadd.s32 $0xFFFFFE80, s6;
	v56 =	vor.u32 s7, v0  }
0x55b: {  	v57 =	vmov s4  }
0x55c: {  	v7 =	vand.u32 $0x78, v57  }
0x55d: {  	v7 =	vbroadcast v7, $0x0;
	[sflag:s21] =	ssyncset.done $0x0  }
0x55e: {  	[sflag:s21] =	ssyncadd.s32 $0xFFFFE000  }
0x55f: {  	v58 =	vor.u32 v0, v7;
	v6 =	vld.idx.msk [tilespmem:v56+s13+$0x0], $0xffff  }
0x560: {  	v59 =	vor.u32 s7, v1;
	_ =	sdelay $0x3  }
0x561: {  	p0 =	sgt.u32 s6, $0x1F7;
	[tilespmem:v58+s0+$0x0] =	vst.idx.msk $0xffff, v6  }
0x562: {  	v60 =	vor.u32 v1, v7;
	(v2sf) =	vpush @!p0 v4, $0x8;
	v6 =	vld.idx.msk [tilespmem:v59+s13+$0x0], $0xffff  }
0x563: {  	v61 =	vor.u32 s7, v2;
	_ =	sdelay $0x3  }
0x564: {  	[tilespmem:v60+s0+$0x0] =	vst.idx.msk $0xffff, v6  }
0x565: {  	v62 =	vor.u32 v2, v7;
	v6 =	vld.idx.msk [tilespmem:v61+s13+$0x0], $0xffff  }
0x566: {  	v63 =	vor.u32 s7, v3;
	_ =	sdelay $0x3  }
0x567: {  	[tilespmem:v62+s0+$0x0] =	vst.idx.msk $0xffff, v6  }
0x568: {  	v7 =	vor.u32 v3, v7;
	v6 =	vld.idx.msk [tilespmem:v63+s13+$0x0], $0xffff;
	_ =	sdelay $0x2  }
0x569: {  	s7 =	spop @!p0 (v2sf)  }
0x56a: {  	s4 =	simm.s32 @!p0 $0x4280;
	s7 =	sand.u32 @!p0 $0xFFFFF80, s7  }
0x56b: {  	s8 =	simm.s32 @!p0 $0x7A1400;
	s9 =	sadd.s32 @!p0 s1, s7;
	s7 =	simm.s32 @!p0 $0x400;
	[tilespmem:v7+s0+$0x0] =	vst.idx.msk $0xffff, v6  }
0x56c: {  	[tilespmem:s4], [sflag:$0x1] =	stream.strided.gather @!p0 [hbm4b:s9+s7], $0x2000, s8, s7, $0x38;
	[tilespmem:$0x14280] =	vst v63  }
0x56d: {  	_ =	swait.ge [sflag:s23], $0x2000  }
0x56e: {  	(v2sf) =	vpush v5, $0x9;
	_ =	sdelay $0xe  }
0x56f: {  	s9 =	spop (v2sf)  }
0x570: {  	s4 =	sand.u32 $0x7F, s9  }
0x571: {  	s9 =	sadd.s32 $0xFFFFFE81, s6;
	v11 =	vor.u32 s4, v0  }
0x572: {  	v12 =	vmov s9  }
0x573: {  	v7 =	vand.u32 $0x79, v12  }
0x574: {  	[sflag:s23] =	ssyncset.done $0x0;
	v7 =	vbroadcast v7, $0x0  }
0x575: {  	[sflag:s23] =	ssyncadd.s32 $0xFFFFE000  }
0x576: {  	v13 =	vor.u32 v0, v7;
	v6 =	vld.idx.msk [tilespmem:v11+s14+$0x0], $0xffff  }
0x577: {  	v14 =	vor.u32 s4, v1;
	_ =	sdelay $0x3  }
0x578: {  	[tilespmem:v13+s0+$0x0] =	vst.idx.msk $0xffff, v6  }
0x579: {  	(v2sf) =	vpush @!p0 v4, $0x9;
	v15 =	vor.u32 v1, v7;
	v6 =	vld.idx.msk [tilespmem:v14+s14+$0x0], $0xffff  }
0x57a: {  	v16 =	vor.u32 s4, v2;
	_ =	sdelay $0x3  }
0x57b: {  	[tilespmem:v15+s0+$0x0] =	vst.idx.msk $0xffff, v6  }
0x57c: {  	v17 =	vor.u32 v2, v7;
	v6 =	vld.idx.msk [tilespmem:v16+s14+$0x0], $0xffff  }
0x57d: {  	v18 =	vor.u32 s4, v3;
	_ =	sdelay $0x3  }
0x57e: {  	[tilespmem:v17+s0+$0x0] =	vst.idx.msk $0xffff, v6  }
0x57f: {  	v7 =	vor.u32 v3, v7;
	v6 =	vld.idx.msk [tilespmem:v18+s14+$0x0], $0xffff;
	_ =	sdelay $0x2  }
0x580: {  	s4 =	spop @!p0 (v2sf)  }
0x581: {  	s4 =	sand.u32 @!p0 $0xFFFFF80, s4  }
0x582: {  	s9 =	simm.s32 @!p0 $0x6280;
	s4 =	sadd.s32 @!p0 s1, s4;
	[tilespmem:v7+s0+$0x0] =	vst.idx.msk $0xffff, v6  }
0x583: {  	[tilespmem:s9], [sflag:$0x2] =	stream.strided.gather @!p0 [hbm4b:s4+s7], $0x2000, s8, s7, $0x38;
	[tilespmem:$0x14280] =	vst v63  }
0x584: {  	_ =	swait.ge [sflag:s24], $0x2000  }
0x585: {  	(v2sf) =	vpush v5, $0xA;
	_ =	sdelay $0xe  }
0x586: {  	s9 =	spop (v2sf)  }
0x587: {  	s4 =	sand.u32 $0x7F, s9  }
0x588: {  	s9 =	sadd.s32 $0xFFFFFE82, s6;
	v19 =	vor.u32 s4, v0  }
0x589: {  	v20 =	vmov s9  }
0x58a: {  	v7 =	vand.u32 $0x7A, v20  }
0x58b: {  	[sflag:s24] =	ssyncset.done $0x0;
	v7 =	vbroadcast v7, $0x0  }
0x58c: {  	[sflag:s24] =	ssyncadd.s32 $0xFFFFE000  }
0x58d: {  	v21 =	vor.u32 v0, v7;
	v6 =	vld.idx.msk [tilespmem:v19+s15+$0x0], $0xffff  }
0x58e: {  	v22 =	vor.u32 s4, v1;
	_ =	sdelay $0x3  }
0x58f: {  	[tilespmem:v21+s0+$0x0] =	vst.idx.msk $0xffff, v6  }
0x590: {  	(v2sf) =	vpush @!p0 v4, $0xA;
	v23 =	vor.u32 v1, v7;
	v6 =	vld.idx.msk [tilespmem:v22+s15+$0x0], $0xffff  }
0x591: {  	v24 =	vor.u32 s4, v2;
	_ =	sdelay $0x3  }
0x592: {  	[tilespmem:v23+s0+$0x0] =	vst.idx.msk $0xffff, v6  }
0x593: {  	v25 =	vor.u32 v2, v7;
	v6 =	vld.idx.msk [tilespmem:v24+s15+$0x0], $0xffff  }
0x594: {  	v26 =	vor.u32 s4, v3;
	_ =	sdelay $0x3  }
0x595: {  	[tilespmem:v25+s0+$0x0] =	vst.idx.msk $0xffff, v6  }
0x596: {  	v7 =	vor.u32 v3, v7;
	v6 =	vld.idx.msk [tilespmem:v26+s15+$0x0], $0xffff;
	_ =	sdelay $0x2  }
0x597: {  	s4 =	spop @!p0 (v2sf)  }
0x598: {  	s4 =	sand.u32 @!p0 $0xFFFFF80, s4  }
0x599: {  	s9 =	simm.s32 @!p0 $0x8280;
	s4 =	sadd.s32 @!p0 s1, s4;
	[tilespmem:v7+s0+$0x0] =	vst.idx.msk $0xffff, v6  }
0x59a: {  	[tilespmem:s9], [sflag:$0x3] =	stream.strided.gather @!p0 [hbm4b:s4+s7], $0x2000, s8, s7, $0x38;
	[tilespmem:$0x14280] =	vst v63  }
0x59b: {  	_ =	swait.ge [sflag:s25], $0x2000  }
0x59c: {  	(v2sf) =	vpush v5, $0xB;
	_ =	sdelay $0xe  }
0x59d: {  	s9 =	spop (v2sf)  }
0x59e: {  	s4 =	sand.u32 $0x7F, s9  }
0x59f: {  	s9 =	sadd.s32 $0xFFFFFE83, s6;
	v27 =	vor.u32 s4, v0  }
0x5a0: {  	v28 =	vmov s9  }
0x5a1: {  	v7 =	vand.u32 $0x7B, v28  }
0x5a2: {  	[sflag:s25] =	ssyncset.done $0x0;
	v7 =	vbroadcast v7, $0x0  }
0x5a3: {  	[sflag:s25] =	ssyncadd.s32 $0xFFFFE000  }
0x5a4: {  	v29 =	vor.u32 v0, v7;
	v6 =	vld.idx.msk [tilespmem:v27+s16+$0x0], $0xffff  }
0x5a5: {  	v30 =	vor.u32 s4, v1;
	_ =	sdelay $0x3  }
0x5a6: {  	[tilespmem:v29+s0+$0x0] =	vst.idx.msk $0xffff, v6  }
0x5a7: {  	(v2sf) =	vpush @!p0 v4, $0xB;
	v31 =	vor.u32 v1, v7;
	v6 =	vld.idx.msk [tilespmem:v30+s16+$0x0], $0xffff  }
0x5a8: {  	v32 =	vor.u32 s4, v2;
	_ =	sdelay $0x3  }
0x5a9: {  	[tilespmem:v31+s0+$0x0] =	vst.idx.msk $0xffff, v6  }
0x5aa: {  	v33 =	vor.u32 v2, v7;
	v6 =	vld.idx.msk [tilespmem:v32+s16+$0x0], $0xffff  }
0x5ab: {  	v34 =	vor.u32 s4, v3;
	_ =	sdelay $0x3  }
0x5ac: {  	[tilespmem:v33+s0+$0x0] =	vst.idx.msk $0xffff, v6  }
0x5ad: {  	v7 =	vor.u32 v3, v7;
	v6 =	vld.idx.msk [tilespmem:v34+s16+$0x0], $0xffff;
	_ =	sdelay $0x2  }
0x5ae: {  	s4 =	spop @!p0 (v2sf)  }
0x5af: {  	s4 =	sand.u32 @!p0 $0xFFFFF80, s4  }
0x5b0: {  	s9 =	simm.s32 @!p0 $0xA280;
	s4 =	sadd.s32 @!p0 s1, s4;
	[tilespmem:v7+s0+$0x0] =	vst.idx.msk $0xffff, v6  }
0x5b1: {  	[tilespmem:s9], [sflag:$0x4] =	stream.strided.gather @!p0 [hbm4b:s4+s7], $0x2000, s8, s7, $0x38;
	[tilespmem:$0x14280] =	vst v63  }
0x5b2: {  	_ =	swait.ge [sflag:s26], $0x2000  }
0x5b3: {  	(v2sf) =	vpush v5, $0xC;
	_ =	sdelay $0xe  }
0x5b4: {  	s9 =	spop (v2sf)  }
0x5b5: {  	s4 =	sand.u32 $0x7F, s9  }
0x5b6: {  	s9 =	sadd.s32 $0xFFFFFE84, s6;
	v35 =	vor.u32 s4, v0  }
0x5b7: {  	v36 =	vmov s9  }
0x5b8: {  	v7 =	vand.u32 $0x7C, v36  }
0x5b9: {  	[sflag:s26] =	ssyncset.done $0x0;
	v7 =	vbroadcast v7, $0x0  }
0x5ba: {  	[sflag:s26] =	ssyncadd.s32 $0xFFFFE000  }
0x5bb: {  	v37 =	vor.u32 v0, v7;
	v6 =	vld.idx.msk [tilespmem:v35+s17+$0x0], $0xffff  }
0x5bc: {  	v38 =	vor.u32 s4, v1;
	_ =	sdelay $0x3  }
0x5bd: {  	[tilespmem:v37+s0+$0x0] =	vst.idx.msk $0xffff, v6  }
0x5be: {  	(v2sf) =	vpush @!p0 v4, $0xC;
	v39 =	vor.u32 v1, v7;
	v6 =	vld.idx.msk [tilespmem:v38+s17+$0x0], $0xffff  }
0x5bf: {  	v40 =	vor.u32 s4, v2;
	_ =	sdelay $0x3  }
0x5c0: {  	[tilespmem:v39+s0+$0x0] =	vst.idx.msk $0xffff, v6  }
0x5c1: {  	v41 =	vor.u32 v2, v7;
	v6 =	vld.idx.msk [tilespmem:v40+s17+$0x0], $0xffff  }
0x5c2: {  	v42 =	vor.u32 s4, v3;
	_ =	sdelay $0x3  }
0x5c3: {  	[tilespmem:v41+s0+$0x0] =	vst.idx.msk $0xffff, v6  }
0x5c4: {  	v7 =	vor.u32 v3, v7;
	v6 =	vld.idx.msk [tilespmem:v42+s17+$0x0], $0xffff;
	_ =	sdelay $0x2  }
0x5c5: {  	s4 =	spop @!p0 (v2sf)  }
0x5c6: {  	s4 =	sand.u32 @!p0 $0xFFFFF80, s4  }
0x5c7: {  	s9 =	simm.s32 @!p0 $0xC280;
	s4 =	sadd.s32 @!p0 s1, s4;
	[tilespmem:v7+s0+$0x0] =	vst.idx.msk $0xffff, v6  }
0x5c8: {  	[tilespmem:s9], [sflag:$0x5] =	stream.strided.gather @!p0 [hbm4b:s4+s7], $0x2000, s8, s7, $0x38;
	[tilespmem:$0x14280] =	vst v63  }
0x5c9: {  	_ =	swait.ge [sflag:s28], $0x2000  }
0x5ca: {  	(v2sf) =	vpush v5, $0xD;
	_ =	sdelay $0xe  }
0x5cb: {  	s9 =	spop (v2sf)  }
0x5cc: {  	s4 =	sand.u32 $0x7F, s9  }
0x5cd: {  	s9 =	sadd.s32 $0xFFFFFE85, s6;
	v43 =	vor.u32 s4, v0  }
0x5ce: {  	v44 =	vmov s9  }
0x5cf: {  	v7 =	vand.u32 $0x7D, v44  }
0x5d0: {  	[sflag:s28] =	ssyncset.done $0x0;
	v7 =	vbroadcast v7, $0x0  }
0x5d1: {  	[sflag:s28] =	ssyncadd.s32 $0xFFFFE000  }
0x5d2: {  	v45 =	vor.u32 v0, v7;
	v6 =	vld.idx.msk [tilespmem:v43+s18+$0x0], $0xffff  }
0x5d3: {  	v46 =	vor.u32 s4, v1;
	_ =	sdelay $0x3  }
0x5d4: {  	[tilespmem:v45+s0+$0x0] =	vst.idx.msk $0xffff, v6  }
0x5d5: {  	(v2sf) =	vpush @!p0 v4, $0xD;
	v47 =	vor.u32 v1, v7;
	v6 =	vld.idx.msk [tilespmem:v46+s18+$0x0], $0xffff  }
0x5d6: {  	v48 =	vor.u32 s4, v2;
	_ =	sdelay $0x3  }
0x5d7: {  	[tilespmem:v47+s0+$0x0] =	vst.idx.msk $0xffff, v6  }
0x5d8: {  	v49 =	vor.u32 v2, v7;
	v6 =	vld.idx.msk [tilespmem:v48+s18+$0x0], $0xffff  }
0x5d9: {  	v50 =	vor.u32 s4, v3;
	_ =	sdelay $0x3  }
0x5da: {  	[tilespmem:v49+s0+$0x0] =	vst.idx.msk $0xffff, v6  }
0x5db: {  	v7 =	vor.u32 v3, v7;
	v6 =	vld.idx.msk [tilespmem:v50+s18+$0x0], $0xffff;
	_ =	sdelay $0x2  }
0x5dc: {  	s4 =	spop @!p0 (v2sf)  }
0x5dd: {  	s4 =	sand.u32 @!p0 $0xFFFFF80, s4  }
0x5de: {  	s9 =	simm.s32 @!p0 $0xE280;
	s4 =	sadd.s32 @!p0 s1, s4;
	[tilespmem:v7+s0+$0x0] =	vst.idx.msk $0xffff, v6  }
0x5df: {  	[tilespmem:s9], [sflag:$0x6] =	stream.strided.gather @!p0 [hbm4b:s4+s7], $0x2000, s8, s7, $0x38;
	[tilespmem:$0x14280] =	vst v63  }
0x5e0: {  	_ =	swait.ge [sflag:s29], $0x2000  }
0x5e1: {  	(v2sf) =	vpush v5, $0xE;
	_ =	sdelay $0xe  }
0x5e2: {  	s9 =	spop (v2sf)  }
0x5e3: {  	s4 =	sand.u32 $0x7F, s9  }
0x5e4: {  	s9 =	sadd.s32 $0xFFFFFE86, s6;
	v51 =	vor.u32 s4, v0  }
0x5e5: {  	v52 =	vmov s9  }
0x5e6: {  	v7 =	vand.u32 $0x7E, v52  }
0x5e7: {  	[sflag:s29] =	ssyncset.done $0x0;
	v7 =	vbroadcast v7, $0x0  }
0x5e8: {  	[sflag:s29] =	ssyncadd.s32 $0xFFFFE000  }
0x5e9: {  	v53 =	vor.u32 v0, v7;
	v6 =	vld.idx.msk [tilespmem:v51+s19+$0x0], $0xffff  }
0x5ea: {  	v54 =	vor.u32 s4, v1;
	_ =	sdelay $0x3  }
0x5eb: {  	[tilespmem:v53+s0+$0x0] =	vst.idx.msk $0xffff, v6  }
0x5ec: {  	(v2sf) =	vpush @!p0 v4, $0xE;
	v55 =	vor.u32 v1, v7;
	v6 =	vld.idx.msk [tilespmem:v54+s19+$0x0], $0xffff  }
0x5ed: {  	v56 =	vor.u32 s4, v2;
	_ =	sdelay $0x3  }
0x5ee: {  	[tilespmem:v55+s0+$0x0] =	vst.idx.msk $0xffff, v6  }
0x5ef: {  	v57 =	vor.u32 v2, v7;
	v6 =	vld.idx.msk [tilespmem:v56+s19+$0x0], $0xffff  }
0x5f0: {  	v58 =	vor.u32 s4, v3;
	_ =	sdelay $0x3  }
0x5f1: {  	[tilespmem:v57+s0+$0x0] =	vst.idx.msk $0xffff, v6  }
0x5f2: {  	v7 =	vor.u32 v3, v7;
	v6 =	vld.idx.msk [tilespmem:v58+s19+$0x0], $0xffff;
	_ =	sdelay $0x2  }
0x5f3: {  	s4 =	spop @!p0 (v2sf)  }
0x5f4: {  	s4 =	sand.u32 @!p0 $0xFFFFF80, s4  }
0x5f5: {  	s9 =	simm.s32 @!p0 $0x10280;
	s4 =	sadd.s32 @!p0 s1, s4;
	[tilespmem:v7+s0+$0x0] =	vst.idx.msk $0xffff, v6  }
0x5f6: {  	[tilespmem:s9], [sflag:$0x7] =	stream.strided.gather @!p0 [hbm4b:s4+s7], $0x2000, s8, s7, $0x38;
	[tilespmem:$0x14280] =	vst v63  }
0x5f7: {  	_ =	swait.ge [sflag:s30], $0x2000  }
0x5f8: {  	(v2sf) =	vpush v5, $0xF;
	_ =	sdelay $0xe  }
0x5f9: {  	s9 =	spop (v2sf)  }
0x5fa: {  	s4 =	sand.u32 $0x7F, s9  }
0x5fb: {  	s9 =	sadd.s32 $0xFFFFFE87, s6;
	v5 =	vor.u32 s4, v0  }
0x5fc: {  	v59 =	vmov s9  }
0x5fd: {  	v6 =	vand.u32 $0x7F, v59  }
0x5fe: {  	[sflag:s30] =	ssyncset.done $0x0;
	v6 =	vbroadcast v6, $0x0  }
0x5ff: {  	[sflag:s30] =	ssyncadd.s32 $0xFFFFE000  }
0x600: {  	v60 =	vor.u32 v0, v6;
	v5 =	vld.idx.msk [tilespmem:v5+s20+$0x0], $0xffff  }
0x601: {  	v61 =	vor.u32 s4, v1;
	_ =	sdelay $0x3  }
0x602: {  	[tilespmem:v60+s0+$0x0] =	vst.idx.msk $0xffff, v5  }
0x603: {  	(v2sf) =	vpush @!p0 v4, $0xF;
	v62 =	vor.u32 v1, v6;
	v5 =	vld.idx.msk [tilespmem:v61+s20+$0x0], $0xffff  }
0x604: {  	v4 =	vor.u32 s4, v2;
	_ =	sdelay $0x3  }
0x605: {  	[tilespmem:v62+s0+$0x0] =	vst.idx.msk $0xffff, v5  }
0x606: {  	v5 =	vor.u32 v2, v6;
	v4 =	vld.idx.msk [tilespmem:v4+s20+$0x0], $0xffff  }
0x607: {  	v63 =	vor.u32 s4, v3;
	_ =	sdelay $0x3  }
0x608: {  	[tilespmem:v5+s0+$0x0] =	vst.idx.msk $0xffff, v4  }
0x609: {  	v5 =	vor.u32 v3, v6;
	v4 =	vld.idx.msk [tilespmem:v63+s20+$0x0], $0xffff;
	_ =	sdelay $0x2  }
0x60a: {  	s4 =	spop @!p0 (v2sf)  }
0x60b: {  	s4 =	sand.u32 @!p0 $0xFFFFF80, s4  }
0x60c: {  	s6 =	sadd.s32 $0x10, s6;
	s9 =	simm.s32 @!p0 $0x12280;
	s4 =	sadd.s32 @!p0 s1, s4;
	[tilespmem:v5+s0+$0x0] =	vst.idx.msk $0xffff, v4  }
0x60d: {  	[tilespmem:s9], [sflag:$0x8] =	stream.strided.gather @!p0 [hbm4b:s4+s7], $0x2000, s8, s7, $0x38;
	[tilespmem:$0x14280] =	vst v63  }
0x60e: {  	p0 =	sne.s32 s6, $0x208  }
.Ltmp3:
0x60f: {  	_ = 	snop;
	(pc) =	sbr.rel @p0 .LBB2_8-.Ltmp3, $2  }
0x610: {  	_ =	sdelay $0x2  }
0x611: {  	s5 =	sadd.s32 $0x10, s5  }
0x612: {  	s4 =	rddreg [dreg:$0x8]  }
0x613: {  	[hbm4b:s4+s11] =	stream.strided.scatter [tilespmem:s0], [sflag:$0x9], $0x2000, s31, s11, $0x38;
	[tilespmem:$0x14280] =	vst v63  }
0x614: {  	_ =	swait.ge [sflag:s2], $0x2000  }
0x615: {  	[sflag:s2] =	ssyncset.done $0x0  }
0x616: {  	[sflag:s2] =	ssyncadd.s32 $0xFFFFE000  }
0x617: {  	_ =	swait.ge [sflag:s2], $0x2000  }
0x618: {  	s3 =	sadd.s32 $0x1, s3;
	s9 =	rddreg [dreg:$0x9]  }
0x619: {  	p0 =	sne.s32 s3, s9  }
.Ltmp4:
0x61a: {  	_ = 	snop;
	(pc) =	sbr.rel @p0 .LBB2_1-.Ltmp4, $3  }
0x61b: {  	_ =	sdelay $0x1  }
0x61c: {  	[sflag:s2] =	ssyncset.done $0x0  }
0x61d: {  	[sflag:s2] =	ssyncadd.s32 $0xFFFFE000  }
0x61e: {  	_ =	sfence.sel $0x180000  }
0x61f: {  	[bflag:$0x0] =	sbarrier.arrive $0xFFFF  }
0x620: {  	_ =	strace $0x90000047  }
0x621: {  	s0 =	stileid.u32;
	[bflag:$0x2] =	sbarrier.arrive $0xFFFF  }
0x622: {  	p0 =	sne.s32 s0, $0x0;
	s0 =	rddreg [dreg:$0x3]  }
0x623: {  	s0 =	sadd.s32 @!p0 $0x100000, s0  }
0x624: {  	[sflag:s0] =	ssyncadd.tile.s32 @!p0 $0x1;
	_ =	shalt  }
.Lfunc_end2:
_tile_overlayer_lowered:
.L_overlay_start_2:
0x625: {  	(tag) =	ssettag $0x2  }
0x626: {  	s0 =	rddreg [dreg:$0x0];
	s2 =	stileid.u32  }
0x627: {  	s1 =	rddreg [dreg:$0x1];
	p0 =	sne.s32 s2, $0x0  }
0x628: {  	s3 =	rddreg [dreg:$0x2];
	[bflag:$0x3] =	sbarrier.arrive $0xFFFF;
	s2 =	simm.s32 @!p0 $0x1C0A  }
0x629: {  	[timem:s3], [sflag:s2] =	dma.local @!p0 [hbm:s0], s1  }
0x62a: {  	s0 =	simm.s32 @!p0 $0xA  }
0x62b: {  	_ =	swait.ge @!p0 [sflag:s0], s1  }
0x62c: {  	s1 =	ssub.s32 @!p0 $0x0, s1;
	[sflag:s0] =	ssyncset.done @!p0 $0x0  }
0x62d: {  	[sflag:s0] =	ssyncadd.s32 @!p0 s1  }
0x62e: {  	[bflag:$0x3] =	sbarrier.arrive $0xFFFF  }
0x62f: {  	_ =	shalt  }

</sc_bundles>
